<compile_context>
chip_gen: v7x
topology: tpu7x:2x2x1
jax: 0.10.2.dev20260603
libtpu: 0.0.44.dev20260713+nightly
codegen_flags: <defaults>
</compile_context>

<pallas_src>
import functools

import jax
import jax.numpy as jnp
from jax import lax
from jax.experimental import pallas as pl
from jax.experimental.pallas import tpu as pltpu
from jax.experimental.pallas import tpu_sc as plsc

MAX_DEG = 512
ROWS_PAD = 520
D_IN = 128
D_OUT = 64
L = 16
CH = 128


def _project_body(t1_ref, t2_ref, w_ref, b_ref, p_ref):
    w = w_ref[...]
    dn = (((1,), (1,)), ((), ()))
    p_ref[:, 0:D_OUT] = lax.dot_general(t1_ref[...], w, dn,
                                        preferred_element_type=jnp.float32)
    p_ref[:, D_OUT:D_IN] = lax.dot_general(t2_ref[...], w, dn,
                                           preferred_element_type=jnp.float32
                                           ) + b_ref[...]


def _make_sc_kernel(n_total):
    nc, ns = 2, 16
    nw = nc * ns
    n_chunks = -(-n_total // CH)
    full_rounds = (n_chunks - 1) // nw
    rem = n_chunks - 1 - full_rounds * nw
    assert n_total % 8 == 0

    mesh = plsc.VectorSubcoreMesh(core_axis_name="c", subcore_axis_name="s",
                                  num_cores=nc, num_subcores=ns)

    @functools.partial(
        pl.kernel,
        out_type=jax.ShapeDtypeStruct((D_OUT, n_chunks * CH), jnp.float32),
        mesh=mesh,
        scratch_types=[
            pltpu.VMEM((ROWS_PAD, D_IN), jnp.float32),
            pltpu.VMEM((CH,), jnp.int32),
            pltpu.VMEM((CH,), jnp.int32),
            pltpu.VMEM((D_OUT, CH + 1), jnp.float32),
            pltpu.SemaphoreType.DMA,
        ],
        compiler_params=pltpu.CompilerParams(needs_layout_passes=False),
    )
    def sc_kernel(tp_hbm, ind_hbm, outd_hbm, out_hbm,
                  tbl_v, idx1_v, idx2_v, outb_v, sem_tbl):
        wid = lax.axis_index("s") * nc + lax.axis_index("c")
        iota = jax.lax.iota(jnp.int32, L)

        def compute_chunk():
            @plsc.parallel_loop(0, CH // L, 1, unroll=1)
            def _(g):
                gs = pl.ds(g * L, L)
                i1v = jnp.clip(idx1_v[gs], 0, MAX_DEG)
                i2v = jnp.clip(idx2_v[gs], 0, MAX_DEG)
                nbase = g * L
                for l in range(L):
                    i1 = i1v[l]
                    i2 = i2v[l]
                    nv = jnp.full((L,), nbase + l, jnp.int32)
                    for d0 in range(0, D_OUT, L):
                        v = tbl_v[i1, pl.ds(d0, L)] + \
                            tbl_v[i2, pl.ds(D_OUT + d0, L)]
                        plsc.store_scatter(outb_v, [iota + d0, nv], v)

        def do_chunk(start):
            s = pl.ds(start, CH)
            pltpu.sync_copy(ind_hbm.at[s], idx1_v)
            pltpu.sync_copy(outd_hbm.at[s], idx2_v)
            compute_chunk()
            pltpu.sync_copy(outb_v.at[:, pl.ds(0, CH)], out_hbm.at[:, s])

        pltpu.async_copy(tp_hbm, tbl_v, sem_tbl).wait()

        def round_body(k, carry):
            do_chunk(pl.multiple_of((wid + k * nw) * CH, CH))
            return carry

        lax.fori_loop(0, full_rounds, round_body, 0)

        if rem >= 0:

            @pl.when(wid <= rem)
            def _():
                do_chunk(pl.multiple_of((full_rounds * nw + wid) * CH, CH))

    return sc_kernel


def kernel(in_degree, out_degree, table1, table2, W, b):
    n_total = in_degree.shape[0]
    pad = ROWS_PAD - table1.shape[0]
    t1 = jnp.pad(table1, ((0, pad), (0, 0)))
    t2 = jnp.pad(table2, ((0, pad), (0, 0)))
    b2 = b.reshape(1, D_OUT)

    tp = pl.pallas_call(
        _project_body,
        out_shape=jax.ShapeDtypeStruct((ROWS_PAD, D_IN), jnp.float32),
    )(t1, t2, W, b2)

    n_pad = -(-n_total // CH) * CH - n_total
    sc_kernel = _make_sc_kernel(n_total)
    out_t = sc_kernel(tp,
                      jnp.pad(in_degree.astype(jnp.int32), (0, n_pad)),
                      jnp.pad(out_degree.astype(jnp.int32), (0, n_pad)))
    return out_t[:, :n_total].T

# --- scband reference (transcript-rebuilt; emitter-appended) ---
"""Pipeline reference for scband-degree-encoder-83562883711799 (READ-ONLY COPY).

The authoritative reference and input builder live on the scoring server;
editing this copy changes nothing except your own understanding.
"""

import jax, jax.numpy as jnp
import numpy as np

MAX_DEGREE = 512
EMBED_DIM = 128
HIDDEN = 128
N = 100000

def setup_inputs(seed: int = 0) -> dict:
    key = jax.random.key(seed)
    k1, k2, k3, k4, k5, k6 = jax.random.split(key, 6)
    in_degree = jax.random.randint(k1, (N,), 0, MAX_DEGREE + 1, dtype=jnp.int64) if jax.config.jax_enable_x64 else jax.random.randint(k1, (N,), 0, MAX_DEGREE + 1, dtype=jnp.int32)
    out_degree = jax.random.randint(k2, (N,), 0, MAX_DEGREE + 1, dtype=in_degree.dtype)
    table1 = jax.random.normal(k3, (MAX_DEGREE + 1, EMBED_DIM), dtype=jnp.float32) * 0.02
    table1 = table1.at[0].set(0.0)  # padding_idx=0
    table2 = jax.random.normal(k4, (MAX_DEGREE + 1, EMBED_DIM), dtype=jnp.float32) * 0.02
    table2 = table2.at[0].set(0.0)  # padding_idx=0
    W = jax.random.normal(k5, (HIDDEN // 2, HIDDEN), dtype=jnp.float32) * 0.02
    b = jax.random.normal(k6, (HIDDEN // 2,), dtype=jnp.float32) * 0.02
    return {"in_degree": in_degree, "out_degree": out_degree, "table1": table1, "table2": table2, "W": W, "b": b}

def reference(in_degree, out_degree, table1, table2, W, b):
    in_d = jnp.clip(in_degree, 0, MAX_DEGREE)
    out_d = jnp.clip(out_degree, 0, MAX_DEGREE)
    degree_embedding = jnp.take(table1, in_d, axis=0) + jnp.take(table2, out_d, axis=0)
    degree_embedding = degree_embedding @ W.T + b
    return degree_embedding

if __name__ == "__main__":
    import jax
    _d = setup_inputs()
    print(jax.jit(kernel)(*tuple(_d.values())))

</pallas_src>

<mosaic_0001>
#map = affine_map<(d0, d1) -> (0, 0)>
#map1 = affine_map<(d0, d1) -> (0)>
module attributes {stable_mosaic.version = 14 : i64} {
  func.func @sc_kernel(%arg0: i32, %arg1: i32, %arg2: memref<520x128xf32, #tpu.memory_space<hbm>>, %arg3: memref<100096xi32, #tpu.memory_space<hbm>>, %arg4: memref<100096xi32, #tpu.memory_space<hbm>>, %arg5: memref<64x100096xf32, #tpu.memory_space<hbm>>, %arg6: memref<520x128xf32, #tpu.memory_space<vmem>>, %arg7: memref<128xi32, #tpu.memory_space<vmem>>, %arg8: memref<128xi32, #tpu.memory_space<vmem>>, %arg9: memref<64x129xf32, #tpu.memory_space<vmem>>, %arg10: memref<!tpu.dma_semaphore, #tpu.memory_space<semaphore_mem>>) attributes {dimension_semantics = [#tpu.dimension_semantics<core_parallel>, #tpu.dimension_semantics<subcore_parallel>], iteration_bounds = array<i64: 2, 16>, scalar_prefetch = 0 : i64, scratch_operands = 5 : i64, tpu.core_type = #tpu.core_type<sc_vector_subcore>, window_params = [{transform_indices = #map}, {transform_indices = #map1}, {transform_indices = #map1}, {transform_indices = #map}]} {
    %mul3A = arith.constant 2 : i32
    %mul3A_0 = arith.muli %arg1, %mul3A : i32
    %add3A = arith.addi %mul3A_0, %arg0 : i32
    %iota3A = tpu.iota {dimensions = array<i32: 0>} : vector<16xi32>
    tpu.enqueue_dma source(%arg2 : memref<520x128xf32, #tpu.memory_space<hbm>>) target(%arg6 : memref<520x128xf32, #tpu.memory_space<vmem>>) target_semaphore(%arg10 : memref<!tpu.dma_semaphore, #tpu.memory_space<semaphore_mem>>)
    tpu.wait_dma2 semaphore(%arg10 : memref<!tpu.dma_semaphore, #tpu.memory_space<semaphore_mem>>) src(%arg2 : memref<520x128xf32, #tpu.memory_space<hbm>>) dst(%arg6 : memref<520x128xf32, #tpu.memory_space<vmem>>)
    %scan3A = arith.constant 0 : i32
    %scan3A_1 = arith.constant 0 : i32
    %scan3A_2 = arith.constant 24 : i32
    %scan3A_3 = arith.addi %scan3A_1, %scan3A_2 : i32
    %scan3A_4 = arith.constant 1 : i32
    scf.for %scan3A_8 = %scan3A_1 to %scan3A_3 step %scan3A_4  : i32 {
      %mul3A_9 = arith.constant 32 : i32
      %mul3A_10 = arith.muli %scan3A_8, %mul3A_9 : i32
      %add3A_11 = arith.addi %add3A, %mul3A_10 : i32
      %mul3A_12 = arith.constant 128 : i32
      %mul3A_13 = arith.muli %add3A_11, %mul3A_12 : i32
      %multiple_of3A = tpu.assume_multiple %mul3A_13, 128 : i32
      "tpu.region"() ({
        %run_scoped3A = tpu.sem_alloc : memref<!tpu.dma_semaphore, #tpu.memory_space<semaphore_mem>>
        %dma_start3A = tpu.memref_slice %arg3[%multiple_of3A] : memref<100096xi32, #tpu.memory_space<hbm>> -> memref<128xi32, #tpu.memory_space<hbm>>
        %dma_start3A_16 = tpu.memref_slice %arg3[%multiple_of3A] : memref<100096xi32, #tpu.memory_space<hbm>> -> memref<128xi32, #tpu.memory_space<hbm>>
        tpu.enqueue_dma source(%dma_start3A_16 : memref<128xi32, #tpu.memory_space<hbm>>) target(%arg7 : memref<128xi32, #tpu.memory_space<vmem>>) target_semaphore(%run_scoped3A : memref<!tpu.dma_semaphore, #tpu.memory_space<semaphore_mem>>)
        %dma_wait3A = tpu.memref_slice %arg3[%multiple_of3A] : memref<100096xi32, #tpu.memory_space<hbm>> -> memref<128xi32, #tpu.memory_space<hbm>>
        %dma_wait3A_17 = tpu.memref_slice %arg3[%multiple_of3A] : memref<100096xi32, #tpu.memory_space<hbm>> -> memref<128xi32, #tpu.memory_space<hbm>>
        tpu.wait_dma2 semaphore(%run_scoped3A : memref<!tpu.dma_semaphore, #tpu.memory_space<semaphore_mem>>) src(%dma_wait3A_17 : memref<128xi32, #tpu.memory_space<hbm>>) dst(%arg7 : memref<128xi32, #tpu.memory_space<vmem>>)
        tpu.yield
      }) : () -> ()
      "tpu.region"() ({
        %run_scoped3A = tpu.sem_alloc : memref<!tpu.dma_semaphore, #tpu.memory_space<semaphore_mem>>
        %dma_start3A = tpu.memref_slice %arg4[%multiple_of3A] : memref<100096xi32, #tpu.memory_space<hbm>> -> memref<128xi32, #tpu.memory_space<hbm>>
        %dma_start3A_16 = tpu.memref_slice %arg4[%multiple_of3A] : memref<100096xi32, #tpu.memory_space<hbm>> -> memref<128xi32, #tpu.memory_space<hbm>>
        tpu.enqueue_dma source(%dma_start3A_16 : memref<128xi32, #tpu.memory_space<hbm>>) target(%arg8 : memref<128xi32, #tpu.memory_space<vmem>>) target_semaphore(%run_scoped3A : memref<!tpu.dma_semaphore, #tpu.memory_space<semaphore_mem>>)
        %dma_wait3A = tpu.memref_slice %arg4[%multiple_of3A] : memref<100096xi32, #tpu.memory_space<hbm>> -> memref<128xi32, #tpu.memory_space<hbm>>
        %dma_wait3A_17 = tpu.memref_slice %arg4[%multiple_of3A] : memref<100096xi32, #tpu.memory_space<hbm>> -> memref<128xi32, #tpu.memory_space<hbm>>
        tpu.wait_dma2 semaphore(%run_scoped3A : memref<!tpu.dma_semaphore, #tpu.memory_space<semaphore_mem>>) src(%dma_wait3A_17 : memref<128xi32, #tpu.memory_space<hbm>>) dst(%arg8 : memref<128xi32, #tpu.memory_space<vmem>>)
        tpu.yield
      }) : () -> ()
      %parallel_loop3A = arith.constant 0 : i32
      %parallel_loop3A_14 = arith.constant 8 : i32
      %parallel_loop3A_15 = arith.constant 1 : i32
      scf.for %parallel_loop3A_16 = %parallel_loop3A to %parallel_loop3A_14 step %parallel_loop3A_15  : i32 {
        %parallel_loop3A_17 = arith.constant 16 : i32
        %parallel_loop3A_18 = arith.muli %parallel_loop3A_16, %parallel_loop3A_17 : i32
        %parallel_loop3A_19 = arith.index_cast %parallel_loop3A_18 : i32 to index
        %parallel_loop3A_20 = tpu.vector_load %arg7[%parallel_loop3A_19] {strides = array<i32>} : memref<128xi32, #tpu.memory_space<vmem>>, vector<16xi32>,
        %parallel_loop3A_21 = arith.constant 0 : i32
        %parallel_loop3A_22 = arith.constant 512 : i32
        %parallel_loop3A_23 = vector.broadcast %parallel_loop3A_21 : i32 to vector<16xi32>
        %parallel_loop3A_24 = arith.maxsi %parallel_loop3A_23, %parallel_loop3A_20 : vector<16xi32>
        %parallel_loop3A_25 = vector.broadcast %parallel_loop3A_22 : i32 to vector<16xi32>
        %parallel_loop3A_26 = arith.minsi %parallel_loop3A_25, %parallel_loop3A_24 : vector<16xi32>
        %parallel_loop3A_27 = arith.index_cast %parallel_loop3A_18 : i32 to index
        %parallel_loop3A_28 = tpu.vector_load %arg8[%parallel_loop3A_27] {strides = array<i32>} : memref<128xi32, #tpu.memory_space<vmem>>, vector<16xi32>,
        %parallel_loop3A_29 = arith.constant 0 : i32
        %parallel_loop3A_30 = arith.constant 512 : i32
        %parallel_loop3A_31 = vector.broadcast %parallel_loop3A_29 : i32 to vector<16xi32>
        %parallel_loop3A_32 = arith.maxsi %parallel_loop3A_31, %parallel_loop3A_28 : vector<16xi32>
        %parallel_loop3A_33 = vector.broadcast %parallel_loop3A_30 : i32 to vector<16xi32>
        %parallel_loop3A_34 = arith.minsi %parallel_loop3A_33, %parallel_loop3A_32 : vector<16xi32>
        %parallel_loop3A_35 = arith.constant 16 : i32
        %parallel_loop3A_36 = arith.muli %parallel_loop3A_16, %parallel_loop3A_35 : i32
        %parallel_loop3A_37 = vector.extract_strided_slice %parallel_loop3A_26 {offsets = [0], sizes = [1], strides = [1]} : vector<16xi32> to vector<1xi32>
        %parallel_loop3A_38 = vector.extract %parallel_loop3A_37[0] : i32 from vector<1xi32>
        %parallel_loop3A_39 = vector.extract_strided_slice %parallel_loop3A_34 {offsets = [0], sizes = [1], strides = [1]} : vector<16xi32> to vector<1xi32>
        %parallel_loop3A_40 = vector.extract %parallel_loop3A_39[0] : i32 from vector<1xi32>
        %parallel_loop3A_41 = arith.constant 0 : i32
        %parallel_loop3A_42 = arith.addi %parallel_loop3A_36, %parallel_loop3A_41 : i32
        %parallel_loop3A_43 = vector.broadcast %parallel_loop3A_42 : i32 to vector<16xi32>
        %parallel_loop3A_44 = arith.index_cast %parallel_loop3A_38 : i32 to index
        %parallel_loop3A_45 = arith.constant 0 : index
        %parallel_loop3A_46 = tpu.vector_load %arg6[%parallel_loop3A_44, %parallel_loop3A_45] {strides = array<i32>} : memref<520x128xf32, #tpu.memory_space<vmem>>, vector<16xf32>,
        %parallel_loop3A_47 = arith.index_cast %parallel_loop3A_40 : i32 to index
        %parallel_loop3A_48 = arith.constant 64 : index
        %parallel_loop3A_49 = tpu.vector_load %arg6[%parallel_loop3A_47, %parallel_loop3A_48] {strides = array<i32>} : memref<520x128xf32, #tpu.memory_space<vmem>>, vector<16xf32>,
        %parallel_loop3A_50 = arith.addf %parallel_loop3A_46, %parallel_loop3A_49 : vector<16xf32>
        %parallel_loop3A_51 = arith.constant 0 : i32
        %parallel_loop3A_52 = vector.broadcast %parallel_loop3A_51 : i32 to vector<16xi32>
        %parallel_loop3A_53 = arith.addi %iota3A, %parallel_loop3A_52 : vector<16xi32>
        tpu.vector_store_idx %arg9[%parallel_loop3A_53, %parallel_loop3A_43], %parallel_loop3A_50 : memref<64x129xf32, #tpu.memory_space<vmem>>[vector<16xi32>, vector<16xi32>], vector<16xf32>,
        %parallel_loop3A_54 = arith.index_cast %parallel_loop3A_38 : i32 to index
        %parallel_loop3A_55 = arith.constant 16 : index
        %parallel_loop3A_56 = tpu.vector_load %arg6[%parallel_loop3A_54, %parallel_loop3A_55] {strides = array<i32>} : memref<520x128xf32, #tpu.memory_space<vmem>>, vector<16xf32>,
        %parallel_loop3A_57 = arith.index_cast %parallel_loop3A_40 : i32 to index
        %parallel_loop3A_58 = arith.constant 80 : index
        %parallel_loop3A_59 = tpu.vector_load %arg6[%parallel_loop3A_57, %parallel_loop3A_58] {strides = array<i32>} : memref<520x128xf32, #tpu.memory_space<vmem>>, vector<16xf32>,
        %parallel_loop3A_60 = arith.addf %parallel_loop3A_56, %parallel_loop3A_59 : vector<16xf32>
        %parallel_loop3A_61 = arith.constant 16 : i32
        %parallel_loop3A_62 = vector.broadcast %parallel_loop3A_61 : i32 to vector<16xi32>
        %parallel_loop3A_63 = arith.addi %iota3A, %parallel_loop3A_62 : vector<16xi32>
        tpu.vector_store_idx %arg9[%parallel_loop3A_63, %parallel_loop3A_43], %parallel_loop3A_60 : memref<64x129xf32, #tpu.memory_space<vmem>>[vector<16xi32>, vector<16xi32>], vector<16xf32>,
        %parallel_loop3A_64 = arith.index_cast %parallel_loop3A_38 : i32 to index
        %parallel_loop3A_65 = arith.constant 32 : index
        %parallel_loop3A_66 = tpu.vector_load %arg6[%parallel_loop3A_64, %parallel_loop3A_65] {strides = array<i32>} : memref<520x128xf32, #tpu.memory_space<vmem>>, vector<16xf32>,
        %parallel_loop3A_67 = arith.index_cast %parallel_loop3A_40 : i32 to index
        %parallel_loop3A_68 = arith.constant 96 : index
        %parallel_loop3A_69 = tpu.vector_load %arg6[%parallel_loop3A_67, %parallel_loop3A_68] {strides = array<i32>} : memref<520x128xf32, #tpu.memory_space<vmem>>, vector<16xf32>,
        %parallel_loop3A_70 = arith.addf %parallel_loop3A_66, %parallel_loop3A_69 : vector<16xf32>
        %parallel_loop3A_71 = arith.constant 32 : i32
        %parallel_loop3A_72 = vector.broadcast %parallel_loop3A_71 : i32 to vector<16xi32>
        %parallel_loop3A_73 = arith.addi %iota3A, %parallel_loop3A_72 : vector<16xi32>
        tpu.vector_store_idx %arg9[%parallel_loop3A_73, %parallel_loop3A_43], %parallel_loop3A_70 : memref<64x129xf32, #tpu.memory_space<vmem>>[vector<16xi32>, vector<16xi32>], vector<16xf32>,
        %parallel_loop3A_74 = arith.index_cast %parallel_loop3A_38 : i32 to index
        %parallel_loop3A_75 = arith.constant 48 : index
        %parallel_loop3A_76 = tpu.vector_load %arg6[%parallel_loop3A_74, %parallel_loop3A_75] {strides = array<i32>} : memref<520x128xf32, #tpu.memory_space<vmem>>, vector<16xf32>,
        %parallel_loop3A_77 = arith.index_cast %parallel_loop3A_40 : i32 to index
        %parallel_loop3A_78 = arith.constant 112 : index
        %parallel_loop3A_79 = tpu.vector_load %arg6[%parallel_loop3A_77, %parallel_loop3A_78] {strides = array<i32>} : memref<520x128xf32, #tpu.memory_space<vmem>>, vector<16xf32>,
        %parallel_loop3A_80 = arith.addf %parallel_loop3A_76, %parallel_loop3A_79 : vector<16xf32>
        %parallel_loop3A_81 = arith.constant 48 : i32
        %parallel_loop3A_82 = vector.broadcast %parallel_loop3A_81 : i32 to vector<16xi32>
        %parallel_loop3A_83 = arith.addi %iota3A, %parallel_loop3A_82 : vector<16xi32>
        tpu.vector_store_idx %arg9[%parallel_loop3A_83, %parallel_loop3A_43], %parallel_loop3A_80 : memref<64x129xf32, #tpu.memory_space<vmem>>[vector<16xi32>, vector<16xi32>], vector<16xf32>,
        %parallel_loop3A_84 = vector.extract_strided_slice %parallel_loop3A_26 {offsets = [1], sizes = [1], strides = [1]} : vector<16xi32> to vector<1xi32>
        %parallel_loop3A_85 = vector.extract %parallel_loop3A_84[0] : i32 from vector<1xi32>
        %parallel_loop3A_86 = vector.extract_strided_slice %parallel_loop3A_34 {offsets = [1], sizes = [1], strides = [1]} : vector<16xi32> to vector<1xi32>
        %parallel_loop3A_87 = vector.extract %parallel_loop3A_86[0] : i32 from vector<1xi32>
        %parallel_loop3A_88 = arith.constant 1 : i32
        %parallel_loop3A_89 = arith.addi %parallel_loop3A_36, %parallel_loop3A_88 : i32
        %parallel_loop3A_90 = vector.broadcast %parallel_loop3A_89 : i32 to vector<16xi32>
        %parallel_loop3A_91 = arith.index_cast %parallel_loop3A_85 : i32 to index
        %parallel_loop3A_92 = arith.constant 0 : index
        %parallel_loop3A_93 = tpu.vector_load %arg6[%parallel_loop3A_91, %parallel_loop3A_92] {strides = array<i32>} : memref<520x128xf32, #tpu.memory_space<vmem>>, vector<16xf32>,
        %parallel_loop3A_94 = arith.index_cast %parallel_loop3A_87 : i32 to index
        %parallel_loop3A_95 = arith.constant 64 : index
        %parallel_loop3A_96 = tpu.vector_load %arg6[%parallel_loop3A_94, %parallel_loop3A_95] {strides = array<i32>} : memref<520x128xf32, #tpu.memory_space<vmem>>, vector<16xf32>,
        %parallel_loop3A_97 = arith.addf %parallel_loop3A_93, %parallel_loop3A_96 : vector<16xf32>
        %parallel_loop3A_98 = arith.constant 0 : i32
        %parallel_loop3A_99 = vector.broadcast %parallel_loop3A_98 : i32 to vector<16xi32>
        %parallel_loop3A_100 = arith.addi %iota3A, %parallel_loop3A_99 : vector<16xi32>
        tpu.vector_store_idx %arg9[%parallel_loop3A_100, %parallel_loop3A_90], %parallel_loop3A_97 : memref<64x129xf32, #tpu.memory_space<vmem>>[vector<16xi32>, vector<16xi32>], vector<16xf32>,
        %parallel_loop3A_101 = arith.index_cast %parallel_loop3A_85 : i32 to index
        %parallel_loop3A_102 = arith.constant 16 : index
        %parallel_loop3A_103 = tpu.vector_load %arg6[%parallel_loop3A_101, %parallel_loop3A_102] {strides = array<i32>} : memref<520x128xf32, #tpu.memory_space<vmem>>, vector<16xf32>,
        %parallel_loop3A_104 = arith.index_cast %parallel_loop3A_87 : i32 to index
        %parallel_loop3A_105 = arith.constant 80 : index
        %parallel_loop3A_106 = tpu.vector_load %arg6[%parallel_loop3A_104, %parallel_loop3A_105] {strides = array<i32>} : memref<520x128xf32, #tpu.memory_space<vmem>>, vector<16xf32>,
        %parallel_loop3A_107 = arith.addf %parallel_loop3A_103, %parallel_loop3A_106 : vector<16xf32>
        %parallel_loop3A_108 = arith.constant 16 : i32
        %parallel_loop3A_109 = vector.broadcast %parallel_loop3A_108 : i32 to vector<16xi32>
        %parallel_loop3A_110 = arith.addi %iota3A, %parallel_loop3A_109 : vector<16xi32>
        tpu.vector_store_idx %arg9[%parallel_loop3A_110, %parallel_loop3A_90], %parallel_loop3A_107 : memref<64x129xf32, #tpu.memory_space<vmem>>[vector<16xi32>, vector<16xi32>], vector<16xf32>,
        %parallel_loop3A_111 = arith.index_cast %parallel_loop3A_85 : i32 to index
        %parallel_loop3A_112 = arith.constant 32 : index
        %parallel_loop3A_113 = tpu.vector_load %arg6[%parallel_loop3A_111, %parallel_loop3A_112] {strides = array<i32>} : memref<520x128xf32, #tpu.memory_space<vmem>>, vector<16xf32>,
        %parallel_loop3A_114 = arith.index_cast %parallel_loop3A_87 : i32 to index
        %parallel_loop3A_115 = arith.constant 96 : index
        %parallel_loop3A_116 = tpu.vector_load %arg6[%parallel_loop3A_114, %parallel_loop3A_115] {strides = array<i32>} : memref<520x128xf32, #tpu.memory_space<vmem>>, vector<16xf32>,
        %parallel_loop3A_117 = arith.addf %parallel_loop3A_113, %parallel_loop3A_116 : vector<16xf32>
        %parallel_loop3A_118 = arith.constant 32 : i32
        %parallel_loop3A_119 = vector.broadcast %parallel_loop3A_118 : i32 to vector<16xi32>
        %parallel_loop3A_120 = arith.addi %iota3A, %parallel_loop3A_119 : vector<16xi32>
        tpu.vector_store_idx %arg9[%parallel_loop3A_120, %parallel_loop3A_90], %parallel_loop3A_117 : memref<64x129xf32, #tpu.memory_space<vmem>>[vector<16xi32>, vector<16xi32>], vector<16xf32>,
        %parallel_loop3A_121 = arith.index_cast %parallel_loop3A_85 : i32 to index
        %parallel_loop3A_122 = arith.constant 48 : index
        %parallel_loop3A_123 = tpu.vector_load %arg6[%parallel_loop3A_121, %parallel_loop3A_122] {strides = array<i32>} : memref<520x128xf32, #tpu.memory_space<vmem>>, vector<16xf32>,
        %parallel_loop3A_124 = arith.index_cast %parallel_loop3A_87 : i32 to index
        %parallel_loop3A_125 = arith.constant 112 : index
        %parallel_loop3A_126 = tpu.vector_load %arg6[%parallel_loop3A_124, %parallel_loop3A_125] {strides = array<i32>} : memref<520x128xf32, #tpu.memory_space<vmem>>, vector<16xf32>,
        %parallel_loop3A_127 = arith.addf %parallel_loop3A_123, %parallel_loop3A_126 : vector<16xf32>
        %parallel_loop3A_128 = arith.constant 48 : i32
        %parallel_loop3A_129 = vector.broadcast %parallel_loop3A_128 : i32 to vector<16xi32>
        %parallel_loop3A_130 = arith.addi %iota3A, %parallel_loop3A_129 : vector<16xi32>
        tpu.vector_store_idx %arg9[%parallel_loop3A_130, %parallel_loop3A_90], %parallel_loop3A_127 : memref<64x129xf32, #tpu.memory_space<vmem>>[vector<16xi32>, vector<16xi32>], vector<16xf32>,
        %parallel_loop3A_131 = vector.extract_strided_slice %parallel_loop3A_26 {offsets = [2], sizes = [1], strides = [1]} : vector<16xi32> to vector<1xi32>
        %parallel_loop3A_132 = vector.extract %parallel_loop3A_131[0] : i32 from vector<1xi32>
        %parallel_loop3A_133 = vector.extract_strided_slice %parallel_loop3A_34 {offsets = [2], sizes = [1], strides = [1]} : vector<16xi32> to vector<1xi32>
        %parallel_loop3A_134 = vector.extract %parallel_loop3A_133[0] : i32 from vector<1xi32>
        %parallel_loop3A_135 = arith.constant 2 : i32
        %parallel_loop3A_136 = arith.addi %parallel_loop3A_36, %parallel_loop3A_135 : i32
        %parallel_loop3A_137 = vector.broadcast %parallel_loop3A_136 : i32 to vector<16xi32>
        %parallel_loop3A_138 = arith.index_cast %parallel_loop3A_132 : i32 to index
        %parallel_loop3A_139 = arith.constant 0 : index
        %parallel_loop3A_140 = tpu.vector_load %arg6[%parallel_loop3A_138, %parallel_loop3A_139] {strides = array<i32>} : memref<520x128xf32, #tpu.memory_space<vmem>>, vector<16xf32>,
        %parallel_loop3A_141 = arith.index_cast %parallel_loop3A_134 : i32 to index
        %parallel_loop3A_142 = arith.constant 64 : index
        %parallel_loop3A_143 = tpu.vector_load %arg6[%parallel_loop3A_141, %parallel_loop3A_142] {strides = array<i32>} : memref<520x128xf32, #tpu.memory_space<vmem>>, vector<16xf32>,
        %parallel_loop3A_144 = arith.addf %parallel_loop3A_140, %parallel_loop3A_143 : vector<16xf32>
        %parallel_loop3A_145 = arith.constant 0 : i32
        %parallel_loop3A_146 = vector.broadcast %parallel_loop3A_145 : i32 to vector<16xi32>
        %parallel_loop3A_147 = arith.addi %iota3A, %parallel_loop3A_146 : vector<16xi32>
        tpu.vector_store_idx %arg9[%parallel_loop3A_147, %parallel_loop3A_137], %parallel_loop3A_144 : memref<64x129xf32, #tpu.memory_space<vmem>>[vector<16xi32>, vector<16xi32>], vector<16xf32>,
        %parallel_loop3A_148 = arith.index_cast %parallel_loop3A_132 : i32 to index
        %parallel_loop3A_149 = arith.constant 16 : index
        %parallel_loop3A_150 = tpu.vector_load %arg6[%parallel_loop3A_148, %parallel_loop3A_149] {strides = array<i32>} : memref<520x128xf32, #tpu.memory_space<vmem>>, vector<16xf32>,
        %parallel_loop3A_151 = arith.index_cast %parallel_loop3A_134 : i32 to index
        %parallel_loop3A_152 = arith.constant 80 : index
        %parallel_loop3A_153 = tpu.vector_load %arg6[%parallel_loop3A_151, %parallel_loop3A_152] {strides = array<i32>} : memref<520x128xf32, #tpu.memory_space<vmem>>, vector<16xf32>,
        %parallel_loop3A_154 = arith.addf %parallel_loop3A_150, %parallel_loop3A_153 : vector<16xf32>
        %parallel_loop3A_155 = arith.constant 16 : i32
        %parallel_loop3A_156 = vector.broadcast %parallel_loop3A_155 : i32 to vector<16xi32>
        %parallel_loop3A_157 = arith.addi %iota3A, %parallel_loop3A_156 : vector<16xi32>
        tpu.vector_store_idx %arg9[%parallel_loop3A_157, %parallel_loop3A_137], %parallel_loop3A_154 : memref<64x129xf32, #tpu.memory_space<vmem>>[vector<16xi32>, vector<16xi32>], vector<16xf32>,
        %parallel_loop3A_158 = arith.index_cast %parallel_loop3A_132 : i32 to index
        %parallel_loop3A_159 = arith.constant 32 : index
        %parallel_loop3A_160 = tpu.vector_load %arg6[%parallel_loop3A_158, %parallel_loop3A_159] {strides = array<i32>} : memref<520x128xf32, #tpu.memory_space<vmem>>, vector<16xf32>,
        %parallel_loop3A_161 = arith.index_cast %parallel_loop3A_134 : i32 to index
        %parallel_loop3A_162 = arith.constant 96 : index
        %parallel_loop3A_163 = tpu.vector_load %arg6[%parallel_loop3A_161, %parallel_loop3A_162] {strides = array<i32>} : memref<520x128xf32, #tpu.memory_space<vmem>>, vector<16xf32>,
        %parallel_loop3A_164 = arith.addf %parallel_loop3A_160, %parallel_loop3A_163 : vector<16xf32>
        %parallel_loop3A_165 = arith.constant 32 : i32
        %parallel_loop3A_166 = vector.broadcast %parallel_loop3A_165 : i32 to vector<16xi32>
        %parallel_loop3A_167 = arith.addi %iota3A, %parallel_loop3A_166 : vector<16xi32>
        tpu.vector_store_idx %arg9[%parallel_loop3A_167, %parallel_loop3A_137], %parallel_loop3A_164 : memref<64x129xf32, #tpu.memory_space<vmem>>[vector<16xi32>, vector<16xi32>], vector<16xf32>,
        %parallel_loop3A_168 = arith.index_cast %parallel_loop3A_132 : i32 to index
        %parallel_loop3A_169 = arith.constant 48 : index
        %parallel_loop3A_170 = tpu.vector_load %arg6[%parallel_loop3A_168, %parallel_loop3A_169] {strides = array<i32>} : memref<520x128xf32, #tpu.memory_space<vmem>>, vector<16xf32>,
        %parallel_loop3A_171 = arith.index_cast %parallel_loop3A_134 : i32 to index
        %parallel_loop3A_172 = arith.constant 112 : index
        %parallel_loop3A_173 = tpu.vector_load %arg6[%parallel_loop3A_171, %parallel_loop3A_172] {strides = array<i32>} : memref<520x128xf32, #tpu.memory_space<vmem>>, vector<16xf32>,
        %parallel_loop3A_174 = arith.addf %parallel_loop3A_170, %parallel_loop3A_173 : vector<16xf32>
        %parallel_loop3A_175 = arith.constant 48 : i32
        %parallel_loop3A_176 = vector.broadcast %parallel_loop3A_175 : i32 to vector<16xi32>
        %parallel_loop3A_177 = arith.addi %iota3A, %parallel_loop3A_176 : vector<16xi32>
        tpu.vector_store_idx %arg9[%parallel_loop3A_177, %parallel_loop3A_137], %parallel_loop3A_174 : memref<64x129xf32, #tpu.memory_space<vmem>>[vector<16xi32>, vector<16xi32>], vector<16xf32>,
        %parallel_loop3A_178 = vector.extract_strided_slice %parallel_loop3A_26 {offsets = [3], sizes = [1], strides = [1]} : vector<16xi32> to vector<1xi32>
        %parallel_loop3A_179 = vector.extract %parallel_loop3A_178[0] : i32 from vector<1xi32>
        %parallel_loop3A_180 = vector.extract_strided_slice %parallel_loop3A_34 {offsets = [3], sizes = [1], strides = [1]} : vector<16xi32> to vector<1xi32>
        %parallel_loop3A_181 = vector.extract %parallel_loop3A_180[0] : i32 from vector<1xi32>
        %parallel_loop3A_182 = arith.constant 3 : i32
        %parallel_loop3A_183 = arith.addi %parallel_loop3A_36, %parallel_loop3A_182 : i32
        %parallel_loop3A_184 = vector.broadcast %parallel_loop3A_183 : i32 to vector<16xi32>
        %parallel_loop3A_185 = arith.index_cast %parallel_loop3A_179 : i32 to index
        %parallel_loop3A_186 = arith.constant 0 : index
        %parallel_loop3A_187 = tpu.vector_load %arg6[%parallel_loop3A_185, %parallel_loop3A_186] {strides = array<i32>} : memref<520x128xf32, #tpu.memory_space<vmem>>, vector<16xf32>,
        %parallel_loop3A_188 = arith.index_cast %parallel_loop3A_181 : i32 to index
        %parallel_loop3A_189 = arith.constant 64 : index
        %parallel_loop3A_190 = tpu.vector_load %arg6[%parallel_loop3A_188, %parallel_loop3A_189] {strides = array<i32>} : memref<520x128xf32, #tpu.memory_space<vmem>>, vector<16xf32>,
        %parallel_loop3A_191 = arith.addf %parallel_loop3A_187, %parallel_loop3A_190 : vector<16xf32>
        %parallel_loop3A_192 = arith.constant 0 : i32
        %parallel_loop3A_193 = vector.broadcast %parallel_loop3A_192 : i32 to vector<16xi32>
        %parallel_loop3A_194 = arith.addi %iota3A, %parallel_loop3A_193 : vector<16xi32>
        tpu.vector_store_idx %arg9[%parallel_loop3A_194, %parallel_loop3A_184], %parallel_loop3A_191 : memref<64x129xf32, #tpu.memory_space<vmem>>[vector<16xi32>, vector<16xi32>], vector<16xf32>,
        %parallel_loop3A_195 = arith.index_cast %parallel_loop3A_179 : i32 to index
        %parallel_loop3A_196 = arith.constant 16 : index
        %parallel_loop3A_197 = tpu.vector_load %arg6[%parallel_loop3A_195, %parallel_loop3A_196] {strides = array<i32>} : memref<520x128xf32, #tpu.memory_space<vmem>>, vector<16xf32>,
        %parallel_loop3A_198 = arith.index_cast %parallel_loop3A_181 : i32 to index
        %parallel_loop3A_199 = arith.constant 80 : index
        %parallel_loop3A_200 = tpu.vector_load %arg6[%parallel_loop3A_198, %parallel_loop3A_199] {strides = array<i32>} : memref<520x128xf32, #tpu.memory_space<vmem>>, vector<16xf32>,
        %parallel_loop3A_201 = arith.addf %parallel_loop3A_197, %parallel_loop3A_200 : vector<16xf32>
        %parallel_loop3A_202 = arith.constant 16 : i32
        %parallel_loop3A_203 = vector.broadcast %parallel_loop3A_202 : i32 to vector<16xi32>
        %parallel_loop3A_204 = arith.addi %iota3A, %parallel_loop3A_203 : vector<16xi32>
        tpu.vector_store_idx %arg9[%parallel_loop3A_204, %parallel_loop3A_184], %parallel_loop3A_201 : memref<64x129xf32, #tpu.memory_space<vmem>>[vector<16xi32>, vector<16xi32>], vector<16xf32>,
        %parallel_loop3A_205 = arith.index_cast %parallel_loop3A_179 : i32 to index
        %parallel_loop3A_206 = arith.constant 32 : index
        %parallel_loop3A_207 = tpu.vector_load %arg6[%parallel_loop3A_205, %parallel_loop3A_206] {strides = array<i32>} : memref<520x128xf32, #tpu.memory_space<vmem>>, vector<16xf32>,
        %parallel_loop3A_208 = arith.index_cast %parallel_loop3A_181 : i32 to index
        %parallel_loop3A_209 = arith.constant 96 : index
        %parallel_loop3A_210 = tpu.vector_load %arg6[%parallel_loop3A_208, %parallel_loop3A_209] {strides = array<i32>} : memref<520x128xf32, #tpu.memory_space<vmem>>, vector<16xf32>,
        %parallel_loop3A_211 = arith.addf %parallel_loop3A_207, %parallel_loop3A_210 : vector<16xf32>
        %parallel_loop3A_212 = arith.constant 32 : i32
        %parallel_loop3A_213 = vector.broadcast %parallel_loop3A_212 : i32 to vector<16xi32>
        %parallel_loop3A_214 = arith.addi %iota3A, %parallel_loop3A_213 : vector<16xi32>
        tpu.vector_store_idx %arg9[%parallel_loop3A_214, %parallel_loop3A_184], %parallel_loop3A_211 : memref<64x129xf32, #tpu.memory_space<vmem>>[vector<16xi32>, vector<16xi32>], vector<16xf32>,
        %parallel_loop3A_215 = arith.index_cast %parallel_loop3A_179 : i32 to index
        %parallel_loop3A_216 = arith.constant 48 : index
        %parallel_loop3A_217 = tpu.vector_load %arg6[%parallel_loop3A_215, %parallel_loop3A_216] {strides = array<i32>} : memref<520x128xf32, #tpu.memory_space<vmem>>, vector<16xf32>,
        %parallel_loop3A_218 = arith.index_cast %parallel_loop3A_181 : i32 to index
        %parallel_loop3A_219 = arith.constant 112 : index
        %parallel_loop3A_220 = tpu.vector_load %arg6[%parallel_loop3A_218, %parallel_loop3A_219] {strides = array<i32>} : memref<520x128xf32, #tpu.memory_space<vmem>>, vector<16xf32>,
        %parallel_loop3A_221 = arith.addf %parallel_loop3A_217, %parallel_loop3A_220 : vector<16xf32>
        %parallel_loop3A_222 = arith.constant 48 : i32
        %parallel_loop3A_223 = vector.broadcast %parallel_loop3A_222 : i32 to vector<16xi32>
        %parallel_loop3A_224 = arith.addi %iota3A, %parallel_loop3A_223 : vector<16xi32>
        tpu.vector_store_idx %arg9[%parallel_loop3A_224, %parallel_loop3A_184], %parallel_loop3A_221 : memref<64x129xf32, #tpu.memory_space<vmem>>[vector<16xi32>, vector<16xi32>], vector<16xf32>,
        %parallel_loop3A_225 = vector.extract_strided_slice %parallel_loop3A_26 {offsets = [4], sizes = [1], strides = [1]} : vector<16xi32> to vector<1xi32>
        %parallel_loop3A_226 = vector.extract %parallel_loop3A_225[0] : i32 from vector<1xi32>
        %parallel_loop3A_227 = vector.extract_strided_slice %parallel_loop3A_34 {offsets = [4], sizes = [1], strides = [1]} : vector<16xi32> to vector<1xi32>
        %parallel_loop3A_228 = vector.extract %parallel_loop3A_227[0] : i32 from vector<1xi32>
        %parallel_loop3A_229 = arith.constant 4 : i32
        %parallel_loop3A_230 = arith.addi %parallel_loop3A_36, %parallel_loop3A_229 : i32
        %parallel_loop3A_231 = vector.broadcast %parallel_loop3A_230 : i32 to vector<16xi32>
        %parallel_loop3A_232 = arith.index_cast %parallel_loop3A_226 : i32 to index
        %parallel_loop3A_233 = arith.constant 0 : index
        %parallel_loop3A_234 = tpu.vector_load %arg6[%parallel_loop3A_232, %parallel_loop3A_233] {strides = array<i32>} : memref<520x128xf32, #tpu.memory_space<vmem>>, vector<16xf32>,
        %parallel_loop3A_235 = arith.index_cast %parallel_loop3A_228 : i32 to index
        %parallel_loop3A_236 = arith.constant 64 : index
        %parallel_loop3A_237 = tpu.vector_load %arg6[%parallel_loop3A_235, %parallel_loop3A_236] {strides = array<i32>} : memref<520x128xf32, #tpu.memory_space<vmem>>, vector<16xf32>,
        %parallel_loop3A_238 = arith.addf %parallel_loop3A_234, %parallel_loop3A_237 : vector<16xf32>
        %parallel_loop3A_239 = arith.constant 0 : i32
        %parallel_loop3A_240 = vector.broadcast %parallel_loop3A_239 : i32 to vector<16xi32>
        %parallel_loop3A_241 = arith.addi %iota3A, %parallel_loop3A_240 : vector<16xi32>
        tpu.vector_store_idx %arg9[%parallel_loop3A_241, %parallel_loop3A_231], %parallel_loop3A_238 : memref<64x129xf32, #tpu.memory_space<vmem>>[vector<16xi32>, vector<16xi32>], vector<16xf32>,
        %parallel_loop3A_242 = arith.index_cast %parallel_loop3A_226 : i32 to index
        %parallel_loop3A_243 = arith.constant 16 : index
        %parallel_loop3A_244 = tpu.vector_load %arg6[%parallel_loop3A_242, %parallel_loop3A_243] {strides = array<i32>} : memref<520x128xf32, #tpu.memory_space<vmem>>, vector<16xf32>,
        %parallel_loop3A_245 = arith.index_cast %parallel_loop3A_228 : i32 to index
        %parallel_loop3A_246 = arith.constant 80 : index
        %parallel_loop3A_247 = tpu.vector_load %arg6[%parallel_loop3A_245, %parallel_loop3A_246] {strides = array<i32>} : memref<520x128xf32, #tpu.memory_space<vmem>>, vector<16xf32>,
        %parallel_loop3A_248 = arith.addf %parallel_loop3A_244, %parallel_loop3A_247 : vector<16xf32>
        %parallel_loop3A_249 = arith.constant 16 : i32
        %parallel_loop3A_250 = vector.broadcast %parallel_loop3A_249 : i32 to vector<16xi32>
        %parallel_loop3A_251 = arith.addi %iota3A, %parallel_loop3A_250 : vector<16xi32>
        tpu.vector_store_idx %arg9[%parallel_loop3A_251, %parallel_loop3A_231], %parallel_loop3A_248 : memref<64x129xf32, #tpu.memory_space<vmem>>[vector<16xi32>, vector<16xi32>], vector<16xf32>,
        %parallel_loop3A_252 = arith.index_cast %parallel_loop3A_226 : i32 to index
        %parallel_loop3A_253 = arith.constant 32 : index
        %parallel_loop3A_254 = tpu.vector_load %arg6[%parallel_loop3A_252, %parallel_loop3A_253] {strides = array<i32>} : memref<520x128xf32, #tpu.memory_space<vmem>>, vector<16xf32>,
        %parallel_loop3A_255 = arith.index_cast %parallel_loop3A_228 : i32 to index
        %parallel_loop3A_256 = arith.constant 96 : index
        %parallel_loop3A_257 = tpu.vector_load %arg6[%parallel_loop3A_255, %parallel_loop3A_256] {strides = array<i32>} : memref<520x128xf32, #tpu.memory_space<vmem>>, vector<16xf32>,
        %parallel_loop3A_258 = arith.addf %parallel_loop3A_254, %parallel_loop3A_257 : vector<16xf32>
        %parallel_loop3A_259 = arith.constant 32 : i32
        %parallel_loop3A_260 = vector.broadcast %parallel_loop3A_259 : i32 to vector<16xi32>
        %parallel_loop3A_261 = arith.addi %iota3A, %parallel_loop3A_260 : vector<16xi32>
        tpu.vector_store_idx %arg9[%parallel_loop3A_261, %parallel_loop3A_231], %parallel_loop3A_258 : memref<64x129xf32, #tpu.memory_space<vmem>>[vector<16xi32>, vector<16xi32>], vector<16xf32>,
        %parallel_loop3A_262 = arith.index_cast %parallel_loop3A_226 : i32 to index
        %parallel_loop3A_263 = arith.constant 48 : index
        %parallel_loop3A_264 = tpu.vector_load %arg6[%parallel_loop3A_262, %parallel_loop3A_263] {strides = array<i32>} : memref<520x128xf32, #tpu.memory_space<vmem>>, vector<16xf32>,
        %parallel_loop3A_265 = arith.index_cast %parallel_loop3A_228 : i32 to index
        %parallel_loop3A_266 = arith.constant 112 : index
        %parallel_loop3A_267 = tpu.vector_load %arg6[%parallel_loop3A_265, %parallel_loop3A_266] {strides = array<i32>} : memref<520x128xf32, #tpu.memory_space<vmem>>, vector<16xf32>,
        %parallel_loop3A_268 = arith.addf %parallel_loop3A_264, %parallel_loop3A_267 : vector<16xf32>
        %parallel_loop3A_269 = arith.constant 48 : i32
        %parallel_loop3A_270 = vector.broadcast %parallel_loop3A_269 : i32 to vector<16xi32>
        %parallel_loop3A_271 = arith.addi %iota3A, %parallel_loop3A_270 : vector<16xi32>
        tpu.vector_store_idx %arg9[%parallel_loop3A_271, %parallel_loop3A_231], %parallel_loop3A_268 : memref<64x129xf32, #tpu.memory_space<vmem>>[vector<16xi32>, vector<16xi32>], vector<16xf32>,
        %parallel_loop3A_272 = vector.extract_strided_slice %parallel_loop3A_26 {offsets = [5], sizes = [1], strides = [1]} : vector<16xi32> to vector<1xi32>
        %parallel_loop3A_273 = vector.extract %parallel_loop3A_272[0] : i32 from vector<1xi32>
        %parallel_loop3A_274 = vector.extract_strided_slice %parallel_loop3A_34 {offsets = [5], sizes = [1], strides = [1]} : vector<16xi32> to vector<1xi32>
        %parallel_loop3A_275 = vector.extract %parallel_loop3A_274[0] : i32 from vector<1xi32>
        %parallel_loop3A_276 = arith.constant 5 : i32
        %parallel_loop3A_277 = arith.addi %parallel_loop3A_36, %parallel_loop3A_276 : i32
        %parallel_loop3A_278 = vector.broadcast %parallel_loop3A_277 : i32 to vector<16xi32>
        %parallel_loop3A_279 = arith.index_cast %parallel_loop3A_273 : i32 to index
        %parallel_loop3A_280 = arith.constant 0 : index
        %parallel_loop3A_281 = tpu.vector_load %arg6[%parallel_loop3A_279, %parallel_loop3A_280] {strides = array<i32>} : memref<520x128xf32, #tpu.memory_space<vmem>>, vector<16xf32>,
        %parallel_loop3A_282 = arith.index_cast %parallel_loop3A_275 : i32 to index
        %parallel_loop3A_283 = arith.constant 64 : index
        %parallel_loop3A_284 = tpu.vector_load %arg6[%parallel_loop3A_282, %parallel_loop3A_283] {strides = array<i32>} : memref<520x128xf32, #tpu.memory_space<vmem>>, vector<16xf32>,
        %parallel_loop3A_285 = arith.addf %parallel_loop3A_281, %parallel_loop3A_284 : vector<16xf32>
        %parallel_loop3A_286 = arith.constant 0 : i32
        %parallel_loop3A_287 = vector.broadcast %parallel_loop3A_286 : i32 to vector<16xi32>
        %parallel_loop3A_288 = arith.addi %iota3A, %parallel_loop3A_287 : vector<16xi32>
        tpu.vector_store_idx %arg9[%parallel_loop3A_288, %parallel_loop3A_278], %parallel_loop3A_285 : memref<64x129xf32, #tpu.memory_space<vmem>>[vector<16xi32>, vector<16xi32>], vector<16xf32>,
        %parallel_loop3A_289 = arith.index_cast %parallel_loop3A_273 : i32 to index
        %parallel_loop3A_290 = arith.constant 16 : index
        %parallel_loop3A_291 = tpu.vector_load %arg6[%parallel_loop3A_289, %parallel_loop3A_290] {strides = array<i32>} : memref<520x128xf32, #tpu.memory_space<vmem>>, vector<16xf32>,
        %parallel_loop3A_292 = arith.index_cast %parallel_loop3A_275 : i32 to index
        %parallel_loop3A_293 = arith.constant 80 : index
        %parallel_loop3A_294 = tpu.vector_load %arg6[%parallel_loop3A_292, %parallel_loop3A_293] {strides = array<i32>} : memref<520x128xf32, #tpu.memory_space<vmem>>, vector<16xf32>,
        %parallel_loop3A_295 = arith.addf %parallel_loop3A_291, %parallel_loop3A_294 : vector<16xf32>
        %parallel_loop3A_296 = arith.constant 16 : i32
        %parallel_loop3A_297 = vector.broadcast %parallel_loop3A_296 : i32 to vector<16xi32>
        %parallel_loop3A_298 = arith.addi %iota3A, %parallel_loop3A_297 : vector<16xi32>
        tpu.vector_store_idx %arg9[%parallel_loop3A_298, %parallel_loop3A_278], %parallel_loop3A_295 : memref<64x129xf32, #tpu.memory_space<vmem>>[vector<16xi32>, vector<16xi32>], vector<16xf32>,
        %parallel_loop3A_299 = arith.index_cast %parallel_loop3A_273 : i32 to index
        %parallel_loop3A_300 = arith.constant 32 : index
        %parallel_loop3A_301 = tpu.vector_load %arg6[%parallel_loop3A_299, %parallel_loop3A_300] {strides = array<i32>} : memref<520x128xf32, #tpu.memory_space<vmem>>, vector<16xf32>,
        %parallel_loop3A_302 = arith.index_cast %parallel_loop3A_275 : i32 to index
        %parallel_loop3A_303 = arith.constant 96 : index
        %parallel_loop3A_304 = tpu.vector_load %arg6[%parallel_loop3A_302, %parallel_loop3A_303] {strides = array<i32>} : memref<520x128xf32, #tpu.memory_space<vmem>>, vector<16xf32>,
        %parallel_loop3A_305 = arith.addf %parallel_loop3A_301, %parallel_loop3A_304 : vector<16xf32>
        %parallel_loop3A_306 = arith.constant 32 : i32
        %parallel_loop3A_307 = vector.broadcast %parallel_loop3A_306 : i32 to vector<16xi32>
        %parallel_loop3A_308 = arith.addi %iota3A, %parallel_loop3A_307 : vector<16xi32>
        tpu.vector_store_idx %arg9[%parallel_loop3A_308, %parallel_loop3A_278], %parallel_loop3A_305 : memref<64x129xf32, #tpu.memory_space<vmem>>[vector<16xi32>, vector<16xi32>], vector<16xf32>,
        %parallel_loop3A_309 = arith.index_cast %parallel_loop3A_273 : i32 to index
        %parallel_loop3A_310 = arith.constant 48 : index
        %parallel_loop3A_311 = tpu.vector_load %arg6[%parallel_loop3A_309, %parallel_loop3A_310] {strides = array<i32>} : memref<520x128xf32, #tpu.memory_space<vmem>>, vector<16xf32>,
        %parallel_loop3A_312 = arith.index_cast %parallel_loop3A_275 : i32 to index
        %parallel_loop3A_313 = arith.constant 112 : index
        %parallel_loop3A_314 = tpu.vector_load %arg6[%parallel_loop3A_312, %parallel_loop3A_313] {strides = array<i32>} : memref<520x128xf32, #tpu.memory_space<vmem>>, vector<16xf32>,
        %parallel_loop3A_315 = arith.addf %parallel_loop3A_311, %parallel_loop3A_314 : vector<16xf32>
        %parallel_loop3A_316 = arith.constant 48 : i32
        %parallel_loop3A_317 = vector.broadcast %parallel_loop3A_316 : i32 to vector<16xi32>
        %parallel_loop3A_318 = arith.addi %iota3A, %parallel_loop3A_317 : vector<16xi32>
        tpu.vector_store_idx %arg9[%parallel_loop3A_318, %parallel_loop3A_278], %parallel_loop3A_315 : memref<64x129xf32, #tpu.memory_space<vmem>>[vector<16xi32>, vector<16xi32>], vector<16xf32>,
        %parallel_loop3A_319 = vector.extract_strided_slice %parallel_loop3A_26 {offsets = [6], sizes = [1], strides = [1]} : vector<16xi32> to vector<1xi32>
        %parallel_loop3A_320 = vector.extract %parallel_loop3A_319[0] : i32 from vector<1xi32>
        %parallel_loop3A_321 = vector.extract_strided_slice %parallel_loop3A_34 {offsets = [6], sizes = [1], strides = [1]} : vector<16xi32> to vector<1xi32>
        %parallel_loop3A_322 = vector.extract %parallel_loop3A_321[0] : i32 from vector<1xi32>
        %parallel_loop3A_323 = arith.constant 6 : i32
        %parallel_loop3A_324 = arith.addi %parallel_loop3A_36, %parallel_loop3A_323 : i32
        %parallel_loop3A_325 = vector.broadcast %parallel_loop3A_324 : i32 to vector<16xi32>
        %parallel_loop3A_326 = arith.index_cast %parallel_loop3A_320 : i32 to index
        %parallel_loop3A_327 = arith.constant 0 : index
        %parallel_loop3A_328 = tpu.vector_load %arg6[%parallel_loop3A_326, %parallel_loop3A_327] {strides = array<i32>} : memref<520x128xf32, #tpu.memory_space<vmem>>, vector<16xf32>,
        %parallel_loop3A_329 = arith.index_cast %parallel_loop3A_322 : i32 to index
        %parallel_loop3A_330 = arith.constant 64 : index
        %parallel_loop3A_331 = tpu.vector_load %arg6[%parallel_loop3A_329, %parallel_loop3A_330] {strides = array<i32>} : memref<520x128xf32, #tpu.memory_space<vmem>>, vector<16xf32>,
        %parallel_loop3A_332 = arith.addf %parallel_loop3A_328, %parallel_loop3A_331 : vector<16xf32>
        %parallel_loop3A_333 = arith.constant 0 : i32
        %parallel_loop3A_334 = vector.broadcast %parallel_loop3A_333 : i32 to vector<16xi32>
        %parallel_loop3A_335 = arith.addi %iota3A, %parallel_loop3A_334 : vector<16xi32>
        tpu.vector_store_idx %arg9[%parallel_loop3A_335, %parallel_loop3A_325], %parallel_loop3A_332 : memref<64x129xf32, #tpu.memory_space<vmem>>[vector<16xi32>, vector<16xi32>], vector<16xf32>,
        %parallel_loop3A_336 = arith.index_cast %parallel_loop3A_320 : i32 to index
        %parallel_loop3A_337 = arith.constant 16 : index
        %parallel_loop3A_338 = tpu.vector_load %arg6[%parallel_loop3A_336, %parallel_loop3A_337] {strides = array<i32>} : memref<520x128xf32, #tpu.memory_space<vmem>>, vector<16xf32>,
        %parallel_loop3A_339 = arith.index_cast %parallel_loop3A_322 : i32 to index
        %parallel_loop3A_340 = arith.constant 80 : index
        %parallel_loop3A_341 = tpu.vector_load %arg6[%parallel_loop3A_339, %parallel_loop3A_340] {strides = array<i32>} : memref<520x128xf32, #tpu.memory_space<vmem>>, vector<16xf32>,
        %parallel_loop3A_342 = arith.addf %parallel_loop3A_338, %parallel_loop3A_341 : vector<16xf32>
        %parallel_loop3A_343 = arith.constant 16 : i32
        %parallel_loop3A_344 = vector.broadcast %parallel_loop3A_343 : i32 to vector<16xi32>
        %parallel_loop3A_345 = arith.addi %iota3A, %parallel_loop3A_344 : vector<16xi32>
        tpu.vector_store_idx %arg9[%parallel_loop3A_345, %parallel_loop3A_325], %parallel_loop3A_342 : memref<64x129xf32, #tpu.memory_space<vmem>>[vector<16xi32>, vector<16xi32>], vector<16xf32>,
        %parallel_loop3A_346 = arith.index_cast %parallel_loop3A_320 : i32 to index
        %parallel_loop3A_347 = arith.constant 32 : index
        %parallel_loop3A_348 = tpu.vector_load %arg6[%parallel_loop3A_346, %parallel_loop3A_347] {strides = array<i32>} : memref<520x128xf32, #tpu.memory_space<vmem>>, vector<16xf32>,
        %parallel_loop3A_349 = arith.index_cast %parallel_loop3A_322 : i32 to index
        %parallel_loop3A_350 = arith.constant 96 : index
        %parallel_loop3A_351 = tpu.vector_load %arg6[%parallel_loop3A_349, %parallel_loop3A_350] {strides = array<i32>} : memref<520x128xf32, #tpu.memory_space<vmem>>, vector<16xf32>,
        %parallel_loop3A_352 = arith.addf %parallel_loop3A_348, %parallel_loop3A_351 : vector<16xf32>
        %parallel_loop3A_353 = arith.constant 32 : i32
        %parallel_loop3A_354 = vector.broadcast %parallel_loop3A_353 : i32 to vector<16xi32>
        %parallel_loop3A_355 = arith.addi %iota3A, %parallel_loop3A_354 : vector<16xi32>
        tpu.vector_store_idx %arg9[%parallel_loop3A_355, %parallel_loop3A_325], %parallel_loop3A_352 : memref<64x129xf32, #tpu.memory_space<vmem>>[vector<16xi32>, vector<16xi32>], vector<16xf32>,
        %parallel_loop3A_356 = arith.index_cast %parallel_loop3A_320 : i32 to index
        %parallel_loop3A_357 = arith.constant 48 : index
        %parallel_loop3A_358 = tpu.vector_load %arg6[%parallel_loop3A_356, %parallel_loop3A_357] {strides = array<i32>} : memref<520x128xf32, #tpu.memory_space<vmem>>, vector<16xf32>,
        %parallel_loop3A_359 = arith.index_cast %parallel_loop3A_322 : i32 to index
        %parallel_loop3A_360 = arith.constant 112 : index
        %parallel_loop3A_361 = tpu.vector_load %arg6[%parallel_loop3A_359, %parallel_loop3A_360] {strides = array<i32>} : memref<520x128xf32, #tpu.memory_space<vmem>>, vector<16xf32>,
        %parallel_loop3A_362 = arith.addf %parallel_loop3A_358, %parallel_loop3A_361 : vector<16xf32>
        %parallel_loop3A_363 = arith.constant 48 : i32
        %parallel_loop3A_364 = vector.broadcast %parallel_loop3A_363 : i32 to vector<16xi32>
        %parallel_loop3A_365 = arith.addi %iota3A, %parallel_loop3A_364 : vector<16xi32>
        tpu.vector_store_idx %arg9[%parallel_loop3A_365, %parallel_loop3A_325], %parallel_loop3A_362 : memref<64x129xf32, #tpu.memory_space<vmem>>[vector<16xi32>, vector<16xi32>], vector<16xf32>,
        %parallel_loop3A_366 = vector.extract_strided_slice %parallel_loop3A_26 {offsets = [7], sizes = [1], strides = [1]} : vector<16xi32> to vector<1xi32>
        %parallel_loop3A_367 = vector.extract %parallel_loop3A_366[0] : i32 from vector<1xi32>
        %parallel_loop3A_368 = vector.extract_strided_slice %parallel_loop3A_34 {offsets = [7], sizes = [1], strides = [1]} : vector<16xi32> to vector<1xi32>
        %parallel_loop3A_369 = vector.extract %parallel_loop3A_368[0] : i32 from vector<1xi32>
        %parallel_loop3A_370 = arith.constant 7 : i32
        %parallel_loop3A_371 = arith.addi %parallel_loop3A_36, %parallel_loop3A_370 : i32
        %parallel_loop3A_372 = vector.broadcast %parallel_loop3A_371 : i32 to vector<16xi32>
        %parallel_loop3A_373 = arith.index_cast %parallel_loop3A_367 : i32 to index
        %parallel_loop3A_374 = arith.constant 0 : index
        %parallel_loop3A_375 = tpu.vector_load %arg6[%parallel_loop3A_373, %parallel_loop3A_374] {strides = array<i32>} : memref<520x128xf32, #tpu.memory_space<vmem>>, vector<16xf32>,
        %parallel_loop3A_376 = arith.index_cast %parallel_loop3A_369 : i32 to index
        %parallel_loop3A_377 = arith.constant 64 : index
        %parallel_loop3A_378 = tpu.vector_load %arg6[%parallel_loop3A_376, %parallel_loop3A_377] {strides = array<i32>} : memref<520x128xf32, #tpu.memory_space<vmem>>, vector<16xf32>,
        %parallel_loop3A_379 = arith.addf %parallel_loop3A_375, %parallel_loop3A_378 : vector<16xf32>
        %parallel_loop3A_380 = arith.constant 0 : i32
        %parallel_loop3A_381 = vector.broadcast %parallel_loop3A_380 : i32 to vector<16xi32>
        %parallel_loop3A_382 = arith.addi %iota3A, %parallel_loop3A_381 : vector<16xi32>
        tpu.vector_store_idx %arg9[%parallel_loop3A_382, %parallel_loop3A_372], %parallel_loop3A_379 : memref<64x129xf32, #tpu.memory_space<vmem>>[vector<16xi32>, vector<16xi32>], vector<16xf32>,
        %parallel_loop3A_383 = arith.index_cast %parallel_loop3A_367 : i32 to index
        %parallel_loop3A_384 = arith.constant 16 : index
        %parallel_loop3A_385 = tpu.vector_load %arg6[%parallel_loop3A_383, %parallel_loop3A_384] {strides = array<i32>} : memref<520x128xf32, #tpu.memory_space<vmem>>, vector<16xf32>,
        %parallel_loop3A_386 = arith.index_cast %parallel_loop3A_369 : i32 to index
        %parallel_loop3A_387 = arith.constant 80 : index
        %parallel_loop3A_388 = tpu.vector_load %arg6[%parallel_loop3A_386, %parallel_loop3A_387] {strides = array<i32>} : memref<520x128xf32, #tpu.memory_space<vmem>>, vector<16xf32>,
        %parallel_loop3A_389 = arith.addf %parallel_loop3A_385, %parallel_loop3A_388 : vector<16xf32>
        %parallel_loop3A_390 = arith.constant 16 : i32
        %parallel_loop3A_391 = vector.broadcast %parallel_loop3A_390 : i32 to vector<16xi32>
        %parallel_loop3A_392 = arith.addi %iota3A, %parallel_loop3A_391 : vector<16xi32>
        tpu.vector_store_idx %arg9[%parallel_loop3A_392, %parallel_loop3A_372], %parallel_loop3A_389 : memref<64x129xf32, #tpu.memory_space<vmem>>[vector<16xi32>, vector<16xi32>], vector<16xf32>,
        %parallel_loop3A_393 = arith.index_cast %parallel_loop3A_367 : i32 to index
        %parallel_loop3A_394 = arith.constant 32 : index
        %parallel_loop3A_395 = tpu.vector_load %arg6[%parallel_loop3A_393, %parallel_loop3A_394] {strides = array<i32>} : memref<520x128xf32, #tpu.memory_space<vmem>>, vector<16xf32>,
        %parallel_loop3A_396 = arith.index_cast %parallel_loop3A_369 : i32 to index
        %parallel_loop3A_397 = arith.constant 96 : index
        %parallel_loop3A_398 = tpu.vector_load %arg6[%parallel_loop3A_396, %parallel_loop3A_397] {strides = array<i32>} : memref<520x128xf32, #tpu.memory_space<vmem>>, vector<16xf32>,
        %parallel_loop3A_399 = arith.addf %parallel_loop3A_395, %parallel_loop3A_398 : vector<16xf32>
        %parallel_loop3A_400 = arith.constant 32 : i32
        %parallel_loop3A_401 = vector.broadcast %parallel_loop3A_400 : i32 to vector<16xi32>
        %parallel_loop3A_402 = arith.addi %iota3A, %parallel_loop3A_401 : vector<16xi32>
        tpu.vector_store_idx %arg9[%parallel_loop3A_402, %parallel_loop3A_372], %parallel_loop3A_399 : memref<64x129xf32, #tpu.memory_space<vmem>>[vector<16xi32>, vector<16xi32>], vector<16xf32>,
        %parallel_loop3A_403 = arith.index_cast %parallel_loop3A_367 : i32 to index
        %parallel_loop3A_404 = arith.constant 48 : index
        %parallel_loop3A_405 = tpu.vector_load %arg6[%parallel_loop3A_403, %parallel_loop3A_404] {strides = array<i32>} : memref<520x128xf32, #tpu.memory_space<vmem>>, vector<16xf32>,
        %parallel_loop3A_406 = arith.index_cast %parallel_loop3A_369 : i32 to index
        %parallel_loop3A_407 = arith.constant 112 : index
        %parallel_loop3A_408 = tpu.vector_load %arg6[%parallel_loop3A_406, %parallel_loop3A_407] {strides = array<i32>} : memref<520x128xf32, #tpu.memory_space<vmem>>, vector<16xf32>,
        %parallel_loop3A_409 = arith.addf %parallel_loop3A_405, %parallel_loop3A_408 : vector<16xf32>
        %parallel_loop3A_410 = arith.constant 48 : i32
        %parallel_loop3A_411 = vector.broadcast %parallel_loop3A_410 : i32 to vector<16xi32>
        %parallel_loop3A_412 = arith.addi %iota3A, %parallel_loop3A_411 : vector<16xi32>
        tpu.vector_store_idx %arg9[%parallel_loop3A_412, %parallel_loop3A_372], %parallel_loop3A_409 : memref<64x129xf32, #tpu.memory_space<vmem>>[vector<16xi32>, vector<16xi32>], vector<16xf32>,
        %parallel_loop3A_413 = vector.extract_strided_slice %parallel_loop3A_26 {offsets = [8], sizes = [1], strides = [1]} : vector<16xi32> to vector<1xi32>
        %parallel_loop3A_414 = vector.extract %parallel_loop3A_413[0] : i32 from vector<1xi32>
        %parallel_loop3A_415 = vector.extract_strided_slice %parallel_loop3A_34 {offsets = [8], sizes = [1], strides = [1]} : vector<16xi32> to vector<1xi32>
        %parallel_loop3A_416 = vector.extract %parallel_loop3A_415[0] : i32 from vector<1xi32>
        %parallel_loop3A_417 = arith.constant 8 : i32
        %parallel_loop3A_418 = arith.addi %parallel_loop3A_36, %parallel_loop3A_417 : i32
        %parallel_loop3A_419 = vector.broadcast %parallel_loop3A_418 : i32 to vector<16xi32>
        %parallel_loop3A_420 = arith.index_cast %parallel_loop3A_414 : i32 to index
        %parallel_loop3A_421 = arith.constant 0 : index
        %parallel_loop3A_422 = tpu.vector_load %arg6[%parallel_loop3A_420, %parallel_loop3A_421] {strides = array<i32>} : memref<520x128xf32, #tpu.memory_space<vmem>>, vector<16xf32>,
        %parallel_loop3A_423 = arith.index_cast %parallel_loop3A_416 : i32 to index
        %parallel_loop3A_424 = arith.constant 64 : index
        %parallel_loop3A_425 = tpu.vector_load %arg6[%parallel_loop3A_423, %parallel_loop3A_424] {strides = array<i32>} : memref<520x128xf32, #tpu.memory_space<vmem>>, vector<16xf32>,
        %parallel_loop3A_426 = arith.addf %parallel_loop3A_422, %parallel_loop3A_425 : vector<16xf32>
        %parallel_loop3A_427 = arith.constant 0 : i32
        %parallel_loop3A_428 = vector.broadcast %parallel_loop3A_427 : i32 to vector<16xi32>
        %parallel_loop3A_429 = arith.addi %iota3A, %parallel_loop3A_428 : vector<16xi32>
        tpu.vector_store_idx %arg9[%parallel_loop3A_429, %parallel_loop3A_419], %parallel_loop3A_426 : memref<64x129xf32, #tpu.memory_space<vmem>>[vector<16xi32>, vector<16xi32>], vector<16xf32>,
        %parallel_loop3A_430 = arith.index_cast %parallel_loop3A_414 : i32 to index
        %parallel_loop3A_431 = arith.constant 16 : index
        %parallel_loop3A_432 = tpu.vector_load %arg6[%parallel_loop3A_430, %parallel_loop3A_431] {strides = array<i32>} : memref<520x128xf32, #tpu.memory_space<vmem>>, vector<16xf32>,
        %parallel_loop3A_433 = arith.index_cast %parallel_loop3A_416 : i32 to index
        %parallel_loop3A_434 = arith.constant 80 : index
        %parallel_loop3A_435 = tpu.vector_load %arg6[%parallel_loop3A_433, %parallel_loop3A_434] {strides = array<i32>} : memref<520x128xf32, #tpu.memory_space<vmem>>, vector<16xf32>,
        %parallel_loop3A_436 = arith.addf %parallel_loop3A_432, %parallel_loop3A_435 : vector<16xf32>
        %parallel_loop3A_437 = arith.constant 16 : i32
        %parallel_loop3A_438 = vector.broadcast %parallel_loop3A_437 : i32 to vector<16xi32>
        %parallel_loop3A_439 = arith.addi %iota3A, %parallel_loop3A_438 : vector<16xi32>
        tpu.vector_store_idx %arg9[%parallel_loop3A_439, %parallel_loop3A_419], %parallel_loop3A_436 : memref<64x129xf32, #tpu.memory_space<vmem>>[vector<16xi32>, vector<16xi32>], vector<16xf32>,
        %parallel_loop3A_440 = arith.index_cast %parallel_loop3A_414 : i32 to index
        %parallel_loop3A_441 = arith.constant 32 : index
        %parallel_loop3A_442 = tpu.vector_load %arg6[%parallel_loop3A_440, %parallel_loop3A_441] {strides = array<i32>} : memref<520x128xf32, #tpu.memory_space<vmem>>, vector<16xf32>,
        %parallel_loop3A_443 = arith.index_cast %parallel_loop3A_416 : i32 to index
        %parallel_loop3A_444 = arith.constant 96 : index
        %parallel_loop3A_445 = tpu.vector_load %arg6[%parallel_loop3A_443, %parallel_loop3A_444] {strides = array<i32>} : memref<520x128xf32, #tpu.memory_space<vmem>>, vector<16xf32>,
        %parallel_loop3A_446 = arith.addf %parallel_loop3A_442, %parallel_loop3A_445 : vector<16xf32>
        %parallel_loop3A_447 = arith.constant 32 : i32
        %parallel_loop3A_448 = vector.broadcast %parallel_loop3A_447 : i32 to vector<16xi32>
        %parallel_loop3A_449 = arith.addi %iota3A, %parallel_loop3A_448 : vector<16xi32>
        tpu.vector_store_idx %arg9[%parallel_loop3A_449, %parallel_loop3A_419], %parallel_loop3A_446 : memref<64x129xf32, #tpu.memory_space<vmem>>[vector<16xi32>, vector<16xi32>], vector<16xf32>,
        %parallel_loop3A_450 = arith.index_cast %parallel_loop3A_414 : i32 to index
        %parallel_loop3A_451 = arith.constant 48 : index
        %parallel_loop3A_452 = tpu.vector_load %arg6[%parallel_loop3A_450, %parallel_loop3A_451] {strides = array<i32>} : memref<520x128xf32, #tpu.memory_space<vmem>>, vector<16xf32>,
        %parallel_loop3A_453 = arith.index_cast %parallel_loop3A_416 : i32 to index
        %parallel_loop3A_454 = arith.constant 112 : index
        %parallel_loop3A_455 = tpu.vector_load %arg6[%parallel_loop3A_453, %parallel_loop3A_454] {strides = array<i32>} : memref<520x128xf32, #tpu.memory_space<vmem>>, vector<16xf32>,
        %parallel_loop3A_456 = arith.addf %parallel_loop3A_452, %parallel_loop3A_455 : vector<16xf32>
        %parallel_loop3A_457 = arith.constant 48 : i32
        %parallel_loop3A_458 = vector.broadcast %parallel_loop3A_457 : i32 to vector<16xi32>
        %parallel_loop3A_459 = arith.addi %iota3A, %parallel_loop3A_458 : vector<16xi32>
        tpu.vector_store_idx %arg9[%parallel_loop3A_459, %parallel_loop3A_419], %parallel_loop3A_456 : memref<64x129xf32, #tpu.memory_space<vmem>>[vector<16xi32>, vector<16xi32>], vector<16xf32>,
        %parallel_loop3A_460 = vector.extract_strided_slice %parallel_loop3A_26 {offsets = [9], sizes = [1], strides = [1]} : vector<16xi32> to vector<1xi32>
        %parallel_loop3A_461 = vector.extract %parallel_loop3A_460[0] : i32 from vector<1xi32>
        %parallel_loop3A_462 = vector.extract_strided_slice %parallel_loop3A_34 {offsets = [9], sizes = [1], strides = [1]} : vector<16xi32> to vector<1xi32>
        %parallel_loop3A_463 = vector.extract %parallel_loop3A_462[0] : i32 from vector<1xi32>
        %parallel_loop3A_464 = arith.constant 9 : i32
        %parallel_loop3A_465 = arith.addi %parallel_loop3A_36, %parallel_loop3A_464 : i32
        %parallel_loop3A_466 = vector.broadcast %parallel_loop3A_465 : i32 to vector<16xi32>
        %parallel_loop3A_467 = arith.index_cast %parallel_loop3A_461 : i32 to index
        %parallel_loop3A_468 = arith.constant 0 : index
        %parallel_loop3A_469 = tpu.vector_load %arg6[%parallel_loop3A_467, %parallel_loop3A_468] {strides = array<i32>} : memref<520x128xf32, #tpu.memory_space<vmem>>, vector<16xf32>,
        %parallel_loop3A_470 = arith.index_cast %parallel_loop3A_463 : i32 to index
        %parallel_loop3A_471 = arith.constant 64 : index
        %parallel_loop3A_472 = tpu.vector_load %arg6[%parallel_loop3A_470, %parallel_loop3A_471] {strides = array<i32>} : memref<520x128xf32, #tpu.memory_space<vmem>>, vector<16xf32>,
        %parallel_loop3A_473 = arith.addf %parallel_loop3A_469, %parallel_loop3A_472 : vector<16xf32>
        %parallel_loop3A_474 = arith.constant 0 : i32
        %parallel_loop3A_475 = vector.broadcast %parallel_loop3A_474 : i32 to vector<16xi32>
        %parallel_loop3A_476 = arith.addi %iota3A, %parallel_loop3A_475 : vector<16xi32>
        tpu.vector_store_idx %arg9[%parallel_loop3A_476, %parallel_loop3A_466], %parallel_loop3A_473 : memref<64x129xf32, #tpu.memory_space<vmem>>[vector<16xi32>, vector<16xi32>], vector<16xf32>,
        %parallel_loop3A_477 = arith.index_cast %parallel_loop3A_461 : i32 to index
        %parallel_loop3A_478 = arith.constant 16 : index
        %parallel_loop3A_479 = tpu.vector_load %arg6[%parallel_loop3A_477, %parallel_loop3A_478] {strides = array<i32>} : memref<520x128xf32, #tpu.memory_space<vmem>>, vector<16xf32>,
        %parallel_loop3A_480 = arith.index_cast %parallel_loop3A_463 : i32 to index
        %parallel_loop3A_481 = arith.constant 80 : index
        %parallel_loop3A_482 = tpu.vector_load %arg6[%parallel_loop3A_480, %parallel_loop3A_481] {strides = array<i32>} : memref<520x128xf32, #tpu.memory_space<vmem>>, vector<16xf32>,
        %parallel_loop3A_483 = arith.addf %parallel_loop3A_479, %parallel_loop3A_482 : vector<16xf32>
        %parallel_loop3A_484 = arith.constant 16 : i32
        %parallel_loop3A_485 = vector.broadcast %parallel_loop3A_484 : i32 to vector<16xi32>
        %parallel_loop3A_486 = arith.addi %iota3A, %parallel_loop3A_485 : vector<16xi32>
        tpu.vector_store_idx %arg9[%parallel_loop3A_486, %parallel_loop3A_466], %parallel_loop3A_483 : memref<64x129xf32, #tpu.memory_space<vmem>>[vector<16xi32>, vector<16xi32>], vector<16xf32>,
        %parallel_loop3A_487 = arith.index_cast %parallel_loop3A_461 : i32 to index
        %parallel_loop3A_488 = arith.constant 32 : index
        %parallel_loop3A_489 = tpu.vector_load %arg6[%parallel_loop3A_487, %parallel_loop3A_488] {strides = array<i32>} : memref<520x128xf32, #tpu.memory_space<vmem>>, vector<16xf32>,
        %parallel_loop3A_490 = arith.index_cast %parallel_loop3A_463 : i32 to index
        %parallel_loop3A_491 = arith.constant 96 : index
        %parallel_loop3A_492 = tpu.vector_load %arg6[%parallel_loop3A_490, %parallel_loop3A_491] {strides = array<i32>} : memref<520x128xf32, #tpu.memory_space<vmem>>, vector<16xf32>,
        %parallel_loop3A_493 = arith.addf %parallel_loop3A_489, %parallel_loop3A_492 : vector<16xf32>
        %parallel_loop3A_494 = arith.constant 32 : i32
        %parallel_loop3A_495 = vector.broadcast %parallel_loop3A_494 : i32 to vector<16xi32>
        %parallel_loop3A_496 = arith.addi %iota3A, %parallel_loop3A_495 : vector<16xi32>
        tpu.vector_store_idx %arg9[%parallel_loop3A_496, %parallel_loop3A_466], %parallel_loop3A_493 : memref<64x129xf32, #tpu.memory_space<vmem>>[vector<16xi32>, vector<16xi32>], vector<16xf32>,
        %parallel_loop3A_497 = arith.index_cast %parallel_loop3A_461 : i32 to index
        %parallel_loop3A_498 = arith.constant 48 : index
        %parallel_loop3A_499 = tpu.vector_load %arg6[%parallel_loop3A_497, %parallel_loop3A_498] {strides = array<i32>} : memref<520x128xf32, #tpu.memory_space<vmem>>, vector<16xf32>,
        %parallel_loop3A_500 = arith.index_cast %parallel_loop3A_463 : i32 to index
        %parallel_loop3A_501 = arith.constant 112 : index
        %parallel_loop3A_502 = tpu.vector_load %arg6[%parallel_loop3A_500, %parallel_loop3A_501] {strides = array<i32>} : memref<520x128xf32, #tpu.memory_space<vmem>>, vector<16xf32>,
        %parallel_loop3A_503 = arith.addf %parallel_loop3A_499, %parallel_loop3A_502 : vector<16xf32>
        %parallel_loop3A_504 = arith.constant 48 : i32
        %parallel_loop3A_505 = vector.broadcast %parallel_loop3A_504 : i32 to vector<16xi32>
        %parallel_loop3A_506 = arith.addi %iota3A, %parallel_loop3A_505 : vector<16xi32>
        tpu.vector_store_idx %arg9[%parallel_loop3A_506, %parallel_loop3A_466], %parallel_loop3A_503 : memref<64x129xf32, #tpu.memory_space<vmem>>[vector<16xi32>, vector<16xi32>], vector<16xf32>,
        %parallel_loop3A_507 = vector.extract_strided_slice %parallel_loop3A_26 {offsets = [10], sizes = [1], strides = [1]} : vector<16xi32> to vector<1xi32>
        %parallel_loop3A_508 = vector.extract %parallel_loop3A_507[0] : i32 from vector<1xi32>
        %parallel_loop3A_509 = vector.extract_strided_slice %parallel_loop3A_34 {offsets = [10], sizes = [1], strides = [1]} : vector<16xi32> to vector<1xi32>
        %parallel_loop3A_510 = vector.extract %parallel_loop3A_509[0] : i32 from vector<1xi32>
        %parallel_loop3A_511 = arith.constant 10 : i32
        %parallel_loop3A_512 = arith.addi %parallel_loop3A_36, %parallel_loop3A_511 : i32
        %parallel_loop3A_513 = vector.broadcast %parallel_loop3A_512 : i32 to vector<16xi32>
        %parallel_loop3A_514 = arith.index_cast %parallel_loop3A_508 : i32 to index
        %parallel_loop3A_515 = arith.constant 0 : index
        %parallel_loop3A_516 = tpu.vector_load %arg6[%parallel_loop3A_514, %parallel_loop3A_515] {strides = array<i32>} : memref<520x128xf32, #tpu.memory_space<vmem>>, vector<16xf32>,
        %parallel_loop3A_517 = arith.index_cast %parallel_loop3A_510 : i32 to index
        %parallel_loop3A_518 = arith.constant 64 : index
        %parallel_loop3A_519 = tpu.vector_load %arg6[%parallel_loop3A_517, %parallel_loop3A_518] {strides = array<i32>} : memref<520x128xf32, #tpu.memory_space<vmem>>, vector<16xf32>,
        %parallel_loop3A_520 = arith.addf %parallel_loop3A_516, %parallel_loop3A_519 : vector<16xf32>
        %parallel_loop3A_521 = arith.constant 0 : i32
        %parallel_loop3A_522 = vector.broadcast %parallel_loop3A_521 : i32 to vector<16xi32>
        %parallel_loop3A_523 = arith.addi %iota3A, %parallel_loop3A_522 : vector<16xi32>
        tpu.vector_store_idx %arg9[%parallel_loop3A_523, %parallel_loop3A_513], %parallel_loop3A_520 : memref<64x129xf32, #tpu.memory_space<vmem>>[vector<16xi32>, vector<16xi32>], vector<16xf32>,
        %parallel_loop3A_524 = arith.index_cast %parallel_loop3A_508 : i32 to index
        %parallel_loop3A_525 = arith.constant 16 : index
        %parallel_loop3A_526 = tpu.vector_load %arg6[%parallel_loop3A_524, %parallel_loop3A_525] {strides = array<i32>} : memref<520x128xf32, #tpu.memory_space<vmem>>, vector<16xf32>,
        %parallel_loop3A_527 = arith.index_cast %parallel_loop3A_510 : i32 to index
        %parallel_loop3A_528 = arith.constant 80 : index
        %parallel_loop3A_529 = tpu.vector_load %arg6[%parallel_loop3A_527, %parallel_loop3A_528] {strides = array<i32>} : memref<520x128xf32, #tpu.memory_space<vmem>>, vector<16xf32>,
        %parallel_loop3A_530 = arith.addf %parallel_loop3A_526, %parallel_loop3A_529 : vector<16xf32>
        %parallel_loop3A_531 = arith.constant 16 : i32
        %parallel_loop3A_532 = vector.broadcast %parallel_loop3A_531 : i32 to vector<16xi32>
        %parallel_loop3A_533 = arith.addi %iota3A, %parallel_loop3A_532 : vector<16xi32>
        tpu.vector_store_idx %arg9[%parallel_loop3A_533, %parallel_loop3A_513], %parallel_loop3A_530 : memref<64x129xf32, #tpu.memory_space<vmem>>[vector<16xi32>, vector<16xi32>], vector<16xf32>,
        %parallel_loop3A_534 = arith.index_cast %parallel_loop3A_508 : i32 to index
        %parallel_loop3A_535 = arith.constant 32 : index
        %parallel_loop3A_536 = tpu.vector_load %arg6[%parallel_loop3A_534, %parallel_loop3A_535] {strides = array<i32>} : memref<520x128xf32, #tpu.memory_space<vmem>>, vector<16xf32>,
        %parallel_loop3A_537 = arith.index_cast %parallel_loop3A_510 : i32 to index
        %parallel_loop3A_538 = arith.constant 96 : index
        %parallel_loop3A_539 = tpu.vector_load %arg6[%parallel_loop3A_537, %parallel_loop3A_538] {strides = array<i32>} : memref<520x128xf32, #tpu.memory_space<vmem>>, vector<16xf32>,
        %parallel_loop3A_540 = arith.addf %parallel_loop3A_536, %parallel_loop3A_539 : vector<16xf32>
        %parallel_loop3A_541 = arith.constant 32 : i32
        %parallel_loop3A_542 = vector.broadcast %parallel_loop3A_541 : i32 to vector<16xi32>
        %parallel_loop3A_543 = arith.addi %iota3A, %parallel_loop3A_542 : vector<16xi32>
        tpu.vector_store_idx %arg9[%parallel_loop3A_543, %parallel_loop3A_513], %parallel_loop3A_540 : memref<64x129xf32, #tpu.memory_space<vmem>>[vector<16xi32>, vector<16xi32>], vector<16xf32>,
        %parallel_loop3A_544 = arith.index_cast %parallel_loop3A_508 : i32 to index
        %parallel_loop3A_545 = arith.constant 48 : index
        %parallel_loop3A_546 = tpu.vector_load %arg6[%parallel_loop3A_544, %parallel_loop3A_545] {strides = array<i32>} : memref<520x128xf32, #tpu.memory_space<vmem>>, vector<16xf32>,
        %parallel_loop3A_547 = arith.index_cast %parallel_loop3A_510 : i32 to index
        %parallel_loop3A_548 = arith.constant 112 : index
        %parallel_loop3A_549 = tpu.vector_load %arg6[%parallel_loop3A_547, %parallel_loop3A_548] {strides = array<i32>} : memref<520x128xf32, #tpu.memory_space<vmem>>, vector<16xf32>,
        %parallel_loop3A_550 = arith.addf %parallel_loop3A_546, %parallel_loop3A_549 : vector<16xf32>
        %parallel_loop3A_551 = arith.constant 48 : i32
        %parallel_loop3A_552 = vector.broadcast %parallel_loop3A_551 : i32 to vector<16xi32>
        %parallel_loop3A_553 = arith.addi %iota3A, %parallel_loop3A_552 : vector<16xi32>
        tpu.vector_store_idx %arg9[%parallel_loop3A_553, %parallel_loop3A_513], %parallel_loop3A_550 : memref<64x129xf32, #tpu.memory_space<vmem>>[vector<16xi32>, vector<16xi32>], vector<16xf32>,
        %parallel_loop3A_554 = vector.extract_strided_slice %parallel_loop3A_26 {offsets = [11], sizes = [1], strides = [1]} : vector<16xi32> to vector<1xi32>
        %parallel_loop3A_555 = vector.extract %parallel_loop3A_554[0] : i32 from vector<1xi32>
        %parallel_loop3A_556 = vector.extract_strided_slice %parallel_loop3A_34 {offsets = [11], sizes = [1], strides = [1]} : vector<16xi32> to vector<1xi32>
        %parallel_loop3A_557 = vector.extract %parallel_loop3A_556[0] : i32 from vector<1xi32>
        %parallel_loop3A_558 = arith.constant 11 : i32
        %parallel_loop3A_559 = arith.addi %parallel_loop3A_36, %parallel_loop3A_558 : i32
        %parallel_loop3A_560 = vector.broadcast %parallel_loop3A_559 : i32 to vector<16xi32>
        %parallel_loop3A_561 = arith.index_cast %parallel_loop3A_555 : i32 to index
        %parallel_loop3A_562 = arith.constant 0 : index
        %parallel_loop3A_563 = tpu.vector_load %arg6[%parallel_loop3A_561, %parallel_loop3A_562] {strides = array<i32>} : memref<520x128xf32, #tpu.memory_space<vmem>>, vector<16xf32>,
        %parallel_loop3A_564 = arith.index_cast %parallel_loop3A_557 : i32 to index
        %parallel_loop3A_565 = arith.constant 64 : index
        %parallel_loop3A_566 = tpu.vector_load %arg6[%parallel_loop3A_564, %parallel_loop3A_565] {strides = array<i32>} : memref<520x128xf32, #tpu.memory_space<vmem>>, vector<16xf32>,
        %parallel_loop3A_567 = arith.addf %parallel_loop3A_563, %parallel_loop3A_566 : vector<16xf32>
        %parallel_loop3A_568 = arith.constant 0 : i32
        %parallel_loop3A_569 = vector.broadcast %parallel_loop3A_568 : i32 to vector<16xi32>
        %parallel_loop3A_570 = arith.addi %iota3A, %parallel_loop3A_569 : vector<16xi32>
        tpu.vector_store_idx %arg9[%parallel_loop3A_570, %parallel_loop3A_560], %parallel_loop3A_567 : memref<64x129xf32, #tpu.memory_space<vmem>>[vector<16xi32>, vector<16xi32>], vector<16xf32>,
        %parallel_loop3A_571 = arith.index_cast %parallel_loop3A_555 : i32 to index
        %parallel_loop3A_572 = arith.constant 16 : index
        %parallel_loop3A_573 = tpu.vector_load %arg6[%parallel_loop3A_571, %parallel_loop3A_572] {strides = array<i32>} : memref<520x128xf32, #tpu.memory_space<vmem>>, vector<16xf32>,
        %parallel_loop3A_574 = arith.index_cast %parallel_loop3A_557 : i32 to index
        %parallel_loop3A_575 = arith.constant 80 : index
        %parallel_loop3A_576 = tpu.vector_load %arg6[%parallel_loop3A_574, %parallel_loop3A_575] {strides = array<i32>} : memref<520x128xf32, #tpu.memory_space<vmem>>, vector<16xf32>,
        %parallel_loop3A_577 = arith.addf %parallel_loop3A_573, %parallel_loop3A_576 : vector<16xf32>
        %parallel_loop3A_578 = arith.constant 16 : i32
        %parallel_loop3A_579 = vector.broadcast %parallel_loop3A_578 : i32 to vector<16xi32>
        %parallel_loop3A_580 = arith.addi %iota3A, %parallel_loop3A_579 : vector<16xi32>
        tpu.vector_store_idx %arg9[%parallel_loop3A_580, %parallel_loop3A_560], %parallel_loop3A_577 : memref<64x129xf32, #tpu.memory_space<vmem>>[vector<16xi32>, vector<16xi32>], vector<16xf32>,
        %parallel_loop3A_581 = arith.index_cast %parallel_loop3A_555 : i32 to index
        %parallel_loop3A_582 = arith.constant 32 : index
        %parallel_loop3A_583 = tpu.vector_load %arg6[%parallel_loop3A_581, %parallel_loop3A_582] {strides = array<i32>} : memref<520x128xf32, #tpu.memory_space<vmem>>, vector<16xf32>,
        %parallel_loop3A_584 = arith.index_cast %parallel_loop3A_557 : i32 to index
        %parallel_loop3A_585 = arith.constant 96 : index
        %parallel_loop3A_586 = tpu.vector_load %arg6[%parallel_loop3A_584, %parallel_loop3A_585] {strides = array<i32>} : memref<520x128xf32, #tpu.memory_space<vmem>>, vector<16xf32>,
        %parallel_loop3A_587 = arith.addf %parallel_loop3A_583, %parallel_loop3A_586 : vector<16xf32>
        %parallel_loop3A_588 = arith.constant 32 : i32
        %parallel_loop3A_589 = vector.broadcast %parallel_loop3A_588 : i32 to vector<16xi32>
        %parallel_loop3A_590 = arith.addi %iota3A, %parallel_loop3A_589 : vector<16xi32>
        tpu.vector_store_idx %arg9[%parallel_loop3A_590, %parallel_loop3A_560], %parallel_loop3A_587 : memref<64x129xf32, #tpu.memory_space<vmem>>[vector<16xi32>, vector<16xi32>], vector<16xf32>,
        %parallel_loop3A_591 = arith.index_cast %parallel_loop3A_555 : i32 to index
        %parallel_loop3A_592 = arith.constant 48 : index
        %parallel_loop3A_593 = tpu.vector_load %arg6[%parallel_loop3A_591, %parallel_loop3A_592] {strides = array<i32>} : memref<520x128xf32, #tpu.memory_space<vmem>>, vector<16xf32>,
        %parallel_loop3A_594 = arith.index_cast %parallel_loop3A_557 : i32 to index
        %parallel_loop3A_595 = arith.constant 112 : index
        %parallel_loop3A_596 = tpu.vector_load %arg6[%parallel_loop3A_594, %parallel_loop3A_595] {strides = array<i32>} : memref<520x128xf32, #tpu.memory_space<vmem>>, vector<16xf32>,
        %parallel_loop3A_597 = arith.addf %parallel_loop3A_593, %parallel_loop3A_596 : vector<16xf32>
        %parallel_loop3A_598 = arith.constant 48 : i32
        %parallel_loop3A_599 = vector.broadcast %parallel_loop3A_598 : i32 to vector<16xi32>
        %parallel_loop3A_600 = arith.addi %iota3A, %parallel_loop3A_599 : vector<16xi32>
        tpu.vector_store_idx %arg9[%parallel_loop3A_600, %parallel_loop3A_560], %parallel_loop3A_597 : memref<64x129xf32, #tpu.memory_space<vmem>>[vector<16xi32>, vector<16xi32>], vector<16xf32>,
        %parallel_loop3A_601 = vector.extract_strided_slice %parallel_loop3A_26 {offsets = [12], sizes = [1], strides = [1]} : vector<16xi32> to vector<1xi32>
        %parallel_loop3A_602 = vector.extract %parallel_loop3A_601[0] : i32 from vector<1xi32>
        %parallel_loop3A_603 = vector.extract_strided_slice %parallel_loop3A_34 {offsets = [12], sizes = [1], strides = [1]} : vector<16xi32> to vector<1xi32>
        %parallel_loop3A_604 = vector.extract %parallel_loop3A_603[0] : i32 from vector<1xi32>
        %parallel_loop3A_605 = arith.constant 12 : i32
        %parallel_loop3A_606 = arith.addi %parallel_loop3A_36, %parallel_loop3A_605 : i32
        %parallel_loop3A_607 = vector.broadcast %parallel_loop3A_606 : i32 to vector<16xi32>
        %parallel_loop3A_608 = arith.index_cast %parallel_loop3A_602 : i32 to index
        %parallel_loop3A_609 = arith.constant 0 : index
        %parallel_loop3A_610 = tpu.vector_load %arg6[%parallel_loop3A_608, %parallel_loop3A_609] {strides = array<i32>} : memref<520x128xf32, #tpu.memory_space<vmem>>, vector<16xf32>,
        %parallel_loop3A_611 = arith.index_cast %parallel_loop3A_604 : i32 to index
        %parallel_loop3A_612 = arith.constant 64 : index
        %parallel_loop3A_613 = tpu.vector_load %arg6[%parallel_loop3A_611, %parallel_loop3A_612] {strides = array<i32>} : memref<520x128xf32, #tpu.memory_space<vmem>>, vector<16xf32>,
        %parallel_loop3A_614 = arith.addf %parallel_loop3A_610, %parallel_loop3A_613 : vector<16xf32>
        %parallel_loop3A_615 = arith.constant 0 : i32
        %parallel_loop3A_616 = vector.broadcast %parallel_loop3A_615 : i32 to vector<16xi32>
        %parallel_loop3A_617 = arith.addi %iota3A, %parallel_loop3A_616 : vector<16xi32>
        tpu.vector_store_idx %arg9[%parallel_loop3A_617, %parallel_loop3A_607], %parallel_loop3A_614 : memref<64x129xf32, #tpu.memory_space<vmem>>[vector<16xi32>, vector<16xi32>], vector<16xf32>,
        %parallel_loop3A_618 = arith.index_cast %parallel_loop3A_602 : i32 to index
        %parallel_loop3A_619 = arith.constant 16 : index
        %parallel_loop3A_620 = tpu.vector_load %arg6[%parallel_loop3A_618, %parallel_loop3A_619] {strides = array<i32>} : memref<520x128xf32, #tpu.memory_space<vmem>>, vector<16xf32>,
        %parallel_loop3A_621 = arith.index_cast %parallel_loop3A_604 : i32 to index
        %parallel_loop3A_622 = arith.constant 80 : index
        %parallel_loop3A_623 = tpu.vector_load %arg6[%parallel_loop3A_621, %parallel_loop3A_622] {strides = array<i32>} : memref<520x128xf32, #tpu.memory_space<vmem>>, vector<16xf32>,
        %parallel_loop3A_624 = arith.addf %parallel_loop3A_620, %parallel_loop3A_623 : vector<16xf32>
        %parallel_loop3A_625 = arith.constant 16 : i32
        %parallel_loop3A_626 = vector.broadcast %parallel_loop3A_625 : i32 to vector<16xi32>
        %parallel_loop3A_627 = arith.addi %iota3A, %parallel_loop3A_626 : vector<16xi32>
        tpu.vector_store_idx %arg9[%parallel_loop3A_627, %parallel_loop3A_607], %parallel_loop3A_624 : memref<64x129xf32, #tpu.memory_space<vmem>>[vector<16xi32>, vector<16xi32>], vector<16xf32>,
        %parallel_loop3A_628 = arith.index_cast %parallel_loop3A_602 : i32 to index
        %parallel_loop3A_629 = arith.constant 32 : index
        %parallel_loop3A_630 = tpu.vector_load %arg6[%parallel_loop3A_628, %parallel_loop3A_629] {strides = array<i32>} : memref<520x128xf32, #tpu.memory_space<vmem>>, vector<16xf32>,
        %parallel_loop3A_631 = arith.index_cast %parallel_loop3A_604 : i32 to index
        %parallel_loop3A_632 = arith.constant 96 : index
        %parallel_loop3A_633 = tpu.vector_load %arg6[%parallel_loop3A_631, %parallel_loop3A_632] {strides = array<i32>} : memref<520x128xf32, #tpu.memory_space<vmem>>, vector<16xf32>,
        %parallel_loop3A_634 = arith.addf %parallel_loop3A_630, %parallel_loop3A_633 : vector<16xf32>
        %parallel_loop3A_635 = arith.constant 32 : i32
        %parallel_loop3A_636 = vector.broadcast %parallel_loop3A_635 : i32 to vector<16xi32>
        %parallel_loop3A_637 = arith.addi %iota3A, %parallel_loop3A_636 : vector<16xi32>
        tpu.vector_store_idx %arg9[%parallel_loop3A_637, %parallel_loop3A_607], %parallel_loop3A_634 : memref<64x129xf32, #tpu.memory_space<vmem>>[vector<16xi32>, vector<16xi32>], vector<16xf32>,
        %parallel_loop3A_638 = arith.index_cast %parallel_loop3A_602 : i32 to index
        %parallel_loop3A_639 = arith.constant 48 : index
        %parallel_loop3A_640 = tpu.vector_load %arg6[%parallel_loop3A_638, %parallel_loop3A_639] {strides = array<i32>} : memref<520x128xf32, #tpu.memory_space<vmem>>, vector<16xf32>,
        %parallel_loop3A_641 = arith.index_cast %parallel_loop3A_604 : i32 to index
        %parallel_loop3A_642 = arith.constant 112 : index
        %parallel_loop3A_643 = tpu.vector_load %arg6[%parallel_loop3A_641, %parallel_loop3A_642] {strides = array<i32>} : memref<520x128xf32, #tpu.memory_space<vmem>>, vector<16xf32>,
        %parallel_loop3A_644 = arith.addf %parallel_loop3A_640, %parallel_loop3A_643 : vector<16xf32>
        %parallel_loop3A_645 = arith.constant 48 : i32
        %parallel_loop3A_646 = vector.broadcast %parallel_loop3A_645 : i32 to vector<16xi32>
        %parallel_loop3A_647 = arith.addi %iota3A, %parallel_loop3A_646 : vector<16xi32>
        tpu.vector_store_idx %arg9[%parallel_loop3A_647, %parallel_loop3A_607], %parallel_loop3A_644 : memref<64x129xf32, #tpu.memory_space<vmem>>[vector<16xi32>, vector<16xi32>], vector<16xf32>,
        %parallel_loop3A_648 = vector.extract_strided_slice %parallel_loop3A_26 {offsets = [13], sizes = [1], strides = [1]} : vector<16xi32> to vector<1xi32>
        %parallel_loop3A_649 = vector.extract %parallel_loop3A_648[0] : i32 from vector<1xi32>
        %parallel_loop3A_650 = vector.extract_strided_slice %parallel_loop3A_34 {offsets = [13], sizes = [1], strides = [1]} : vector<16xi32> to vector<1xi32>
        %parallel_loop3A_651 = vector.extract %parallel_loop3A_650[0] : i32 from vector<1xi32>
        %parallel_loop3A_652 = arith.constant 13 : i32
        %parallel_loop3A_653 = arith.addi %parallel_loop3A_36, %parallel_loop3A_652 : i32
        %parallel_loop3A_654 = vector.broadcast %parallel_loop3A_653 : i32 to vector<16xi32>
        %parallel_loop3A_655 = arith.index_cast %parallel_loop3A_649 : i32 to index
        %parallel_loop3A_656 = arith.constant 0 : index
        %parallel_loop3A_657 = tpu.vector_load %arg6[%parallel_loop3A_655, %parallel_loop3A_656] {strides = array<i32>} : memref<520x128xf32, #tpu.memory_space<vmem>>, vector<16xf32>,
        %parallel_loop3A_658 = arith.index_cast %parallel_loop3A_651 : i32 to index
        %parallel_loop3A_659 = arith.constant 64 : index
        %parallel_loop3A_660 = tpu.vector_load %arg6[%parallel_loop3A_658, %parallel_loop3A_659] {strides = array<i32>} : memref<520x128xf32, #tpu.memory_space<vmem>>, vector<16xf32>,
        %parallel_loop3A_661 = arith.addf %parallel_loop3A_657, %parallel_loop3A_660 : vector<16xf32>
        %parallel_loop3A_662 = arith.constant 0 : i32
        %parallel_loop3A_663 = vector.broadcast %parallel_loop3A_662 : i32 to vector<16xi32>
        %parallel_loop3A_664 = arith.addi %iota3A, %parallel_loop3A_663 : vector<16xi32>
        tpu.vector_store_idx %arg9[%parallel_loop3A_664, %parallel_loop3A_654], %parallel_loop3A_661 : memref<64x129xf32, #tpu.memory_space<vmem>>[vector<16xi32>, vector<16xi32>], vector<16xf32>,
        %parallel_loop3A_665 = arith.index_cast %parallel_loop3A_649 : i32 to index
        %parallel_loop3A_666 = arith.constant 16 : index
        %parallel_loop3A_667 = tpu.vector_load %arg6[%parallel_loop3A_665, %parallel_loop3A_666] {strides = array<i32>} : memref<520x128xf32, #tpu.memory_space<vmem>>, vector<16xf32>,
        %parallel_loop3A_668 = arith.index_cast %parallel_loop3A_651 : i32 to index
        %parallel_loop3A_669 = arith.constant 80 : index
        %parallel_loop3A_670 = tpu.vector_load %arg6[%parallel_loop3A_668, %parallel_loop3A_669] {strides = array<i32>} : memref<520x128xf32, #tpu.memory_space<vmem>>, vector<16xf32>,
        %parallel_loop3A_671 = arith.addf %parallel_loop3A_667, %parallel_loop3A_670 : vector<16xf32>
        %parallel_loop3A_672 = arith.constant 16 : i32
        %parallel_loop3A_673 = vector.broadcast %parallel_loop3A_672 : i32 to vector<16xi32>
        %parallel_loop3A_674 = arith.addi %iota3A, %parallel_loop3A_673 : vector<16xi32>
        tpu.vector_store_idx %arg9[%parallel_loop3A_674, %parallel_loop3A_654], %parallel_loop3A_671 : memref<64x129xf32, #tpu.memory_space<vmem>>[vector<16xi32>, vector<16xi32>], vector<16xf32>,
        %parallel_loop3A_675 = arith.index_cast %parallel_loop3A_649 : i32 to index
        %parallel_loop3A_676 = arith.constant 32 : index
        %parallel_loop3A_677 = tpu.vector_load %arg6[%parallel_loop3A_675, %parallel_loop3A_676] {strides = array<i32>} : memref<520x128xf32, #tpu.memory_space<vmem>>, vector<16xf32>,
        %parallel_loop3A_678 = arith.index_cast %parallel_loop3A_651 : i32 to index
        %parallel_loop3A_679 = arith.constant 96 : index
        %parallel_loop3A_680 = tpu.vector_load %arg6[%parallel_loop3A_678, %parallel_loop3A_679] {strides = array<i32>} : memref<520x128xf32, #tpu.memory_space<vmem>>, vector<16xf32>,
        %parallel_loop3A_681 = arith.addf %parallel_loop3A_677, %parallel_loop3A_680 : vector<16xf32>
        %parallel_loop3A_682 = arith.constant 32 : i32
        %parallel_loop3A_683 = vector.broadcast %parallel_loop3A_682 : i32 to vector<16xi32>
        %parallel_loop3A_684 = arith.addi %iota3A, %parallel_loop3A_683 : vector<16xi32>
        tpu.vector_store_idx %arg9[%parallel_loop3A_684, %parallel_loop3A_654], %parallel_loop3A_681 : memref<64x129xf32, #tpu.memory_space<vmem>>[vector<16xi32>, vector<16xi32>], vector<16xf32>,
        %parallel_loop3A_685 = arith.index_cast %parallel_loop3A_649 : i32 to index
        %parallel_loop3A_686 = arith.constant 48 : index
        %parallel_loop3A_687 = tpu.vector_load %arg6[%parallel_loop3A_685, %parallel_loop3A_686] {strides = array<i32>} : memref<520x128xf32, #tpu.memory_space<vmem>>, vector<16xf32>,
        %parallel_loop3A_688 = arith.index_cast %parallel_loop3A_651 : i32 to index
        %parallel_loop3A_689 = arith.constant 112 : index
        %parallel_loop3A_690 = tpu.vector_load %arg6[%parallel_loop3A_688, %parallel_loop3A_689] {strides = array<i32>} : memref<520x128xf32, #tpu.memory_space<vmem>>, vector<16xf32>,
        %parallel_loop3A_691 = arith.addf %parallel_loop3A_687, %parallel_loop3A_690 : vector<16xf32>
        %parallel_loop3A_692 = arith.constant 48 : i32
        %parallel_loop3A_693 = vector.broadcast %parallel_loop3A_692 : i32 to vector<16xi32>
        %parallel_loop3A_694 = arith.addi %iota3A, %parallel_loop3A_693 : vector<16xi32>
        tpu.vector_store_idx %arg9[%parallel_loop3A_694, %parallel_loop3A_654], %parallel_loop3A_691 : memref<64x129xf32, #tpu.memory_space<vmem>>[vector<16xi32>, vector<16xi32>], vector<16xf32>,
        %parallel_loop3A_695 = vector.extract_strided_slice %parallel_loop3A_26 {offsets = [14], sizes = [1], strides = [1]} : vector<16xi32> to vector<1xi32>
        %parallel_loop3A_696 = vector.extract %parallel_loop3A_695[0] : i32 from vector<1xi32>
        %parallel_loop3A_697 = vector.extract_strided_slice %parallel_loop3A_34 {offsets = [14], sizes = [1], strides = [1]} : vector<16xi32> to vector<1xi32>
        %parallel_loop3A_698 = vector.extract %parallel_loop3A_697[0] : i32 from vector<1xi32>
        %parallel_loop3A_699 = arith.constant 14 : i32
        %parallel_loop3A_700 = arith.addi %parallel_loop3A_36, %parallel_loop3A_699 : i32
        %parallel_loop3A_701 = vector.broadcast %parallel_loop3A_700 : i32 to vector<16xi32>
        %parallel_loop3A_702 = arith.index_cast %parallel_loop3A_696 : i32 to index
        %parallel_loop3A_703 = arith.constant 0 : index
        %parallel_loop3A_704 = tpu.vector_load %arg6[%parallel_loop3A_702, %parallel_loop3A_703] {strides = array<i32>} : memref<520x128xf32, #tpu.memory_space<vmem>>, vector<16xf32>,
        %parallel_loop3A_705 = arith.index_cast %parallel_loop3A_698 : i32 to index
        %parallel_loop3A_706 = arith.constant 64 : index
        %parallel_loop3A_707 = tpu.vector_load %arg6[%parallel_loop3A_705, %parallel_loop3A_706] {strides = array<i32>} : memref<520x128xf32, #tpu.memory_space<vmem>>, vector<16xf32>,
        %parallel_loop3A_708 = arith.addf %parallel_loop3A_704, %parallel_loop3A_707 : vector<16xf32>
        %parallel_loop3A_709 = arith.constant 0 : i32
        %parallel_loop3A_710 = vector.broadcast %parallel_loop3A_709 : i32 to vector<16xi32>
        %parallel_loop3A_711 = arith.addi %iota3A, %parallel_loop3A_710 : vector<16xi32>
        tpu.vector_store_idx %arg9[%parallel_loop3A_711, %parallel_loop3A_701], %parallel_loop3A_708 : memref<64x129xf32, #tpu.memory_space<vmem>>[vector<16xi32>, vector<16xi32>], vector<16xf32>,
        %parallel_loop3A_712 = arith.index_cast %parallel_loop3A_696 : i32 to index
        %parallel_loop3A_713 = arith.constant 16 : index
        %parallel_loop3A_714 = tpu.vector_load %arg6[%parallel_loop3A_712, %parallel_loop3A_713] {strides = array<i32>} : memref<520x128xf32, #tpu.memory_space<vmem>>, vector<16xf32>,
        %parallel_loop3A_715 = arith.index_cast %parallel_loop3A_698 : i32 to index
        %parallel_loop3A_716 = arith.constant 80 : index
        %parallel_loop3A_717 = tpu.vector_load %arg6[%parallel_loop3A_715, %parallel_loop3A_716] {strides = array<i32>} : memref<520x128xf32, #tpu.memory_space<vmem>>, vector<16xf32>,
        %parallel_loop3A_718 = arith.addf %parallel_loop3A_714, %parallel_loop3A_717 : vector<16xf32>
        %parallel_loop3A_719 = arith.constant 16 : i32
        %parallel_loop3A_720 = vector.broadcast %parallel_loop3A_719 : i32 to vector<16xi32>
        %parallel_loop3A_721 = arith.addi %iota3A, %parallel_loop3A_720 : vector<16xi32>
        tpu.vector_store_idx %arg9[%parallel_loop3A_721, %parallel_loop3A_701], %parallel_loop3A_718 : memref<64x129xf32, #tpu.memory_space<vmem>>[vector<16xi32>, vector<16xi32>], vector<16xf32>,
        %parallel_loop3A_722 = arith.index_cast %parallel_loop3A_696 : i32 to index
        %parallel_loop3A_723 = arith.constant 32 : index
        %parallel_loop3A_724 = tpu.vector_load %arg6[%parallel_loop3A_722, %parallel_loop3A_723] {strides = array<i32>} : memref<520x128xf32, #tpu.memory_space<vmem>>, vector<16xf32>,
        %parallel_loop3A_725 = arith.index_cast %parallel_loop3A_698 : i32 to index
        %parallel_loop3A_726 = arith.constant 96 : index
        %parallel_loop3A_727 = tpu.vector_load %arg6[%parallel_loop3A_725, %parallel_loop3A_726] {strides = array<i32>} : memref<520x128xf32, #tpu.memory_space<vmem>>, vector<16xf32>,
        %parallel_loop3A_728 = arith.addf %parallel_loop3A_724, %parallel_loop3A_727 : vector<16xf32>
        %parallel_loop3A_729 = arith.constant 32 : i32
        %parallel_loop3A_730 = vector.broadcast %parallel_loop3A_729 : i32 to vector<16xi32>
        %parallel_loop3A_731 = arith.addi %iota3A, %parallel_loop3A_730 : vector<16xi32>
        tpu.vector_store_idx %arg9[%parallel_loop3A_731, %parallel_loop3A_701], %parallel_loop3A_728 : memref<64x129xf32, #tpu.memory_space<vmem>>[vector<16xi32>, vector<16xi32>], vector<16xf32>,
        %parallel_loop3A_732 = arith.index_cast %parallel_loop3A_696 : i32 to index
        %parallel_loop3A_733 = arith.constant 48 : index
        %parallel_loop3A_734 = tpu.vector_load %arg6[%parallel_loop3A_732, %parallel_loop3A_733] {strides = array<i32>} : memref<520x128xf32, #tpu.memory_space<vmem>>, vector<16xf32>,
        %parallel_loop3A_735 = arith.index_cast %parallel_loop3A_698 : i32 to index
        %parallel_loop3A_736 = arith.constant 112 : index
        %parallel_loop3A_737 = tpu.vector_load %arg6[%parallel_loop3A_735, %parallel_loop3A_736] {strides = array<i32>} : memref<520x128xf32, #tpu.memory_space<vmem>>, vector<16xf32>,
        %parallel_loop3A_738 = arith.addf %parallel_loop3A_734, %parallel_loop3A_737 : vector<16xf32>
        %parallel_loop3A_739 = arith.constant 48 : i32
        %parallel_loop3A_740 = vector.broadcast %parallel_loop3A_739 : i32 to vector<16xi32>
        %parallel_loop3A_741 = arith.addi %iota3A, %parallel_loop3A_740 : vector<16xi32>
        tpu.vector_store_idx %arg9[%parallel_loop3A_741, %parallel_loop3A_701], %parallel_loop3A_738 : memref<64x129xf32, #tpu.memory_space<vmem>>[vector<16xi32>, vector<16xi32>], vector<16xf32>,
        %parallel_loop3A_742 = vector.extract_strided_slice %parallel_loop3A_26 {offsets = [15], sizes = [1], strides = [1]} : vector<16xi32> to vector<1xi32>
        %parallel_loop3A_743 = vector.extract %parallel_loop3A_742[0] : i32 from vector<1xi32>
        %parallel_loop3A_744 = vector.extract_strided_slice %parallel_loop3A_34 {offsets = [15], sizes = [1], strides = [1]} : vector<16xi32> to vector<1xi32>
        %parallel_loop3A_745 = vector.extract %parallel_loop3A_744[0] : i32 from vector<1xi32>
        %parallel_loop3A_746 = arith.constant 15 : i32
        %parallel_loop3A_747 = arith.addi %parallel_loop3A_36, %parallel_loop3A_746 : i32
        %parallel_loop3A_748 = vector.broadcast %parallel_loop3A_747 : i32 to vector<16xi32>
        %parallel_loop3A_749 = arith.index_cast %parallel_loop3A_743 : i32 to index
        %parallel_loop3A_750 = arith.constant 0 : index
        %parallel_loop3A_751 = tpu.vector_load %arg6[%parallel_loop3A_749, %parallel_loop3A_750] {strides = array<i32>} : memref<520x128xf32, #tpu.memory_space<vmem>>, vector<16xf32>,
        %parallel_loop3A_752 = arith.index_cast %parallel_loop3A_745 : i32 to index
        %parallel_loop3A_753 = arith.constant 64 : index
        %parallel_loop3A_754 = tpu.vector_load %arg6[%parallel_loop3A_752, %parallel_loop3A_753] {strides = array<i32>} : memref<520x128xf32, #tpu.memory_space<vmem>>, vector<16xf32>,
        %parallel_loop3A_755 = arith.addf %parallel_loop3A_751, %parallel_loop3A_754 : vector<16xf32>
        %parallel_loop3A_756 = arith.constant 0 : i32
        %parallel_loop3A_757 = vector.broadcast %parallel_loop3A_756 : i32 to vector<16xi32>
        %parallel_loop3A_758 = arith.addi %iota3A, %parallel_loop3A_757 : vector<16xi32>
        tpu.vector_store_idx %arg9[%parallel_loop3A_758, %parallel_loop3A_748], %parallel_loop3A_755 : memref<64x129xf32, #tpu.memory_space<vmem>>[vector<16xi32>, vector<16xi32>], vector<16xf32>,
        %parallel_loop3A_759 = arith.index_cast %parallel_loop3A_743 : i32 to index
        %parallel_loop3A_760 = arith.constant 16 : index
        %parallel_loop3A_761 = tpu.vector_load %arg6[%parallel_loop3A_759, %parallel_loop3A_760] {strides = array<i32>} : memref<520x128xf32, #tpu.memory_space<vmem>>, vector<16xf32>,
        %parallel_loop3A_762 = arith.index_cast %parallel_loop3A_745 : i32 to index
        %parallel_loop3A_763 = arith.constant 80 : index
        %parallel_loop3A_764 = tpu.vector_load %arg6[%parallel_loop3A_762, %parallel_loop3A_763] {strides = array<i32>} : memref<520x128xf32, #tpu.memory_space<vmem>>, vector<16xf32>,
        %parallel_loop3A_765 = arith.addf %parallel_loop3A_761, %parallel_loop3A_764 : vector<16xf32>
        %parallel_loop3A_766 = arith.constant 16 : i32
        %parallel_loop3A_767 = vector.broadcast %parallel_loop3A_766 : i32 to vector<16xi32>
        %parallel_loop3A_768 = arith.addi %iota3A, %parallel_loop3A_767 : vector<16xi32>
        tpu.vector_store_idx %arg9[%parallel_loop3A_768, %parallel_loop3A_748], %parallel_loop3A_765 : memref<64x129xf32, #tpu.memory_space<vmem>>[vector<16xi32>, vector<16xi32>], vector<16xf32>,
        %parallel_loop3A_769 = arith.index_cast %parallel_loop3A_743 : i32 to index
        %parallel_loop3A_770 = arith.constant 32 : index
        %parallel_loop3A_771 = tpu.vector_load %arg6[%parallel_loop3A_769, %parallel_loop3A_770] {strides = array<i32>} : memref<520x128xf32, #tpu.memory_space<vmem>>, vector<16xf32>,
        %parallel_loop3A_772 = arith.index_cast %parallel_loop3A_745 : i32 to index
        %parallel_loop3A_773 = arith.constant 96 : index
        %parallel_loop3A_774 = tpu.vector_load %arg6[%parallel_loop3A_772, %parallel_loop3A_773] {strides = array<i32>} : memref<520x128xf32, #tpu.memory_space<vmem>>, vector<16xf32>,
        %parallel_loop3A_775 = arith.addf %parallel_loop3A_771, %parallel_loop3A_774 : vector<16xf32>
        %parallel_loop3A_776 = arith.constant 32 : i32
        %parallel_loop3A_777 = vector.broadcast %parallel_loop3A_776 : i32 to vector<16xi32>
        %parallel_loop3A_778 = arith.addi %iota3A, %parallel_loop3A_777 : vector<16xi32>
        tpu.vector_store_idx %arg9[%parallel_loop3A_778, %parallel_loop3A_748], %parallel_loop3A_775 : memref<64x129xf32, #tpu.memory_space<vmem>>[vector<16xi32>, vector<16xi32>], vector<16xf32>,
        %parallel_loop3A_779 = arith.index_cast %parallel_loop3A_743 : i32 to index
        %parallel_loop3A_780 = arith.constant 48 : index
        %parallel_loop3A_781 = tpu.vector_load %arg6[%parallel_loop3A_779, %parallel_loop3A_780] {strides = array<i32>} : memref<520x128xf32, #tpu.memory_space<vmem>>, vector<16xf32>,
        %parallel_loop3A_782 = arith.index_cast %parallel_loop3A_745 : i32 to index
        %parallel_loop3A_783 = arith.constant 112 : index
        %parallel_loop3A_784 = tpu.vector_load %arg6[%parallel_loop3A_782, %parallel_loop3A_783] {strides = array<i32>} : memref<520x128xf32, #tpu.memory_space<vmem>>, vector<16xf32>,
        %parallel_loop3A_785 = arith.addf %parallel_loop3A_781, %parallel_loop3A_784 : vector<16xf32>
        %parallel_loop3A_786 = arith.constant 48 : i32
        %parallel_loop3A_787 = vector.broadcast %parallel_loop3A_786 : i32 to vector<16xi32>
        %parallel_loop3A_788 = arith.addi %iota3A, %parallel_loop3A_787 : vector<16xi32>
        tpu.vector_store_idx %arg9[%parallel_loop3A_788, %parallel_loop3A_748], %parallel_loop3A_785 : memref<64x129xf32, #tpu.memory_space<vmem>>[vector<16xi32>, vector<16xi32>], vector<16xf32>,
      } {sc.loop_unroll_factor = 1 : i64, sc.parallel_access}
      "tpu.region"() ({
        %run_scoped3A = tpu.sem_alloc : memref<!tpu.dma_semaphore, #tpu.memory_space<semaphore_mem>>
        %dma_start3A = arith.constant 0 : i32
        %dma_start3A_16 = arith.constant 0 : i32
        %dma_start3A_17 = tpu.memref_slice %arg9[%dma_start3A, %dma_start3A_16] : memref<64x129xf32, #tpu.memory_space<vmem>> -> memref<64x128xf32, #tpu.memory_space<vmem>>
        %dma_start3A_18 = arith.constant 0 : i32
        %dma_start3A_19 = tpu.memref_slice %arg5[%dma_start3A_18, %multiple_of3A] : memref<64x100096xf32, #tpu.memory_space<hbm>> -> memref<64x128xf32, #tpu.memory_space<hbm>>
        %dma_start3A_20 = arith.constant 0 : i32
        %dma_start3A_21 = tpu.memref_slice %arg5[%dma_start3A_20, %multiple_of3A] : memref<64x100096xf32, #tpu.memory_space<hbm>> -> memref<64x128xf32, #tpu.memory_space<hbm>>
        %dma_start3A_22 = arith.constant 0 : i32
        %dma_start3A_23 = arith.constant 0 : i32
        %dma_start3A_24 = tpu.memref_slice %arg9[%dma_start3A_22, %dma_start3A_23] : memref<64x129xf32, #tpu.memory_space<vmem>> -> memref<64x128xf32, #tpu.memory_space<vmem>>
        tpu.enqueue_dma source(%dma_start3A_24 : memref<64x128xf32, #tpu.memory_space<vmem>>) target(%dma_start3A_21 : memref<64x128xf32, #tpu.memory_space<hbm>>) target_semaphore(%run_scoped3A : memref<!tpu.dma_semaphore, #tpu.memory_space<semaphore_mem>>)
        %dma_wait3A = arith.constant 0 : i32
        %dma_wait3A_25 = arith.constant 0 : i32
        %dma_wait3A_26 = tpu.memref_slice %arg9[%dma_wait3A, %dma_wait3A_25] : memref<64x129xf32, #tpu.memory_space<vmem>> -> memref<64x128xf32, #tpu.memory_space<vmem>>
        %dma_wait3A_27 = arith.constant 0 : i32
        %dma_wait3A_28 = tpu.memref_slice %arg5[%dma_wait3A_27, %multiple_of3A] : memref<64x100096xf32, #tpu.memory_space<hbm>> -> memref<64x128xf32, #tpu.memory_space<hbm>>
        %dma_wait3A_29 = arith.constant 0 : i32
        %dma_wait3A_30 = tpu.memref_slice %arg5[%dma_wait3A_29, %multiple_of3A] : memref<64x100096xf32, #tpu.memory_space<hbm>> -> memref<64x128xf32, #tpu.memory_space<hbm>>
        %dma_wait3A_31 = arith.constant 0 : i32
        %dma_wait3A_32 = arith.constant 0 : i32
        %dma_wait3A_33 = tpu.memref_slice %arg9[%dma_wait3A_31, %dma_wait3A_32] : memref<64x129xf32, #tpu.memory_space<vmem>> -> memref<64x128xf32, #tpu.memory_space<vmem>>
        tpu.wait_dma2 semaphore(%run_scoped3A : memref<!tpu.dma_semaphore, #tpu.memory_space<semaphore_mem>>) src(%dma_wait3A_33 : memref<64x128xf32, #tpu.memory_space<vmem>>) dst(%dma_wait3A_30 : memref<64x128xf32, #tpu.memory_space<hbm>>)
        tpu.yield
      }) : () -> ()
    }
    %scan3A_5 = arith.constant 24 : i32
    %le3A = arith.constant 13 : i32
    %le3A_6 = arith.cmpi sle, %add3A, %le3A : i32
    %convert_element_type3A = arith.extui %le3A_6 : i1 to i32
    %cond3A = arith.constant 0 : i32
    %cond3A_7 = arith.cmpi ne, %convert_element_type3A, %cond3A : i32
    scf.if %cond3A_7 {
      %add3A_8 = arith.constant 768 : i32
      %add3A_9 = arith.addi %add3A_8, %add3A : i32
      %mul3A_10 = arith.constant 128 : i32
      %mul3A_11 = arith.muli %add3A_9, %mul3A_10 : i32
      %multiple_of3A = tpu.assume_multiple %mul3A_11, 128 : i32
      "tpu.region"() ({
        %run_scoped3A = tpu.sem_alloc : memref<!tpu.dma_semaphore, #tpu.memory_space<semaphore_mem>>
        %dma_start3A = tpu.memref_slice %arg3[%multiple_of3A] : memref<100096xi32, #tpu.memory_space<hbm>> -> memref<128xi32, #tpu.memory_space<hbm>>
        %dma_start3A_14 = tpu.memref_slice %arg3[%multiple_of3A] : memref<100096xi32, #tpu.memory_space<hbm>> -> memref<128xi32, #tpu.memory_space<hbm>>
        tpu.enqueue_dma source(%dma_start3A_14 : memref<128xi32, #tpu.memory_space<hbm>>) target(%arg7 : memref<128xi32, #tpu.memory_space<vmem>>) target_semaphore(%run_scoped3A : memref<!tpu.dma_semaphore, #tpu.memory_space<semaphore_mem>>)
        %dma_wait3A = tpu.memref_slice %arg3[%multiple_of3A] : memref<100096xi32, #tpu.memory_space<hbm>> -> memref<128xi32, #tpu.memory_space<hbm>>
        %dma_wait3A_15 = tpu.memref_slice %arg3[%multiple_of3A] : memref<100096xi32, #tpu.memory_space<hbm>> -> memref<128xi32, #tpu.memory_space<hbm>>
        tpu.wait_dma2 semaphore(%run_scoped3A : memref<!tpu.dma_semaphore, #tpu.memory_space<semaphore_mem>>) src(%dma_wait3A_15 : memref<128xi32, #tpu.memory_space<hbm>>) dst(%arg7 : memref<128xi32, #tpu.memory_space<vmem>>)
        tpu.yield
      }) : () -> ()
      "tpu.region"() ({
        %run_scoped3A = tpu.sem_alloc : memref<!tpu.dma_semaphore, #tpu.memory_space<semaphore_mem>>
        %dma_start3A = tpu.memref_slice %arg4[%multiple_of3A] : memref<100096xi32, #tpu.memory_space<hbm>> -> memref<128xi32, #tpu.memory_space<hbm>>
        %dma_start3A_14 = tpu.memref_slice %arg4[%multiple_of3A] : memref<100096xi32, #tpu.memory_space<hbm>> -> memref<128xi32, #tpu.memory_space<hbm>>
        tpu.enqueue_dma source(%dma_start3A_14 : memref<128xi32, #tpu.memory_space<hbm>>) target(%arg8 : memref<128xi32, #tpu.memory_space<vmem>>) target_semaphore(%run_scoped3A : memref<!tpu.dma_semaphore, #tpu.memory_space<semaphore_mem>>)
        %dma_wait3A = tpu.memref_slice %arg4[%multiple_of3A] : memref<100096xi32, #tpu.memory_space<hbm>> -> memref<128xi32, #tpu.memory_space<hbm>>
        %dma_wait3A_15 = tpu.memref_slice %arg4[%multiple_of3A] : memref<100096xi32, #tpu.memory_space<hbm>> -> memref<128xi32, #tpu.memory_space<hbm>>
        tpu.wait_dma2 semaphore(%run_scoped3A : memref<!tpu.dma_semaphore, #tpu.memory_space<semaphore_mem>>) src(%dma_wait3A_15 : memref<128xi32, #tpu.memory_space<hbm>>) dst(%arg8 : memref<128xi32, #tpu.memory_space<vmem>>)
        tpu.yield
      }) : () -> ()
      %parallel_loop3A = arith.constant 0 : i32
      %parallel_loop3A_12 = arith.constant 8 : i32
      %parallel_loop3A_13 = arith.constant 1 : i32
      scf.for %parallel_loop3A_14 = %parallel_loop3A to %parallel_loop3A_12 step %parallel_loop3A_13  : i32 {
        %parallel_loop3A_15 = arith.constant 16 : i32
        %parallel_loop3A_16 = arith.muli %parallel_loop3A_14, %parallel_loop3A_15 : i32
        %parallel_loop3A_17 = arith.index_cast %parallel_loop3A_16 : i32 to index
        %parallel_loop3A_18 = tpu.vector_load %arg7[%parallel_loop3A_17] {strides = array<i32>} : memref<128xi32, #tpu.memory_space<vmem>>, vector<16xi32>,
        %parallel_loop3A_19 = arith.constant 0 : i32
        %parallel_loop3A_20 = arith.constant 512 : i32
        %parallel_loop3A_21 = vector.broadcast %parallel_loop3A_19 : i32 to vector<16xi32>
        %parallel_loop3A_22 = arith.maxsi %parallel_loop3A_21, %parallel_loop3A_18 : vector<16xi32>
        %parallel_loop3A_23 = vector.broadcast %parallel_loop3A_20 : i32 to vector<16xi32>
        %parallel_loop3A_24 = arith.minsi %parallel_loop3A_23, %parallel_loop3A_22 : vector<16xi32>
        %parallel_loop3A_25 = arith.index_cast %parallel_loop3A_16 : i32 to index
        %parallel_loop3A_26 = tpu.vector_load %arg8[%parallel_loop3A_25] {strides = array<i32>} : memref<128xi32, #tpu.memory_space<vmem>>, vector<16xi32>,
        %parallel_loop3A_27 = arith.constant 0 : i32
        %parallel_loop3A_28 = arith.constant 512 : i32
        %parallel_loop3A_29 = vector.broadcast %parallel_loop3A_27 : i32 to vector<16xi32>
        %parallel_loop3A_30 = arith.maxsi %parallel_loop3A_29, %parallel_loop3A_26 : vector<16xi32>
        %parallel_loop3A_31 = vector.broadcast %parallel_loop3A_28 : i32 to vector<16xi32>
        %parallel_loop3A_32 = arith.minsi %parallel_loop3A_31, %parallel_loop3A_30 : vector<16xi32>
        %parallel_loop3A_33 = arith.constant 16 : i32
        %parallel_loop3A_34 = arith.muli %parallel_loop3A_14, %parallel_loop3A_33 : i32
        %parallel_loop3A_35 = vector.extract_strided_slice %parallel_loop3A_24 {offsets = [0], sizes = [1], strides = [1]} : vector<16xi32> to vector<1xi32>
        %parallel_loop3A_36 = vector.extract %parallel_loop3A_35[0] : i32 from vector<1xi32>
        %parallel_loop3A_37 = vector.extract_strided_slice %parallel_loop3A_32 {offsets = [0], sizes = [1], strides = [1]} : vector<16xi32> to vector<1xi32>
        %parallel_loop3A_38 = vector.extract %parallel_loop3A_37[0] : i32 from vector<1xi32>
        %parallel_loop3A_39 = arith.constant 0 : i32
        %parallel_loop3A_40 = arith.addi %parallel_loop3A_34, %parallel_loop3A_39 : i32
        %parallel_loop3A_41 = vector.broadcast %parallel_loop3A_40 : i32 to vector<16xi32>
        %parallel_loop3A_42 = arith.index_cast %parallel_loop3A_36 : i32 to index
        %parallel_loop3A_43 = arith.constant 0 : index
        %parallel_loop3A_44 = tpu.vector_load %arg6[%parallel_loop3A_42, %parallel_loop3A_43] {strides = array<i32>} : memref<520x128xf32, #tpu.memory_space<vmem>>, vector<16xf32>,
        %parallel_loop3A_45 = arith.index_cast %parallel_loop3A_38 : i32 to index
        %parallel_loop3A_46 = arith.constant 64 : index
        %parallel_loop3A_47 = tpu.vector_load %arg6[%parallel_loop3A_45, %parallel_loop3A_46] {strides = array<i32>} : memref<520x128xf32, #tpu.memory_space<vmem>>, vector<16xf32>,
        %parallel_loop3A_48 = arith.addf %parallel_loop3A_44, %parallel_loop3A_47 : vector<16xf32>
        %parallel_loop3A_49 = arith.constant 0 : i32
        %parallel_loop3A_50 = vector.broadcast %parallel_loop3A_49 : i32 to vector<16xi32>
        %parallel_loop3A_51 = arith.addi %iota3A, %parallel_loop3A_50 : vector<16xi32>
        tpu.vector_store_idx %arg9[%parallel_loop3A_51, %parallel_loop3A_41], %parallel_loop3A_48 : memref<64x129xf32, #tpu.memory_space<vmem>>[vector<16xi32>, vector<16xi32>], vector<16xf32>,
        %parallel_loop3A_52 = arith.index_cast %parallel_loop3A_36 : i32 to index
        %parallel_loop3A_53 = arith.constant 16 : index
        %parallel_loop3A_54 = tpu.vector_load %arg6[%parallel_loop3A_52, %parallel_loop3A_53] {strides = array<i32>} : memref<520x128xf32, #tpu.memory_space<vmem>>, vector<16xf32>,
        %parallel_loop3A_55 = arith.index_cast %parallel_loop3A_38 : i32 to index
        %parallel_loop3A_56 = arith.constant 80 : index
        %parallel_loop3A_57 = tpu.vector_load %arg6[%parallel_loop3A_55, %parallel_loop3A_56] {strides = array<i32>} : memref<520x128xf32, #tpu.memory_space<vmem>>, vector<16xf32>,
        %parallel_loop3A_58 = arith.addf %parallel_loop3A_54, %parallel_loop3A_57 : vector<16xf32>
        %parallel_loop3A_59 = arith.constant 16 : i32
        %parallel_loop3A_60 = vector.broadcast %parallel_loop3A_59 : i32 to vector<16xi32>
        %parallel_loop3A_61 = arith.addi %iota3A, %parallel_loop3A_60 : vector<16xi32>
        tpu.vector_store_idx %arg9[%parallel_loop3A_61, %parallel_loop3A_41], %parallel_loop3A_58 : memref<64x129xf32, #tpu.memory_space<vmem>>[vector<16xi32>, vector<16xi32>], vector<16xf32>,
        %parallel_loop3A_62 = arith.index_cast %parallel_loop3A_36 : i32 to index
        %parallel_loop3A_63 = arith.constant 32 : index
        %parallel_loop3A_64 = tpu.vector_load %arg6[%parallel_loop3A_62, %parallel_loop3A_63] {strides = array<i32>} : memref<520x128xf32, #tpu.memory_space<vmem>>, vector<16xf32>,
        %parallel_loop3A_65 = arith.index_cast %parallel_loop3A_38 : i32 to index
        %parallel_loop3A_66 = arith.constant 96 : index
        %parallel_loop3A_67 = tpu.vector_load %arg6[%parallel_loop3A_65, %parallel_loop3A_66] {strides = array<i32>} : memref<520x128xf32, #tpu.memory_space<vmem>>, vector<16xf32>,
        %parallel_loop3A_68 = arith.addf %parallel_loop3A_64, %parallel_loop3A_67 : vector<16xf32>
        %parallel_loop3A_69 = arith.constant 32 : i32
        %parallel_loop3A_70 = vector.broadcast %parallel_loop3A_69 : i32 to vector<16xi32>
        %parallel_loop3A_71 = arith.addi %iota3A, %parallel_loop3A_70 : vector<16xi32>
        tpu.vector_store_idx %arg9[%parallel_loop3A_71, %parallel_loop3A_41], %parallel_loop3A_68 : memref<64x129xf32, #tpu.memory_space<vmem>>[vector<16xi32>, vector<16xi32>], vector<16xf32>,
        %parallel_loop3A_72 = arith.index_cast %parallel_loop3A_36 : i32 to index
        %parallel_loop3A_73 = arith.constant 48 : index
        %parallel_loop3A_74 = tpu.vector_load %arg6[%parallel_loop3A_72, %parallel_loop3A_73] {strides = array<i32>} : memref<520x128xf32, #tpu.memory_space<vmem>>, vector<16xf32>,
        %parallel_loop3A_75 = arith.index_cast %parallel_loop3A_38 : i32 to index
        %parallel_loop3A_76 = arith.constant 112 : index
        %parallel_loop3A_77 = tpu.vector_load %arg6[%parallel_loop3A_75, %parallel_loop3A_76] {strides = array<i32>} : memref<520x128xf32, #tpu.memory_space<vmem>>, vector<16xf32>,
        %parallel_loop3A_78 = arith.addf %parallel_loop3A_74, %parallel_loop3A_77 : vector<16xf32>
        %parallel_loop3A_79 = arith.constant 48 : i32
        %parallel_loop3A_80 = vector.broadcast %parallel_loop3A_79 : i32 to vector<16xi32>
        %parallel_loop3A_81 = arith.addi %iota3A, %parallel_loop3A_80 : vector<16xi32>
        tpu.vector_store_idx %arg9[%parallel_loop3A_81, %parallel_loop3A_41], %parallel_loop3A_78 : memref<64x129xf32, #tpu.memory_space<vmem>>[vector<16xi32>, vector<16xi32>], vector<16xf32>,
        %parallel_loop3A_82 = vector.extract_strided_slice %parallel_loop3A_24 {offsets = [1], sizes = [1], strides = [1]} : vector<16xi32> to vector<1xi32>
        %parallel_loop3A_83 = vector.extract %parallel_loop3A_82[0] : i32 from vector<1xi32>
        %parallel_loop3A_84 = vector.extract_strided_slice %parallel_loop3A_32 {offsets = [1], sizes = [1], strides = [1]} : vector<16xi32> to vector<1xi32>
        %parallel_loop3A_85 = vector.extract %parallel_loop3A_84[0] : i32 from vector<1xi32>
        %parallel_loop3A_86 = arith.constant 1 : i32
        %parallel_loop3A_87 = arith.addi %parallel_loop3A_34, %parallel_loop3A_86 : i32
        %parallel_loop3A_88 = vector.broadcast %parallel_loop3A_87 : i32 to vector<16xi32>
        %parallel_loop3A_89 = arith.index_cast %parallel_loop3A_83 : i32 to index
        %parallel_loop3A_90 = arith.constant 0 : index
        %parallel_loop3A_91 = tpu.vector_load %arg6[%parallel_loop3A_89, %parallel_loop3A_90] {strides = array<i32>} : memref<520x128xf32, #tpu.memory_space<vmem>>, vector<16xf32>,
        %parallel_loop3A_92 = arith.index_cast %parallel_loop3A_85 : i32 to index
        %parallel_loop3A_93 = arith.constant 64 : index
        %parallel_loop3A_94 = tpu.vector_load %arg6[%parallel_loop3A_92, %parallel_loop3A_93] {strides = array<i32>} : memref<520x128xf32, #tpu.memory_space<vmem>>, vector<16xf32>,
        %parallel_loop3A_95 = arith.addf %parallel_loop3A_91, %parallel_loop3A_94 : vector<16xf32>
        %parallel_loop3A_96 = arith.constant 0 : i32
        %parallel_loop3A_97 = vector.broadcast %parallel_loop3A_96 : i32 to vector<16xi32>
        %parallel_loop3A_98 = arith.addi %iota3A, %parallel_loop3A_97 : vector<16xi32>
        tpu.vector_store_idx %arg9[%parallel_loop3A_98, %parallel_loop3A_88], %parallel_loop3A_95 : memref<64x129xf32, #tpu.memory_space<vmem>>[vector<16xi32>, vector<16xi32>], vector<16xf32>,
        %parallel_loop3A_99 = arith.index_cast %parallel_loop3A_83 : i32 to index
        %parallel_loop3A_100 = arith.constant 16 : index
        %parallel_loop3A_101 = tpu.vector_load %arg6[%parallel_loop3A_99, %parallel_loop3A_100] {strides = array<i32>} : memref<520x128xf32, #tpu.memory_space<vmem>>, vector<16xf32>,
        %parallel_loop3A_102 = arith.index_cast %parallel_loop3A_85 : i32 to index
        %parallel_loop3A_103 = arith.constant 80 : index
        %parallel_loop3A_104 = tpu.vector_load %arg6[%parallel_loop3A_102, %parallel_loop3A_103] {strides = array<i32>} : memref<520x128xf32, #tpu.memory_space<vmem>>, vector<16xf32>,
        %parallel_loop3A_105 = arith.addf %parallel_loop3A_101, %parallel_loop3A_104 : vector<16xf32>
        %parallel_loop3A_106 = arith.constant 16 : i32
        %parallel_loop3A_107 = vector.broadcast %parallel_loop3A_106 : i32 to vector<16xi32>
        %parallel_loop3A_108 = arith.addi %iota3A, %parallel_loop3A_107 : vector<16xi32>
        tpu.vector_store_idx %arg9[%parallel_loop3A_108, %parallel_loop3A_88], %parallel_loop3A_105 : memref<64x129xf32, #tpu.memory_space<vmem>>[vector<16xi32>, vector<16xi32>], vector<16xf32>,
        %parallel_loop3A_109 = arith.index_cast %parallel_loop3A_83 : i32 to index
        %parallel_loop3A_110 = arith.constant 32 : index
        %parallel_loop3A_111 = tpu.vector_load %arg6[%parallel_loop3A_109, %parallel_loop3A_110] {strides = array<i32>} : memref<520x128xf32, #tpu.memory_space<vmem>>, vector<16xf32>,
        %parallel_loop3A_112 = arith.index_cast %parallel_loop3A_85 : i32 to index
        %parallel_loop3A_113 = arith.constant 96 : index
        %parallel_loop3A_114 = tpu.vector_load %arg6[%parallel_loop3A_112, %parallel_loop3A_113] {strides = array<i32>} : memref<520x128xf32, #tpu.memory_space<vmem>>, vector<16xf32>,
        %parallel_loop3A_115 = arith.addf %parallel_loop3A_111, %parallel_loop3A_114 : vector<16xf32>
        %parallel_loop3A_116 = arith.constant 32 : i32
        %parallel_loop3A_117 = vector.broadcast %parallel_loop3A_116 : i32 to vector<16xi32>
        %parallel_loop3A_118 = arith.addi %iota3A, %parallel_loop3A_117 : vector<16xi32>
        tpu.vector_store_idx %arg9[%parallel_loop3A_118, %parallel_loop3A_88], %parallel_loop3A_115 : memref<64x129xf32, #tpu.memory_space<vmem>>[vector<16xi32>, vector<16xi32>], vector<16xf32>,
        %parallel_loop3A_119 = arith.index_cast %parallel_loop3A_83 : i32 to index
        %parallel_loop3A_120 = arith.constant 48 : index
        %parallel_loop3A_121 = tpu.vector_load %arg6[%parallel_loop3A_119, %parallel_loop3A_120] {strides = array<i32>} : memref<520x128xf32, #tpu.memory_space<vmem>>, vector<16xf32>,
        %parallel_loop3A_122 = arith.index_cast %parallel_loop3A_85 : i32 to index
        %parallel_loop3A_123 = arith.constant 112 : index
        %parallel_loop3A_124 = tpu.vector_load %arg6[%parallel_loop3A_122, %parallel_loop3A_123] {strides = array<i32>} : memref<520x128xf32, #tpu.memory_space<vmem>>, vector<16xf32>,
        %parallel_loop3A_125 = arith.addf %parallel_loop3A_121, %parallel_loop3A_124 : vector<16xf32>
        %parallel_loop3A_126 = arith.constant 48 : i32
        %parallel_loop3A_127 = vector.broadcast %parallel_loop3A_126 : i32 to vector<16xi32>
        %parallel_loop3A_128 = arith.addi %iota3A, %parallel_loop3A_127 : vector<16xi32>
        tpu.vector_store_idx %arg9[%parallel_loop3A_128, %parallel_loop3A_88], %parallel_loop3A_125 : memref<64x129xf32, #tpu.memory_space<vmem>>[vector<16xi32>, vector<16xi32>], vector<16xf32>,
        %parallel_loop3A_129 = vector.extract_strided_slice %parallel_loop3A_24 {offsets = [2], sizes = [1], strides = [1]} : vector<16xi32> to vector<1xi32>
        %parallel_loop3A_130 = vector.extract %parallel_loop3A_129[0] : i32 from vector<1xi32>
        %parallel_loop3A_131 = vector.extract_strided_slice %parallel_loop3A_32 {offsets = [2], sizes = [1], strides = [1]} : vector<16xi32> to vector<1xi32>
        %parallel_loop3A_132 = vector.extract %parallel_loop3A_131[0] : i32 from vector<1xi32>
        %parallel_loop3A_133 = arith.constant 2 : i32
        %parallel_loop3A_134 = arith.addi %parallel_loop3A_34, %parallel_loop3A_133 : i32
        %parallel_loop3A_135 = vector.broadcast %parallel_loop3A_134 : i32 to vector<16xi32>
        %parallel_loop3A_136 = arith.index_cast %parallel_loop3A_130 : i32 to index
        %parallel_loop3A_137 = arith.constant 0 : index
        %parallel_loop3A_138 = tpu.vector_load %arg6[%parallel_loop3A_136, %parallel_loop3A_137] {strides = array<i32>} : memref<520x128xf32, #tpu.memory_space<vmem>>, vector<16xf32>,
        %parallel_loop3A_139 = arith.index_cast %parallel_loop3A_132 : i32 to index
        %parallel_loop3A_140 = arith.constant 64 : index
        %parallel_loop3A_141 = tpu.vector_load %arg6[%parallel_loop3A_139, %parallel_loop3A_140] {strides = array<i32>} : memref<520x128xf32, #tpu.memory_space<vmem>>, vector<16xf32>,
        %parallel_loop3A_142 = arith.addf %parallel_loop3A_138, %parallel_loop3A_141 : vector<16xf32>
        %parallel_loop3A_143 = arith.constant 0 : i32
        %parallel_loop3A_144 = vector.broadcast %parallel_loop3A_143 : i32 to vector<16xi32>
        %parallel_loop3A_145 = arith.addi %iota3A, %parallel_loop3A_144 : vector<16xi32>
        tpu.vector_store_idx %arg9[%parallel_loop3A_145, %parallel_loop3A_135], %parallel_loop3A_142 : memref<64x129xf32, #tpu.memory_space<vmem>>[vector<16xi32>, vector<16xi32>], vector<16xf32>,
        %parallel_loop3A_146 = arith.index_cast %parallel_loop3A_130 : i32 to index
        %parallel_loop3A_147 = arith.constant 16 : index
        %parallel_loop3A_148 = tpu.vector_load %arg6[%parallel_loop3A_146, %parallel_loop3A_147] {strides = array<i32>} : memref<520x128xf32, #tpu.memory_space<vmem>>, vector<16xf32>,
        %parallel_loop3A_149 = arith.index_cast %parallel_loop3A_132 : i32 to index
        %parallel_loop3A_150 = arith.constant 80 : index
        %parallel_loop3A_151 = tpu.vector_load %arg6[%parallel_loop3A_149, %parallel_loop3A_150] {strides = array<i32>} : memref<520x128xf32, #tpu.memory_space<vmem>>, vector<16xf32>,
        %parallel_loop3A_152 = arith.addf %parallel_loop3A_148, %parallel_loop3A_151 : vector<16xf32>
        %parallel_loop3A_153 = arith.constant 16 : i32
        %parallel_loop3A_154 = vector.broadcast %parallel_loop3A_153 : i32 to vector<16xi32>
        %parallel_loop3A_155 = arith.addi %iota3A, %parallel_loop3A_154 : vector<16xi32>
        tpu.vector_store_idx %arg9[%parallel_loop3A_155, %parallel_loop3A_135], %parallel_loop3A_152 : memref<64x129xf32, #tpu.memory_space<vmem>>[vector<16xi32>, vector<16xi32>], vector<16xf32>,
        %parallel_loop3A_156 = arith.index_cast %parallel_loop3A_130 : i32 to index
        %parallel_loop3A_157 = arith.constant 32 : index
        %parallel_loop3A_158 = tpu.vector_load %arg6[%parallel_loop3A_156, %parallel_loop3A_157] {strides = array<i32>} : memref<520x128xf32, #tpu.memory_space<vmem>>, vector<16xf32>,
        %parallel_loop3A_159 = arith.index_cast %parallel_loop3A_132 : i32 to index
        %parallel_loop3A_160 = arith.constant 96 : index
        %parallel_loop3A_161 = tpu.vector_load %arg6[%parallel_loop3A_159, %parallel_loop3A_160] {strides = array<i32>} : memref<520x128xf32, #tpu.memory_space<vmem>>, vector<16xf32>,
        %parallel_loop3A_162 = arith.addf %parallel_loop3A_158, %parallel_loop3A_161 : vector<16xf32>
        %parallel_loop3A_163 = arith.constant 32 : i32
        %parallel_loop3A_164 = vector.broadcast %parallel_loop3A_163 : i32 to vector<16xi32>
        %parallel_loop3A_165 = arith.addi %iota3A, %parallel_loop3A_164 : vector<16xi32>
        tpu.vector_store_idx %arg9[%parallel_loop3A_165, %parallel_loop3A_135], %parallel_loop3A_162 : memref<64x129xf32, #tpu.memory_space<vmem>>[vector<16xi32>, vector<16xi32>], vector<16xf32>,
        %parallel_loop3A_166 = arith.index_cast %parallel_loop3A_130 : i32 to index
        %parallel_loop3A_167 = arith.constant 48 : index
        %parallel_loop3A_168 = tpu.vector_load %arg6[%parallel_loop3A_166, %parallel_loop3A_167] {strides = array<i32>} : memref<520x128xf32, #tpu.memory_space<vmem>>, vector<16xf32>,
        %parallel_loop3A_169 = arith.index_cast %parallel_loop3A_132 : i32 to index
        %parallel_loop3A_170 = arith.constant 112 : index
        %parallel_loop3A_171 = tpu.vector_load %arg6[%parallel_loop3A_169, %parallel_loop3A_170] {strides = array<i32>} : memref<520x128xf32, #tpu.memory_space<vmem>>, vector<16xf32>,
        %parallel_loop3A_172 = arith.addf %parallel_loop3A_168, %parallel_loop3A_171 : vector<16xf32>
        %parallel_loop3A_173 = arith.constant 48 : i32
        %parallel_loop3A_174 = vector.broadcast %parallel_loop3A_173 : i32 to vector<16xi32>
        %parallel_loop3A_175 = arith.addi %iota3A, %parallel_loop3A_174 : vector<16xi32>
        tpu.vector_store_idx %arg9[%parallel_loop3A_175, %parallel_loop3A_135], %parallel_loop3A_172 : memref<64x129xf32, #tpu.memory_space<vmem>>[vector<16xi32>, vector<16xi32>], vector<16xf32>,
        %parallel_loop3A_176 = vector.extract_strided_slice %parallel_loop3A_24 {offsets = [3], sizes = [1], strides = [1]} : vector<16xi32> to vector<1xi32>
        %parallel_loop3A_177 = vector.extract %parallel_loop3A_176[0] : i32 from vector<1xi32>
        %parallel_loop3A_178 = vector.extract_strided_slice %parallel_loop3A_32 {offsets = [3], sizes = [1], strides = [1]} : vector<16xi32> to vector<1xi32>
        %parallel_loop3A_179 = vector.extract %parallel_loop3A_178[0] : i32 from vector<1xi32>
        %parallel_loop3A_180 = arith.constant 3 : i32
        %parallel_loop3A_181 = arith.addi %parallel_loop3A_34, %parallel_loop3A_180 : i32
        %parallel_loop3A_182 = vector.broadcast %parallel_loop3A_181 : i32 to vector<16xi32>
        %parallel_loop3A_183 = arith.index_cast %parallel_loop3A_177 : i32 to index
        %parallel_loop3A_184 = arith.constant 0 : index
        %parallel_loop3A_185 = tpu.vector_load %arg6[%parallel_loop3A_183, %parallel_loop3A_184] {strides = array<i32>} : memref<520x128xf32, #tpu.memory_space<vmem>>, vector<16xf32>,
        %parallel_loop3A_186 = arith.index_cast %parallel_loop3A_179 : i32 to index
        %parallel_loop3A_187 = arith.constant 64 : index
        %parallel_loop3A_188 = tpu.vector_load %arg6[%parallel_loop3A_186, %parallel_loop3A_187] {strides = array<i32>} : memref<520x128xf32, #tpu.memory_space<vmem>>, vector<16xf32>,
        %parallel_loop3A_189 = arith.addf %parallel_loop3A_185, %parallel_loop3A_188 : vector<16xf32>
        %parallel_loop3A_190 = arith.constant 0 : i32
        %parallel_loop3A_191 = vector.broadcast %parallel_loop3A_190 : i32 to vector<16xi32>
        %parallel_loop3A_192 = arith.addi %iota3A, %parallel_loop3A_191 : vector<16xi32>
        tpu.vector_store_idx %arg9[%parallel_loop3A_192, %parallel_loop3A_182], %parallel_loop3A_189 : memref<64x129xf32, #tpu.memory_space<vmem>>[vector<16xi32>, vector<16xi32>], vector<16xf32>,
        %parallel_loop3A_193 = arith.index_cast %parallel_loop3A_177 : i32 to index
        %parallel_loop3A_194 = arith.constant 16 : index
        %parallel_loop3A_195 = tpu.vector_load %arg6[%parallel_loop3A_193, %parallel_loop3A_194] {strides = array<i32>} : memref<520x128xf32, #tpu.memory_space<vmem>>, vector<16xf32>,
        %parallel_loop3A_196 = arith.index_cast %parallel_loop3A_179 : i32 to index
        %parallel_loop3A_197 = arith.constant 80 : index
        %parallel_loop3A_198 = tpu.vector_load %arg6[%parallel_loop3A_196, %parallel_loop3A_197] {strides = array<i32>} : memref<520x128xf32, #tpu.memory_space<vmem>>, vector<16xf32>,
        %parallel_loop3A_199 = arith.addf %parallel_loop3A_195, %parallel_loop3A_198 : vector<16xf32>
        %parallel_loop3A_200 = arith.constant 16 : i32
        %parallel_loop3A_201 = vector.broadcast %parallel_loop3A_200 : i32 to vector<16xi32>
        %parallel_loop3A_202 = arith.addi %iota3A, %parallel_loop3A_201 : vector<16xi32>
        tpu.vector_store_idx %arg9[%parallel_loop3A_202, %parallel_loop3A_182], %parallel_loop3A_199 : memref<64x129xf32, #tpu.memory_space<vmem>>[vector<16xi32>, vector<16xi32>], vector<16xf32>,
        %parallel_loop3A_203 = arith.index_cast %parallel_loop3A_177 : i32 to index
        %parallel_loop3A_204 = arith.constant 32 : index
        %parallel_loop3A_205 = tpu.vector_load %arg6[%parallel_loop3A_203, %parallel_loop3A_204] {strides = array<i32>} : memref<520x128xf32, #tpu.memory_space<vmem>>, vector<16xf32>,
        %parallel_loop3A_206 = arith.index_cast %parallel_loop3A_179 : i32 to index
        %parallel_loop3A_207 = arith.constant 96 : index
        %parallel_loop3A_208 = tpu.vector_load %arg6[%parallel_loop3A_206, %parallel_loop3A_207] {strides = array<i32>} : memref<520x128xf32, #tpu.memory_space<vmem>>, vector<16xf32>,
        %parallel_loop3A_209 = arith.addf %parallel_loop3A_205, %parallel_loop3A_208 : vector<16xf32>
        %parallel_loop3A_210 = arith.constant 32 : i32
        %parallel_loop3A_211 = vector.broadcast %parallel_loop3A_210 : i32 to vector<16xi32>
        %parallel_loop3A_212 = arith.addi %iota3A, %parallel_loop3A_211 : vector<16xi32>
        tpu.vector_store_idx %arg9[%parallel_loop3A_212, %parallel_loop3A_182], %parallel_loop3A_209 : memref<64x129xf32, #tpu.memory_space<vmem>>[vector<16xi32>, vector<16xi32>], vector<16xf32>,
        %parallel_loop3A_213 = arith.index_cast %parallel_loop3A_177 : i32 to index
        %parallel_loop3A_214 = arith.constant 48 : index
        %parallel_loop3A_215 = tpu.vector_load %arg6[%parallel_loop3A_213, %parallel_loop3A_214] {strides = array<i32>} : memref<520x128xf32, #tpu.memory_space<vmem>>, vector<16xf32>,
        %parallel_loop3A_216 = arith.index_cast %parallel_loop3A_179 : i32 to index
        %parallel_loop3A_217 = arith.constant 112 : index
        %parallel_loop3A_218 = tpu.vector_load %arg6[%parallel_loop3A_216, %parallel_loop3A_217] {strides = array<i32>} : memref<520x128xf32, #tpu.memory_space<vmem>>, vector<16xf32>,
        %parallel_loop3A_219 = arith.addf %parallel_loop3A_215, %parallel_loop3A_218 : vector<16xf32>
        %parallel_loop3A_220 = arith.constant 48 : i32
        %parallel_loop3A_221 = vector.broadcast %parallel_loop3A_220 : i32 to vector<16xi32>
        %parallel_loop3A_222 = arith.addi %iota3A, %parallel_loop3A_221 : vector<16xi32>
        tpu.vector_store_idx %arg9[%parallel_loop3A_222, %parallel_loop3A_182], %parallel_loop3A_219 : memref<64x129xf32, #tpu.memory_space<vmem>>[vector<16xi32>, vector<16xi32>], vector<16xf32>,
        %parallel_loop3A_223 = vector.extract_strided_slice %parallel_loop3A_24 {offsets = [4], sizes = [1], strides = [1]} : vector<16xi32> to vector<1xi32>
        %parallel_loop3A_224 = vector.extract %parallel_loop3A_223[0] : i32 from vector<1xi32>
        %parallel_loop3A_225 = vector.extract_strided_slice %parallel_loop3A_32 {offsets = [4], sizes = [1], strides = [1]} : vector<16xi32> to vector<1xi32>
        %parallel_loop3A_226 = vector.extract %parallel_loop3A_225[0] : i32 from vector<1xi32>
        %parallel_loop3A_227 = arith.constant 4 : i32
        %parallel_loop3A_228 = arith.addi %parallel_loop3A_34, %parallel_loop3A_227 : i32
        %parallel_loop3A_229 = vector.broadcast %parallel_loop3A_228 : i32 to vector<16xi32>
        %parallel_loop3A_230 = arith.index_cast %parallel_loop3A_224 : i32 to index
        %parallel_loop3A_231 = arith.constant 0 : index
        %parallel_loop3A_232 = tpu.vector_load %arg6[%parallel_loop3A_230, %parallel_loop3A_231] {strides = array<i32>} : memref<520x128xf32, #tpu.memory_space<vmem>>, vector<16xf32>,
        %parallel_loop3A_233 = arith.index_cast %parallel_loop3A_226 : i32 to index
        %parallel_loop3A_234 = arith.constant 64 : index
        %parallel_loop3A_235 = tpu.vector_load %arg6[%parallel_loop3A_233, %parallel_loop3A_234] {strides = array<i32>} : memref<520x128xf32, #tpu.memory_space<vmem>>, vector<16xf32>,
        %parallel_loop3A_236 = arith.addf %parallel_loop3A_232, %parallel_loop3A_235 : vector<16xf32>
        %parallel_loop3A_237 = arith.constant 0 : i32
        %parallel_loop3A_238 = vector.broadcast %parallel_loop3A_237 : i32 to vector<16xi32>
        %parallel_loop3A_239 = arith.addi %iota3A, %parallel_loop3A_238 : vector<16xi32>
        tpu.vector_store_idx %arg9[%parallel_loop3A_239, %parallel_loop3A_229], %parallel_loop3A_236 : memref<64x129xf32, #tpu.memory_space<vmem>>[vector<16xi32>, vector<16xi32>], vector<16xf32>,
        %parallel_loop3A_240 = arith.index_cast %parallel_loop3A_224 : i32 to index
        %parallel_loop3A_241 = arith.constant 16 : index
        %parallel_loop3A_242 = tpu.vector_load %arg6[%parallel_loop3A_240, %parallel_loop3A_241] {strides = array<i32>} : memref<520x128xf32, #tpu.memory_space<vmem>>, vector<16xf32>,
        %parallel_loop3A_243 = arith.index_cast %parallel_loop3A_226 : i32 to index
        %parallel_loop3A_244 = arith.constant 80 : index
        %parallel_loop3A_245 = tpu.vector_load %arg6[%parallel_loop3A_243, %parallel_loop3A_244] {strides = array<i32>} : memref<520x128xf32, #tpu.memory_space<vmem>>, vector<16xf32>,
        %parallel_loop3A_246 = arith.addf %parallel_loop3A_242, %parallel_loop3A_245 : vector<16xf32>
        %parallel_loop3A_247 = arith.constant 16 : i32
        %parallel_loop3A_248 = vector.broadcast %parallel_loop3A_247 : i32 to vector<16xi32>
        %parallel_loop3A_249 = arith.addi %iota3A, %parallel_loop3A_248 : vector<16xi32>
        tpu.vector_store_idx %arg9[%parallel_loop3A_249, %parallel_loop3A_229], %parallel_loop3A_246 : memref<64x129xf32, #tpu.memory_space<vmem>>[vector<16xi32>, vector<16xi32>], vector<16xf32>,
        %parallel_loop3A_250 = arith.index_cast %parallel_loop3A_224 : i32 to index
        %parallel_loop3A_251 = arith.constant 32 : index
        %parallel_loop3A_252 = tpu.vector_load %arg6[%parallel_loop3A_250, %parallel_loop3A_251] {strides = array<i32>} : memref<520x128xf32, #tpu.memory_space<vmem>>, vector<16xf32>,
        %parallel_loop3A_253 = arith.index_cast %parallel_loop3A_226 : i32 to index
        %parallel_loop3A_254 = arith.constant 96 : index
        %parallel_loop3A_255 = tpu.vector_load %arg6[%parallel_loop3A_253, %parallel_loop3A_254] {strides = array<i32>} : memref<520x128xf32, #tpu.memory_space<vmem>>, vector<16xf32>,
        %parallel_loop3A_256 = arith.addf %parallel_loop3A_252, %parallel_loop3A_255 : vector<16xf32>
        %parallel_loop3A_257 = arith.constant 32 : i32
        %parallel_loop3A_258 = vector.broadcast %parallel_loop3A_257 : i32 to vector<16xi32>
        %parallel_loop3A_259 = arith.addi %iota3A, %parallel_loop3A_258 : vector<16xi32>
        tpu.vector_store_idx %arg9[%parallel_loop3A_259, %parallel_loop3A_229], %parallel_loop3A_256 : memref<64x129xf32, #tpu.memory_space<vmem>>[vector<16xi32>, vector<16xi32>], vector<16xf32>,
        %parallel_loop3A_260 = arith.index_cast %parallel_loop3A_224 : i32 to index
        %parallel_loop3A_261 = arith.constant 48 : index
        %parallel_loop3A_262 = tpu.vector_load %arg6[%parallel_loop3A_260, %parallel_loop3A_261] {strides = array<i32>} : memref<520x128xf32, #tpu.memory_space<vmem>>, vector<16xf32>,
        %parallel_loop3A_263 = arith.index_cast %parallel_loop3A_226 : i32 to index
        %parallel_loop3A_264 = arith.constant 112 : index
        %parallel_loop3A_265 = tpu.vector_load %arg6[%parallel_loop3A_263, %parallel_loop3A_264] {strides = array<i32>} : memref<520x128xf32, #tpu.memory_space<vmem>>, vector<16xf32>,
        %parallel_loop3A_266 = arith.addf %parallel_loop3A_262, %parallel_loop3A_265 : vector<16xf32>
        %parallel_loop3A_267 = arith.constant 48 : i32
        %parallel_loop3A_268 = vector.broadcast %parallel_loop3A_267 : i32 to vector<16xi32>
        %parallel_loop3A_269 = arith.addi %iota3A, %parallel_loop3A_268 : vector<16xi32>
        tpu.vector_store_idx %arg9[%parallel_loop3A_269, %parallel_loop3A_229], %parallel_loop3A_266 : memref<64x129xf32, #tpu.memory_space<vmem>>[vector<16xi32>, vector<16xi32>], vector<16xf32>,
        %parallel_loop3A_270 = vector.extract_strided_slice %parallel_loop3A_24 {offsets = [5], sizes = [1], strides = [1]} : vector<16xi32> to vector<1xi32>
        %parallel_loop3A_271 = vector.extract %parallel_loop3A_270[0] : i32 from vector<1xi32>
        %parallel_loop3A_272 = vector.extract_strided_slice %parallel_loop3A_32 {offsets = [5], sizes = [1], strides = [1]} : vector<16xi32> to vector<1xi32>
        %parallel_loop3A_273 = vector.extract %parallel_loop3A_272[0] : i32 from vector<1xi32>
        %parallel_loop3A_274 = arith.constant 5 : i32
        %parallel_loop3A_275 = arith.addi %parallel_loop3A_34, %parallel_loop3A_274 : i32
        %parallel_loop3A_276 = vector.broadcast %parallel_loop3A_275 : i32 to vector<16xi32>
        %parallel_loop3A_277 = arith.index_cast %parallel_loop3A_271 : i32 to index
        %parallel_loop3A_278 = arith.constant 0 : index
        %parallel_loop3A_279 = tpu.vector_load %arg6[%parallel_loop3A_277, %parallel_loop3A_278] {strides = array<i32>} : memref<520x128xf32, #tpu.memory_space<vmem>>, vector<16xf32>,
        %parallel_loop3A_280 = arith.index_cast %parallel_loop3A_273 : i32 to index
        %parallel_loop3A_281 = arith.constant 64 : index
        %parallel_loop3A_282 = tpu.vector_load %arg6[%parallel_loop3A_280, %parallel_loop3A_281] {strides = array<i32>} : memref<520x128xf32, #tpu.memory_space<vmem>>, vector<16xf32>,
        %parallel_loop3A_283 = arith.addf %parallel_loop3A_279, %parallel_loop3A_282 : vector<16xf32>
        %parallel_loop3A_284 = arith.constant 0 : i32
        %parallel_loop3A_285 = vector.broadcast %parallel_loop3A_284 : i32 to vector<16xi32>
        %parallel_loop3A_286 = arith.addi %iota3A, %parallel_loop3A_285 : vector<16xi32>
        tpu.vector_store_idx %arg9[%parallel_loop3A_286, %parallel_loop3A_276], %parallel_loop3A_283 : memref<64x129xf32, #tpu.memory_space<vmem>>[vector<16xi32>, vector<16xi32>], vector<16xf32>,
        %parallel_loop3A_287 = arith.index_cast %parallel_loop3A_271 : i32 to index
        %parallel_loop3A_288 = arith.constant 16 : index
        %parallel_loop3A_289 = tpu.vector_load %arg6[%parallel_loop3A_287, %parallel_loop3A_288] {strides = array<i32>} : memref<520x128xf32, #tpu.memory_space<vmem>>, vector<16xf32>,
        %parallel_loop3A_290 = arith.index_cast %parallel_loop3A_273 : i32 to index
        %parallel_loop3A_291 = arith.constant 80 : index
        %parallel_loop3A_292 = tpu.vector_load %arg6[%parallel_loop3A_290, %parallel_loop3A_291] {strides = array<i32>} : memref<520x128xf32, #tpu.memory_space<vmem>>, vector<16xf32>,
        %parallel_loop3A_293 = arith.addf %parallel_loop3A_289, %parallel_loop3A_292 : vector<16xf32>
        %parallel_loop3A_294 = arith.constant 16 : i32
        %parallel_loop3A_295 = vector.broadcast %parallel_loop3A_294 : i32 to vector<16xi32>
        %parallel_loop3A_296 = arith.addi %iota3A, %parallel_loop3A_295 : vector<16xi32>
        tpu.vector_store_idx %arg9[%parallel_loop3A_296, %parallel_loop3A_276], %parallel_loop3A_293 : memref<64x129xf32, #tpu.memory_space<vmem>>[vector<16xi32>, vector<16xi32>], vector<16xf32>,
        %parallel_loop3A_297 = arith.index_cast %parallel_loop3A_271 : i32 to index
        %parallel_loop3A_298 = arith.constant 32 : index
        %parallel_loop3A_299 = tpu.vector_load %arg6[%parallel_loop3A_297, %parallel_loop3A_298] {strides = array<i32>} : memref<520x128xf32, #tpu.memory_space<vmem>>, vector<16xf32>,
        %parallel_loop3A_300 = arith.index_cast %parallel_loop3A_273 : i32 to index
        %parallel_loop3A_301 = arith.constant 96 : index
        %parallel_loop3A_302 = tpu.vector_load %arg6[%parallel_loop3A_300, %parallel_loop3A_301] {strides = array<i32>} : memref<520x128xf32, #tpu.memory_space<vmem>>, vector<16xf32>,
        %parallel_loop3A_303 = arith.addf %parallel_loop3A_299, %parallel_loop3A_302 : vector<16xf32>
        %parallel_loop3A_304 = arith.constant 32 : i32
        %parallel_loop3A_305 = vector.broadcast %parallel_loop3A_304 : i32 to vector<16xi32>
        %parallel_loop3A_306 = arith.addi %iota3A, %parallel_loop3A_305 : vector<16xi32>
        tpu.vector_store_idx %arg9[%parallel_loop3A_306, %parallel_loop3A_276], %parallel_loop3A_303 : memref<64x129xf32, #tpu.memory_space<vmem>>[vector<16xi32>, vector<16xi32>], vector<16xf32>,
        %parallel_loop3A_307 = arith.index_cast %parallel_loop3A_271 : i32 to index
        %parallel_loop3A_308 = arith.constant 48 : index
        %parallel_loop3A_309 = tpu.vector_load %arg6[%parallel_loop3A_307, %parallel_loop3A_308] {strides = array<i32>} : memref<520x128xf32, #tpu.memory_space<vmem>>, vector<16xf32>,
        %parallel_loop3A_310 = arith.index_cast %parallel_loop3A_273 : i32 to index
        %parallel_loop3A_311 = arith.constant 112 : index
        %parallel_loop3A_312 = tpu.vector_load %arg6[%parallel_loop3A_310, %parallel_loop3A_311] {strides = array<i32>} : memref<520x128xf32, #tpu.memory_space<vmem>>, vector<16xf32>,
        %parallel_loop3A_313 = arith.addf %parallel_loop3A_309, %parallel_loop3A_312 : vector<16xf32>
        %parallel_loop3A_314 = arith.constant 48 : i32
        %parallel_loop3A_315 = vector.broadcast %parallel_loop3A_314 : i32 to vector<16xi32>
        %parallel_loop3A_316 = arith.addi %iota3A, %parallel_loop3A_315 : vector<16xi32>
        tpu.vector_store_idx %arg9[%parallel_loop3A_316, %parallel_loop3A_276], %parallel_loop3A_313 : memref<64x129xf32, #tpu.memory_space<vmem>>[vector<16xi32>, vector<16xi32>], vector<16xf32>,
        %parallel_loop3A_317 = vector.extract_strided_slice %parallel_loop3A_24 {offsets = [6], sizes = [1], strides = [1]} : vector<16xi32> to vector<1xi32>
        %parallel_loop3A_318 = vector.extract %parallel_loop3A_317[0] : i32 from vector<1xi32>
        %parallel_loop3A_319 = vector.extract_strided_slice %parallel_loop3A_32 {offsets = [6], sizes = [1], strides = [1]} : vector<16xi32> to vector<1xi32>
        %parallel_loop3A_320 = vector.extract %parallel_loop3A_319[0] : i32 from vector<1xi32>
        %parallel_loop3A_321 = arith.constant 6 : i32
        %parallel_loop3A_322 = arith.addi %parallel_loop3A_34, %parallel_loop3A_321 : i32
        %parallel_loop3A_323 = vector.broadcast %parallel_loop3A_322 : i32 to vector<16xi32>
        %parallel_loop3A_324 = arith.index_cast %parallel_loop3A_318 : i32 to index
        %parallel_loop3A_325 = arith.constant 0 : index
        %parallel_loop3A_326 = tpu.vector_load %arg6[%parallel_loop3A_324, %parallel_loop3A_325] {strides = array<i32>} : memref<520x128xf32, #tpu.memory_space<vmem>>, vector<16xf32>,
        %parallel_loop3A_327 = arith.index_cast %parallel_loop3A_320 : i32 to index
        %parallel_loop3A_328 = arith.constant 64 : index
        %parallel_loop3A_329 = tpu.vector_load %arg6[%parallel_loop3A_327, %parallel_loop3A_328] {strides = array<i32>} : memref<520x128xf32, #tpu.memory_space<vmem>>, vector<16xf32>,
        %parallel_loop3A_330 = arith.addf %parallel_loop3A_326, %parallel_loop3A_329 : vector<16xf32>
        %parallel_loop3A_331 = arith.constant 0 : i32
        %parallel_loop3A_332 = vector.broadcast %parallel_loop3A_331 : i32 to vector<16xi32>
        %parallel_loop3A_333 = arith.addi %iota3A, %parallel_loop3A_332 : vector<16xi32>
        tpu.vector_store_idx %arg9[%parallel_loop3A_333, %parallel_loop3A_323], %parallel_loop3A_330 : memref<64x129xf32, #tpu.memory_space<vmem>>[vector<16xi32>, vector<16xi32>], vector<16xf32>,
        %parallel_loop3A_334 = arith.index_cast %parallel_loop3A_318 : i32 to index
        %parallel_loop3A_335 = arith.constant 16 : index
        %parallel_loop3A_336 = tpu.vector_load %arg6[%parallel_loop3A_334, %parallel_loop3A_335] {strides = array<i32>} : memref<520x128xf32, #tpu.memory_space<vmem>>, vector<16xf32>,
        %parallel_loop3A_337 = arith.index_cast %parallel_loop3A_320 : i32 to index
        %parallel_loop3A_338 = arith.constant 80 : index
        %parallel_loop3A_339 = tpu.vector_load %arg6[%parallel_loop3A_337, %parallel_loop3A_338] {strides = array<i32>} : memref<520x128xf32, #tpu.memory_space<vmem>>, vector<16xf32>,
        %parallel_loop3A_340 = arith.addf %parallel_loop3A_336, %parallel_loop3A_339 : vector<16xf32>
        %parallel_loop3A_341 = arith.constant 16 : i32
        %parallel_loop3A_342 = vector.broadcast %parallel_loop3A_341 : i32 to vector<16xi32>
        %parallel_loop3A_343 = arith.addi %iota3A, %parallel_loop3A_342 : vector<16xi32>
        tpu.vector_store_idx %arg9[%parallel_loop3A_343, %parallel_loop3A_323], %parallel_loop3A_340 : memref<64x129xf32, #tpu.memory_space<vmem>>[vector<16xi32>, vector<16xi32>], vector<16xf32>,
        %parallel_loop3A_344 = arith.index_cast %parallel_loop3A_318 : i32 to index
        %parallel_loop3A_345 = arith.constant 32 : index
        %parallel_loop3A_346 = tpu.vector_load %arg6[%parallel_loop3A_344, %parallel_loop3A_345] {strides = array<i32>} : memref<520x128xf32, #tpu.memory_space<vmem>>, vector<16xf32>,
        %parallel_loop3A_347 = arith.index_cast %parallel_loop3A_320 : i32 to index
        %parallel_loop3A_348 = arith.constant 96 : index
        %parallel_loop3A_349 = tpu.vector_load %arg6[%parallel_loop3A_347, %parallel_loop3A_348] {strides = array<i32>} : memref<520x128xf32, #tpu.memory_space<vmem>>, vector<16xf32>,
        %parallel_loop3A_350 = arith.addf %parallel_loop3A_346, %parallel_loop3A_349 : vector<16xf32>
        %parallel_loop3A_351 = arith.constant 32 : i32
        %parallel_loop3A_352 = vector.broadcast %parallel_loop3A_351 : i32 to vector<16xi32>
        %parallel_loop3A_353 = arith.addi %iota3A, %parallel_loop3A_352 : vector<16xi32>
        tpu.vector_store_idx %arg9[%parallel_loop3A_353, %parallel_loop3A_323], %parallel_loop3A_350 : memref<64x129xf32, #tpu.memory_space<vmem>>[vector<16xi32>, vector<16xi32>], vector<16xf32>,
        %parallel_loop3A_354 = arith.index_cast %parallel_loop3A_318 : i32 to index
        %parallel_loop3A_355 = arith.constant 48 : index
        %parallel_loop3A_356 = tpu.vector_load %arg6[%parallel_loop3A_354, %parallel_loop3A_355] {strides = array<i32>} : memref<520x128xf32, #tpu.memory_space<vmem>>, vector<16xf32>,
        %parallel_loop3A_357 = arith.index_cast %parallel_loop3A_320 : i32 to index
        %parallel_loop3A_358 = arith.constant 112 : index
        %parallel_loop3A_359 = tpu.vector_load %arg6[%parallel_loop3A_357, %parallel_loop3A_358] {strides = array<i32>} : memref<520x128xf32, #tpu.memory_space<vmem>>, vector<16xf32>,
        %parallel_loop3A_360 = arith.addf %parallel_loop3A_356, %parallel_loop3A_359 : vector<16xf32>
        %parallel_loop3A_361 = arith.constant 48 : i32
        %parallel_loop3A_362 = vector.broadcast %parallel_loop3A_361 : i32 to vector<16xi32>
        %parallel_loop3A_363 = arith.addi %iota3A, %parallel_loop3A_362 : vector<16xi32>
        tpu.vector_store_idx %arg9[%parallel_loop3A_363, %parallel_loop3A_323], %parallel_loop3A_360 : memref<64x129xf32, #tpu.memory_space<vmem>>[vector<16xi32>, vector<16xi32>], vector<16xf32>,
        %parallel_loop3A_364 = vector.extract_strided_slice %parallel_loop3A_24 {offsets = [7], sizes = [1], strides = [1]} : vector<16xi32> to vector<1xi32>
        %parallel_loop3A_365 = vector.extract %parallel_loop3A_364[0] : i32 from vector<1xi32>
        %parallel_loop3A_366 = vector.extract_strided_slice %parallel_loop3A_32 {offsets = [7], sizes = [1], strides = [1]} : vector<16xi32> to vector<1xi32>
        %parallel_loop3A_367 = vector.extract %parallel_loop3A_366[0] : i32 from vector<1xi32>
        %parallel_loop3A_368 = arith.constant 7 : i32
        %parallel_loop3A_369 = arith.addi %parallel_loop3A_34, %parallel_loop3A_368 : i32
        %parallel_loop3A_370 = vector.broadcast %parallel_loop3A_369 : i32 to vector<16xi32>
        %parallel_loop3A_371 = arith.index_cast %parallel_loop3A_365 : i32 to index
        %parallel_loop3A_372 = arith.constant 0 : index
        %parallel_loop3A_373 = tpu.vector_load %arg6[%parallel_loop3A_371, %parallel_loop3A_372] {strides = array<i32>} : memref<520x128xf32, #tpu.memory_space<vmem>>, vector<16xf32>,
        %parallel_loop3A_374 = arith.index_cast %parallel_loop3A_367 : i32 to index
        %parallel_loop3A_375 = arith.constant 64 : index
        %parallel_loop3A_376 = tpu.vector_load %arg6[%parallel_loop3A_374, %parallel_loop3A_375] {strides = array<i32>} : memref<520x128xf32, #tpu.memory_space<vmem>>, vector<16xf32>,
        %parallel_loop3A_377 = arith.addf %parallel_loop3A_373, %parallel_loop3A_376 : vector<16xf32>
        %parallel_loop3A_378 = arith.constant 0 : i32
        %parallel_loop3A_379 = vector.broadcast %parallel_loop3A_378 : i32 to vector<16xi32>
        %parallel_loop3A_380 = arith.addi %iota3A, %parallel_loop3A_379 : vector<16xi32>
        tpu.vector_store_idx %arg9[%parallel_loop3A_380, %parallel_loop3A_370], %parallel_loop3A_377 : memref<64x129xf32, #tpu.memory_space<vmem>>[vector<16xi32>, vector<16xi32>], vector<16xf32>,
        %parallel_loop3A_381 = arith.index_cast %parallel_loop3A_365 : i32 to index
        %parallel_loop3A_382 = arith.constant 16 : index
        %parallel_loop3A_383 = tpu.vector_load %arg6[%parallel_loop3A_381, %parallel_loop3A_382] {strides = array<i32>} : memref<520x128xf32, #tpu.memory_space<vmem>>, vector<16xf32>,
        %parallel_loop3A_384 = arith.index_cast %parallel_loop3A_367 : i32 to index
        %parallel_loop3A_385 = arith.constant 80 : index
        %parallel_loop3A_386 = tpu.vector_load %arg6[%parallel_loop3A_384, %parallel_loop3A_385] {strides = array<i32>} : memref<520x128xf32, #tpu.memory_space<vmem>>, vector<16xf32>,
        %parallel_loop3A_387 = arith.addf %parallel_loop3A_383, %parallel_loop3A_386 : vector<16xf32>
        %parallel_loop3A_388 = arith.constant 16 : i32
        %parallel_loop3A_389 = vector.broadcast %parallel_loop3A_388 : i32 to vector<16xi32>
        %parallel_loop3A_390 = arith.addi %iota3A, %parallel_loop3A_389 : vector<16xi32>
        tpu.vector_store_idx %arg9[%parallel_loop3A_390, %parallel_loop3A_370], %parallel_loop3A_387 : memref<64x129xf32, #tpu.memory_space<vmem>>[vector<16xi32>, vector<16xi32>], vector<16xf32>,
        %parallel_loop3A_391 = arith.index_cast %parallel_loop3A_365 : i32 to index
        %parallel_loop3A_392 = arith.constant 32 : index
        %parallel_loop3A_393 = tpu.vector_load %arg6[%parallel_loop3A_391, %parallel_loop3A_392] {strides = array<i32>} : memref<520x128xf32, #tpu.memory_space<vmem>>, vector<16xf32>,
        %parallel_loop3A_394 = arith.index_cast %parallel_loop3A_367 : i32 to index
        %parallel_loop3A_395 = arith.constant 96 : index
        %parallel_loop3A_396 = tpu.vector_load %arg6[%parallel_loop3A_394, %parallel_loop3A_395] {strides = array<i32>} : memref<520x128xf32, #tpu.memory_space<vmem>>, vector<16xf32>,
        %parallel_loop3A_397 = arith.addf %parallel_loop3A_393, %parallel_loop3A_396 : vector<16xf32>
        %parallel_loop3A_398 = arith.constant 32 : i32
        %parallel_loop3A_399 = vector.broadcast %parallel_loop3A_398 : i32 to vector<16xi32>
        %parallel_loop3A_400 = arith.addi %iota3A, %parallel_loop3A_399 : vector<16xi32>
        tpu.vector_store_idx %arg9[%parallel_loop3A_400, %parallel_loop3A_370], %parallel_loop3A_397 : memref<64x129xf32, #tpu.memory_space<vmem>>[vector<16xi32>, vector<16xi32>], vector<16xf32>,
        %parallel_loop3A_401 = arith.index_cast %parallel_loop3A_365 : i32 to index
        %parallel_loop3A_402 = arith.constant 48 : index
        %parallel_loop3A_403 = tpu.vector_load %arg6[%parallel_loop3A_401, %parallel_loop3A_402] {strides = array<i32>} : memref<520x128xf32, #tpu.memory_space<vmem>>, vector<16xf32>,
        %parallel_loop3A_404 = arith.index_cast %parallel_loop3A_367 : i32 to index
        %parallel_loop3A_405 = arith.constant 112 : index
        %parallel_loop3A_406 = tpu.vector_load %arg6[%parallel_loop3A_404, %parallel_loop3A_405] {strides = array<i32>} : memref<520x128xf32, #tpu.memory_space<vmem>>, vector<16xf32>,
        %parallel_loop3A_407 = arith.addf %parallel_loop3A_403, %parallel_loop3A_406 : vector<16xf32>
        %parallel_loop3A_408 = arith.constant 48 : i32
        %parallel_loop3A_409 = vector.broadcast %parallel_loop3A_408 : i32 to vector<16xi32>
        %parallel_loop3A_410 = arith.addi %iota3A, %parallel_loop3A_409 : vector<16xi32>
        tpu.vector_store_idx %arg9[%parallel_loop3A_410, %parallel_loop3A_370], %parallel_loop3A_407 : memref<64x129xf32, #tpu.memory_space<vmem>>[vector<16xi32>, vector<16xi32>], vector<16xf32>,
        %parallel_loop3A_411 = vector.extract_strided_slice %parallel_loop3A_24 {offsets = [8], sizes = [1], strides = [1]} : vector<16xi32> to vector<1xi32>
        %parallel_loop3A_412 = vector.extract %parallel_loop3A_411[0] : i32 from vector<1xi32>
        %parallel_loop3A_413 = vector.extract_strided_slice %parallel_loop3A_32 {offsets = [8], sizes = [1], strides = [1]} : vector<16xi32> to vector<1xi32>
        %parallel_loop3A_414 = vector.extract %parallel_loop3A_413[0] : i32 from vector<1xi32>
        %parallel_loop3A_415 = arith.constant 8 : i32
        %parallel_loop3A_416 = arith.addi %parallel_loop3A_34, %parallel_loop3A_415 : i32
        %parallel_loop3A_417 = vector.broadcast %parallel_loop3A_416 : i32 to vector<16xi32>
        %parallel_loop3A_418 = arith.index_cast %parallel_loop3A_412 : i32 to index
        %parallel_loop3A_419 = arith.constant 0 : index
        %parallel_loop3A_420 = tpu.vector_load %arg6[%parallel_loop3A_418, %parallel_loop3A_419] {strides = array<i32>} : memref<520x128xf32, #tpu.memory_space<vmem>>, vector<16xf32>,
        %parallel_loop3A_421 = arith.index_cast %parallel_loop3A_414 : i32 to index
        %parallel_loop3A_422 = arith.constant 64 : index
        %parallel_loop3A_423 = tpu.vector_load %arg6[%parallel_loop3A_421, %parallel_loop3A_422] {strides = array<i32>} : memref<520x128xf32, #tpu.memory_space<vmem>>, vector<16xf32>,
        %parallel_loop3A_424 = arith.addf %parallel_loop3A_420, %parallel_loop3A_423 : vector<16xf32>
        %parallel_loop3A_425 = arith.constant 0 : i32
        %parallel_loop3A_426 = vector.broadcast %parallel_loop3A_425 : i32 to vector<16xi32>
        %parallel_loop3A_427 = arith.addi %iota3A, %parallel_loop3A_426 : vector<16xi32>
        tpu.vector_store_idx %arg9[%parallel_loop3A_427, %parallel_loop3A_417], %parallel_loop3A_424 : memref<64x129xf32, #tpu.memory_space<vmem>>[vector<16xi32>, vector<16xi32>], vector<16xf32>,
        %parallel_loop3A_428 = arith.index_cast %parallel_loop3A_412 : i32 to index
        %parallel_loop3A_429 = arith.constant 16 : index
        %parallel_loop3A_430 = tpu.vector_load %arg6[%parallel_loop3A_428, %parallel_loop3A_429] {strides = array<i32>} : memref<520x128xf32, #tpu.memory_space<vmem>>, vector<16xf32>,
        %parallel_loop3A_431 = arith.index_cast %parallel_loop3A_414 : i32 to index
        %parallel_loop3A_432 = arith.constant 80 : index
        %parallel_loop3A_433 = tpu.vector_load %arg6[%parallel_loop3A_431, %parallel_loop3A_432] {strides = array<i32>} : memref<520x128xf32, #tpu.memory_space<vmem>>, vector<16xf32>,
        %parallel_loop3A_434 = arith.addf %parallel_loop3A_430, %parallel_loop3A_433 : vector<16xf32>
        %parallel_loop3A_435 = arith.constant 16 : i32
        %parallel_loop3A_436 = vector.broadcast %parallel_loop3A_435 : i32 to vector<16xi32>
        %parallel_loop3A_437 = arith.addi %iota3A, %parallel_loop3A_436 : vector<16xi32>
        tpu.vector_store_idx %arg9[%parallel_loop3A_437, %parallel_loop3A_417], %parallel_loop3A_434 : memref<64x129xf32, #tpu.memory_space<vmem>>[vector<16xi32>, vector<16xi32>], vector<16xf32>,
        %parallel_loop3A_438 = arith.index_cast %parallel_loop3A_412 : i32 to index
        %parallel_loop3A_439 = arith.constant 32 : index
        %parallel_loop3A_440 = tpu.vector_load %arg6[%parallel_loop3A_438, %parallel_loop3A_439] {strides = array<i32>} : memref<520x128xf32, #tpu.memory_space<vmem>>, vector<16xf32>,
        %parallel_loop3A_441 = arith.index_cast %parallel_loop3A_414 : i32 to index
        %parallel_loop3A_442 = arith.constant 96 : index
        %parallel_loop3A_443 = tpu.vector_load %arg6[%parallel_loop3A_441, %parallel_loop3A_442] {strides = array<i32>} : memref<520x128xf32, #tpu.memory_space<vmem>>, vector<16xf32>,
        %parallel_loop3A_444 = arith.addf %parallel_loop3A_440, %parallel_loop3A_443 : vector<16xf32>
        %parallel_loop3A_445 = arith.constant 32 : i32
        %parallel_loop3A_446 = vector.broadcast %parallel_loop3A_445 : i32 to vector<16xi32>
        %parallel_loop3A_447 = arith.addi %iota3A, %parallel_loop3A_446 : vector<16xi32>
        tpu.vector_store_idx %arg9[%parallel_loop3A_447, %parallel_loop3A_417], %parallel_loop3A_444 : memref<64x129xf32, #tpu.memory_space<vmem>>[vector<16xi32>, vector<16xi32>], vector<16xf32>,
        %parallel_loop3A_448 = arith.index_cast %parallel_loop3A_412 : i32 to index
        %parallel_loop3A_449 = arith.constant 48 : index
        %parallel_loop3A_450 = tpu.vector_load %arg6[%parallel_loop3A_448, %parallel_loop3A_449] {strides = array<i32>} : memref<520x128xf32, #tpu.memory_space<vmem>>, vector<16xf32>,
        %parallel_loop3A_451 = arith.index_cast %parallel_loop3A_414 : i32 to index
        %parallel_loop3A_452 = arith.constant 112 : index
        %parallel_loop3A_453 = tpu.vector_load %arg6[%parallel_loop3A_451, %parallel_loop3A_452] {strides = array<i32>} : memref<520x128xf32, #tpu.memory_space<vmem>>, vector<16xf32>,
        %parallel_loop3A_454 = arith.addf %parallel_loop3A_450, %parallel_loop3A_453 : vector<16xf32>
        %parallel_loop3A_455 = arith.constant 48 : i32
        %parallel_loop3A_456 = vector.broadcast %parallel_loop3A_455 : i32 to vector<16xi32>
        %parallel_loop3A_457 = arith.addi %iota3A, %parallel_loop3A_456 : vector<16xi32>
        tpu.vector_store_idx %arg9[%parallel_loop3A_457, %parallel_loop3A_417], %parallel_loop3A_454 : memref<64x129xf32, #tpu.memory_space<vmem>>[vector<16xi32>, vector<16xi32>], vector<16xf32>,
        %parallel_loop3A_458 = vector.extract_strided_slice %parallel_loop3A_24 {offsets = [9], sizes = [1], strides = [1]} : vector<16xi32> to vector<1xi32>
        %parallel_loop3A_459 = vector.extract %parallel_loop3A_458[0] : i32 from vector<1xi32>
        %parallel_loop3A_460 = vector.extract_strided_slice %parallel_loop3A_32 {offsets = [9], sizes = [1], strides = [1]} : vector<16xi32> to vector<1xi32>
        %parallel_loop3A_461 = vector.extract %parallel_loop3A_460[0] : i32 from vector<1xi32>
        %parallel_loop3A_462 = arith.constant 9 : i32
        %parallel_loop3A_463 = arith.addi %parallel_loop3A_34, %parallel_loop3A_462 : i32
        %parallel_loop3A_464 = vector.broadcast %parallel_loop3A_463 : i32 to vector<16xi32>
        %parallel_loop3A_465 = arith.index_cast %parallel_loop3A_459 : i32 to index
        %parallel_loop3A_466 = arith.constant 0 : index
        %parallel_loop3A_467 = tpu.vector_load %arg6[%parallel_loop3A_465, %parallel_loop3A_466] {strides = array<i32>} : memref<520x128xf32, #tpu.memory_space<vmem>>, vector<16xf32>,
        %parallel_loop3A_468 = arith.index_cast %parallel_loop3A_461 : i32 to index
        %parallel_loop3A_469 = arith.constant 64 : index
        %parallel_loop3A_470 = tpu.vector_load %arg6[%parallel_loop3A_468, %parallel_loop3A_469] {strides = array<i32>} : memref<520x128xf32, #tpu.memory_space<vmem>>, vector<16xf32>,
        %parallel_loop3A_471 = arith.addf %parallel_loop3A_467, %parallel_loop3A_470 : vector<16xf32>
        %parallel_loop3A_472 = arith.constant 0 : i32
        %parallel_loop3A_473 = vector.broadcast %parallel_loop3A_472 : i32 to vector<16xi32>
        %parallel_loop3A_474 = arith.addi %iota3A, %parallel_loop3A_473 : vector<16xi32>
        tpu.vector_store_idx %arg9[%parallel_loop3A_474, %parallel_loop3A_464], %parallel_loop3A_471 : memref<64x129xf32, #tpu.memory_space<vmem>>[vector<16xi32>, vector<16xi32>], vector<16xf32>,
        %parallel_loop3A_475 = arith.index_cast %parallel_loop3A_459 : i32 to index
        %parallel_loop3A_476 = arith.constant 16 : index
        %parallel_loop3A_477 = tpu.vector_load %arg6[%parallel_loop3A_475, %parallel_loop3A_476] {strides = array<i32>} : memref<520x128xf32, #tpu.memory_space<vmem>>, vector<16xf32>,
        %parallel_loop3A_478 = arith.index_cast %parallel_loop3A_461 : i32 to index
        %parallel_loop3A_479 = arith.constant 80 : index
        %parallel_loop3A_480 = tpu.vector_load %arg6[%parallel_loop3A_478, %parallel_loop3A_479] {strides = array<i32>} : memref<520x128xf32, #tpu.memory_space<vmem>>, vector<16xf32>,
        %parallel_loop3A_481 = arith.addf %parallel_loop3A_477, %parallel_loop3A_480 : vector<16xf32>
        %parallel_loop3A_482 = arith.constant 16 : i32
        %parallel_loop3A_483 = vector.broadcast %parallel_loop3A_482 : i32 to vector<16xi32>
        %parallel_loop3A_484 = arith.addi %iota3A, %parallel_loop3A_483 : vector<16xi32>
        tpu.vector_store_idx %arg9[%parallel_loop3A_484, %parallel_loop3A_464], %parallel_loop3A_481 : memref<64x129xf32, #tpu.memory_space<vmem>>[vector<16xi32>, vector<16xi32>], vector<16xf32>,
        %parallel_loop3A_485 = arith.index_cast %parallel_loop3A_459 : i32 to index
        %parallel_loop3A_486 = arith.constant 32 : index
        %parallel_loop3A_487 = tpu.vector_load %arg6[%parallel_loop3A_485, %parallel_loop3A_486] {strides = array<i32>} : memref<520x128xf32, #tpu.memory_space<vmem>>, vector<16xf32>,
        %parallel_loop3A_488 = arith.index_cast %parallel_loop3A_461 : i32 to index
        %parallel_loop3A_489 = arith.constant 96 : index
        %parallel_loop3A_490 = tpu.vector_load %arg6[%parallel_loop3A_488, %parallel_loop3A_489] {strides = array<i32>} : memref<520x128xf32, #tpu.memory_space<vmem>>, vector<16xf32>,
        %parallel_loop3A_491 = arith.addf %parallel_loop3A_487, %parallel_loop3A_490 : vector<16xf32>
        %parallel_loop3A_492 = arith.constant 32 : i32
        %parallel_loop3A_493 = vector.broadcast %parallel_loop3A_492 : i32 to vector<16xi32>
        %parallel_loop3A_494 = arith.addi %iota3A, %parallel_loop3A_493 : vector<16xi32>
        tpu.vector_store_idx %arg9[%parallel_loop3A_494, %parallel_loop3A_464], %parallel_loop3A_491 : memref<64x129xf32, #tpu.memory_space<vmem>>[vector<16xi32>, vector<16xi32>], vector<16xf32>,
        %parallel_loop3A_495 = arith.index_cast %parallel_loop3A_459 : i32 to index
        %parallel_loop3A_496 = arith.constant 48 : index
        %parallel_loop3A_497 = tpu.vector_load %arg6[%parallel_loop3A_495, %parallel_loop3A_496] {strides = array<i32>} : memref<520x128xf32, #tpu.memory_space<vmem>>, vector<16xf32>,
        %parallel_loop3A_498 = arith.index_cast %parallel_loop3A_461 : i32 to index
        %parallel_loop3A_499 = arith.constant 112 : index
        %parallel_loop3A_500 = tpu.vector_load %arg6[%parallel_loop3A_498, %parallel_loop3A_499] {strides = array<i32>} : memref<520x128xf32, #tpu.memory_space<vmem>>, vector<16xf32>,
        %parallel_loop3A_501 = arith.addf %parallel_loop3A_497, %parallel_loop3A_500 : vector<16xf32>
        %parallel_loop3A_502 = arith.constant 48 : i32
        %parallel_loop3A_503 = vector.broadcast %parallel_loop3A_502 : i32 to vector<16xi32>
        %parallel_loop3A_504 = arith.addi %iota3A, %parallel_loop3A_503 : vector<16xi32>
        tpu.vector_store_idx %arg9[%parallel_loop3A_504, %parallel_loop3A_464], %parallel_loop3A_501 : memref<64x129xf32, #tpu.memory_space<vmem>>[vector<16xi32>, vector<16xi32>], vector<16xf32>,
        %parallel_loop3A_505 = vector.extract_strided_slice %parallel_loop3A_24 {offsets = [10], sizes = [1], strides = [1]} : vector<16xi32> to vector<1xi32>
        %parallel_loop3A_506 = vector.extract %parallel_loop3A_505[0] : i32 from vector<1xi32>
        %parallel_loop3A_507 = vector.extract_strided_slice %parallel_loop3A_32 {offsets = [10], sizes = [1], strides = [1]} : vector<16xi32> to vector<1xi32>
        %parallel_loop3A_508 = vector.extract %parallel_loop3A_507[0] : i32 from vector<1xi32>
        %parallel_loop3A_509 = arith.constant 10 : i32
        %parallel_loop3A_510 = arith.addi %parallel_loop3A_34, %parallel_loop3A_509 : i32
        %parallel_loop3A_511 = vector.broadcast %parallel_loop3A_510 : i32 to vector<16xi32>
        %parallel_loop3A_512 = arith.index_cast %parallel_loop3A_506 : i32 to index
        %parallel_loop3A_513 = arith.constant 0 : index
        %parallel_loop3A_514 = tpu.vector_load %arg6[%parallel_loop3A_512, %parallel_loop3A_513] {strides = array<i32>} : memref<520x128xf32, #tpu.memory_space<vmem>>, vector<16xf32>,
        %parallel_loop3A_515 = arith.index_cast %parallel_loop3A_508 : i32 to index
        %parallel_loop3A_516 = arith.constant 64 : index
        %parallel_loop3A_517 = tpu.vector_load %arg6[%parallel_loop3A_515, %parallel_loop3A_516] {strides = array<i32>} : memref<520x128xf32, #tpu.memory_space<vmem>>, vector<16xf32>,
        %parallel_loop3A_518 = arith.addf %parallel_loop3A_514, %parallel_loop3A_517 : vector<16xf32>
        %parallel_loop3A_519 = arith.constant 0 : i32
        %parallel_loop3A_520 = vector.broadcast %parallel_loop3A_519 : i32 to vector<16xi32>
        %parallel_loop3A_521 = arith.addi %iota3A, %parallel_loop3A_520 : vector<16xi32>
        tpu.vector_store_idx %arg9[%parallel_loop3A_521, %parallel_loop3A_511], %parallel_loop3A_518 : memref<64x129xf32, #tpu.memory_space<vmem>>[vector<16xi32>, vector<16xi32>], vector<16xf32>,
        %parallel_loop3A_522 = arith.index_cast %parallel_loop3A_506 : i32 to index
        %parallel_loop3A_523 = arith.constant 16 : index
        %parallel_loop3A_524 = tpu.vector_load %arg6[%parallel_loop3A_522, %parallel_loop3A_523] {strides = array<i32>} : memref<520x128xf32, #tpu.memory_space<vmem>>, vector<16xf32>,
        %parallel_loop3A_525 = arith.index_cast %parallel_loop3A_508 : i32 to index
        %parallel_loop3A_526 = arith.constant 80 : index
        %parallel_loop3A_527 = tpu.vector_load %arg6[%parallel_loop3A_525, %parallel_loop3A_526] {strides = array<i32>} : memref<520x128xf32, #tpu.memory_space<vmem>>, vector<16xf32>,
        %parallel_loop3A_528 = arith.addf %parallel_loop3A_524, %parallel_loop3A_527 : vector<16xf32>
        %parallel_loop3A_529 = arith.constant 16 : i32
        %parallel_loop3A_530 = vector.broadcast %parallel_loop3A_529 : i32 to vector<16xi32>
        %parallel_loop3A_531 = arith.addi %iota3A, %parallel_loop3A_530 : vector<16xi32>
        tpu.vector_store_idx %arg9[%parallel_loop3A_531, %parallel_loop3A_511], %parallel_loop3A_528 : memref<64x129xf32, #tpu.memory_space<vmem>>[vector<16xi32>, vector<16xi32>], vector<16xf32>,
        %parallel_loop3A_532 = arith.index_cast %parallel_loop3A_506 : i32 to index
        %parallel_loop3A_533 = arith.constant 32 : index
        %parallel_loop3A_534 = tpu.vector_load %arg6[%parallel_loop3A_532, %parallel_loop3A_533] {strides = array<i32>} : memref<520x128xf32, #tpu.memory_space<vmem>>, vector<16xf32>,
        %parallel_loop3A_535 = arith.index_cast %parallel_loop3A_508 : i32 to index
        %parallel_loop3A_536 = arith.constant 96 : index
        %parallel_loop3A_537 = tpu.vector_load %arg6[%parallel_loop3A_535, %parallel_loop3A_536] {strides = array<i32>} : memref<520x128xf32, #tpu.memory_space<vmem>>, vector<16xf32>,
        %parallel_loop3A_538 = arith.addf %parallel_loop3A_534, %parallel_loop3A_537 : vector<16xf32>
        %parallel_loop3A_539 = arith.constant 32 : i32
        %parallel_loop3A_540 = vector.broadcast %parallel_loop3A_539 : i32 to vector<16xi32>
        %parallel_loop3A_541 = arith.addi %iota3A, %parallel_loop3A_540 : vector<16xi32>
        tpu.vector_store_idx %arg9[%parallel_loop3A_541, %parallel_loop3A_511], %parallel_loop3A_538 : memref<64x129xf32, #tpu.memory_space<vmem>>[vector<16xi32>, vector<16xi32>], vector<16xf32>,
        %parallel_loop3A_542 = arith.index_cast %parallel_loop3A_506 : i32 to index
        %parallel_loop3A_543 = arith.constant 48 : index
        %parallel_loop3A_544 = tpu.vector_load %arg6[%parallel_loop3A_542, %parallel_loop3A_543] {strides = array<i32>} : memref<520x128xf32, #tpu.memory_space<vmem>>, vector<16xf32>,
        %parallel_loop3A_545 = arith.index_cast %parallel_loop3A_508 : i32 to index
        %parallel_loop3A_546 = arith.constant 112 : index
        %parallel_loop3A_547 = tpu.vector_load %arg6[%parallel_loop3A_545, %parallel_loop3A_546] {strides = array<i32>} : memref<520x128xf32, #tpu.memory_space<vmem>>, vector<16xf32>,
        %parallel_loop3A_548 = arith.addf %parallel_loop3A_544, %parallel_loop3A_547 : vector<16xf32>
        %parallel_loop3A_549 = arith.constant 48 : i32
        %parallel_loop3A_550 = vector.broadcast %parallel_loop3A_549 : i32 to vector<16xi32>
        %parallel_loop3A_551 = arith.addi %iota3A, %parallel_loop3A_550 : vector<16xi32>
        tpu.vector_store_idx %arg9[%parallel_loop3A_551, %parallel_loop3A_511], %parallel_loop3A_548 : memref<64x129xf32, #tpu.memory_space<vmem>>[vector<16xi32>, vector<16xi32>], vector<16xf32>,
        %parallel_loop3A_552 = vector.extract_strided_slice %parallel_loop3A_24 {offsets = [11], sizes = [1], strides = [1]} : vector<16xi32> to vector<1xi32>
        %parallel_loop3A_553 = vector.extract %parallel_loop3A_552[0] : i32 from vector<1xi32>
        %parallel_loop3A_554 = vector.extract_strided_slice %parallel_loop3A_32 {offsets = [11], sizes = [1], strides = [1]} : vector<16xi32> to vector<1xi32>
        %parallel_loop3A_555 = vector.extract %parallel_loop3A_554[0] : i32 from vector<1xi32>
        %parallel_loop3A_556 = arith.constant 11 : i32
        %parallel_loop3A_557 = arith.addi %parallel_loop3A_34, %parallel_loop3A_556 : i32
        %parallel_loop3A_558 = vector.broadcast %parallel_loop3A_557 : i32 to vector<16xi32>
        %parallel_loop3A_559 = arith.index_cast %parallel_loop3A_553 : i32 to index
        %parallel_loop3A_560 = arith.constant 0 : index
        %parallel_loop3A_561 = tpu.vector_load %arg6[%parallel_loop3A_559, %parallel_loop3A_560] {strides = array<i32>} : memref<520x128xf32, #tpu.memory_space<vmem>>, vector<16xf32>,
        %parallel_loop3A_562 = arith.index_cast %parallel_loop3A_555 : i32 to index
        %parallel_loop3A_563 = arith.constant 64 : index
        %parallel_loop3A_564 = tpu.vector_load %arg6[%parallel_loop3A_562, %parallel_loop3A_563] {strides = array<i32>} : memref<520x128xf32, #tpu.memory_space<vmem>>, vector<16xf32>,
        %parallel_loop3A_565 = arith.addf %parallel_loop3A_561, %parallel_loop3A_564 : vector<16xf32>
        %parallel_loop3A_566 = arith.constant 0 : i32
        %parallel_loop3A_567 = vector.broadcast %parallel_loop3A_566 : i32 to vector<16xi32>
        %parallel_loop3A_568 = arith.addi %iota3A, %parallel_loop3A_567 : vector<16xi32>
        tpu.vector_store_idx %arg9[%parallel_loop3A_568, %parallel_loop3A_558], %parallel_loop3A_565 : memref<64x129xf32, #tpu.memory_space<vmem>>[vector<16xi32>, vector<16xi32>], vector<16xf32>,
        %parallel_loop3A_569 = arith.index_cast %parallel_loop3A_553 : i32 to index
        %parallel_loop3A_570 = arith.constant 16 : index
        %parallel_loop3A_571 = tpu.vector_load %arg6[%parallel_loop3A_569, %parallel_loop3A_570] {strides = array<i32>} : memref<520x128xf32, #tpu.memory_space<vmem>>, vector<16xf32>,
        %parallel_loop3A_572 = arith.index_cast %parallel_loop3A_555 : i32 to index
        %parallel_loop3A_573 = arith.constant 80 : index
        %parallel_loop3A_574 = tpu.vector_load %arg6[%parallel_loop3A_572, %parallel_loop3A_573] {strides = array<i32>} : memref<520x128xf32, #tpu.memory_space<vmem>>, vector<16xf32>,
        %parallel_loop3A_575 = arith.addf %parallel_loop3A_571, %parallel_loop3A_574 : vector<16xf32>
        %parallel_loop3A_576 = arith.constant 16 : i32
        %parallel_loop3A_577 = vector.broadcast %parallel_loop3A_576 : i32 to vector<16xi32>
        %parallel_loop3A_578 = arith.addi %iota3A, %parallel_loop3A_577 : vector<16xi32>
        tpu.vector_store_idx %arg9[%parallel_loop3A_578, %parallel_loop3A_558], %parallel_loop3A_575 : memref<64x129xf32, #tpu.memory_space<vmem>>[vector<16xi32>, vector<16xi32>], vector<16xf32>,
        %parallel_loop3A_579 = arith.index_cast %parallel_loop3A_553 : i32 to index
        %parallel_loop3A_580 = arith.constant 32 : index
        %parallel_loop3A_581 = tpu.vector_load %arg6[%parallel_loop3A_579, %parallel_loop3A_580] {strides = array<i32>} : memref<520x128xf32, #tpu.memory_space<vmem>>, vector<16xf32>,
        %parallel_loop3A_582 = arith.index_cast %parallel_loop3A_555 : i32 to index
        %parallel_loop3A_583 = arith.constant 96 : index
        %parallel_loop3A_584 = tpu.vector_load %arg6[%parallel_loop3A_582, %parallel_loop3A_583] {strides = array<i32>} : memref<520x128xf32, #tpu.memory_space<vmem>>, vector<16xf32>,
        %parallel_loop3A_585 = arith.addf %parallel_loop3A_581, %parallel_loop3A_584 : vector<16xf32>
        %parallel_loop3A_586 = arith.constant 32 : i32
        %parallel_loop3A_587 = vector.broadcast %parallel_loop3A_586 : i32 to vector<16xi32>
        %parallel_loop3A_588 = arith.addi %iota3A, %parallel_loop3A_587 : vector<16xi32>
        tpu.vector_store_idx %arg9[%parallel_loop3A_588, %parallel_loop3A_558], %parallel_loop3A_585 : memref<64x129xf32, #tpu.memory_space<vmem>>[vector<16xi32>, vector<16xi32>], vector<16xf32>,
        %parallel_loop3A_589 = arith.index_cast %parallel_loop3A_553 : i32 to index
        %parallel_loop3A_590 = arith.constant 48 : index
        %parallel_loop3A_591 = tpu.vector_load %arg6[%parallel_loop3A_589, %parallel_loop3A_590] {strides = array<i32>} : memref<520x128xf32, #tpu.memory_space<vmem>>, vector<16xf32>,
        %parallel_loop3A_592 = arith.index_cast %parallel_loop3A_555 : i32 to index
        %parallel_loop3A_593 = arith.constant 112 : index
        %parallel_loop3A_594 = tpu.vector_load %arg6[%parallel_loop3A_592, %parallel_loop3A_593] {strides = array<i32>} : memref<520x128xf32, #tpu.memory_space<vmem>>, vector<16xf32>,
        %parallel_loop3A_595 = arith.addf %parallel_loop3A_591, %parallel_loop3A_594 : vector<16xf32>
        %parallel_loop3A_596 = arith.constant 48 : i32
        %parallel_loop3A_597 = vector.broadcast %parallel_loop3A_596 : i32 to vector<16xi32>
        %parallel_loop3A_598 = arith.addi %iota3A, %parallel_loop3A_597 : vector<16xi32>
        tpu.vector_store_idx %arg9[%parallel_loop3A_598, %parallel_loop3A_558], %parallel_loop3A_595 : memref<64x129xf32, #tpu.memory_space<vmem>>[vector<16xi32>, vector<16xi32>], vector<16xf32>,
        %parallel_loop3A_599 = vector.extract_strided_slice %parallel_loop3A_24 {offsets = [12], sizes = [1], strides = [1]} : vector<16xi32> to vector<1xi32>
        %parallel_loop3A_600 = vector.extract %parallel_loop3A_599[0] : i32 from vector<1xi32>
        %parallel_loop3A_601 = vector.extract_strided_slice %parallel_loop3A_32 {offsets = [12], sizes = [1], strides = [1]} : vector<16xi32> to vector<1xi32>
        %parallel_loop3A_602 = vector.extract %parallel_loop3A_601[0] : i32 from vector<1xi32>
        %parallel_loop3A_603 = arith.constant 12 : i32
        %parallel_loop3A_604 = arith.addi %parallel_loop3A_34, %parallel_loop3A_603 : i32
        %parallel_loop3A_605 = vector.broadcast %parallel_loop3A_604 : i32 to vector<16xi32>
        %parallel_loop3A_606 = arith.index_cast %parallel_loop3A_600 : i32 to index
        %parallel_loop3A_607 = arith.constant 0 : index
        %parallel_loop3A_608 = tpu.vector_load %arg6[%parallel_loop3A_606, %parallel_loop3A_607] {strides = array<i32>} : memref<520x128xf32, #tpu.memory_space<vmem>>, vector<16xf32>,
        %parallel_loop3A_609 = arith.index_cast %parallel_loop3A_602 : i32 to index
        %parallel_loop3A_610 = arith.constant 64 : index
        %parallel_loop3A_611 = tpu.vector_load %arg6[%parallel_loop3A_609, %parallel_loop3A_610] {strides = array<i32>} : memref<520x128xf32, #tpu.memory_space<vmem>>, vector<16xf32>,
        %parallel_loop3A_612 = arith.addf %parallel_loop3A_608, %parallel_loop3A_611 : vector<16xf32>
        %parallel_loop3A_613 = arith.constant 0 : i32
        %parallel_loop3A_614 = vector.broadcast %parallel_loop3A_613 : i32 to vector<16xi32>
        %parallel_loop3A_615 = arith.addi %iota3A, %parallel_loop3A_614 : vector<16xi32>
        tpu.vector_store_idx %arg9[%parallel_loop3A_615, %parallel_loop3A_605], %parallel_loop3A_612 : memref<64x129xf32, #tpu.memory_space<vmem>>[vector<16xi32>, vector<16xi32>], vector<16xf32>,
        %parallel_loop3A_616 = arith.index_cast %parallel_loop3A_600 : i32 to index
        %parallel_loop3A_617 = arith.constant 16 : index
        %parallel_loop3A_618 = tpu.vector_load %arg6[%parallel_loop3A_616, %parallel_loop3A_617] {strides = array<i32>} : memref<520x128xf32, #tpu.memory_space<vmem>>, vector<16xf32>,
        %parallel_loop3A_619 = arith.index_cast %parallel_loop3A_602 : i32 to index
        %parallel_loop3A_620 = arith.constant 80 : index
        %parallel_loop3A_621 = tpu.vector_load %arg6[%parallel_loop3A_619, %parallel_loop3A_620] {strides = array<i32>} : memref<520x128xf32, #tpu.memory_space<vmem>>, vector<16xf32>,
        %parallel_loop3A_622 = arith.addf %parallel_loop3A_618, %parallel_loop3A_621 : vector<16xf32>
        %parallel_loop3A_623 = arith.constant 16 : i32
        %parallel_loop3A_624 = vector.broadcast %parallel_loop3A_623 : i32 to vector<16xi32>
        %parallel_loop3A_625 = arith.addi %iota3A, %parallel_loop3A_624 : vector<16xi32>
        tpu.vector_store_idx %arg9[%parallel_loop3A_625, %parallel_loop3A_605], %parallel_loop3A_622 : memref<64x129xf32, #tpu.memory_space<vmem>>[vector<16xi32>, vector<16xi32>], vector<16xf32>,
        %parallel_loop3A_626 = arith.index_cast %parallel_loop3A_600 : i32 to index
        %parallel_loop3A_627 = arith.constant 32 : index
        %parallel_loop3A_628 = tpu.vector_load %arg6[%parallel_loop3A_626, %parallel_loop3A_627] {strides = array<i32>} : memref<520x128xf32, #tpu.memory_space<vmem>>, vector<16xf32>,
        %parallel_loop3A_629 = arith.index_cast %parallel_loop3A_602 : i32 to index
        %parallel_loop3A_630 = arith.constant 96 : index
        %parallel_loop3A_631 = tpu.vector_load %arg6[%parallel_loop3A_629, %parallel_loop3A_630] {strides = array<i32>} : memref<520x128xf32, #tpu.memory_space<vmem>>, vector<16xf32>,
        %parallel_loop3A_632 = arith.addf %parallel_loop3A_628, %parallel_loop3A_631 : vector<16xf32>
        %parallel_loop3A_633 = arith.constant 32 : i32
        %parallel_loop3A_634 = vector.broadcast %parallel_loop3A_633 : i32 to vector<16xi32>
        %parallel_loop3A_635 = arith.addi %iota3A, %parallel_loop3A_634 : vector<16xi32>
        tpu.vector_store_idx %arg9[%parallel_loop3A_635, %parallel_loop3A_605], %parallel_loop3A_632 : memref<64x129xf32, #tpu.memory_space<vmem>>[vector<16xi32>, vector<16xi32>], vector<16xf32>,
        %parallel_loop3A_636 = arith.index_cast %parallel_loop3A_600 : i32 to index
        %parallel_loop3A_637 = arith.constant 48 : index
        %parallel_loop3A_638 = tpu.vector_load %arg6[%parallel_loop3A_636, %parallel_loop3A_637] {strides = array<i32>} : memref<520x128xf32, #tpu.memory_space<vmem>>, vector<16xf32>,
        %parallel_loop3A_639 = arith.index_cast %parallel_loop3A_602 : i32 to index
        %parallel_loop3A_640 = arith.constant 112 : index
        %parallel_loop3A_641 = tpu.vector_load %arg6[%parallel_loop3A_639, %parallel_loop3A_640] {strides = array<i32>} : memref<520x128xf32, #tpu.memory_space<vmem>>, vector<16xf32>,
        %parallel_loop3A_642 = arith.addf %parallel_loop3A_638, %parallel_loop3A_641 : vector<16xf32>
        %parallel_loop3A_643 = arith.constant 48 : i32
        %parallel_loop3A_644 = vector.broadcast %parallel_loop3A_643 : i32 to vector<16xi32>
        %parallel_loop3A_645 = arith.addi %iota3A, %parallel_loop3A_644 : vector<16xi32>
        tpu.vector_store_idx %arg9[%parallel_loop3A_645, %parallel_loop3A_605], %parallel_loop3A_642 : memref<64x129xf32, #tpu.memory_space<vmem>>[vector<16xi32>, vector<16xi32>], vector<16xf32>,
        %parallel_loop3A_646 = vector.extract_strided_slice %parallel_loop3A_24 {offsets = [13], sizes = [1], strides = [1]} : vector<16xi32> to vector<1xi32>
        %parallel_loop3A_647 = vector.extract %parallel_loop3A_646[0] : i32 from vector<1xi32>
        %parallel_loop3A_648 = vector.extract_strided_slice %parallel_loop3A_32 {offsets = [13], sizes = [1], strides = [1]} : vector<16xi32> to vector<1xi32>
        %parallel_loop3A_649 = vector.extract %parallel_loop3A_648[0] : i32 from vector<1xi32>
        %parallel_loop3A_650 = arith.constant 13 : i32
        %parallel_loop3A_651 = arith.addi %parallel_loop3A_34, %parallel_loop3A_650 : i32
        %parallel_loop3A_652 = vector.broadcast %parallel_loop3A_651 : i32 to vector<16xi32>
        %parallel_loop3A_653 = arith.index_cast %parallel_loop3A_647 : i32 to index
        %parallel_loop3A_654 = arith.constant 0 : index
        %parallel_loop3A_655 = tpu.vector_load %arg6[%parallel_loop3A_653, %parallel_loop3A_654] {strides = array<i32>} : memref<520x128xf32, #tpu.memory_space<vmem>>, vector<16xf32>,
        %parallel_loop3A_656 = arith.index_cast %parallel_loop3A_649 : i32 to index
        %parallel_loop3A_657 = arith.constant 64 : index
        %parallel_loop3A_658 = tpu.vector_load %arg6[%parallel_loop3A_656, %parallel_loop3A_657] {strides = array<i32>} : memref<520x128xf32, #tpu.memory_space<vmem>>, vector<16xf32>,
        %parallel_loop3A_659 = arith.addf %parallel_loop3A_655, %parallel_loop3A_658 : vector<16xf32>
        %parallel_loop3A_660 = arith.constant 0 : i32
        %parallel_loop3A_661 = vector.broadcast %parallel_loop3A_660 : i32 to vector<16xi32>
        %parallel_loop3A_662 = arith.addi %iota3A, %parallel_loop3A_661 : vector<16xi32>
        tpu.vector_store_idx %arg9[%parallel_loop3A_662, %parallel_loop3A_652], %parallel_loop3A_659 : memref<64x129xf32, #tpu.memory_space<vmem>>[vector<16xi32>, vector<16xi32>], vector<16xf32>,
        %parallel_loop3A_663 = arith.index_cast %parallel_loop3A_647 : i32 to index
        %parallel_loop3A_664 = arith.constant 16 : index
        %parallel_loop3A_665 = tpu.vector_load %arg6[%parallel_loop3A_663, %parallel_loop3A_664] {strides = array<i32>} : memref<520x128xf32, #tpu.memory_space<vmem>>, vector<16xf32>,
        %parallel_loop3A_666 = arith.index_cast %parallel_loop3A_649 : i32 to index
        %parallel_loop3A_667 = arith.constant 80 : index
        %parallel_loop3A_668 = tpu.vector_load %arg6[%parallel_loop3A_666, %parallel_loop3A_667] {strides = array<i32>} : memref<520x128xf32, #tpu.memory_space<vmem>>, vector<16xf32>,
        %parallel_loop3A_669 = arith.addf %parallel_loop3A_665, %parallel_loop3A_668 : vector<16xf32>
        %parallel_loop3A_670 = arith.constant 16 : i32
        %parallel_loop3A_671 = vector.broadcast %parallel_loop3A_670 : i32 to vector<16xi32>
        %parallel_loop3A_672 = arith.addi %iota3A, %parallel_loop3A_671 : vector<16xi32>
        tpu.vector_store_idx %arg9[%parallel_loop3A_672, %parallel_loop3A_652], %parallel_loop3A_669 : memref<64x129xf32, #tpu.memory_space<vmem>>[vector<16xi32>, vector<16xi32>], vector<16xf32>,
        %parallel_loop3A_673 = arith.index_cast %parallel_loop3A_647 : i32 to index
        %parallel_loop3A_674 = arith.constant 32 : index
        %parallel_loop3A_675 = tpu.vector_load %arg6[%parallel_loop3A_673, %parallel_loop3A_674] {strides = array<i32>} : memref<520x128xf32, #tpu.memory_space<vmem>>, vector<16xf32>,
        %parallel_loop3A_676 = arith.index_cast %parallel_loop3A_649 : i32 to index
        %parallel_loop3A_677 = arith.constant 96 : index
        %parallel_loop3A_678 = tpu.vector_load %arg6[%parallel_loop3A_676, %parallel_loop3A_677] {strides = array<i32>} : memref<520x128xf32, #tpu.memory_space<vmem>>, vector<16xf32>,
        %parallel_loop3A_679 = arith.addf %parallel_loop3A_675, %parallel_loop3A_678 : vector<16xf32>
        %parallel_loop3A_680 = arith.constant 32 : i32
        %parallel_loop3A_681 = vector.broadcast %parallel_loop3A_680 : i32 to vector<16xi32>
        %parallel_loop3A_682 = arith.addi %iota3A, %parallel_loop3A_681 : vector<16xi32>
        tpu.vector_store_idx %arg9[%parallel_loop3A_682, %parallel_loop3A_652], %parallel_loop3A_679 : memref<64x129xf32, #tpu.memory_space<vmem>>[vector<16xi32>, vector<16xi32>], vector<16xf32>,
        %parallel_loop3A_683 = arith.index_cast %parallel_loop3A_647 : i32 to index
        %parallel_loop3A_684 = arith.constant 48 : index
        %parallel_loop3A_685 = tpu.vector_load %arg6[%parallel_loop3A_683, %parallel_loop3A_684] {strides = array<i32>} : memref<520x128xf32, #tpu.memory_space<vmem>>, vector<16xf32>,
        %parallel_loop3A_686 = arith.index_cast %parallel_loop3A_649 : i32 to index
        %parallel_loop3A_687 = arith.constant 112 : index
        %parallel_loop3A_688 = tpu.vector_load %arg6[%parallel_loop3A_686, %parallel_loop3A_687] {strides = array<i32>} : memref<520x128xf32, #tpu.memory_space<vmem>>, vector<16xf32>,
        %parallel_loop3A_689 = arith.addf %parallel_loop3A_685, %parallel_loop3A_688 : vector<16xf32>
        %parallel_loop3A_690 = arith.constant 48 : i32
        %parallel_loop3A_691 = vector.broadcast %parallel_loop3A_690 : i32 to vector<16xi32>
        %parallel_loop3A_692 = arith.addi %iota3A, %parallel_loop3A_691 : vector<16xi32>
        tpu.vector_store_idx %arg9[%parallel_loop3A_692, %parallel_loop3A_652], %parallel_loop3A_689 : memref<64x129xf32, #tpu.memory_space<vmem>>[vector<16xi32>, vector<16xi32>], vector<16xf32>,
        %parallel_loop3A_693 = vector.extract_strided_slice %parallel_loop3A_24 {offsets = [14], sizes = [1], strides = [1]} : vector<16xi32> to vector<1xi32>
        %parallel_loop3A_694 = vector.extract %parallel_loop3A_693[0] : i32 from vector<1xi32>
        %parallel_loop3A_695 = vector.extract_strided_slice %parallel_loop3A_32 {offsets = [14], sizes = [1], strides = [1]} : vector<16xi32> to vector<1xi32>
        %parallel_loop3A_696 = vector.extract %parallel_loop3A_695[0] : i32 from vector<1xi32>
        %parallel_loop3A_697 = arith.constant 14 : i32
        %parallel_loop3A_698 = arith.addi %parallel_loop3A_34, %parallel_loop3A_697 : i32
        %parallel_loop3A_699 = vector.broadcast %parallel_loop3A_698 : i32 to vector<16xi32>
        %parallel_loop3A_700 = arith.index_cast %parallel_loop3A_694 : i32 to index
        %parallel_loop3A_701 = arith.constant 0 : index
        %parallel_loop3A_702 = tpu.vector_load %arg6[%parallel_loop3A_700, %parallel_loop3A_701] {strides = array<i32>} : memref<520x128xf32, #tpu.memory_space<vmem>>, vector<16xf32>,
        %parallel_loop3A_703 = arith.index_cast %parallel_loop3A_696 : i32 to index
        %parallel_loop3A_704 = arith.constant 64 : index
        %parallel_loop3A_705 = tpu.vector_load %arg6[%parallel_loop3A_703, %parallel_loop3A_704] {strides = array<i32>} : memref<520x128xf32, #tpu.memory_space<vmem>>, vector<16xf32>,
        %parallel_loop3A_706 = arith.addf %parallel_loop3A_702, %parallel_loop3A_705 : vector<16xf32>
        %parallel_loop3A_707 = arith.constant 0 : i32
        %parallel_loop3A_708 = vector.broadcast %parallel_loop3A_707 : i32 to vector<16xi32>
        %parallel_loop3A_709 = arith.addi %iota3A, %parallel_loop3A_708 : vector<16xi32>
        tpu.vector_store_idx %arg9[%parallel_loop3A_709, %parallel_loop3A_699], %parallel_loop3A_706 : memref<64x129xf32, #tpu.memory_space<vmem>>[vector<16xi32>, vector<16xi32>], vector<16xf32>,
        %parallel_loop3A_710 = arith.index_cast %parallel_loop3A_694 : i32 to index
        %parallel_loop3A_711 = arith.constant 16 : index
        %parallel_loop3A_712 = tpu.vector_load %arg6[%parallel_loop3A_710, %parallel_loop3A_711] {strides = array<i32>} : memref<520x128xf32, #tpu.memory_space<vmem>>, vector<16xf32>,
        %parallel_loop3A_713 = arith.index_cast %parallel_loop3A_696 : i32 to index
        %parallel_loop3A_714 = arith.constant 80 : index
        %parallel_loop3A_715 = tpu.vector_load %arg6[%parallel_loop3A_713, %parallel_loop3A_714] {strides = array<i32>} : memref<520x128xf32, #tpu.memory_space<vmem>>, vector<16xf32>,
        %parallel_loop3A_716 = arith.addf %parallel_loop3A_712, %parallel_loop3A_715 : vector<16xf32>
        %parallel_loop3A_717 = arith.constant 16 : i32
        %parallel_loop3A_718 = vector.broadcast %parallel_loop3A_717 : i32 to vector<16xi32>
        %parallel_loop3A_719 = arith.addi %iota3A, %parallel_loop3A_718 : vector<16xi32>
        tpu.vector_store_idx %arg9[%parallel_loop3A_719, %parallel_loop3A_699], %parallel_loop3A_716 : memref<64x129xf32, #tpu.memory_space<vmem>>[vector<16xi32>, vector<16xi32>], vector<16xf32>,
        %parallel_loop3A_720 = arith.index_cast %parallel_loop3A_694 : i32 to index
        %parallel_loop3A_721 = arith.constant 32 : index
        %parallel_loop3A_722 = tpu.vector_load %arg6[%parallel_loop3A_720, %parallel_loop3A_721] {strides = array<i32>} : memref<520x128xf32, #tpu.memory_space<vmem>>, vector<16xf32>,
        %parallel_loop3A_723 = arith.index_cast %parallel_loop3A_696 : i32 to index
        %parallel_loop3A_724 = arith.constant 96 : index
        %parallel_loop3A_725 = tpu.vector_load %arg6[%parallel_loop3A_723, %parallel_loop3A_724] {strides = array<i32>} : memref<520x128xf32, #tpu.memory_space<vmem>>, vector<16xf32>,
        %parallel_loop3A_726 = arith.addf %parallel_loop3A_722, %parallel_loop3A_725 : vector<16xf32>
        %parallel_loop3A_727 = arith.constant 32 : i32
        %parallel_loop3A_728 = vector.broadcast %parallel_loop3A_727 : i32 to vector<16xi32>
        %parallel_loop3A_729 = arith.addi %iota3A, %parallel_loop3A_728 : vector<16xi32>
        tpu.vector_store_idx %arg9[%parallel_loop3A_729, %parallel_loop3A_699], %parallel_loop3A_726 : memref<64x129xf32, #tpu.memory_space<vmem>>[vector<16xi32>, vector<16xi32>], vector<16xf32>,
        %parallel_loop3A_730 = arith.index_cast %parallel_loop3A_694 : i32 to index
        %parallel_loop3A_731 = arith.constant 48 : index
        %parallel_loop3A_732 = tpu.vector_load %arg6[%parallel_loop3A_730, %parallel_loop3A_731] {strides = array<i32>} : memref<520x128xf32, #tpu.memory_space<vmem>>, vector<16xf32>,
        %parallel_loop3A_733 = arith.index_cast %parallel_loop3A_696 : i32 to index
        %parallel_loop3A_734 = arith.constant 112 : index
        %parallel_loop3A_735 = tpu.vector_load %arg6[%parallel_loop3A_733, %parallel_loop3A_734] {strides = array<i32>} : memref<520x128xf32, #tpu.memory_space<vmem>>, vector<16xf32>,
        %parallel_loop3A_736 = arith.addf %parallel_loop3A_732, %parallel_loop3A_735 : vector<16xf32>
        %parallel_loop3A_737 = arith.constant 48 : i32
        %parallel_loop3A_738 = vector.broadcast %parallel_loop3A_737 : i32 to vector<16xi32>
        %parallel_loop3A_739 = arith.addi %iota3A, %parallel_loop3A_738 : vector<16xi32>
        tpu.vector_store_idx %arg9[%parallel_loop3A_739, %parallel_loop3A_699], %parallel_loop3A_736 : memref<64x129xf32, #tpu.memory_space<vmem>>[vector<16xi32>, vector<16xi32>], vector<16xf32>,
        %parallel_loop3A_740 = vector.extract_strided_slice %parallel_loop3A_24 {offsets = [15], sizes = [1], strides = [1]} : vector<16xi32> to vector<1xi32>
        %parallel_loop3A_741 = vector.extract %parallel_loop3A_740[0] : i32 from vector<1xi32>
        %parallel_loop3A_742 = vector.extract_strided_slice %parallel_loop3A_32 {offsets = [15], sizes = [1], strides = [1]} : vector<16xi32> to vector<1xi32>
        %parallel_loop3A_743 = vector.extract %parallel_loop3A_742[0] : i32 from vector<1xi32>
        %parallel_loop3A_744 = arith.constant 15 : i32
        %parallel_loop3A_745 = arith.addi %parallel_loop3A_34, %parallel_loop3A_744 : i32
        %parallel_loop3A_746 = vector.broadcast %parallel_loop3A_745 : i32 to vector<16xi32>
        %parallel_loop3A_747 = arith.index_cast %parallel_loop3A_741 : i32 to index
        %parallel_loop3A_748 = arith.constant 0 : index
        %parallel_loop3A_749 = tpu.vector_load %arg6[%parallel_loop3A_747, %parallel_loop3A_748] {strides = array<i32>} : memref<520x128xf32, #tpu.memory_space<vmem>>, vector<16xf32>,
        %parallel_loop3A_750 = arith.index_cast %parallel_loop3A_743 : i32 to index
        %parallel_loop3A_751 = arith.constant 64 : index
        %parallel_loop3A_752 = tpu.vector_load %arg6[%parallel_loop3A_750, %parallel_loop3A_751] {strides = array<i32>} : memref<520x128xf32, #tpu.memory_space<vmem>>, vector<16xf32>,
        %parallel_loop3A_753 = arith.addf %parallel_loop3A_749, %parallel_loop3A_752 : vector<16xf32>
        %parallel_loop3A_754 = arith.constant 0 : i32
        %parallel_loop3A_755 = vector.broadcast %parallel_loop3A_754 : i32 to vector<16xi32>
        %parallel_loop3A_756 = arith.addi %iota3A, %parallel_loop3A_755 : vector<16xi32>
        tpu.vector_store_idx %arg9[%parallel_loop3A_756, %parallel_loop3A_746], %parallel_loop3A_753 : memref<64x129xf32, #tpu.memory_space<vmem>>[vector<16xi32>, vector<16xi32>], vector<16xf32>,
        %parallel_loop3A_757 = arith.index_cast %parallel_loop3A_741 : i32 to index
        %parallel_loop3A_758 = arith.constant 16 : index
        %parallel_loop3A_759 = tpu.vector_load %arg6[%parallel_loop3A_757, %parallel_loop3A_758] {strides = array<i32>} : memref<520x128xf32, #tpu.memory_space<vmem>>, vector<16xf32>,
        %parallel_loop3A_760 = arith.index_cast %parallel_loop3A_743 : i32 to index
        %parallel_loop3A_761 = arith.constant 80 : index
        %parallel_loop3A_762 = tpu.vector_load %arg6[%parallel_loop3A_760, %parallel_loop3A_761] {strides = array<i32>} : memref<520x128xf32, #tpu.memory_space<vmem>>, vector<16xf32>,
        %parallel_loop3A_763 = arith.addf %parallel_loop3A_759, %parallel_loop3A_762 : vector<16xf32>
        %parallel_loop3A_764 = arith.constant 16 : i32
        %parallel_loop3A_765 = vector.broadcast %parallel_loop3A_764 : i32 to vector<16xi32>
        %parallel_loop3A_766 = arith.addi %iota3A, %parallel_loop3A_765 : vector<16xi32>
        tpu.vector_store_idx %arg9[%parallel_loop3A_766, %parallel_loop3A_746], %parallel_loop3A_763 : memref<64x129xf32, #tpu.memory_space<vmem>>[vector<16xi32>, vector<16xi32>], vector<16xf32>,
        %parallel_loop3A_767 = arith.index_cast %parallel_loop3A_741 : i32 to index
        %parallel_loop3A_768 = arith.constant 32 : index
        %parallel_loop3A_769 = tpu.vector_load %arg6[%parallel_loop3A_767, %parallel_loop3A_768] {strides = array<i32>} : memref<520x128xf32, #tpu.memory_space<vmem>>, vector<16xf32>,
        %parallel_loop3A_770 = arith.index_cast %parallel_loop3A_743 : i32 to index
        %parallel_loop3A_771 = arith.constant 96 : index
        %parallel_loop3A_772 = tpu.vector_load %arg6[%parallel_loop3A_770, %parallel_loop3A_771] {strides = array<i32>} : memref<520x128xf32, #tpu.memory_space<vmem>>, vector<16xf32>,
        %parallel_loop3A_773 = arith.addf %parallel_loop3A_769, %parallel_loop3A_772 : vector<16xf32>
        %parallel_loop3A_774 = arith.constant 32 : i32
        %parallel_loop3A_775 = vector.broadcast %parallel_loop3A_774 : i32 to vector<16xi32>
        %parallel_loop3A_776 = arith.addi %iota3A, %parallel_loop3A_775 : vector<16xi32>
        tpu.vector_store_idx %arg9[%parallel_loop3A_776, %parallel_loop3A_746], %parallel_loop3A_773 : memref<64x129xf32, #tpu.memory_space<vmem>>[vector<16xi32>, vector<16xi32>], vector<16xf32>,
        %parallel_loop3A_777 = arith.index_cast %parallel_loop3A_741 : i32 to index
        %parallel_loop3A_778 = arith.constant 48 : index
        %parallel_loop3A_779 = tpu.vector_load %arg6[%parallel_loop3A_777, %parallel_loop3A_778] {strides = array<i32>} : memref<520x128xf32, #tpu.memory_space<vmem>>, vector<16xf32>,
        %parallel_loop3A_780 = arith.index_cast %parallel_loop3A_743 : i32 to index
        %parallel_loop3A_781 = arith.constant 112 : index
        %parallel_loop3A_782 = tpu.vector_load %arg6[%parallel_loop3A_780, %parallel_loop3A_781] {strides = array<i32>} : memref<520x128xf32, #tpu.memory_space<vmem>>, vector<16xf32>,
        %parallel_loop3A_783 = arith.addf %parallel_loop3A_779, %parallel_loop3A_782 : vector<16xf32>
        %parallel_loop3A_784 = arith.constant 48 : i32
        %parallel_loop3A_785 = vector.broadcast %parallel_loop3A_784 : i32 to vector<16xi32>
        %parallel_loop3A_786 = arith.addi %iota3A, %parallel_loop3A_785 : vector<16xi32>
        tpu.vector_store_idx %arg9[%parallel_loop3A_786, %parallel_loop3A_746], %parallel_loop3A_783 : memref<64x129xf32, #tpu.memory_space<vmem>>[vector<16xi32>, vector<16xi32>], vector<16xf32>,
      } {sc.loop_unroll_factor = 1 : i64, sc.parallel_access}
      "tpu.region"() ({
        %run_scoped3A = tpu.sem_alloc : memref<!tpu.dma_semaphore, #tpu.memory_space<semaphore_mem>>
        %dma_start3A = arith.constant 0 : i32
        %dma_start3A_14 = arith.constant 0 : i32
        %dma_start3A_15 = tpu.memref_slice %arg9[%dma_start3A, %dma_start3A_14] : memref<64x129xf32, #tpu.memory_space<vmem>> -> memref<64x128xf32, #tpu.memory_space<vmem>>
        %dma_start3A_16 = arith.constant 0 : i32
        %dma_start3A_17 = tpu.memref_slice %arg5[%dma_start3A_16, %multiple_of3A] : memref<64x100096xf32, #tpu.memory_space<hbm>> -> memref<64x128xf32, #tpu.memory_space<hbm>>
        %dma_start3A_18 = arith.constant 0 : i32
        %dma_start3A_19 = tpu.memref_slice %arg5[%dma_start3A_18, %multiple_of3A] : memref<64x100096xf32, #tpu.memory_space<hbm>> -> memref<64x128xf32, #tpu.memory_space<hbm>>
        %dma_start3A_20 = arith.constant 0 : i32
        %dma_start3A_21 = arith.constant 0 : i32
        %dma_start3A_22 = tpu.memref_slice %arg9[%dma_start3A_20, %dma_start3A_21] : memref<64x129xf32, #tpu.memory_space<vmem>> -> memref<64x128xf32, #tpu.memory_space<vmem>>
        tpu.enqueue_dma source(%dma_start3A_22 : memref<64x128xf32, #tpu.memory_space<vmem>>) target(%dma_start3A_19 : memref<64x128xf32, #tpu.memory_space<hbm>>) target_semaphore(%run_scoped3A : memref<!tpu.dma_semaphore, #tpu.memory_space<semaphore_mem>>)
        %dma_wait3A = arith.constant 0 : i32
        %dma_wait3A_23 = arith.constant 0 : i32
        %dma_wait3A_24 = tpu.memref_slice %arg9[%dma_wait3A, %dma_wait3A_23] : memref<64x129xf32, #tpu.memory_space<vmem>> -> memref<64x128xf32, #tpu.memory_space<vmem>>
        %dma_wait3A_25 = arith.constant 0 : i32
        %dma_wait3A_26 = tpu.memref_slice %arg5[%dma_wait3A_25, %multiple_of3A] : memref<64x100096xf32, #tpu.memory_space<hbm>> -> memref<64x128xf32, #tpu.memory_space<hbm>>
        %dma_wait3A_27 = arith.constant 0 : i32
        %dma_wait3A_28 = tpu.memref_slice %arg5[%dma_wait3A_27, %multiple_of3A] : memref<64x100096xf32, #tpu.memory_space<hbm>> -> memref<64x128xf32, #tpu.memory_space<hbm>>
        %dma_wait3A_29 = arith.constant 0 : i32
        %dma_wait3A_30 = arith.constant 0 : i32
        %dma_wait3A_31 = tpu.memref_slice %arg9[%dma_wait3A_29, %dma_wait3A_30] : memref<64x129xf32, #tpu.memory_space<vmem>> -> memref<64x128xf32, #tpu.memory_space<vmem>>
        tpu.wait_dma2 semaphore(%run_scoped3A : memref<!tpu.dma_semaphore, #tpu.memory_space<semaphore_mem>>) src(%dma_wait3A_31 : memref<64x128xf32, #tpu.memory_space<vmem>>) dst(%dma_wait3A_28 : memref<64x128xf32, #tpu.memory_space<hbm>>)
        tpu.yield
      }) : () -> ()
    } else {
    }
    return
  }
}

module attributes {stable_mosaic.version = 14 : i64} {
  func.func @_project_body(%arg0: memref<520x128xf32, #tpu.memory_space<vmem>>, %arg1: memref<520x128xf32, #tpu.memory_space<vmem>>, %arg2: memref<64x128xf32, #tpu.memory_space<vmem>>, %arg3: memref<1x64xf32, #tpu.memory_space<vmem>>, %arg4: memref<520x128xf32, #tpu.memory_space<vmem>>) attributes {dimension_semantics = [], scalar_prefetch = 0 : i64, scratch_operands = 0 : i64, tpu.core_type = #tpu.core_type<tc>} {
    %get3A = arith.constant 0 : index
    %get3A_0 = arith.constant 0 : index
    %get3A_1 = vector.load %arg2[%get3A, %get3A_0] : memref<64x128xf32, #tpu.memory_space<vmem>>, vector<64x128xf32>
    %get3A_2 = arith.constant 0 : index
    %get3A_3 = arith.constant 0 : index
    %get3A_4 = vector.load %arg0[%get3A_2, %get3A_3] : memref<520x128xf32, #tpu.memory_space<vmem>>, vector<520x128xf32>
    %dot_general3A = arith.constant dense<0.000000e+00> : vector<520x64xf32>
    %dot_general3A_5 = tpu.matmul %get3A_4, %get3A_1, %dot_general3A {dimension_numbers = #tpu.dot_dimension_numbers<[1], [1], [0], [0], [0, 0, 1, 0], [], []>, transpose_lhs_hint = false} : vector<520x128xf32>, vector<64x128xf32>, vector<520x64xf32> -> vector<520x64xf32>
    %swap3A = arith.constant 0 : index
    %swap3A_6 = arith.constant 0 : index
    %swap3A_7 = vector.load %arg4[%swap3A, %swap3A_6] : memref<520x128xf32, #tpu.memory_space<vmem>>, vector<520x64xf32>
    tpu.vector_store %arg4[%swap3A, %swap3A_6], %dot_general3A_5 {strides = array<i32>} : memref<520x128xf32, #tpu.memory_space<vmem>>, vector<520x64xf32>,
    %get3A_8 = arith.constant 0 : index
    %get3A_9 = arith.constant 0 : index
    %get3A_10 = vector.load %arg1[%get3A_8, %get3A_9] : memref<520x128xf32, #tpu.memory_space<vmem>>, vector<520x128xf32>
    %dot_general3A_11 = arith.constant dense<0.000000e+00> : vector<520x64xf32>
    %dot_general3A_12 = tpu.matmul %get3A_10, %get3A_1, %dot_general3A_11 {dimension_numbers = #tpu.dot_dimension_numbers<[1], [1], [0], [0], [0, 0, 1, 0], [], []>, transpose_lhs_hint = false} : vector<520x128xf32>, vector<64x128xf32>, vector<520x64xf32> -> vector<520x64xf32>
    %get3A_13 = arith.constant 0 : index
    %get3A_14 = arith.constant 0 : index
    %get3A_15 = vector.load %arg3[%get3A_13, %get3A_14] : memref<1x64xf32, #tpu.memory_space<vmem>>, vector<1x64xf32>
    %add3A = vector.broadcast %get3A_15 : vector<1x64xf32> to vector<520x64xf32>
    %add3A_16 = arith.addf %dot_general3A_12, %add3A : vector<520x64xf32>
    %swap3A_17 = arith.constant 0 : index
    %swap3A_18 = arith.constant 64 : index
    %swap3A_19 = vector.load %arg4[%swap3A_17, %swap3A_18] : memref<520x128xf32, #tpu.memory_space<vmem>>, vector<520x64xf32>
    tpu.vector_store %arg4[%swap3A_17, %swap3A_18], %add3A_16 {strides = array<i32>} : memref<520x128xf32, #tpu.memory_space<vmem>>, vector<520x64xf32>,
    return
  }
}

</mosaic_0001>

<sc_bundles>
// kernel: kernel.4.cloned.1.call-start
scs
__scs_entry_jumppad:
0x0: {  	(pc) =	sbr.rel $0x88, $3  }
0x1: {  	(tag) =	ssettag $0x0;
	lr =	simm.s32 $0x1  }
0x2: {  	[smem:$0x3F9B] =	sst lr;
	_ =	strace $0xD0000000  }
0x3: {  	_ = 	snop  }
0x4: {  	_ = 	snop  }
0x5: {  	_ = 	snop  }
0x6: {  	_ = 	snop  }
0x7: {  	_ = 	snop  }
__scs_overlays_trampoline_lowered:
0x8: {  	[smem:$0x3FAA] =	sst s0  }
0x9: {  	[smem:$0x3FAB] =	sst s1  }
0xa: {  	[smem:$0x3FAC] =	sst s2  }
0xb: {  	[smem:$0x3FAD] =	sst s3  }
0xc: {  	[smem:$0x3FAE] =	sst s4  }
0xd: {  	[smem:$0x3FAF] =	sst s5  }
0xe: {  	[smem:$0x3FB0] =	sst s6  }
0xf: {  	[smem:$0x3FB1] =	sst s7  }
0x10: {  	[smem:$0x3FB2] =	sst s8  }
0x11: {  	[smem:$0x3FB3] =	sst s9;
	s0 =	simm.s32 @!p0 $0x0  }
0x12: {  	s1 =	sld [smem:$0x3F99];
	s0 =	simm.s32 @p0 $0x1  }
0x13: {  	[smem:$0x3FB4] =	sst s0;
	s0 =	simm.s32 @!p1 $0x0  }
0x14: {  	s2 =	sld [smem:$0x3F98];
	s0 =	simm.s32 @p1 $0x1  }
0x15: {  	[smem:$0x3FB5] =	sst s0;
	s0 =	simm.s32 @!p2 $0x0  }
0x16: {  	s3 =	sld [smem:$0x3FDB];
	s0 =	simm.s32 @p2 $0x1  }
0x17: {  	s4 =	simm.s32 $0x1BF5;
	[smem:$0x3FB7] =	sst s0  }
0x18: {  	s0 =	sld [smem:$0x3F9A];
	_ =	swait.ge [sflag:s4], $0x0  }
0x19: {  	s7 =	sld [smem:$0x3F9B]  }
0x1a: {  	s8 =	sadd.s32 $0xFFFFE003, lr  }
0x1b: {  	s9 =	sadd.s32 $0xFFFFFEF7, lr;
	s5 =	simm.s32 $0xFFFFFFFF;
	p2 =	slt.u32 s8, $0xFFFFF086  }
0x1c: {  	p1 =	slt.u32 s9, $0xF7A;
	s5 =	simm.s32 @!p2 $0x0  }
0x1d: {  	s5 =	simm.s32 @p1 $0x1;
	p0 =	seq.s32 s7, s2  }
0x1e: {  	s7 =	smul.u32 @!p0 $0xF7A, s2;
	p2 =	seq.s32 @!p0 s5, $0x0  }
0x1f: {  	s9 =	smul.u32 $0xF7A, s1;
	s8 =	simm.s32 @!p0 $0x1BF5;
	p2 =	por !p2, p0  }
0x20: {  	[sflag:s8] =	ssyncset.s32 @!p0 $0xFFFFF086;
	s6 =	sadd.s32 @!p0 s3, s7;
	s7 =	simm.s32 @!p0 $0x108  }
0x21: {  	s3 =	sadd.s32 s3, s9;
	s6 =	sadd.s32 @!p0 $0x88, s6;
	s7 =	simm.s32 @p2 $0x1082  }
0x22: {  	[simem:s7], [sflag:s8] =	dma.local @!p0 [hbm:s6], $0xF7A  }
0x23: {  	s9 =	sor.u32 $0xD0000000, s2;
	s6 =	simm.s32 $0x108;
	_ =	swait.ge @!p0 [sflag:s8], $0x0  }
0x24: {  	s3 =	sadd.s32 $0x88, s3;
	s6 =	simm.s32 @!p1 $0x1082;
	[sflag:s4] =	ssyncset.s32 $0xFFFFF086  }
0x25: {  	[simem:s6], [sflag:s4] =	dma.local [hbm:s3], $0xF7A  }
0x26: {  	[smem:$0x3F9B] =	sst s1;
	(tag) =	ssettag s2;
	_ =	strace s9  }
0x27: {  	s1 =	sld [smem:$0x3FAB]  }
0x28: {  	s2 =	sld [smem:$0x3FAC]  }
0x29: {  	s4 =	sld [smem:$0x3FAE]  }
0x2a: {  	p0 =	seq.s32 s5, $0x0;
	s5 =	sld [smem:$0x3FAF]  }
0x2b: {  	s6 =	sld [smem:$0x3FB0]  }
0x2c: {  	s7 =	sld [smem:$0x3FB1]  }
0x2d: {  	s3 =	simm.s32 $0x108;
	s8 =	sld [smem:$0x3FB2]  }
0x2e: {  	s3 =	simm.s32 @!p0 $0x1082;
	s9 =	sld [smem:$0x3FB3]  }
0x2f: {  	lr =	sadd.s32 s0, s3;
	s0 =	sld [smem:$0x3FAA]  }
0x30: {  	s3 =	sld [smem:$0x3FAD]  }
0x31: {  	[smem:$0x3FB6] =	sst s10  }
0x32: {  	s10 =	sld [smem:$0x3FB4];
	_ =	sdelay $0x3  }
0x33: {  	p0 =	seq.s32 s10, $0x1;
	s10 =	sld [smem:$0x3FB6];
	_ =	sdelay $0x3  }
0x34: {  	[smem:$0x3FB6] =	sst s10  }
0x35: {  	s10 =	sld [smem:$0x3FB5];
	_ =	sdelay $0x3  }
0x36: {  	p1 =	seq.s32 s10, $0x1;
	s10 =	sld [smem:$0x3FB6];
	_ =	sdelay $0x3  }
0x37: {  	[smem:$0x3FB6] =	sst s10  }
0x38: {  	s10 =	sld [smem:$0x3FB7]  }
0x39: {  	_ = 	snop;
	(pc) =	sbr.ind lr, $3  }
0x3a: {  	_ = 	snop  }
0x3b: {  	_ = 	snop  }
0x3c: {  	p2 =	seq.s32 s10, $0x1;
	s10 =	sld [smem:$0x3FB6]  }
0x3d: {  	_ =	shalt  }
0x3e: {  	_ =	shalt  }
0x3f: {  	_ =	shalt  }
0x40: {  	_ =	shalt  }
0x41: {  	_ =	shalt  }
0x42: {  	_ =	shalt  }
0x43: {  	_ =	shalt  }
0x44: {  	_ =	shalt  }
0x45: {  	_ =	shalt  }
0x46: {  	_ =	shalt  }
0x47: {  	_ =	shalt  }
0x48: {  	_ =	shalt  }
0x49: {  	_ =	shalt  }
0x4a: {  	_ =	shalt  }
0x4b: {  	_ =	shalt  }
0x4c: {  	_ =	shalt  }
0x4d: {  	_ =	shalt  }
0x4e: {  	_ =	shalt  }
0x4f: {  	_ =	shalt  }
0x50: {  	_ =	shalt  }
0x51: {  	_ =	shalt  }
0x52: {  	_ =	shalt  }
0x53: {  	_ =	shalt  }
0x54: {  	_ =	shalt  }
0x55: {  	_ =	shalt  }
0x56: {  	_ =	shalt  }
0x57: {  	_ =	shalt  }
0x58: {  	_ =	shalt  }
0x59: {  	_ =	shalt  }
0x5a: {  	_ =	shalt  }
0x5b: {  	_ =	shalt  }
0x5c: {  	_ =	shalt  }
0x5d: {  	_ =	shalt  }
0x5e: {  	_ =	shalt  }
0x5f: {  	_ =	shalt  }
0x60: {  	_ =	shalt  }
0x61: {  	_ =	shalt  }
0x62: {  	_ =	shalt  }
0x63: {  	_ =	shalt  }
0x64: {  	_ =	shalt  }
0x65: {  	_ =	shalt  }
0x66: {  	_ =	shalt  }
0x67: {  	_ =	shalt  }
0x68: {  	_ =	shalt  }
0x69: {  	_ =	shalt  }
0x6a: {  	_ =	shalt  }
0x6b: {  	_ =	shalt  }
0x6c: {  	_ =	shalt  }
0x6d: {  	_ =	shalt  }
0x6e: {  	_ =	shalt  }
0x6f: {  	_ =	shalt  }
0x70: {  	_ =	shalt  }
0x71: {  	_ =	shalt  }
0x72: {  	_ =	shalt  }
0x73: {  	_ =	shalt  }
0x74: {  	_ =	shalt  }
0x75: {  	_ =	shalt  }
0x76: {  	_ =	shalt  }
0x77: {  	_ =	shalt  }
0x78: {  	_ =	shalt  }
0x79: {  	_ =	shalt  }
0x7a: {  	_ =	shalt  }
0x7b: {  	_ =	shalt  }
0x7c: {  	_ =	shalt  }
0x7d: {  	_ =	shalt  }
0x7e: {  	_ =	shalt  }
0x7f: {  	_ =	shalt  }
0x80: {  	_ =	shalt  }
0x81: {  	_ =	shalt  }
0x82: {  	_ =	shalt  }
0x83: {  	_ =	shalt  }
0x84: {  	_ =	shalt  }
0x85: {  	_ =	shalt  }
0x86: {  	_ =	shalt  }
0x87: {  	_ =	shalt  }
.Lfunc_end0:
.L_simem_size_0:
called_computation_lowered:
.L_overlay_start_0:
0x88: {  	s2 =	sld [smem:$0x3FD9]  }
0x89: {  	s3 =	sld [smem:$0x3FFE];
	_ =	sdelay $0x1  }
0x8a: {  	s1 =	srdreg.scid  }
0x8b: {  	s0 =	sand.u32 $0x1, s1  }
0x8c: {  	s17 =	sshll.u32 s0, $0xA;
	s2 =	sadd.s32 s3, s2  }
0x8d: {  	s2 =	sadd.s32 s2, s17  }
0x8e: {  	[smem:$0x3FC2] =	sst s2  }
0x8f: {  	_ = 	snop  }
0x90: {  	s2 =	sld [smem:$0x3FD0];
	(tm) =	ssettm $0x1  }
0x91: {  	s18 =	sld [smem:$0x3FFB];
	_ =	sdelay $0x3  }
0x92: {  	_ =	strace s18  }
0x93: {  	s3 =	sld [smem:$0x3FFC];
	_ =	sdelay $0x3  }
0x94: {  	_ =	strace s3  }
0x95: {  	s3 =	sld [smem:$0x3FFD];
	_ =	sdelay $0x3  }
0x96: {  	_ =	strace s3  }
0x97: {  	_ =	strace $0x8FFFFFFF  }
0x98: {  	s19 =	sld [smem:$0x3FDB];
	_ =	sdelay $0x1  }
0x99: {  	s4 =	simm.s32 $_scs_section_size  }
0x9a: {  	s5 =	simm.s32 $_size__tile_overlayer_lowered;
	s6 =	simm.s32 $_tile_overlayer_lowered  }
0x9b: {  	s22 =	simm.s32 $0x1BFF;
	s21 =	sshll.u32 s6, $0x1;
	s3 =	sadd.s32 s4, s19  }
0x9c: {  	s7 =	simm.s32 $0x0;
	s20 =	sshll.u32 s5, $0x1;
	s5 =	sadd.s32 s21, s3  }
0x9d: {  	[timem:s7], [sflag:s22] =	dma.local [hbm:s5], s20  }
0x9e: {  	_ =	swait.ge [sflag:s22], s20  }
0x9f: {  	s4 =	ssub.s32 $0x0, s20;
	[sflag:s22] =	ssyncset.done $0x0  }
0xa0: {  	[sflag:s22] =	ssyncadd.s32 s4;
	_ =	sdelay $0x1  }
0xa1: {  	s23 =	simm.s32 $0x1B8B  }
0xa2: {  	_ =	swait.ge [sflag:s23], $0x1  }
0xa3: {  	[sflag:s23] =	ssyncset.done $0x0  }
0xa4: {  	s25 =	simm.s32 $0x1B8E;
	s24 =	sld [smem:$0x3FFE];
	[sflag:s23] =	ssyncadd.s32 $0xFFFFFFFF  }
0xa5: {  	s26 =	simm.s32 $execute0_lowered;
	[smem:$0x3FD2] =	sst s25  }
0xa6: {  	s5 =	sshll.u32 s26, $0x1;
	_ =	strace $0x80000046;
	[dreg:$0x1] =	wrdreg $0xFFFFFFFF  }
0xa7: {  	s28 =	simm.s32 $_size_execute0_lowered;
	s3 =	sadd.s32 s3, s5;
	[dreg:$0x0] =	wrdreg $0x0  }
0xa8: {  	s5 =	sshll.u32 s28, $0x1;
	[dreg:$0x2] =	wrdreg s3  }
0xa9: {  	[dreg:$0x3] =	wrdreg s5  }
0xaa: {  	[dreg:$0x4] =	wrdreg $0xC0  }
0xab: {  	_ =	task [dreg:s7], $0x5FFFF  }
0xac: {  	[dreg:$0x1] =	wrdreg $0xFFFFFFFF  }
0xad: {  	[dreg:$0x0] =	wrdreg $0x60  }
0xae: {  	[dreg:$0x2] =	wrdreg s24  }
0xaf: {  	[dreg:$0x3] =	wrdreg s2  }
0xb0: {  	[dreg:$0x4] =	wrdreg $0x9  }
0xb1: {  	_ =	task.clear_ibuf [dreg:s7], $0x5FFFF;
	_ =	strace $0x90000046  }
0xb2: {  	s29 =	simm.s32 $0x9;
	_ =	strace $0x80000048  }
0xb3: {  	_ =	swait.ge [sflag:s29], $0x1  }
0xb4: {  	[sflag:s29] =	ssyncadd.s32 $0xFFFFFFFF  }
0xb5: {  	_ =	strace $0x90000048  }
0xb6: {  	_ =	sfence  }
0xb7: {  	s30 =	sld [smem:$0x0];
	_ =	sdelay $0x2  }
0xb8: {  	s31 =	sshll.u32 s1, $0xD;
	s1 =	sshrl.u32 s1, $0x2  }
0xb9: {  	s3 =	sand.u32 $0x4000, s31;
	s1 =	sadd.s32 s1, s30  }
0xba: {  	s0 =	sor.u32 s3, s0;
	s1 =	sshll.u32 s1, $0x11  }
0xbb: {  	s0 =	sor.u32 s1, s0  }
0xbc: {  	s0 =	sadd.s32 $0x8F2B, s0  }
0xbd: {  	[sflag:s0] =	ssyncadd.remote.s32 $0x1  }
0xbe: {  	_ =	sfence.sel $0xFFFF  }
0xbf: {  	[dreg:$0x0] =	wrdreg $0xFFFFFFFF;
	(pc) =	sbr.abs _section_cstart, $3  }
0xc0: {  	[dreg:$0x1] =	wrdreg $0xFFFFFFFF  }
0xc1: {  	_ =	task.clear_ibuf [dreg:s7], $0x2FFFF;
	_ =	strace $0x9FFFFFFF  }
0xc2: {  	(tm) =	ssettm $0x7FFFFFFF  }
0xc3: {  	_ =	shalt  }
tec
execute0_lowered:
.L_overlay_start_1:
0x0: {  	(tag) =	ssettag $0x1  }
0x1: {  	v0 =	vimm.s32 $0xB80  }
0x2: {  	vm14 =	vcmask $0x300;
	vm13 =	vcmask $0x704;
	vm12 =	vcmask $0xB08  }
0x3: {  	vm11 =	vcmask $0xF0C;
	vm10 =	vcmask $0x1310;
	vm9 =	vcmask $0x1714  }
0x4: {  	vm8 =	vcmask $0x1B18;
	vm7 =	vcmask $0x1F1C;
	vm6 =	vcmask $0x2320  }
0x5: {  	vm5 =	vcmask $0x2724;
	vm4 =	vcmask $0x2B28;
	vm3 =	vcmask $0x2F2C  }
0x6: {  	vm2 =	vcmask $0x3330;
	vm1 =	vcmask $0x3734;
	vm0 =	vcmask $0x3B38  }
0x7: {  	v1 =	vimm.s32 $0x1B80;
	v2 =	vimm.s32 $0x2B80;
	v3 =	vimm.s32 $0x3B80  }
0x8: {  	v0 =	vsel vm14, $0x0, v0;
	v1 =	vsel vm14, $0x1000, v1;
	v2 =	vsel vm14, $0x2000, v2  }
0x9: {  	v3 =	vsel vm14, $0x3000, v3;
	v0 =	vsel vm13, $0x80, v0;
	v1 =	vsel vm13, $0x1080, v1  }
0xa: {  	v2 =	vsel vm13, $0x2080, v2;
	v3 =	vsel vm13, $0x3080, v3;
	v0 =	vsel vm12, $0x100, v0  }
0xb: {  	v1 =	vsel vm12, $0x1100, v1;
	v2 =	vsel vm12, $0x2100, v2;
	v3 =	vsel vm12, $0x3100, v3  }
0xc: {  	v0 =	vsel vm11, $0x180, v0;
	v1 =	vsel vm11, $0x1180, v1;
	v2 =	vsel vm11, $0x2180, v2  }
0xd: {  	v3 =	vsel vm11, $0x3180, v3;
	v0 =	vsel vm10, $0x200, v0;
	v1 =	vsel vm10, $0x1200, v1  }
0xe: {  	v2 =	vsel vm10, $0x2200, v2;
	v3 =	vsel vm10, $0x3200, v3;
	v0 =	vsel vm9, $0x280, v0  }
0xf: {  	s0 =	rddreg [dreg:$0x0];
	v1 =	vsel vm9, $0x1280, v1;
	v2 =	vsel vm9, $0x2280, v2;
	v3 =	vsel vm9, $0x3280, v3  }
0x10: {  	s4 =	rddreg [dreg:$0x1];
	s6 =	simm.s32 $0x0;
	s1 =	srdreg.scid;
	v0 =	vsel vm8, $0x300, v0;
	v1 =	vsel vm8, $0x1300, v1;
	v2 =	vsel vm8, $0x2300, v2  }
0x11: {  	s5 =	stileid.u32;
	[smem:$0x7FF] =	sst s6;
	v3 =	vsel vm8, $0x3300, v3;
	v0 =	vsel vm7, $0x380, v0;
	v1 =	vsel vm7, $0x1380, v1  }
0x12: {  	s1 =	sand.u32 $0x1, s1;
	s2 =	sshll.u32 s5, $0x1;
	s3 =	sadd.s32 $0x3C00, s0;
	v2 =	vsel vm7, $0x2380, v2;
	v3 =	vsel vm7, $0x3380, v3;
	v0 =	vsel vm6, $0x800, v0  }
0x13: {  	s7 =	sadd.s32 $0xA00, s0;
	_ =	strace $0x80000047;
	[dreg:$0x3] =	wrdreg s3;
	v1 =	vsel vm6, $0x1800, v1;
	v2 =	vsel vm6, $0x2800, v2;
	v3 =	vsel vm6, $0x3800, v3  }
0x14: {  	s14 =	simm.s32 $0x10500;
	s2 =	sor.u32 s1, s2;
	[dreg:$0x5] =	wrdreg s7;
	v0 =	vsel vm5, $0x880, v0;
	v1 =	vsel vm5, $0x1880, v1;
	v2 =	vsel vm5, $0x2880, v2  }
0x15: {  	s8 =	sadd.s32 $0x5E00, s0;
	[dreg:$0x4] =	wrdreg s2;
	s2 =	sor.u32 $0x300, s2;
	v3 =	vsel vm5, $0x3880, v3;
	v0 =	vsel vm4, $0x900, v0;
	v1 =	vsel vm4, $0x1900, v1  }
0x16: {  	s1 =	ssub.s32 $0x2, s1;
	[dreg:$0x6] =	wrdreg s8;
	s28 =	sshll.u32 s2, $0x4;
	v2 =	vsel vm4, $0x2900, v2;
	v3 =	vsel vm4, $0x3900, v3;
	v0 =	vsel vm3, $0x980, v0  }
.Ltmp0:
0x17: {  	s26 =	sshrl.u32 s1, $0x1;
	s29 =	sadd.s32 s4, s28;
	v1 =	vsel vm3, $0x1980, v1;
	v2 =	vsel vm3, $0x2980, v2;
	v3 =	vsel vm3, $0x3980, v3;
	(pc) =	sbr.rel .LBB2_1-.Ltmp0, $4  }
0x18: {  	s30 =	sshll.u32 s2, $0x7;
	s31 =	sadd.s32 s7, s28;
	[dreg:$0x7] =	wrdreg s29;
	v0 =	vsel vm2, $0xA00, v0;
	v1 =	vsel vm2, $0x1A00, v1;
	v2 =	vsel vm2, $0x2A00, v2  }
0x19: {  	s0 =	ssub.s32 s1, s26;
	s1 =	sadd.s32 s8, s30;
	[dreg:$0x8] =	wrdreg s31;
	v3 =	vsel vm2, $0x3A00, v3;
	v0 =	vsel vm1, $0xA80, v0;
	v1 =	vsel vm1, $0x1A80, v1  }
0x1a: {  	p0 =	sgt.u32 s5, $0x6;
	s0 =	smax.u32 s0, $0x1;
	[dreg:$0x9] =	wrdreg s1;
	v2 =	vsel vm1, $0x2A80, v2;
	v3 =	vsel vm1, $0x3A80, v3;
	v0 =	vsel vm0, $0xB00, v0  }
0x1b: {  	s3 =	simm.s32 $0x2;
	[dreg:$0xa] =	wrdreg s0;
	s1 =	simm.s32 $0x0;
	v1 =	vsel vm0, $0x1B00, v1;
	v2 =	vsel vm0, $0x2B00, v2;
	v3 =	vsel vm0, $0x3B00, v3  }
.LBB2_9:
0x1c: {  	s1 =	sadd.s32 $0x1, s1;
	s0 =	rddreg [dreg:$0xa]  }
0x1d: {  	p1 =	sne.s32 s1, s0  }
.Ltmp1:
0x1e: {  	_ = 	snop;
	(pc) =	sbr.rel @!p1 .LBB2_10-.Ltmp1, $1  }
0x1f: {  	_ =	sdelay $0x3  }
.LBB2_1:
0x20: {  	[dreg:$0xb] =	wrdreg s1  }
0x21: {  	s0 =	rddreg [dreg:$0x3];
	s31 =	simm.s32 $0x1  }
0x22: {  	[tilespmem:s6], [sflag:$0x1] =	stream.linear.gather [hbm4b:s0+s6], $0x10400, $0x38;
	[tilespmem:$0x14500] =	vst v63  }
0x23: {  	_ =	swait.ge [sflag:s31], $0x10400  }
0x24: {  	[sflag:s31] =	ssyncset.done $0x0  }
0x25: {  	s0 =	simm.s32 $0x0;
	[sflag:s31] =	ssyncadd.s32 $0xFFFEFC00  }
.LBB2_2:
0x26: {  	[dreg:$0xc] =	wrdreg s0  }
0x27: {  	s24 =	sshll.u32 s0, $0x5;
	s1 =	rddreg [dreg:$0x4]  }
0x28: {  	s25 =	rddreg [dreg:$0x1];
	s0 =	sor.u32 s1, s24  }
0x29: {  	[dreg:$0xd] =	wrdreg s0;
	s0 =	sshll.u32 s0, $0x4  }
0x2a: {  	s2 =	simm.s32 $0x10400;
	s1 =	sadd.s32 s25, s0  }
0x2b: {  	[tilespmem:s2], [sflag:$0x2] =	stream.linear.gather [hbm4b:s1+s6], $0x80, $0x38;
	[tilespmem:$0x14500] =	vst v63  }
0x2c: {  	_ =	swait.ge [sflag:s3], $0x80  }
0x2d: {  	[sflag:s3] =	ssyncset.done $0x0;
	s26 =	rddreg [dreg:$0x5]  }
0x2e: {  	s4 =	simm.s32 $0x10480;
	[sflag:s3] =	ssyncadd.s32 $0xFFFFFF80;
	s0 =	sadd.s32 s26, s0  }
0x2f: {  	[tilespmem:s4], [sflag:$0x2] =	stream.linear.gather [hbm4b:s0+s6], $0x80, $0x38;
	[tilespmem:$0x14500] =	vst v63  }
0x30: {  	_ =	swait.ge [sflag:s3], $0x80  }
0x31: {  	[sflag:s3] =	ssyncset.done $0x0  }
0x32: {  	[sflag:s3] =	ssyncadd.s32 $0xFFFFFF80  }
0x33: {  	v4 =	vld [tilespmem:s2+$0x0]  }
0x34: {  	v5 =	vld [tilespmem:s4+$0x0];
	_ =	sdelay $0x3  }
0x35: {  	vm0 =	vgt.s32 v4, $0x0  }
0x36: {  	vm7 =	vgt.s32 v5, $0x0;
	v4 =	vnsel vm0, $0x0, v4  }
0x37: {  	v5 =	vnsel vm7, $0x0, v5;
	v4 =	vmin.u32 v4, $0x200  }
0x38: {  	v12 =	vshll.u32 v4, $0x7;
	v4 =	vmin.u32 v5, $0x200  }
0x39: {  	(v2sf) =	vpush v12, $0x0;
	v13 =	vshll.u32 v4, $0x7  }
0x3a: {  	(v2sf) =	vpush v13, $0x0;
	_ =	sdelay $0xd  }
0x3b: {  	s5 =	spop (v2sf)  }
0x3c: {  	v4 =	vld [tilespmem:s5+$0x0];
	s6 =	spop (v2sf)  }
0x3d: {  	v5 =	vld [tilespmem:s6+$0x40]  }
0x3e: {  	s7 =	simm.s32 $0x0  }
0x3f: {  	v6 =	vor.u32 s7, v0;
	_ =	sdelay $0x2  }
0x40: {  	v4 =	vadd.f32 v5, v4;
	_ =	sdelay $0x1  }
0x41: {  	[tilespmem:v6+s14+$0x0] =	vst.idx.msk $0xffff, v4  }
0x42: {  	v4 =	vld [tilespmem:s5+$0x10]  }
0x43: {  	v5 =	vld [tilespmem:s6+$0x50];
	_ =	sdelay $0x1  }
0x44: {  	v6 =	vor.u32 s7, v1;
	_ =	sdelay $0x2  }
0x45: {  	v4 =	vadd.f32 v5, v4;
	_ =	sdelay $0x1  }
0x46: {  	[tilespmem:v6+s14+$0x0] =	vst.idx.msk $0xffff, v4  }
0x47: {  	v4 =	vld [tilespmem:s5+$0x20]  }
0x48: {  	v5 =	vld [tilespmem:s6+$0x60]  }
0x49: {  	(v2sf) =	vpush v12, $0x1  }
0x4a: {  	(v2sf) =	vpush v13, $0x1;
	v6 =	vor.u32 s7, v2;
	_ =	sdelay $0x2  }
0x4b: {  	v4 =	vadd.f32 v5, v4;
	_ =	sdelay $0x1  }
0x4c: {  	[tilespmem:v6+s14+$0x0] =	vst.idx.msk $0xffff, v4  }
0x4d: {  	v4 =	vld [tilespmem:s5+$0x30]  }
0x4e: {  	v5 =	vld [tilespmem:s6+$0x70];
	_ =	sdelay $0x1  }
0x4f: {  	v6 =	vor.u32 s7, v3;
	_ =	sdelay $0x2  }
0x50: {  	v4 =	vadd.f32 v5, v4;
	_ =	sdelay $0x1  }
0x51: {  	s8 =	spop (v2sf);
	[tilespmem:v6+s14+$0x0] =	vst.idx.msk $0xffff, v4  }
0x52: {  	s9 =	spop (v2sf);
	v4 =	vld [tilespmem:s8+$0x0]  }
0x53: {  	v5 =	vld [tilespmem:s9+$0x40]  }
0x54: {  	s10 =	simm.s32 $0x1  }
0x55: {  	v6 =	vor.u32 s10, v0;
	_ =	sdelay $0x2  }
0x56: {  	v4 =	vadd.f32 v5, v4;
	_ =	sdelay $0x1  }
0x57: {  	[tilespmem:v6+s14+$0x0] =	vst.idx.msk $0xffff, v4  }
0x58: {  	v4 =	vld [tilespmem:s8+$0x10]  }
0x59: {  	v5 =	vld [tilespmem:s9+$0x50];
	_ =	sdelay $0x1  }
0x5a: {  	v6 =	vor.u32 s10, v1;
	_ =	sdelay $0x2  }
0x5b: {  	v4 =	vadd.f32 v5, v4;
	_ =	sdelay $0x1  }
0x5c: {  	[tilespmem:v6+s14+$0x0] =	vst.idx.msk $0xffff, v4  }
0x5d: {  	v4 =	vld [tilespmem:s8+$0x20]  }
0x5e: {  	v5 =	vld [tilespmem:s9+$0x60]  }
0x5f: {  	(v2sf) =	vpush v12, $0x2  }
0x60: {  	(v2sf) =	vpush v13, $0x2;
	v6 =	vor.u32 s10, v2;
	_ =	sdelay $0x2  }
0x61: {  	v4 =	vadd.f32 v5, v4;
	_ =	sdelay $0x1  }
0x62: {  	[tilespmem:v6+s14+$0x0] =	vst.idx.msk $0xffff, v4  }
0x63: {  	v4 =	vld [tilespmem:s8+$0x30]  }
0x64: {  	v5 =	vld [tilespmem:s9+$0x70];
	_ =	sdelay $0x1  }
0x65: {  	v6 =	vor.u32 s10, v3;
	_ =	sdelay $0x2  }
0x66: {  	v4 =	vadd.f32 v5, v4;
	_ =	sdelay $0x1  }
0x67: {  	s11 =	spop (v2sf);
	[tilespmem:v6+s14+$0x0] =	vst.idx.msk $0xffff, v4  }
0x68: {  	s12 =	spop (v2sf);
	v4 =	vld [tilespmem:s11+$0x0]  }
0x69: {  	v5 =	vld [tilespmem:s12+$0x40]  }
0x6a: {  	s13 =	simm.s32 $0x2  }
0x6b: {  	v6 =	vor.u32 s13, v0;
	_ =	sdelay $0x2  }
0x6c: {  	s16 =	simm.s32 $0x10490;
	v4 =	vadd.f32 v5, v4  }
0x6d: {  	s15 =	simm.s32 $0x10410;
	v7 =	vld [tilespmem:s16+$0x0]  }
0x6e: {  	v5 =	vld [tilespmem:s15+$0x0];
	[tilespmem:v6+s14+$0x0] =	vst.idx.msk $0xffff, v4  }
0x6f: {  	v4 =	vld [tilespmem:s11+$0x10]  }
0x70: {  	v6 =	vld [tilespmem:s12+$0x50];
	_ =	sdelay $0x1  }
0x71: {  	v8 =	vor.u32 s13, v1;
	_ =	sdelay $0x1  }
0x72: {  	vm8 =	vgt.s32 v5, $0x0  }
0x73: {  	vm9 =	vgt.s32 v7, $0x0;
	v5 =	vnsel vm8, $0x0, v5;
	v6 =	vadd.f32 v6, v4  }
0x74: {  	v4 =	vmin.u32 v5, $0x200;
	v5 =	vnsel vm9, $0x0, v7  }
0x75: {  	v4 =	vshll.u32 v4, $0x7;
	v5 =	vmin.u32 v5, $0x200;
	[tilespmem:v8+s14+$0x0] =	vst.idx.msk $0xffff, v6  }
0x76: {  	(v2sf) =	vpush v4, $0x0;
	v6 =	vshll.u32 v5, $0x7;
	v5 =	vld [tilespmem:s11+$0x20]  }
0x77: {  	(v2sf) =	vpush v6, $0x0;
	v7 =	vld [tilespmem:s12+$0x60]  }
0x78: {  	(v2sf) =	vpush v12, $0x3  }
0x79: {  	v8 =	vor.u32 s13, v2;
	(v2sf) =	vpush v13, $0x3;
	_ =	sdelay $0x2  }
0x7a: {  	v5 =	vadd.f32 v7, v5;
	_ =	sdelay $0x1  }
0x7b: {  	[tilespmem:v8+s14+$0x0] =	vst.idx.msk $0xffff, v5  }
0x7c: {  	v5 =	vld [tilespmem:s11+$0x30]  }
0x7d: {  	v7 =	vld [tilespmem:s12+$0x70];
	_ =	sdelay $0x1  }
0x7e: {  	v8 =	vor.u32 s13, v3;
	_ =	sdelay $0x2  }
0x7f: {  	v5 =	vadd.f32 v7, v5;
	s17 =	spop (v2sf)  }
0x80: {  	s18 =	spop (v2sf)  }
0x81: {  	[tilespmem:v8+s14+$0x0] =	vst.idx.msk $0xffff, v5;
	s19 =	spop (v2sf)  }
0x82: {  	v5 =	vld [tilespmem:s19+$0x0];
	s20 =	spop (v2sf)  }
0x83: {  	v7 =	vld [tilespmem:s20+$0x40]  }
0x84: {  	s4 =	simm.s32 $0x3  }
0x85: {  	v8 =	vor.u32 s4, v0;
	_ =	sdelay $0x2  }
0x86: {  	v5 =	vadd.f32 v7, v5;
	_ =	sdelay $0x1  }
0x87: {  	[tilespmem:v8+s14+$0x0] =	vst.idx.msk $0xffff, v5  }
0x88: {  	v5 =	vld [tilespmem:s19+$0x10]  }
0x89: {  	v7 =	vld [tilespmem:s20+$0x50];
	_ =	sdelay $0x1  }
0x8a: {  	v8 =	vor.u32 s4, v1;
	_ =	sdelay $0x2  }
0x8b: {  	v5 =	vadd.f32 v7, v5;
	_ =	sdelay $0x1  }
0x8c: {  	[tilespmem:v8+s14+$0x0] =	vst.idx.msk $0xffff, v5  }
0x8d: {  	v5 =	vld [tilespmem:s19+$0x20]  }
0x8e: {  	v7 =	vld [tilespmem:s20+$0x60]  }
0x8f: {  	(v2sf) =	vpush v12, $0x4  }
0x90: {  	(v2sf) =	vpush v13, $0x4;
	v8 =	vor.u32 s4, v2;
	_ =	sdelay $0x1  }
0x91: {  	v9 =	vld [tilespmem:s17+$0x0]  }
0x92: {  	v10 =	vld [tilespmem:s18+$0x40];
	v5 =	vadd.f32 v7, v5  }
0x93: {  	s5 =	simm.s32 $0x10  }
0x94: {  	v7 =	vor.u32 s5, v0;
	[tilespmem:v8+s14+$0x0] =	vst.idx.msk $0xffff, v5  }
0x95: {  	v5 =	vld [tilespmem:s19+$0x30]  }
0x96: {  	v8 =	vld [tilespmem:s20+$0x70]  }
0x97: {  	v9 =	vadd.f32 v10, v9  }
0x98: {  	v10 =	vor.u32 s4, v3  }
0x99: {  	[tilespmem:v7+s14+$0x0] =	vst.idx.msk $0xffff, v9  }
0x9a: {  	v7 =	vld [tilespmem:s17+$0x10]  }
0x9b: {  	v9 =	vld [tilespmem:s18+$0x50];
	v5 =	vadd.f32 v8, v5;
	_ =	sdelay $0x1  }
0x9c: {  	s21 =	spop (v2sf);
	v8 =	vor.u32 s5, v1;
	[tilespmem:v10+s14+$0x0] =	vst.idx.msk $0xffff, v5  }
0x9d: {  	s22 =	spop (v2sf);
	v5 =	vld [tilespmem:s21+$0x0]  }
0x9e: {  	v10 =	vld [tilespmem:s22+$0x40]  }
0x9f: {  	s23 =	simm.s32 $0x4;
	v7 =	vadd.f32 v9, v7  }
0xa0: {  	v9 =	vor.u32 s23, v0  }
0xa1: {  	[tilespmem:v8+s14+$0x0] =	vst.idx.msk $0xffff, v7  }
0xa2: {  	v7 =	vld [tilespmem:s17+$0x20]  }
0xa3: {  	v8 =	vld [tilespmem:s18+$0x60];
	v5 =	vadd.f32 v10, v5  }
0xa4: {  	(v2sf) =	vpush v4, $0x1  }
0xa5: {  	(v2sf) =	vpush v6, $0x1;
	v10 =	vor.u32 s5, v2;
	[tilespmem:v9+s14+$0x0] =	vst.idx.msk $0xffff, v5  }
0xa6: {  	v5 =	vld [tilespmem:s21+$0x10]  }
0xa7: {  	v9 =	vld [tilespmem:s22+$0x50]  }
0xa8: {  	v7 =	vadd.f32 v8, v7  }
0xa9: {  	v8 =	vor.u32 s23, v1  }
0xaa: {  	[tilespmem:v10+s14+$0x0] =	vst.idx.msk $0xffff, v7  }
0xab: {  	v7 =	vld [tilespmem:s17+$0x30]  }
0xac: {  	v10 =	vld [tilespmem:s18+$0x70];
	v5 =	vadd.f32 v9, v5;
	_ =	sdelay $0x1  }
0xad: {  	v9 =	vor.u32 s5, v3;
	[tilespmem:v8+s14+$0x0] =	vst.idx.msk $0xffff, v5  }
0xae: {  	v5 =	vld [tilespmem:s21+$0x20]  }
0xaf: {  	v8 =	vld [tilespmem:s22+$0x60]  }
0xb0: {  	(v2sf) =	vpush v12, $0x5;
	v7 =	vadd.f32 v10, v7  }
0xb1: {  	(v2sf) =	vpush v13, $0x5;
	v10 =	vor.u32 s23, v2  }
0xb2: {  	s24 =	spop (v2sf);
	[tilespmem:v9+s14+$0x0] =	vst.idx.msk $0xffff, v7  }
0xb3: {  	s25 =	spop (v2sf);
	v7 =	vld [tilespmem:s24+$0x0]  }
0xb4: {  	v9 =	vld [tilespmem:s25+$0x40];
	v5 =	vadd.f32 v8, v5  }
0xb5: {  	s26 =	simm.s32 $0x11  }
0xb6: {  	v8 =	vor.u32 s26, v0;
	[tilespmem:v10+s14+$0x0] =	vst.idx.msk $0xffff, v5  }
0xb7: {  	v5 =	vld [tilespmem:s21+$0x30]  }
0xb8: {  	v10 =	vld [tilespmem:s22+$0x70]  }
0xb9: {  	v7 =	vadd.f32 v9, v7  }
0xba: {  	v9 =	vor.u32 s23, v3  }
0xbb: {  	[tilespmem:v8+s14+$0x0] =	vst.idx.msk $0xffff, v7  }
0xbc: {  	v7 =	vld [tilespmem:s24+$0x10]  }
0xbd: {  	v8 =	vld [tilespmem:s25+$0x50];
	v5 =	vadd.f32 v10, v5;
	_ =	sdelay $0x1  }
0xbe: {  	s3 =	spop (v2sf);
	v10 =	vor.u32 s26, v1;
	[tilespmem:v9+s14+$0x0] =	vst.idx.msk $0xffff, v5  }
0xbf: {  	s4 =	spop (v2sf);
	v5 =	vld [tilespmem:s3+$0x0]  }
0xc0: {  	v9 =	vld [tilespmem:s4+$0x40]  }
0xc1: {  	s7 =	simm.s32 $0x5;
	v7 =	vadd.f32 v8, v7  }
0xc2: {  	v8 =	vor.u32 s7, v0  }
0xc3: {  	[tilespmem:v10+s14+$0x0] =	vst.idx.msk $0xffff, v7  }
0xc4: {  	v7 =	vld [tilespmem:s24+$0x20]  }
0xc5: {  	v10 =	vld [tilespmem:s25+$0x60];
	v5 =	vadd.f32 v9, v5  }
0xc6: {  	s8 =	simm.s32 $0x10420;
	(v2sf) =	vpush v4, $0x2  }
0xc7: {  	v11 =	vor.u32 s26, v2;
	(v2sf) =	vpush v6, $0x2;
	v9 =	vld [tilespmem:s8+$0x0];
	[tilespmem:v8+s14+$0x0] =	vst.idx.msk $0xffff, v5  }
0xc8: {  	v5 =	vld [tilespmem:s3+$0x10]  }
0xc9: {  	v8 =	vld [tilespmem:s4+$0x50]  }
0xca: {  	v7 =	vadd.f32 v10, v7  }
0xcb: {  	v10 =	vor.u32 s7, v1  }
0xcc: {  	[tilespmem:v11+s14+$0x0] =	vst.idx.msk $0xffff, v7  }
0xcd: {  	v7 =	vld [tilespmem:s24+$0x30]  }
0xce: {  	vm10 =	vgt.s32 v9, $0x0;
	v11 =	vld [tilespmem:s25+$0x70];
	v5 =	vadd.f32 v8, v5  }
0xcf: {  	v8 =	vnsel vm10, $0x0, v9  }
0xd0: {  	v9 =	vor.u32 s26, v3;
	v8 =	vmin.u32 v8, $0x200;
	[tilespmem:v10+s14+$0x0] =	vst.idx.msk $0xffff, v5  }
0xd1: {  	v5 =	vshll.u32 v8, $0x7;
	v8 =	vld [tilespmem:s3+$0x20]  }
0xd2: {  	(v2sf) =	vpush v5, $0x0;
	v10 =	vld [tilespmem:s4+$0x60]  }
0xd3: {  	v7 =	vadd.f32 v11, v7;
	(v2sf) =	vpush v12, $0x6  }
0xd4: {  	v11 =	vor.u32 s7, v2;
	(v2sf) =	vpush v13, $0x6  }
0xd5: {  	s9 =	spop (v2sf);
	[tilespmem:v9+s14+$0x0] =	vst.idx.msk $0xffff, v7  }
0xd6: {  	s10 =	spop (v2sf);
	v7 =	vld [tilespmem:s9+$0x0]  }
0xd7: {  	v9 =	vld [tilespmem:s10+$0x40];
	v8 =	vadd.f32 v10, v8  }
0xd8: {  	s11 =	simm.s32 $0x12  }
0xd9: {  	v10 =	vor.u32 s11, v0;
	[tilespmem:v11+s14+$0x0] =	vst.idx.msk $0xffff, v8  }
0xda: {  	v8 =	vld [tilespmem:s3+$0x30]  }
0xdb: {  	v11 =	vld [tilespmem:s4+$0x70]  }
0xdc: {  	v7 =	vadd.f32 v9, v7  }
0xdd: {  	s12 =	simm.s32 $0x104A0;
	v9 =	vor.u32 s7, v3  }
0xde: {  	v14 =	vld [tilespmem:s12+$0x0];
	[tilespmem:v10+s14+$0x0] =	vst.idx.msk $0xffff, v7  }
0xdf: {  	v7 =	vld [tilespmem:s9+$0x10]  }
0xe0: {  	v10 =	vld [tilespmem:s10+$0x50];
	v8 =	vadd.f32 v11, v8  }
0xe1: {  	s13 =	spop (v2sf)  }
0xe2: {  	v11 =	vor.u32 s11, v1;
	[tilespmem:v9+s14+$0x0] =	vst.idx.msk $0xffff, v8;
	s15 =	spop (v2sf)  }
0xe3: {  	v8 =	vld [tilespmem:s15+$0x0];
	s16 =	spop (v2sf)  }
0xe4: {  	v15 =	vld [tilespmem:s16+$0x40]  }
0xe5: {  	vm11 =	vgt.s32 v14, $0x0;
	s7 =	simm.s32 $0x6;
	v7 =	vadd.f32 v10, v7  }
0xe6: {  	v9 =	vnsel vm11, $0x0, v14;
	v10 =	vor.u32 s7, v0  }
0xe7: {  	v9 =	vmin.u32 v9, $0x200;
	[tilespmem:v11+s14+$0x0] =	vst.idx.msk $0xffff, v7  }
0xe8: {  	v9 =	vshll.u32 v9, $0x7;
	v7 =	vld [tilespmem:s9+$0x20]  }
0xe9: {  	(v2sf) =	vpush v9, $0x0;
	v11 =	vld [tilespmem:s10+$0x60];
	v8 =	vadd.f32 v15, v8  }
0xea: {  	(v2sf) =	vpush v4, $0x3  }
0xeb: {  	v14 =	vor.u32 s11, v2;
	(v2sf) =	vpush v6, $0x3;
	[tilespmem:v10+s14+$0x0] =	vst.idx.msk $0xffff, v8  }
0xec: {  	v8 =	vld [tilespmem:s15+$0x10]  }
0xed: {  	v10 =	vld [tilespmem:s16+$0x50]  }
0xee: {  	v7 =	vadd.f32 v11, v7  }
0xef: {  	v11 =	vor.u32 s7, v1  }
0xf0: {  	[tilespmem:v14+s14+$0x0] =	vst.idx.msk $0xffff, v7  }
0xf1: {  	v7 =	vld [tilespmem:s9+$0x30]  }
0xf2: {  	v14 =	vld [tilespmem:s10+$0x70];
	v8 =	vadd.f32 v10, v8;
	_ =	sdelay $0x1  }
0xf3: {  	v10 =	vor.u32 s11, v3;
	[tilespmem:v11+s14+$0x0] =	vst.idx.msk $0xffff, v8  }
0xf4: {  	v8 =	vld [tilespmem:s15+$0x20]  }
0xf5: {  	v11 =	vld [tilespmem:s16+$0x60]  }
0xf6: {  	(v2sf) =	vpush v12, $0x7;
	v7 =	vadd.f32 v14, v7  }
0xf7: {  	(v2sf) =	vpush v13, $0x7;
	v15 =	vor.u32 s7, v2;
	v14 =	vld [tilespmem:s13+$0x0];
	s17 =	spop (v2sf)  }
0xf8: {  	v16 =	vld [tilespmem:s17+$0x40];
	s18 =	spop (v2sf);
	[tilespmem:v10+s14+$0x0] =	vst.idx.msk $0xffff, v7  }
0xf9: {  	s19 =	simm.s32 $0x20;
	s20 =	spop (v2sf);
	v7 =	vld [tilespmem:s18+$0x0]  }
0xfa: {  	v10 =	vor.u32 s19, v0;
	v17 =	vld [tilespmem:s20+$0x40];
	v8 =	vadd.f32 v11, v8  }
0xfb: {  	s8 =	simm.s32 $0x13  }
0xfc: {  	v11 =	vor.u32 s8, v0;
	[tilespmem:v15+s14+$0x0] =	vst.idx.msk $0xffff, v8  }
0xfd: {  	v8 =	vadd.f32 v16, v14;
	v14 =	vld [tilespmem:s15+$0x30]  }
0xfe: {  	v15 =	vld [tilespmem:s16+$0x70]  }
0xff: {  	v7 =	vadd.f32 v17, v7;
	[tilespmem:v10+s14+$0x0] =	vst.idx.msk $0xffff, v8  }
0x100: {  	v10 =	vor.u32 s7, v3;
	v8 =	vld [tilespmem:s13+$0x10]  }
0x101: {  	v16 =	vld [tilespmem:s17+$0x50];
	[tilespmem:v11+s14+$0x0] =	vst.idx.msk $0xffff, v7  }
0x102: {  	v7 =	vld [tilespmem:s18+$0x10]  }
0x103: {  	v11 =	vor.u32 s19, v1;
	v17 =	vld [tilespmem:s20+$0x50];
	v14 =	vadd.f32 v15, v14;
	_ =	sdelay $0x1  }
0x104: {  	s21 =	spop (v2sf);
	v15 =	vor.u32 s8, v1;
	[tilespmem:v10+s14+$0x0] =	vst.idx.msk $0xffff, v14  }
0x105: {  	s22 =	spop (v2sf);
	v8 =	vadd.f32 v16, v8;
	v10 =	vld [tilespmem:s21+$0x0]  }
0x106: {  	v14 =	vld [tilespmem:s22+$0x40]  }
0x107: {  	s23 =	simm.s32 $0x7;
	v7 =	vadd.f32 v17, v7;
	[tilespmem:v11+s14+$0x0] =	vst.idx.msk $0xffff, v8  }
0x108: {  	v11 =	vor.u32 s23, v0;
	v8 =	vld [tilespmem:s13+$0x20]  }
0x109: {  	v16 =	vld [tilespmem:s17+$0x60];
	[tilespmem:v15+s14+$0x0] =	vst.idx.msk $0xffff, v7  }
0x10a: {  	v7 =	vld [tilespmem:s18+$0x20]  }
0x10b: {  	v15 =	vld [tilespmem:s20+$0x60];
	v10 =	vadd.f32 v14, v10  }
0x10c: {  	(v2sf) =	vpush v4, $0x4;
	v14 =	vor.u32 s19, v2  }
0x10d: {  	(v2sf) =	vpush v6, $0x4;
	v17 =	vor.u32 s8, v2;
	[tilespmem:v11+s14+$0x0] =	vst.idx.msk $0xffff, v10  }
0x10e: {  	v10 =	vld [tilespmem:s21+$0x10]  }
0x10f: {  	v8 =	vadd.f32 v16, v8;
	v11 =	vld [tilespmem:s22+$0x50]  }
0x110: {  	v7 =	vadd.f32 v15, v7  }
0x111: {  	[tilespmem:v14+s14+$0x0] =	vst.idx.msk $0xffff, v8;
	v8 =	vor.u32 s23, v1  }
0x112: {  	[tilespmem:v17+s14+$0x0] =	vst.idx.msk $0xffff, v7  }
0x113: {  	v7 =	vld [tilespmem:s18+$0x30]  }
0x114: {  	v14 =	vld [tilespmem:s20+$0x70];
	v10 =	vadd.f32 v11, v10;
	_ =	sdelay $0x1  }
0x115: {  	v11 =	vor.u32 s8, v3;
	[tilespmem:v8+s14+$0x0] =	vst.idx.msk $0xffff, v10  }
0x116: {  	v8 =	vld [tilespmem:s21+$0x20]  }
0x117: {  	(v2sf) =	vpush v5, $0x1;
	v10 =	vld [tilespmem:s22+$0x60]  }
0x118: {  	(v2sf) =	vpush v12, $0x8;
	v7 =	vadd.f32 v14, v7  }
0x119: {  	(v2sf) =	vpush v13, $0x8;
	v14 =	vor.u32 s23, v2  }
0x11a: {  	s24 =	spop (v2sf);
	[tilespmem:v11+s14+$0x0] =	vst.idx.msk $0xffff, v7  }
0x11b: {  	s25 =	spop (v2sf);
	v7 =	vld [tilespmem:s24+$0x0]  }
0x11c: {  	v11 =	vld [tilespmem:s25+$0x40];
	v8 =	vadd.f32 v10, v8  }
0x11d: {  	s26 =	simm.s32 $0x14  }
0x11e: {  	v10 =	vor.u32 s26, v0;
	[tilespmem:v14+s14+$0x0] =	vst.idx.msk $0xffff, v8  }
0x11f: {  	v8 =	vld [tilespmem:s21+$0x30]  }
0x120: {  	(v2sf) =	vpush v9, $0x1;
	v14 =	vld [tilespmem:s22+$0x70]  }
0x121: {  	v7 =	vadd.f32 v11, v7  }
0x122: {  	v11 =	vor.u32 s23, v3  }
0x123: {  	[tilespmem:v10+s14+$0x0] =	vst.idx.msk $0xffff, v7  }
0x124: {  	v7 =	vld [tilespmem:s24+$0x10]  }
0x125: {  	v10 =	vld [tilespmem:s25+$0x50];
	v8 =	vadd.f32 v14, v8  }
0x126: {  	v15 =	vld [tilespmem:s17+$0x70];
	s10 =	spop (v2sf)  }
0x127: {  	v16 =	vor.u32 s26, v1;
	s11 =	spop (v2sf);
	v14 =	vld [tilespmem:s13+$0x30];
	[tilespmem:v11+s14+$0x0] =	vst.idx.msk $0xffff, v8  }
0x128: {  	s12 =	spop (v2sf);
	v8 =	vld [tilespmem:s11+$0x0]  }
0x129: {  	v11 =	vor.u32 s19, v3;
	v17 =	vld [tilespmem:s12+$0x40]  }
0x12a: {  	s13 =	simm.s32 $0x8;
	v7 =	vadd.f32 v10, v7  }
0x12b: {  	v10 =	vor.u32 s13, v0  }
0x12c: {  	v14 =	vadd.f32 v15, v14;
	[tilespmem:v16+s14+$0x0] =	vst.idx.msk $0xffff, v7  }
0x12d: {  	v7 =	vld [tilespmem:s24+$0x20]  }
0x12e: {  	[tilespmem:v11+s14+$0x0] =	vst.idx.msk $0xffff, v14;
	v11 =	vld [tilespmem:s25+$0x60];
	v8 =	vadd.f32 v17, v8  }
0x12f: {  	(v2sf) =	vpush v4, $0x5;
	s15 =	spop (v2sf);
	v14 =	vld [tilespmem:s10+$0x0]  }
0x130: {  	(v2sf) =	vpush v6, $0x5;
	v16 =	vor.u32 s26, v2;
	v15 =	vld [tilespmem:s15+$0x40];
	[tilespmem:v10+s14+$0x0] =	vst.idx.msk $0xffff, v8  }
0x131: {  	s9 =	simm.s32 $0x21;
	v8 =	vld [tilespmem:s11+$0x10]  }
0x132: {  	v10 =	vor.u32 s9, v0;
	v17 =	vld [tilespmem:s12+$0x50]  }
0x133: {  	v7 =	vadd.f32 v11, v7  }
0x134: {  	v11 =	vor.u32 s13, v1  }
0x135: {  	v14 =	vadd.f32 v15, v14;
	[tilespmem:v16+s14+$0x0] =	vst.idx.msk $0xffff, v7  }
0x136: {  	v7 =	vld [tilespmem:s24+$0x30]  }
0x137: {  	[tilespmem:v10+s14+$0x0] =	vst.idx.msk $0xffff, v14;
	v10 =	vld [tilespmem:s25+$0x70];
	v8 =	vadd.f32 v17, v8  }
0x138: {  	v14 =	vld [tilespmem:s10+$0x10]  }
0x139: {  	v15 =	vor.u32 s26, v3;
	v16 =	vld [tilespmem:s15+$0x50];
	[tilespmem:v11+s14+$0x0] =	vst.idx.msk $0xffff, v8  }
0x13a: {  	v8 =	vld [tilespmem:s11+$0x20]  }
0x13b: {  	v11 =	vor.u32 s9, v1;
	v17 =	vld [tilespmem:s12+$0x60]  }
0x13c: {  	(v2sf) =	vpush v12, $0x9;
	v7 =	vadd.f32 v10, v7  }
0x13d: {  	(v2sf) =	vpush v13, $0x9;
	v10 =	vor.u32 s13, v2  }
0x13e: {  	s16 =	spop (v2sf);
	[tilespmem:v15+s14+$0x0] =	vst.idx.msk $0xffff, v7;
	v7 =	vadd.f32 v16, v14  }
0x13f: {  	s17 =	spop (v2sf);
	v14 =	vld [tilespmem:s16+$0x0]  }
0x140: {  	v15 =	vld [tilespmem:s17+$0x40];
	[tilespmem:v11+s14+$0x0] =	vst.idx.msk $0xffff, v7;
	v7 =	vadd.f32 v17, v8  }
0x141: {  	s18 =	simm.s32 $0x15;
	v8 =	vld [tilespmem:s10+$0x20]  }
0x142: {  	v11 =	vor.u32 s18, v0;
	v16 =	vld [tilespmem:s15+$0x60];
	[tilespmem:v10+s14+$0x0] =	vst.idx.msk $0xffff, v7  }
0x143: {  	(v2sf) =	vpush v5, $0x2;
	v7 =	vld [tilespmem:s11+$0x30]  }
0x144: {  	(v2sf) =	vpush v9, $0x2;
	v10 =	vor.u32 s9, v2;
	v17 =	vld [tilespmem:s12+$0x70]  }
0x145: {  	v14 =	vadd.f32 v15, v14  }
0x146: {  	s19 =	simm.s32 $0x10430;
	v15 =	vor.u32 s13, v3  }
0x147: {  	v18 =	vld [tilespmem:s19+$0x0];
	[tilespmem:v11+s14+$0x0] =	vst.idx.msk $0xffff, v14;
	v8 =	vadd.f32 v16, v8  }
0x148: {  	v11 =	vld [tilespmem:s16+$0x10]  }
0x149: {  	v14 =	vld [tilespmem:s17+$0x50];
	[tilespmem:v10+s14+$0x0] =	vst.idx.msk $0xffff, v8;
	v7 =	vadd.f32 v17, v7  }
0x14a: {  	v8 =	vld [tilespmem:s10+$0x30]  }
0x14b: {  	s20 =	spop (v2sf);
	v10 =	vor.u32 s18, v1;
	v16 =	vld [tilespmem:s15+$0x70];
	[tilespmem:v15+s14+$0x0] =	vst.idx.msk $0xffff, v7  }
0x14c: {  	s21 =	spop (v2sf);
	v15 =	vld [tilespmem:s20+$0x0]  }
0x14d: {  	v17 =	vor.u32 s9, v3;
	v19 =	vld [tilespmem:s21+$0x40]  }
0x14e: {  	s22 =	simm.s32 $0x9;
	vm12 =	vgt.s32 v18, $0x0;
	v7 =	vadd.f32 v14, v11  }
0x14f: {  	s23 =	simm.s32 $0x104B0;
	v11 =	vnsel vm12, $0x0, v18;
	v14 =	vor.u32 s22, v0  }
0x150: {  	v18 =	vld [tilespmem:s23+$0x0];
	v11 =	vmin.u32 v11, $0x200;
	[tilespmem:v10+s14+$0x0] =	vst.idx.msk $0xffff, v7;
	v8 =	vadd.f32 v16, v8  }
0x151: {  	v7 =	vshll.u32 v11, $0x7;
	v10 =	vld [tilespmem:s16+$0x20]  }
0x152: {  	s24 =	spop (v2sf);
	(v2sf) =	vpush v7, $0x0;
	v11 =	vld [tilespmem:s17+$0x60];
	[tilespmem:v17+s14+$0x0] =	vst.idx.msk $0xffff, v8;
	v8 =	vadd.f32 v19, v15  }
0x153: {  	s25 =	spop (v2sf);
	(v2sf) =	vpush v4, $0x6;
	v15 =	vld [tilespmem:s24+$0x0]  }
0x154: {  	v16 =	vor.u32 s18, v2;
	(v2sf) =	vpush v6, $0x6;
	v17 =	vld [tilespmem:s25+$0x40];
	[tilespmem:v14+s14+$0x0] =	vst.idx.msk $0xffff, v8  }
0x155: {  	s26 =	simm.s32 $0x22;
	v8 =	vld [tilespmem:s20+$0x10]  }
0x156: {  	v14 =	vor.u32 s26, v0;
	v19 =	vld [tilespmem:s21+$0x50]  }
0x157: {  	v10 =	vadd.f32 v11, v10  }
0x158: {  	v11 =	vor.u32 s22, v1  }
0x159: {  	[tilespmem:v16+s14+$0x0] =	vst.idx.msk $0xffff, v10;
	v10 =	vadd.f32 v17, v15  }
0x15a: {  	v15 =	vld [tilespmem:s16+$0x30]  }
0x15b: {  	vm13 =	vgt.s32 v18, $0x0;
	v16 =	vld [tilespmem:s17+$0x70];
	[tilespmem:v14+s14+$0x0] =	vst.idx.msk $0xffff, v10;
	v8 =	vadd.f32 v19, v8  }
0x15c: {  	v10 =	vnsel vm13, $0x0, v18;
	v14 =	vld [tilespmem:s24+$0x10]  }
0x15d: {  	v17 =	vor.u32 s18, v3;
	v10 =	vmin.u32 v10, $0x200;
	v18 =	vld [tilespmem:s25+$0x50];
	[tilespmem:v11+s14+$0x0] =	vst.idx.msk $0xffff, v8  }
0x15e: {  	v8 =	vshll.u32 v10, $0x7;
	v10 =	vld [tilespmem:s20+$0x20]  }
0x15f: {  	v11 =	vor.u32 s26, v1;
	(v2sf) =	vpush v8, $0x0;
	v19 =	vld [tilespmem:s21+$0x60]  }
0x160: {  	v15 =	vadd.f32 v16, v15;
	(v2sf) =	vpush v12, $0xA  }
0x161: {  	v16 =	vor.u32 s22, v2;
	s0 =	spop (v2sf);
	(v2sf) =	vpush v13, $0xA  }
0x162: {  	[tilespmem:v17+s14+$0x0] =	vst.idx.msk $0xffff, v15;
	v14 =	vadd.f32 v18, v14;
	s5 =	spop (v2sf)  }
0x163: {  	v15 =	vld [tilespmem:s5+$0x0];
	s6 =	spop (v2sf)  }
0x164: {  	[tilespmem:v11+s14+$0x0] =	vst.idx.msk $0xffff, v14;
	v10 =	vadd.f32 v19, v10;
	v17 =	vld [tilespmem:s6+$0x40]  }
0x165: {  	s10 =	simm.s32 $0x16;
	v11 =	vld [tilespmem:s24+$0x20]  }
0x166: {  	v14 =	vor.u32 s10, v0;
	v18 =	vld [tilespmem:s25+$0x60];
	[tilespmem:v16+s14+$0x0] =	vst.idx.msk $0xffff, v10  }
0x167: {  	(v2sf) =	vpush v5, $0x3;
	v10 =	vld [tilespmem:s20+$0x30]  }
0x168: {  	(v2sf) =	vpush v9, $0x3;
	v16 =	vor.u32 s26, v2;
	v19 =	vld [tilespmem:s21+$0x70]  }
0x169: {  	v15 =	vadd.f32 v17, v15  }
0x16a: {  	v17 =	vor.u32 s22, v3  }
0x16b: {  	v11 =	vadd.f32 v18, v11;
	[tilespmem:v14+s14+$0x0] =	vst.idx.msk $0xffff, v15  }
0x16c: {  	v14 =	vld [tilespmem:s5+$0x10]  }
0x16d: {  	[tilespmem:v16+s14+$0x0] =	vst.idx.msk $0xffff, v11;
	v10 =	vadd.f32 v19, v10;
	v15 =	vld [tilespmem:s6+$0x50]  }
0x16e: {  	v11 =	vld [tilespmem:s24+$0x30];
	s1 =	spop (v2sf)  }
0x16f: {  	v16 =	vor.u32 s10, v1;
	v18 =	vld [tilespmem:s25+$0x70];
	[tilespmem:v17+s14+$0x0] =	vst.idx.msk $0xffff, v10;
	s13 =	spop (v2sf)  }
0x170: {  	v10 =	vld [tilespmem:s13+$0x0];
	s15 =	spop (v2sf)  }
0x171: {  	v17 =	vor.u32 s26, v3;
	v19 =	vld [tilespmem:s15+$0x40]  }
0x172: {  	s16 =	simm.s32 $0xA;
	v14 =	vadd.f32 v15, v14  }
0x173: {  	v15 =	vor.u32 s16, v0  }
0x174: {  	v11 =	vadd.f32 v18, v11;
	[tilespmem:v16+s14+$0x0] =	vst.idx.msk $0xffff, v14  }
0x175: {  	v14 =	vld [tilespmem:s5+$0x20]  }
0x176: {  	s17 =	spop (v2sf);
	[tilespmem:v17+s14+$0x0] =	vst.idx.msk $0xffff, v11;
	v16 =	vld [tilespmem:s6+$0x60];
	v10 =	vadd.f32 v19, v10  }
0x177: {  	(v2sf) =	vpush v4, $0x7;
	s11 =	spop (v2sf);
	v11 =	vld [tilespmem:s17+$0x0]  }
0x178: {  	(v2sf) =	vpush v6, $0x7;
	v17 =	vor.u32 s10, v2;
	v18 =	vld [tilespmem:s11+$0x40];
	[tilespmem:v15+s14+$0x0] =	vst.idx.msk $0xffff, v10  }
0x179: {  	s12 =	simm.s32 $0x23;
	v10 =	vld [tilespmem:s13+$0x10]  }
0x17a: {  	v15 =	vor.u32 s12, v0;
	v19 =	vld [tilespmem:s15+$0x50]  }
0x17b: {  	v14 =	vadd.f32 v16, v14  }
0x17c: {  	v16 =	vor.u32 s16, v1  }
0x17d: {  	v11 =	vadd.f32 v18, v11;
	[tilespmem:v17+s14+$0x0] =	vst.idx.msk $0xffff, v14  }
0x17e: {  	v14 =	vld [tilespmem:s5+$0x30]  }
0x17f: {  	v17 =	vld [tilespmem:s6+$0x70];
	[tilespmem:v15+s14+$0x0] =	vst.idx.msk $0xffff, v11;
	v10 =	vadd.f32 v19, v10  }
0x180: {  	v11 =	vld [tilespmem:s17+$0x10]  }
0x181: {  	v15 =	vor.u32 s10, v3;
	v18 =	vld [tilespmem:s11+$0x50];
	[tilespmem:v16+s14+$0x0] =	vst.idx.msk $0xffff, v10  }
0x182: {  	v10 =	vld [tilespmem:s13+$0x20]  }
0x183: {  	v16 =	vor.u32 s12, v1;
	v19 =	vld [tilespmem:s15+$0x60]  }
0x184: {  	(v2sf) =	vpush v12, $0xB;
	v14 =	vadd.f32 v17, v14  }
0x185: {  	(v2sf) =	vpush v13, $0xB;
	v17 =	vor.u32 s16, v2  }
0x186: {  	s18 =	spop (v2sf);
	[tilespmem:v15+s14+$0x0] =	vst.idx.msk $0xffff, v14;
	v11 =	vadd.f32 v18, v11  }
0x187: {  	s19 =	spop (v2sf);
	v14 =	vld [tilespmem:s18+$0x0]  }
0x188: {  	v15 =	vld [tilespmem:s19+$0x40];
	[tilespmem:v16+s14+$0x0] =	vst.idx.msk $0xffff, v11;
	v10 =	vadd.f32 v19, v10  }
0x189: {  	s10 =	simm.s32 $0x17;
	v11 =	vld [tilespmem:s17+$0x20]  }
0x18a: {  	v16 =	vor.u32 s10, v0;
	v18 =	vld [tilespmem:s11+$0x60];
	[tilespmem:v17+s14+$0x0] =	vst.idx.msk $0xffff, v10  }
0x18b: {  	(v2sf) =	vpush v5, $0x4;
	v10 =	vld [tilespmem:s13+$0x30]  }
0x18c: {  	(v2sf) =	vpush v9, $0x4;
	v17 =	vor.u32 s12, v2;
	v19 =	vld [tilespmem:s15+$0x70]  }
0x18d: {  	v21 =	vld [tilespmem:s1+$0x40];
	v14 =	vadd.f32 v15, v14  }
0x18e: {  	v20 =	vor.u32 s16, v3;
	v15 =	vld [tilespmem:s0+$0x0]  }
0x18f: {  	s20 =	simm.s32 $0x30;
	[tilespmem:v16+s14+$0x0] =	vst.idx.msk $0xffff, v14;
	v11 =	vadd.f32 v18, v11  }
0x190: {  	v16 =	vor.u32 s20, v0;
	v14 =	vld [tilespmem:s18+$0x10]  }
0x191: {  	v18 =	vld [tilespmem:s19+$0x50];
	[tilespmem:v17+s14+$0x0] =	vst.idx.msk $0xffff, v11;
	v10 =	vadd.f32 v19, v10  }
0x192: {  	v11 =	vld [tilespmem:s17+$0x30]  }
0x193: {  	s21 =	spop (v2sf);
	v17 =	vor.u32 s10, v1;
	v19 =	vld [tilespmem:s11+$0x70];
	[tilespmem:v20+s14+$0x0] =	vst.idx.msk $0xffff, v10;
	v10 =	vadd.f32 v21, v15  }
0x194: {  	s22 =	spop (v2sf);
	v15 =	vld [tilespmem:s21+$0x0]  }
0x195: {  	v20 =	vor.u32 s12, v3;
	v21 =	vld [tilespmem:s22+$0x40];
	[tilespmem:v16+s14+$0x0] =	vst.idx.msk $0xffff, v10  }
0x196: {  	s23 =	simm.s32 $0xB;
	v10 =	vadd.f32 v18, v14;
	v14 =	vld [tilespmem:s0+$0x10]  }
0x197: {  	v16 =	vor.u32 s23, v0;
	v18 =	vld [tilespmem:s1+$0x50]  }
0x198: {  	[tilespmem:v17+s14+$0x0] =	vst.idx.msk $0xffff, v10;
	v10 =	vadd.f32 v19, v11  }
0x199: {  	v17 =	vor.u32 s20, v1;
	v11 =	vld [tilespmem:s18+$0x20]  }
0x19a: {  	(v2sf) =	vpush v7, $0x1;
	s24 =	spop (v2sf);
	v19 =	vld [tilespmem:s19+$0x60];
	[tilespmem:v20+s14+$0x0] =	vst.idx.msk $0xffff, v10;
	v10 =	vadd.f32 v21, v15  }
0x19b: {  	(v2sf) =	vpush v4, $0x8;
	s25 =	spop (v2sf);
	v15 =	vld [tilespmem:s24+$0x0]  }
0x19c: {  	(v2sf) =	vpush v6, $0x8;
	v20 =	vor.u32 s10, v2;
	v21 =	vld [tilespmem:s25+$0x40];
	[tilespmem:v16+s14+$0x0] =	vst.idx.msk $0xffff, v10;
	v10 =	vadd.f32 v18, v14  }
0x19d: {  	s26 =	simm.s32 $0x24;
	v14 =	vld [tilespmem:s21+$0x10]  }
0x19e: {  	v16 =	vor.u32 s26, v0;
	v18 =	vld [tilespmem:s22+$0x50];
	[tilespmem:v17+s14+$0x0] =	vst.idx.msk $0xffff, v10  }
0x19f: {  	v10 =	vadd.f32 v19, v11;
	v11 =	vld [tilespmem:s0+$0x20]  }
0x1a0: {  	v17 =	vor.u32 s23, v1;
	v19 =	vld [tilespmem:s1+$0x60]  }
0x1a1: {  	[tilespmem:v20+s14+$0x0] =	vst.idx.msk $0xffff, v10;
	v10 =	vadd.f32 v21, v15  }
0x1a2: {  	(v2sf) =	vpush v8, $0x1;
	v20 =	vor.u32 s20, v2;
	v15 =	vld [tilespmem:s18+$0x30]  }
0x1a3: {  	v21 =	vld [tilespmem:s19+$0x70];
	[tilespmem:v16+s14+$0x0] =	vst.idx.msk $0xffff, v10;
	v10 =	vadd.f32 v18, v14  }
0x1a4: {  	v14 =	vld [tilespmem:s24+$0x10]  }
0x1a5: {  	v16 =	vor.u32 s10, v3;
	v18 =	vld [tilespmem:s25+$0x50];
	[tilespmem:v17+s14+$0x0] =	vst.idx.msk $0xffff, v10;
	v10 =	vadd.f32 v19, v11  }
0x1a6: {  	v11 =	vld [tilespmem:s21+$0x20]  }
0x1a7: {  	v17 =	vor.u32 s26, v1;
	v19 =	vld [tilespmem:s22+$0x60];
	[tilespmem:v20+s14+$0x0] =	vst.idx.msk $0xffff, v10  }
0x1a8: {  	(v2sf) =	vpush v12, $0xC;
	v10 =	vadd.f32 v21, v15;
	v15 =	vld [tilespmem:s0+$0x30]  }
0x1a9: {  	s6 =	spop (v2sf);
	(v2sf) =	vpush v13, $0xC;
	v20 =	vor.u32 s23, v2;
	v21 =	vld [tilespmem:s1+$0x70]  }
0x1aa: {  	s13 =	spop (v2sf);
	[tilespmem:v16+s14+$0x0] =	vst.idx.msk $0xffff, v10;
	v10 =	vadd.f32 v18, v14  }
0x1ab: {  	s15 =	spop (v2sf);
	v16 =	vor.u32 s20, v3;
	v14 =	vld [tilespmem:s13+$0x0]  }
0x1ac: {  	v18 =	vld [tilespmem:s15+$0x40];
	[tilespmem:v17+s14+$0x0] =	vst.idx.msk $0xffff, v10;
	v10 =	vadd.f32 v19, v11  }
0x1ad: {  	s16 =	simm.s32 $0x18;
	v11 =	vld [tilespmem:s24+$0x20]  }
0x1ae: {  	v17 =	vor.u32 s16, v0;
	v19 =	vld [tilespmem:s25+$0x60];
	[tilespmem:v20+s14+$0x0] =	vst.idx.msk $0xffff, v10;
	v10 =	vadd.f32 v21, v15  }
0x1af: {  	(v2sf) =	vpush v5, $0x5;
	v15 =	vld [tilespmem:s21+$0x30]  }
0x1b0: {  	(v2sf) =	vpush v9, $0x5;
	v20 =	vor.u32 s26, v2;
	v21 =	vld [tilespmem:s22+$0x70];
	[tilespmem:v16+s14+$0x0] =	vst.idx.msk $0xffff, v10  }
0x1b1: {  	s17 =	spop (v2sf);
	v10 =	vadd.f32 v18, v14;
	v14 =	vld [tilespmem:s6+$0x0]  }
0x1b2: {  	v16 =	vor.u32 s23, v3;
	v18 =	vld [tilespmem:s17+$0x40]  }
0x1b3: {  	s18 =	simm.s32 $0x31;
	[tilespmem:v17+s14+$0x0] =	vst.idx.msk $0xffff, v10;
	v10 =	vadd.f32 v19, v11  }
0x1b4: {  	v17 =	vor.u32 s18, v0;
	v11 =	vld [tilespmem:s13+$0x10]  }
0x1b5: {  	v19 =	vld [tilespmem:s15+$0x50];
	[tilespmem:v20+s14+$0x0] =	vst.idx.msk $0xffff, v10;
	v10 =	vadd.f32 v21, v15  }
0x1b6: {  	v15 =	vld [tilespmem:s24+$0x30]  }
0x1b7: {  	s19 =	spop (v2sf);
	v20 =	vor.u32 s16, v1;
	v21 =	vld [tilespmem:s25+$0x70];
	[tilespmem:v16+s14+$0x0] =	vst.idx.msk $0xffff, v10;
	v10 =	vadd.f32 v18, v14  }
0x1b8: {  	s20 =	spop (v2sf);
	v14 =	vld [tilespmem:s19+$0x0]  }
0x1b9: {  	v16 =	vor.u32 s26, v3;
	v18 =	vld [tilespmem:s20+$0x40];
	[tilespmem:v17+s14+$0x0] =	vst.idx.msk $0xffff, v10  }
0x1ba: {  	s21 =	simm.s32 $0xC;
	v10 =	vadd.f32 v19, v11;
	v11 =	vld [tilespmem:s6+$0x10]  }
0x1bb: {  	s30 =	simm.s32 $0x10440;
	v17 =	vor.u32 s21, v0;
	v19 =	vld [tilespmem:s17+$0x50]  }
0x1bc: {  	v22 =	vld [tilespmem:s30+$0x0];
	[tilespmem:v20+s14+$0x0] =	vst.idx.msk $0xffff, v10;
	v10 =	vadd.f32 v21, v15  }
0x1bd: {  	v20 =	vor.u32 s18, v1;
	v15 =	vld [tilespmem:s13+$0x20]  }
0x1be: {  	s22 =	spop (v2sf);
	[tilespmem:v16+s14+$0x0] =	vst.idx.msk $0xffff, v10;
	v10 =	vld [tilespmem:s15+$0x60];
	v14 =	vadd.f32 v18, v14  }
0x1bf: {  	(v2sf) =	vpush v4, $0x9;
	s23 =	spop (v2sf);
	v16 =	vld [tilespmem:s22+$0x0]  }
0x1c0: {  	(v2sf) =	vpush v6, $0x9;
	v21 =	vor.u32 s16, v2;
	v18 =	vld [tilespmem:s23+$0x40];
	[tilespmem:v17+s14+$0x0] =	vst.idx.msk $0xffff, v14;
	v11 =	vadd.f32 v19, v11  }
0x1c1: {  	s24 =	simm.s32 $0x25;
	v14 =	vld [tilespmem:s19+$0x10]  }
0x1c2: {  	v17 =	vor.u32 s24, v0;
	v19 =	vld [tilespmem:s20+$0x50];
	[tilespmem:v20+s14+$0x0] =	vst.idx.msk $0xffff, v11  }
0x1c3: {  	v10 =	vadd.f32 v10, v15;
	v11 =	vld [tilespmem:s6+$0x20]  }
0x1c4: {  	s31 =	simm.s32 $0x104C0;
	v15 =	vor.u32 s21, v1;
	v20 =	vld [tilespmem:s17+$0x60]  }
0x1c5: {  	v23 =	vld [tilespmem:s31+$0x0];
	(v2sf) =	vpush v7, $0x2;
	v16 =	vadd.f32 v18, v16;
	[tilespmem:v21+s14+$0x0] =	vst.idx.msk $0xffff, v10  }
0x1c6: {  	(v2sf) =	vpush v8, $0x2;
	v18 =	vor.u32 s18, v2;
	v10 =	vld [tilespmem:s13+$0x30]  }
0x1c7: {  	[tilespmem:v17+s14+$0x0] =	vst.idx.msk $0xffff, v16;
	v16 =	vld [tilespmem:s15+$0x70];
	v14 =	vadd.f32 v19, v14  }
0x1c8: {  	v17 =	vld [tilespmem:s22+$0x10]  }
0x1c9: {  	vm14 =	vgt.s32 v22, $0x0;
	v21 =	vor.u32 s16, v3;
	v19 =	vld [tilespmem:s23+$0x50];
	[tilespmem:v15+s14+$0x0] =	vst.idx.msk $0xffff, v14;
	v11 =	vadd.f32 v20, v11  }
0x1ca: {  	v15 =	vnsel vm14, $0x0, v22;
	v14 =	vld [tilespmem:s19+$0x20]  }
0x1cb: {  	v20 =	vor.u32 s24, v1;
	v22 =	vld [tilespmem:s20+$0x60];
	v15 =	vmin.u32 v15, $0x200;
	[tilespmem:v18+s14+$0x0] =	vst.idx.msk $0xffff, v11  }
0x1cc: {  	(v2sf) =	vpush v12, $0xD;
	v11 =	vadd.f32 v16, v10;
	v10 =	vshll.u32 v15, $0x7;
	v15 =	vld [tilespmem:s6+$0x30]  }
0x1cd: {  	(v2sf) =	vpush v13, $0xD;
	v16 =	vor.u32 s21, v2;
	v18 =	vld [tilespmem:s17+$0x70]  }
0x1ce: {  	s25 =	spop (v2sf);
	v17 =	vadd.f32 v19, v17;
	[tilespmem:v21+s14+$0x0] =	vst.idx.msk $0xffff, v11  }
0x1cf: {  	s26 =	spop (v2sf);
	v19 =	vor.u32 s18, v3;
	v11 =	vld [tilespmem:s25+$0x0]  }
0x1d0: {  	(v2sf) =	vpush v10, $0x0;
	[tilespmem:v20+s14+$0x0] =	vst.idx.msk $0xffff, v17;
	v17 =	vld [tilespmem:s26+$0x40];
	v14 =	vadd.f32 v22, v14  }
0x1d1: {  	s10 =	simm.s32 $0x19;
	v20 =	vld [tilespmem:s22+$0x20]  }
0x1d2: {  	vm15 =	vgt.s32 v23, $0x0;
	v22 =	vor.u32 s10, v0;
	v21 =	vld [tilespmem:s23+$0x60];
	[tilespmem:v16+s14+$0x0] =	vst.idx.msk $0xffff, v14;
	v14 =	vadd.f32 v18, v15  }
0x1d3: {  	(v2sf) =	vpush v5, $0x6;
	v16 =	vnsel vm15, $0x0, v23;
	v15 =	vld [tilespmem:s19+$0x30]  }
0x1d4: {  	s11 =	spop (v2sf);
	(v2sf) =	vpush v9, $0x6;
	v18 =	vor.u32 s24, v2;
	v23 =	vld [tilespmem:s20+$0x70];
	v16 =	vmin.u32 v16, $0x200;
	[tilespmem:v19+s14+$0x0] =	vst.idx.msk $0xffff, v14  }
0x1d5: {  	s13 =	spop (v2sf);
	v14 =	vadd.f32 v17, v11;
	v11 =	vshll.u32 v16, $0x7;
	v16 =	vld [tilespmem:s11+$0x0]  }
0x1d6: {  	v17 =	vor.u32 s21, v3;
	v19 =	vld [tilespmem:s13+$0x40]  }
0x1d7: {  	s15 =	simm.s32 $0x32;
	v20 =	vadd.f32 v21, v20;
	[tilespmem:v22+s14+$0x0] =	vst.idx.msk $0xffff, v14  }
0x1d8: {  	v21 =	vor.u32 s15, v0;
	v14 =	vld [tilespmem:s25+$0x10]  }
0x1d9: {  	(v2sf) =	vpush v11, $0x0;
	[tilespmem:v18+s14+$0x0] =	vst.idx.msk $0xffff, v20;
	v18 =	vld [tilespmem:s26+$0x50];
	v15 =	vadd.f32 v23, v15  }
0x1da: {  	v20 =	vld [tilespmem:s22+$0x30]  }
0x1db: {  	s12 =	spop (v2sf);
	v23 =	vor.u32 s10, v1;
	v22 =	vld [tilespmem:s23+$0x70];
	[tilespmem:v17+s14+$0x0] =	vst.idx.msk $0xffff, v15;
	v15 =	vadd.f32 v19, v16  }
0x1dc: {  	s16 =	spop (v2sf);
	v16 =	vld [tilespmem:s12+$0x0]  }
0x1dd: {  	v17 =	vor.u32 s24, v3;
	v19 =	vld [tilespmem:s16+$0x40];
	[tilespmem:v21+s14+$0x0] =	vst.idx.msk $0xffff, v15  }
0x1de: {  	s18 =	simm.s32 $0xD;
	v14 =	vadd.f32 v18, v14;
	v15 =	vld [tilespmem:s11+$0x10]  }
0x1df: {  	s2 =	spop (v2sf);
	v18 =	vor.u32 s18, v0;
	v21 =	vld [tilespmem:s13+$0x50]  }
0x1e0: {  	v24 =	vld [tilespmem:s2+$0x0];
	v20 =	vadd.f32 v22, v20;
	[tilespmem:v23+s14+$0x0] =	vst.idx.msk $0xffff, v14  }
0x1e1: {  	v22 =	vor.u32 s15, v1;
	v14 =	vld [tilespmem:s25+$0x20]  }
0x1e2: {  	s19 =	spop (v2sf);
	[tilespmem:v17+s14+$0x0] =	vst.idx.msk $0xffff, v20;
	v17 =	vld [tilespmem:s26+$0x60];
	v16 =	vadd.f32 v19, v16  }
0x1e3: {  	s20 =	spop (v2sf);
	v19 =	vld [tilespmem:s19+$0x0]  }
0x1e4: {  	(v2sf) =	vpush v4, $0xA;
	v20 =	vld [tilespmem:s20+$0x40];
	[tilespmem:v18+s14+$0x0] =	vst.idx.msk $0xffff, v16;
	v15 =	vadd.f32 v21, v15  }
0x1e5: {  	v23 =	vor.u32 s10, v2;
	(v2sf) =	vpush v6, $0xA;
	v16 =	vld [tilespmem:s12+$0x10]  }
0x1e6: {  	s21 =	simm.s32 $0x26;
	v21 =	vld [tilespmem:s16+$0x50];
	[tilespmem:v22+s14+$0x0] =	vst.idx.msk $0xffff, v15  }
0x1e7: {  	v18 =	vor.u32 s21, v0;
	v15 =	vld [tilespmem:s11+$0x20]  }
0x1e8: {  	s1 =	spop (v2sf);
	v14 =	vadd.f32 v17, v14;
	v22 =	vld [tilespmem:s13+$0x60]  }
0x1e9: {  	v17 =	vor.u32 s18, v1;
	v25 =	vld [tilespmem:s1+$0x40]  }
0x1ea: {  	s0 =	simm.s32 $0x40;
	(v2sf) =	vpush v7, $0x3;
	v19 =	vadd.f32 v20, v19;
	[tilespmem:v23+s14+$0x0] =	vst.idx.msk $0xffff, v14;
	v23 =	vor.u32 s15, v2  }
0x1eb: {  	(v2sf) =	vpush v8, $0x3;
	v14 =	vor.u32 s0, v0;
	v20 =	vld [tilespmem:s25+$0x30]  }
0x1ec: {  	[tilespmem:v18+s14+$0x0] =	vst.idx.msk $0xffff, v19;
	v18 =	vld [tilespmem:s26+$0x70];
	v16 =	vadd.f32 v21, v16  }
0x1ed: {  	v19 =	vld [tilespmem:s19+$0x10];
	v15 =	vadd.f32 v22, v15  }
0x1ee: {  	v53 =	vor.u32 s10, v3;
	v52 =	vld [tilespmem:s20+$0x50];
	[tilespmem:v17+s14+$0x0] =	vst.idx.msk $0xffff, v16;
	v21 =	vadd.f32 v25, v24  }
0x1ef: {  	v16 =	vld [tilespmem:s12+$0x20];
	[tilespmem:v23+s14+$0x0] =	vst.idx.msk $0xffff, v15  }
0x1f0: {  	v17 =	vld [tilespmem:s16+$0x60];
	[tilespmem:v14+s14+$0x0] =	vst.idx.msk $0xffff, v21;
	v14 =	vor.u32 s21, v1  }
0x1f1: {  	(v2sf) =	vpush v12, $0xE;
	v15 =	vadd.f32 v18, v20;
	v18 =	vld [tilespmem:s11+$0x30]  }
0x1f2: {  	(v2sf) =	vpush v13, $0xE;
	v20 =	vor.u32 s18, v2;
	v22 =	vld [tilespmem:s13+$0x70]  }
0x1f3: {  	v21 =	vld [tilespmem:s2+$0x10];
	v19 =	vadd.f32 v52, v19;
	s17 =	spop (v2sf);
	[tilespmem:v53+s14+$0x0] =	vst.idx.msk $0xffff, v15  }
0x1f4: {  	s22 =	spop (v2sf);
	v15 =	vld [tilespmem:s17+$0x0]  }
0x1f5: {  	v23 =	vor.u32 s15, v3;
	v16 =	vadd.f32 v17, v16;
	[tilespmem:v14+s14+$0x0] =	vst.idx.msk $0xffff, v19;
	v14 =	vld [tilespmem:s22+$0x40]  }
0x1f6: {  	s23 =	simm.s32 $0x1A;
	v17 =	vld [tilespmem:s19+$0x20]  }
0x1f7: {  	v54 =	vor.u32 s23, v0;
	[tilespmem:v20+s14+$0x0] =	vst.idx.msk $0xffff, v16;
	v19 =	vld [tilespmem:s20+$0x60]  }
0x1f8: {  	(v2sf) =	vpush v5, $0x7;
	v16 =	vadd.f32 v22, v18;
	v18 =	vld [tilespmem:s12+$0x30]  }
0x1f9: {  	(v2sf) =	vpush v9, $0x7;
	s24 =	spop (v2sf);
	v20 =	vor.u32 s21, v2;
	v22 =	vld [tilespmem:s16+$0x70]  }
0x1fa: {  	v55 =	vld [tilespmem:s1+$0x50];
	[tilespmem:v23+s14+$0x0] =	vst.idx.msk $0xffff, v16;
	s25 =	spop (v2sf);
	v14 =	vadd.f32 v14, v15  }
0x1fb: {  	v16 =	vor.u32 s18, v3;
	v23 =	vld [tilespmem:s25+$0x40]  }
0x1fc: {  	v15 =	vld [tilespmem:s24+$0x0];
	v17 =	vadd.f32 v19, v17;
	[tilespmem:v54+s14+$0x0] =	vst.idx.msk $0xffff, v14  }
0x1fd: {  	s26 =	simm.s32 $0x33;
	v14 =	vor.u32 s0, v1;
	v19 =	vld [tilespmem:s17+$0x10]  }
0x1fe: {  	v56 =	vor.u32 s26, v0;
	v18 =	vadd.f32 v22, v18;
	[tilespmem:v20+s14+$0x0] =	vst.idx.msk $0xffff, v17;
	v17 =	vld [tilespmem:s22+$0x50]  }
0x1ff: {  	v20 =	vld [tilespmem:s19+$0x30]  }
0x200: {  	v57 =	vor.u32 s23, v1;
	v21 =	vadd.f32 v55, v21;
	s6 =	spop (v2sf);
	[tilespmem:v16+s14+$0x0] =	vst.idx.msk $0xffff, v18;
	v22 =	vld [tilespmem:s20+$0x70]  }
0x201: {  	s11 =	spop (v2sf);
	v16 =	vld [tilespmem:s6+$0x0];
	v15 =	vadd.f32 v23, v15  }
0x202: {  	v18 =	vld [tilespmem:s11+$0x40];
	[tilespmem:v14+s14+$0x0] =	vst.idx.msk $0xffff, v21;
	v14 =	vor.u32 s21, v3  }
0x203: {  	s16 =	simm.s32 $0xE;
	[tilespmem:v56+s14+$0x0] =	vst.idx.msk $0xffff, v15;
	v21 =	vld [tilespmem:s2+$0x20];
	v15 =	vadd.f32 v17, v19  }
0x204: {  	v17 =	vld [tilespmem:s24+$0x10];
	v19 =	vor.u32 s16, v0  }
0x205: {  	v23 =	vld [tilespmem:s25+$0x50];
	v20 =	vadd.f32 v22, v20;
	[tilespmem:v57+s14+$0x0] =	vst.idx.msk $0xffff, v15  }
0x206: {  	v15 =	vld [tilespmem:s17+$0x20]  }
0x207: {  	s12 =	spop (v2sf);
	v22 =	vor.u32 s26, v1;
	v16 =	vadd.f32 v18, v16;
	[tilespmem:v14+s14+$0x0] =	vst.idx.msk $0xffff, v20;
	v14 =	vld [tilespmem:s22+$0x60]  }
0x208: {  	(v2sf) =	vpush v4, $0xB;
	s18 =	spop (v2sf);
	v18 =	vld [tilespmem:s12+$0x0]  }
0x209: {  	v58 =	vor.u32 s23, v2;
	(v2sf) =	vpush v6, $0xB;
	v20 =	vld [tilespmem:s18+$0x40];
	[tilespmem:v19+s14+$0x0] =	vst.idx.msk $0xffff, v16  }
0x20a: {  	s19 =	simm.s32 $0x27;
	v16 =	vadd.f32 v23, v17;
	v17 =	vld [tilespmem:s6+$0x10]  }
0x20b: {  	v19 =	vor.u32 s19, v0;
	v23 =	vld [tilespmem:s11+$0x50]  }
0x20c: {  	v59 =	vld [tilespmem:s1+$0x60];
	[tilespmem:v22+s14+$0x0] =	vst.idx.msk $0xffff, v16;
	v14 =	vadd.f32 v14, v15  }
0x20d: {  	v16 =	vor.u32 s16, v1;
	v22 =	vld [tilespmem:s25+$0x60]  }
0x20e: {  	(v2sf) =	vpush v7, $0x4;
	v15 =	vld [tilespmem:s24+$0x20];
	v18 =	vadd.f32 v20, v18;
	[tilespmem:v58+s14+$0x0] =	vst.idx.msk $0xffff, v14  }
0x20f: {  	(v2sf) =	vpush v8, $0x4;
	v14 =	vor.u32 s0, v2;
	v20 =	vld [tilespmem:s17+$0x30]  }
0x210: {  	v60 =	vor.u32 s26, v2;
	v17 =	vadd.f32 v23, v17;
	[tilespmem:v19+s14+$0x0] =	vst.idx.msk $0xffff, v18;
	v18 =	vld [tilespmem:s22+$0x70]  }
0x211: {  	v19 =	vld [tilespmem:s12+$0x10]  }
0x212: {  	v61 =	vor.u32 s23, v3;
	v21 =	vadd.f32 v59, v21;
	v23 =	vld [tilespmem:s18+$0x50];
	[tilespmem:v16+s14+$0x0] =	vst.idx.msk $0xffff, v17  }
0x213: {  	v15 =	vadd.f32 v22, v15;
	v16 =	vld [tilespmem:s6+$0x20]  }
0x214: {  	v17 =	vld [tilespmem:s11+$0x60];
	[tilespmem:v14+s14+$0x0] =	vst.idx.msk $0xffff, v21;
	v14 =	vor.u32 s19, v1  }
0x215: {  	(v2sf) =	vpush v12, $0xF;
	[tilespmem:v60+s14+$0x0] =	vst.idx.msk $0xffff, v15;
	v21 =	vld [tilespmem:s2+$0x30];
	v15 =	vadd.f32 v18, v20  }
0x216: {  	(v2sf) =	vpush v13, $0xF;
	v12 =	vld [tilespmem:s24+$0x30];
	v18 =	vor.u32 s16, v2  }
0x217: {  	s20 =	spop (v2sf);
	(v2sf) =	vpush v10, $0x1;
	v13 =	vld [tilespmem:s25+$0x70];
	v19 =	vadd.f32 v23, v19;
	[tilespmem:v61+s14+$0x0] =	vst.idx.msk $0xffff, v15  }
0x218: {  	s21 =	spop (v2sf);
	v15 =	vld [tilespmem:s20+$0x0]  }
0x219: {  	v20 =	vor.u32 s26, v3;
	v16 =	vadd.f32 v17, v16;
	[tilespmem:v14+s14+$0x0] =	vst.idx.msk $0xffff, v19;
	v14 =	vld [tilespmem:s21+$0x40]  }
0x21a: {  	s22 =	simm.s32 $0x1B;
	v17 =	vld [tilespmem:s12+$0x20]  }
0x21b: {  	v22 =	vor.u32 s22, v0;
	v19 =	vld [tilespmem:s18+$0x60];
	[tilespmem:v18+s14+$0x0] =	vst.idx.msk $0xffff, v16  }
0x21c: {  	(v2sf) =	vpush v5, $0x8;
	v12 =	vadd.f32 v13, v12;
	v13 =	vld [tilespmem:s6+$0x30]  }
0x21d: {  	(v2sf) =	vpush v9, $0x8;
	s23 =	spop (v2sf);
	v16 =	vor.u32 s19, v2;
	v18 =	vld [tilespmem:s11+$0x70]  }
0x21e: {  	(v2sf) =	vpush v11, $0x1;
	s24 =	spop (v2sf);
	v23 =	vld [tilespmem:s1+$0x70];
	[tilespmem:v20+s14+$0x0] =	vst.idx.msk $0xffff, v12;
	v12 =	vadd.f32 v14, v15  }
0x21f: {  	v20 =	vld [tilespmem:s24+$0x40];
	v15 =	vor.u32 s16, v3  }
0x220: {  	v14 =	vld [tilespmem:s23+$0x0];
	v17 =	vadd.f32 v19, v17;
	[tilespmem:v22+s14+$0x0] =	vst.idx.msk $0xffff, v12  }
0x221: {  	s10 =	simm.s32 $0x34;
	v12 =	vor.u32 s0, v3;
	v19 =	vld [tilespmem:s20+$0x10]  }
0x222: {  	v22 =	vor.u32 s10, v0;
	v13 =	vadd.f32 v18, v13;
	[tilespmem:v16+s14+$0x0] =	vst.idx.msk $0xffff, v17;
	v16 =	vld [tilespmem:s21+$0x50]  }
0x223: {  	v17 =	vld [tilespmem:s12+$0x30]  }
0x224: {  	s5 =	spop (v2sf);
	v18 =	vadd.f32 v23, v21;
	v23 =	vor.u32 s22, v1;
	v21 =	vld [tilespmem:s18+$0x70];
	[tilespmem:v15+s14+$0x0] =	vst.idx.msk $0xffff, v13  }
0x225: {  	s4 =	spop (v2sf);
	v13 =	vadd.f32 v20, v14;
	v14 =	vld [tilespmem:s5+$0x0]  }
0x226: {  	s1 =	spop (v2sf);
	v15 =	vld [tilespmem:s4+$0x40];
	[tilespmem:v12+s14+$0x0] =	vst.idx.msk $0xffff, v18;
	v12 =	vor.u32 s19, v3  }
0x227: {  	[tilespmem:v22+s14+$0x0] =	vst.idx.msk $0xffff, v13;
	v18 =	vld [tilespmem:s1+$0x0];
	v13 =	vadd.f32 v16, v19  }
0x228: {  	s0 =	simm.s32 $0xF;
	v16 =	vld [tilespmem:s23+$0x10]  }
0x229: {  	v19 =	vor.u32 s0, v0;
	v20 =	vld [tilespmem:s24+$0x50];
	v17 =	vadd.f32 v21, v17;
	[tilespmem:v23+s14+$0x0] =	vst.idx.msk $0xffff, v13  }
0x22a: {  	v13 =	vld [tilespmem:s20+$0x20]  }
0x22b: {  	s7 =	spop (v2sf);
	v21 =	vor.u32 s10, v1;
	[tilespmem:v12+s14+$0x0] =	vst.idx.msk $0xffff, v17;
	v12 =	vld [tilespmem:s21+$0x60]  }
0x22c: {  	s8 =	spop (v2sf);
	v14 =	vadd.f32 v15, v14;
	v15 =	vld [tilespmem:s7+$0x0]  }
0x22d: {  	(v2sf) =	vpush v4, $0xC;
	s6 =	spop (v2sf);
	v22 =	vor.u32 s22, v2;
	v17 =	vld [tilespmem:s8+$0x40]  }
0x22e: {  	s9 =	simm.s32 $0x28;
	(v2sf) =	vpush v6, $0xC;
	v23 =	vld [tilespmem:s6+$0x40];
	[tilespmem:v19+s14+$0x0] =	vst.idx.msk $0xffff, v14;
	v14 =	vadd.f32 v20, v16  }
0x22f: {  	v19 =	vor.u32 s9, v0;
	v16 =	vld [tilespmem:s5+$0x10]  }
0x230: {  	v20 =	vld [tilespmem:s4+$0x50];
	[tilespmem:v21+s14+$0x0] =	vst.idx.msk $0xffff, v14;
	v12 =	vadd.f32 v12, v13  }
0x231: {  	v21 =	vld [tilespmem:s24+$0x60]  }
0x232: {  	s3 =	simm.s32 $0x41;
	v14 =	vor.u32 s0, v1;
	v13 =	vld [tilespmem:s23+$0x20];
	v15 =	vadd.f32 v17, v15;
	[tilespmem:v22+s14+$0x0] =	vst.idx.msk $0xffff, v12  }
0x233: {  	v17 =	vor.u32 s3, v0;
	v22 =	vld [tilespmem:s20+$0x30]  }
0x234: {  	v62 =	vor.u32 s10, v2;
	(v2sf) =	vpush v7, $0x5;
	[tilespmem:v19+s14+$0x0] =	vst.idx.msk $0xffff, v15;
	v19 =	vld [tilespmem:s21+$0x70]  }
0x235: {  	(v2sf) =	vpush v8, $0x5;
	v12 =	vadd.f32 v20, v16  }
0x236: {  	v63 =	vor.u32 s22, v3;
	v15 =	vadd.f32 v23, v18;
	v20 =	vld [tilespmem:s7+$0x10]  }
0x237: {  	v23 =	vld [tilespmem:s8+$0x50];
	[tilespmem:v14+s14+$0x0] =	vst.idx.msk $0xffff, v12;
	v14 =	vadd.f32 v21, v13  }
0x238: {  	v12 =	vld [tilespmem:s5+$0x20];
	[tilespmem:v17+s14+$0x0] =	vst.idx.msk $0xffff, v15  }
0x239: {  	v13 =	vld [tilespmem:s4+$0x60];
	[tilespmem:v62+s14+$0x0] =	vst.idx.msk $0xffff, v14;
	v14 =	vadd.f32 v19, v22  }
0x23a: {  	v15 =	vld [tilespmem:s1+$0x10];
	v19 =	vor.u32 s9, v1  }
0x23b: {  	s29 =	simm.s32 $0x2F;
	v16 =	vld [tilespmem:s23+$0x30];
	[tilespmem:v63+s14+$0x0] =	vst.idx.msk $0xffff, v14;
	v14 =	vor.u32 s0, v2  }
0x23c: {  	s28 =	simm.s32 $0x4F;
	s25 =	simm.s32 $0x1F;
	s11 =	spop (v2sf);
	v18 =	vld [tilespmem:s24+$0x70]  }
0x23d: {  	s26 =	simm.s32 $0x3F;
	s2 =	simm.s32 $0x5F;
	s12 =	spop (v2sf);
	v20 =	vadd.f32 v23, v20;
	v17 =	vld [tilespmem:s11+$0x0]  }
.LBB2_3:
0x23e: {  	p1 =	sne.s32 s2, $0x7F;
	v21 =	vor.u32 s10, v3;
	v22 =	vld [tilespmem:s12+$0x40];
	v12 =	vadd.f32 v13, v12  }
0x23f: {  	s10 =	sadd.s32 $0xFFFFFFFD, s25;
	v13 =	vld [tilespmem:s6+$0x50];
	[tilespmem:v19+s14+$0x0] =	vst.idx.msk $0xffff, v20  }
0x240: {  	v20 =	vor.u32 s10, v0;
	v19 =	vld [tilespmem:s7+$0x20];
	[tilespmem:v14+s14+$0x0] =	vst.idx.msk $0xffff, v12  }
0x241: {  	v12 =	vadd.f32 v18, v16;
	v14 =	vld [tilespmem:s5+$0x30]  }
0x242: {  	v16 =	vld [tilespmem:s4+$0x70]  }
0x243: {  	v18 =	vor.u32 s3, v1;
	[tilespmem:v21+s14+$0x0] =	vst.idx.msk $0xffff, v12;
	s4 =	spop (v2sf);
	v12 =	vld [tilespmem:s8+$0x60];
	v17 =	vadd.f32 v22, v17  }
0x244: {  	v22 =	vor.u32 s0, v3;
	s0 =	smov.u32 s25;
	s25 =	smov.u32 s29;
	v21 =	vld [tilespmem:s4+$0x0];
	s5 =	spop (v2sf);
	(v2sf) =	vpush v5, $0x9  }
0x245: {  	v24 =	vor.u32 s9, v2;
	s29 =	smov.u32 s26;
	s26 =	smov.u32 s28;
	s28 =	smov.u32 s2;
	v23 =	vld [tilespmem:s5+$0x40];
	(v2sf) =	vpush v9, $0x9;
	[tilespmem:v20+s14+$0x0] =	vst.idx.msk $0xffff, v17  }
0x246: {  	v13 =	vadd.f32 v13, v15;
	s13 =	sadd.s32 $0xFFFFFFF6, s29;
	v15 =	vld [tilespmem:s11+$0x10]  }
0x247: {  	s30 =	sadd.s32 $0x10, s30;
	v17 =	vor.u32 s13, v0;
	v20 =	vld [tilespmem:s12+$0x50];
	v14 =	vadd.f32 v16, v14  }
0x248: {  	v16 =	vld [tilespmem:s30+$0x0];
	[tilespmem:v18+s14+$0x0] =	vst.idx.msk $0xffff, v13;
	v12 =	vadd.f32 v12, v19  }
0x249: {  	v18 =	vor.u32 s10, v1;
	v13 =	vld [tilespmem:s1+$0x20];
	[tilespmem:v22+s14+$0x0] =	vst.idx.msk $0xffff, v14  }
0x24a: {  	v14 =	vld [tilespmem:s6+$0x60];
	v19 =	vadd.f32 v23, v21;
	[tilespmem:v24+s14+$0x0] =	vst.idx.msk $0xffff, v12  }
0x24b: {  	(v2sf) =	vpush v10, $0x2;
	v12 =	vld [tilespmem:s7+$0x30]  }
0x24c: {  	v21 =	vor.u32 s3, v2;
	(v2sf) =	vpush v11, $0x2;
	[tilespmem:v17+s14+$0x0] =	vst.idx.msk $0xffff, v19;
	v17 =	vld [tilespmem:s8+$0x70];
	v15 =	vadd.f32 v20, v15  }
0x24d: {  	v19 =	vld [tilespmem:s4+$0x10]  }
0x24e: {  	v22 =	vor.u32 s9, v3;
	v20 =	vld [tilespmem:s5+$0x50];
	[tilespmem:v18+s14+$0x0] =	vst.idx.msk $0xffff, v15  }
0x24f: {  	vm0 =	vgt.s32 v16, $0x0;
	v13 =	vadd.f32 v14, v13;
	v14 =	vld [tilespmem:s11+$0x20]  }
0x250: {  	s31 =	sadd.s32 $0x10, s31;
	v15 =	vnsel vm0, $0x0, v16;
	v16 =	vor.u32 s13, v1;
	v18 =	vld [tilespmem:s12+$0x60]  }
0x251: {  	v15 =	vmin.u32 v15, $0x200;
	v23 =	vld [tilespmem:s31+$0x0];
	[tilespmem:v21+s14+$0x0] =	vst.idx.msk $0xffff, v13;
	v13 =	vadd.f32 v17, v12;
	(v2sf) =	vpush v4, $0xD  }
0x252: {  	v12 =	vshll.u32 v15, $0x7;
	v17 =	vor.u32 s10, v2;
	v15 =	vld [tilespmem:s1+$0x30];
	(v2sf) =	vpush v6, $0xD  }
0x253: {  	(v2sf) =	vpush v12, $0x0;
	v21 =	vld [tilespmem:s6+$0x70];
	v19 =	vadd.f32 v20, v19;
	[tilespmem:v22+s14+$0x0] =	vst.idx.msk $0xffff, v13;
	s8 =	spop (v2sf)  }
0x254: {  	v13 =	vld [tilespmem:s8+$0x0];
	s6 =	spop (v2sf)  }
0x255: {  	v20 =	vor.u32 s3, v3;
	[tilespmem:v16+s14+$0x0] =	vst.idx.msk $0xffff, v19;
	v16 =	vld [tilespmem:s6+$0x40];
	v14 =	vadd.f32 v18, v14  }
0x256: {  	s7 =	sadd.s32 $0xFFFFFFFA, s25;
	v18 =	vld [tilespmem:s4+$0x20]  }
0x257: {  	v22 =	vor.u32 s7, v0;
	v19 =	vld [tilespmem:s5+$0x60];
	[tilespmem:v17+s14+$0x0] =	vst.idx.msk $0xffff, v14  }
0x258: {  	vm0 =	vgt.s32 v23, $0x0;
	v14 =	vadd.f32 v21, v15;
	(v2sf) =	vpush v7, $0x6;
	v15 =	vld [tilespmem:s11+$0x30]  }
0x259: {  	v17 =	vnsel vm0, $0x0, v23;
	v21 =	vor.u32 s13, v2;
	(v2sf) =	vpush v8, $0x6;
	v23 =	vld [tilespmem:s12+$0x70]  }
0x25a: {  	v17 =	vmin.u32 v17, $0x200;
	[tilespmem:v20+s14+$0x0] =	vst.idx.msk $0xffff, v14;
	s11 =	spop (v2sf);
	v14 =	vadd.f32 v16, v13  }
0x25b: {  	v13 =	vshll.u32 v17, $0x7;
	v17 =	vor.u32 s10, v3;
	v16 =	vld [tilespmem:s11+$0x0];
	s15 =	spop (v2sf)  }
0x25c: {  	(v2sf) =	vpush v13, $0x0;
	v20 =	vld [tilespmem:s15+$0x40];
	v18 =	vadd.f32 v19, v18;
	[tilespmem:v22+s14+$0x0] =	vst.idx.msk $0xffff, v14  }
0x25d: {  	s18 =	sadd.s32 $0xFFFFFFF3, s26;
	v14 =	vld [tilespmem:s8+$0x10]  }
0x25e: {  	v19 =	vor.u32 s18, v0;
	[tilespmem:v21+s14+$0x0] =	vst.idx.msk $0xffff, v18;
	v18 =	vld [tilespmem:s6+$0x50];
	v15 =	vadd.f32 v23, v15  }
0x25f: {  	v21 =	vld [tilespmem:s4+$0x30]  }
0x260: {  	v23 =	vor.u32 s7, v1;
	v22 =	vld [tilespmem:s5+$0x70];
	[tilespmem:v17+s14+$0x0] =	vst.idx.msk $0xffff, v15;
	s12 =	spop (v2sf)  }
0x261: {  	v15 =	vadd.f32 v20, v16;
	v16 =	vld [tilespmem:s12+$0x0];
	s16 =	spop (v2sf)  }
0x262: {  	v17 =	vor.u32 s13, v3;
	s4 =	spop (v2sf);
	v20 =	vld [tilespmem:s16+$0x40]  }
0x263: {  	s17 =	sadd.s32 $0xFFFFFFFE, s0;
	v24 =	vld [tilespmem:s4+$0x0];
	[tilespmem:v19+s14+$0x0] =	vst.idx.msk $0xffff, v15;
	v14 =	vadd.f32 v18, v14  }
0x264: {  	v18 =	vor.u32 s17, v0;
	v15 =	vld [tilespmem:s11+$0x10]  }
0x265: {  	v19 =	vld [tilespmem:s15+$0x50];
	v21 =	vadd.f32 v22, v21;
	[tilespmem:v23+s14+$0x0] =	vst.idx.msk $0xffff, v14  }
0x266: {  	v14 =	vld [tilespmem:s8+$0x20]  }
0x267: {  	v22 =	vor.u32 s18, v1;
	[tilespmem:v17+s14+$0x0] =	vst.idx.msk $0xffff, v21;
	s5 =	spop (v2sf);
	v17 =	vld [tilespmem:s6+$0x60];
	v16 =	vadd.f32 v20, v16  }
0x268: {  	v20 =	vld [tilespmem:s5+$0x0];
	s10 =	spop (v2sf);
	(v2sf) =	vpush v5, $0xA  }
0x269: {  	v23 =	vor.u32 s7, v2;
	v21 =	vld [tilespmem:s10+$0x40];
	(v2sf) =	vpush v9, $0xA;
	[tilespmem:v18+s14+$0x0] =	vst.idx.msk $0xffff, v16  }
0x26a: {  	s9 =	sadd.s32 $0xFFFFFFF7, s29;
	v15 =	vadd.f32 v19, v15;
	v16 =	vld [tilespmem:s12+$0x10]  }
0x26b: {  	v18 =	vor.u32 s9, v0;
	s3 =	spop (v2sf);
	v19 =	vld [tilespmem:s16+$0x50]  }
0x26c: {  	v25 =	vld [tilespmem:s3+$0x40];
	[tilespmem:v22+s14+$0x0] =	vst.idx.msk $0xffff, v15;
	v14 =	vadd.f32 v17, v14  }
0x26d: {  	v17 =	vor.u32 s17, v1;
	v15 =	vld [tilespmem:s11+$0x20]  }
0x26e: {  	s1 =	sadd.s32 $0xFFFFFFF1, s2;
	v22 =	vld [tilespmem:s15+$0x60];
	v20 =	vadd.f32 v21, v20;
	[tilespmem:v23+s14+$0x0] =	vst.idx.msk $0xffff, v14  }
0x26f: {  	v14 =	vor.u32 s1, v0;
	(v2sf) =	vpush v10, $0x3;
	v21 =	vld [tilespmem:s8+$0x30]  }
0x270: {  	v23 =	vor.u32 s18, v2;
	(v2sf) =	vpush v11, $0x3;
	[tilespmem:v18+s14+$0x0] =	vst.idx.msk $0xffff, v20;
	v18 =	vld [tilespmem:s6+$0x70];
	v16 =	vadd.f32 v19, v16  }
0x271: {  	v19 =	vld [tilespmem:s5+$0x10]  }
0x272: {  	v20 =	vadd.f32 v25, v24;
	v25 =	vor.u32 s7, v3;
	v24 =	vld [tilespmem:s10+$0x50];
	[tilespmem:v17+s14+$0x0] =	vst.idx.msk $0xffff, v16  }
0x273: {  	v15 =	vadd.f32 v22, v15;
	v16 =	vld [tilespmem:s12+$0x20]  }
0x274: {  	[tilespmem:v14+s14+$0x0] =	vst.idx.msk $0xffff, v20;
	v14 =	vor.u32 s9, v1;
	v17 =	vld [tilespmem:s16+$0x60]  }
0x275: {  	v20 =	vld [tilespmem:s4+$0x10];
	[tilespmem:v23+s14+$0x0] =	vst.idx.msk $0xffff, v15;
	v15 =	vadd.f32 v18, v21;
	(v2sf) =	vpush v4, $0xE  }
0x276: {  	v21 =	vor.u32 s17, v2;
	v18 =	vld [tilespmem:s11+$0x30];
	(v2sf) =	vpush v6, $0xE  }
0x277: {  	v22 =	vld [tilespmem:s15+$0x70];
	v19 =	vadd.f32 v24, v19;
	[tilespmem:v25+s14+$0x0] =	vst.idx.msk $0xffff, v15;
	s19 =	spop (v2sf)  }
0x278: {  	v15 =	vld [tilespmem:s19+$0x0];
	s15 =	spop (v2sf)  }
0x279: {  	v23 =	vor.u32 s18, v3;
	[tilespmem:v14+s14+$0x0] =	vst.idx.msk $0xffff, v19;
	v14 =	vld [tilespmem:s15+$0x40];
	v16 =	vadd.f32 v17, v16  }
0x27a: {  	s18 =	sadd.s32 $0xFFFFFFFB, s25;
	v17 =	vld [tilespmem:s5+$0x20]  }
0x27b: {  	v24 =	vor.u32 s18, v0;
	v19 =	vld [tilespmem:s10+$0x60];
	[tilespmem:v21+s14+$0x0] =	vst.idx.msk $0xffff, v16  }
0x27c: {  	v16 =	vadd.f32 v22, v18;
	(v2sf) =	vpush v7, $0x7;
	v18 =	vld [tilespmem:s12+$0x30]  }
0x27d: {  	v21 =	vor.u32 s9, v2;
	(v2sf) =	vpush v8, $0x7;
	v22 =	vld [tilespmem:s16+$0x70]  }
0x27e: {  	v25 =	vld [tilespmem:s3+$0x50];
	[tilespmem:v23+s14+$0x0] =	vst.idx.msk $0xffff, v16;
	s13 =	spop (v2sf);
	v14 =	vadd.f32 v14, v15  }
0x27f: {  	v16 =	vor.u32 s17, v3;
	v15 =	vld [tilespmem:s13+$0x0];
	s12 =	spop (v2sf)  }
0x280: {  	v23 =	vld [tilespmem:s12+$0x40];
	v17 =	vadd.f32 v19, v17;
	[tilespmem:v24+s14+$0x0] =	vst.idx.msk $0xffff, v14  }
0x281: {  	s8 =	sadd.s32 $0xFFFFFFF4, s26;
	v14 =	vor.u32 s1, v1;
	v19 =	vld [tilespmem:s19+$0x10]  }
0x282: {  	v24 =	vor.u32 s8, v0;
	[tilespmem:v21+s14+$0x0] =	vst.idx.msk $0xffff, v17;
	v17 =	vld [tilespmem:s15+$0x50];
	v18 =	vadd.f32 v22, v18  }
0x283: {  	v21 =	vld [tilespmem:s5+$0x30]  }
0x284: {  	v20 =	vadd.f32 v25, v20;
	v25 =	vor.u32 s18, v1;
	v22 =	vld [tilespmem:s10+$0x70];
	[tilespmem:v16+s14+$0x0] =	vst.idx.msk $0xffff, v18;
	s10 =	spop (v2sf)  }
0x285: {  	v15 =	vadd.f32 v23, v15;
	v16 =	vld [tilespmem:s10+$0x0];
	s11 =	spop (v2sf)  }
0x286: {  	[tilespmem:v14+s14+$0x0] =	vst.idx.msk $0xffff, v20;
	v14 =	vor.u32 s9, v3;
	v18 =	vld [tilespmem:s11+$0x40]  }
0x287: {  	s9 =	sadd.s32 $0xFFFFFFFF, s0;
	v20 =	vld [tilespmem:s4+$0x20];
	[tilespmem:v24+s14+$0x0] =	vst.idx.msk $0xffff, v15;
	v15 =	vadd.f32 v17, v19  }
0x288: {  	v19 =	vor.u32 s9, v0;
	v17 =	vld [tilespmem:s13+$0x10]  }
0x289: {  	v23 =	vld [tilespmem:s12+$0x50];
	v21 =	vadd.f32 v22, v21;
	[tilespmem:v25+s14+$0x0] =	vst.idx.msk $0xffff, v15  }
0x28a: {  	v15 =	vld [tilespmem:s19+$0x20]  }
0x28b: {  	v22 =	vor.u32 s8, v1;
	[tilespmem:v14+s14+$0x0] =	vst.idx.msk $0xffff, v21;
	s5 =	spop (v2sf);
	v14 =	vld [tilespmem:s15+$0x60];
	v16 =	vadd.f32 v18, v16  }
0x28c: {  	v18 =	vld [tilespmem:s5+$0x0];
	s7 =	spop (v2sf);
	(v2sf) =	vpush v5, $0xB  }
0x28d: {  	v24 =	vor.u32 s18, v2;
	v21 =	vld [tilespmem:s7+$0x40];
	(v2sf) =	vpush v9, $0xB;
	[tilespmem:v19+s14+$0x0] =	vst.idx.msk $0xffff, v16  }
0x28e: {  	s6 =	sadd.s32 $0xFFFFFFF8, s29;
	v16 =	vadd.f32 v23, v17;
	v17 =	vld [tilespmem:s10+$0x10]  }
0x28f: {  	v19 =	vor.u32 s6, v0;
	v23 =	vld [tilespmem:s11+$0x50]  }
0x290: {  	v25 =	vld [tilespmem:s3+$0x60];
	[tilespmem:v22+s14+$0x0] =	vst.idx.msk $0xffff, v16;
	v14 =	vadd.f32 v14, v15  }
0x291: {  	v16 =	vor.u32 s9, v1;
	v15 =	vld [tilespmem:s13+$0x20]  }
0x292: {  	v22 =	vld [tilespmem:s12+$0x60];
	v18 =	vadd.f32 v21, v18;
	[tilespmem:v24+s14+$0x0] =	vst.idx.msk $0xffff, v14  }
0x293: {  	v14 =	vor.u32 s1, v2;
	(v2sf) =	vpush v10, $0x4;
	v21 =	vld [tilespmem:s19+$0x30]  }
0x294: {  	v24 =	vor.u32 s8, v2;
	(v2sf) =	vpush v11, $0x4;
	[tilespmem:v19+s14+$0x0] =	vst.idx.msk $0xffff, v18;
	v18 =	vld [tilespmem:s15+$0x70];
	v17 =	vadd.f32 v23, v17  }
0x295: {  	v19 =	vld [tilespmem:s5+$0x10]  }
0x296: {  	v20 =	vadd.f32 v25, v20;
	v25 =	vor.u32 s18, v3;
	v23 =	vld [tilespmem:s7+$0x50];
	[tilespmem:v16+s14+$0x0] =	vst.idx.msk $0xffff, v17  }
0x297: {  	v15 =	vadd.f32 v22, v15;
	v16 =	vld [tilespmem:s10+$0x20]  }
0x298: {  	[tilespmem:v14+s14+$0x0] =	vst.idx.msk $0xffff, v20;
	v14 =	vor.u32 s6, v1;
	v17 =	vld [tilespmem:s11+$0x60]  }
0x299: {  	v20 =	vld [tilespmem:s4+$0x30];
	[tilespmem:v24+s14+$0x0] =	vst.idx.msk $0xffff, v15;
	v15 =	vadd.f32 v18, v21;
	(v2sf) =	vpush v4, $0xF;
	v4 =	vmovc v5;
	v5 =	vmov v7  }
0x29a: {  	v21 =	vor.u32 s9, v2;
	v7 =	vmovc v10;
	v10 =	vmovc v12;
	v18 =	vld [tilespmem:s13+$0x30];
	(v2sf) =	vpush v6, $0xF;
	v6 =	vmov v9  }
0x29b: {  	v9 =	vmovc v8;
	v8 =	vmov v11;
	(v2sf) =	vpush v10, $0x1;
	v12 =	vld [tilespmem:s12+$0x70];
	v19 =	vadd.f32 v23, v19;
	[tilespmem:v25+s14+$0x0] =	vst.idx.msk $0xffff, v15;
	s12 =	spop (v2sf)  }
0x29c: {  	v11 =	vmov v13;
	v15 =	vld [tilespmem:s12+$0x0];
	s13 =	spop (v2sf)  }
0x29d: {  	v13 =	vor.u32 s8, v3;
	[tilespmem:v14+s14+$0x0] =	vst.idx.msk $0xffff, v19;
	v14 =	vld [tilespmem:s13+$0x40];
	v16 =	vadd.f32 v17, v16  }
0x29e: {  	s15 =	sadd.s32 $0xFFFFFFFC, s25;
	v17 =	vld [tilespmem:s5+$0x20]  }
0x29f: {  	v22 =	vor.u32 s15, v0;
	v19 =	vld [tilespmem:s7+$0x60];
	[tilespmem:v21+s14+$0x0] =	vst.idx.msk $0xffff, v16  }
0x2a0: {  	v12 =	vadd.f32 v12, v18;
	(v2sf) =	vpush v5, $0x8;
	v16 =	vld [tilespmem:s10+$0x30]  }
0x2a1: {  	v18 =	vor.u32 s6, v2;
	(v2sf) =	vpush v9, $0x8;
	v21 =	vld [tilespmem:s11+$0x70]  }
0x2a2: {  	v23 =	vld [tilespmem:s3+$0x70];
	[tilespmem:v13+s14+$0x0] =	vst.idx.msk $0xffff, v12;
	s11 =	spop (v2sf);
	v12 =	vadd.f32 v14, v15  }
0x2a3: {  	v14 =	vor.u32 s9, v3;
	v13 =	vld [tilespmem:s11+$0x0];
	s16 =	spop (v2sf)  }
0x2a4: {  	(v2sf) =	vpush v11, $0x1;
	v15 =	vld [tilespmem:s16+$0x40];
	v17 =	vadd.f32 v19, v17;
	[tilespmem:v22+s14+$0x0] =	vst.idx.msk $0xffff, v12  }
0x2a5: {  	s10 =	sadd.s32 $0xFFFFFFF5, s26;
	v12 =	vor.u32 s1, v3;
	v19 =	vld [tilespmem:s12+$0x10]  }
0x2a6: {  	v22 =	vor.u32 s10, v0;
	[tilespmem:v18+s14+$0x0] =	vst.idx.msk $0xffff, v17;
	v17 =	vld [tilespmem:s13+$0x50];
	v16 =	vadd.f32 v21, v16  }
0x2a7: {  	v18 =	vld [tilespmem:s5+$0x30]  }
0x2a8: {  	v20 =	vadd.f32 v23, v20;
	v23 =	vor.u32 s15, v1;
	v21 =	vld [tilespmem:s7+$0x70];
	[tilespmem:v14+s14+$0x0] =	vst.idx.msk $0xffff, v16;
	s5 =	spop (v2sf)  }
0x2a9: {  	v13 =	vadd.f32 v15, v13;
	v14 =	vld [tilespmem:s5+$0x0];
	s4 =	spop (v2sf)  }
0x2aa: {  	[tilespmem:v12+s14+$0x0] =	vst.idx.msk $0xffff, v20;
	s1 =	spop (v2sf);
	v12 =	vor.u32 s6, v3;
	v15 =	vld [tilespmem:s4+$0x40]  }
0x2ab: {  	v16 =	vld [tilespmem:s1+$0x0];
	[tilespmem:v22+s14+$0x0] =	vst.idx.msk $0xffff, v13;
	v13 =	vadd.f32 v17, v19  }
0x2ac: {  	v19 =	vor.u32 s0, v0;
	v17 =	vld [tilespmem:s11+$0x10]  }
0x2ad: {  	v20 =	vld [tilespmem:s16+$0x50];
	v18 =	vadd.f32 v21, v18;
	[tilespmem:v23+s14+$0x0] =	vst.idx.msk $0xffff, v13  }
0x2ae: {  	v13 =	vld [tilespmem:s12+$0x20]  }
0x2af: {  	v21 =	vor.u32 s10, v1;
	[tilespmem:v12+s14+$0x0] =	vst.idx.msk $0xffff, v18;
	s7 =	spop (v2sf);
	v12 =	vld [tilespmem:s13+$0x60];
	v14 =	vadd.f32 v15, v14  }
0x2b0: {  	v15 =	vld [tilespmem:s7+$0x0];
	s8 =	spop (v2sf);
	(v2sf) =	vpush v4, $0xC  }
0x2b1: {  	v22 =	vor.u32 s15, v2;
	v18 =	vld [tilespmem:s8+$0x40];
	(v2sf) =	vpush v6, $0xC;
	[tilespmem:v19+s14+$0x0] =	vst.idx.msk $0xffff, v14  }
0x2b2: {  	s9 =	sadd.s32 $0xFFFFFFF9, s29;
	v14 =	vadd.f32 v20, v17;
	v17 =	vld [tilespmem:s5+$0x10]  }
0x2b3: {  	v19 =	vor.u32 s9, v0;
	s6 =	spop (v2sf);
	v20 =	vld [tilespmem:s4+$0x50]  }
0x2b4: {  	v23 =	vld [tilespmem:s6+$0x40];
	[tilespmem:v21+s14+$0x0] =	vst.idx.msk $0xffff, v14;
	v12 =	vadd.f32 v12, v13  }
0x2b5: {  	v14 =	vor.u32 s0, v1;
	v13 =	vld [tilespmem:s11+$0x20]  }
0x2b6: {  	s3 =	sadd.s32 $0xFFFFFFF2, s2;
	v21 =	vld [tilespmem:s16+$0x60];
	v15 =	vadd.f32 v18, v15;
	[tilespmem:v22+s14+$0x0] =	vst.idx.msk $0xffff, v12  }
0x2b7: {  	v18 =	vor.u32 s3, v0;
	(v2sf) =	vpush v7, $0x5;
	v22 =	vld [tilespmem:s12+$0x30]  }
0x2b8: {  	v24 =	vor.u32 s10, v2;
	(v2sf) =	vpush v8, $0x5;
	[tilespmem:v19+s14+$0x0] =	vst.idx.msk $0xffff, v15;
	v25 =	vld [tilespmem:s13+$0x70];
	v12 =	vadd.f32 v20, v17  }
0x2b9: {  	v17 =	vld [tilespmem:s7+$0x10]  }
0x2ba: {  	v15 =	vadd.f32 v23, v16;
	v23 =	vor.u32 s15, v3;
	v20 =	vld [tilespmem:s8+$0x50];
	[tilespmem:v14+s14+$0x0] =	vst.idx.msk $0xffff, v12  }
0x2bb: {  	v14 =	vadd.f32 v21, v13;
	v12 =	vld [tilespmem:s5+$0x20]  }
.Ltmp2:
0x2bc: {  	[tilespmem:v18+s14+$0x0] =	vst.idx.msk $0xffff, v15;
	v13 =	vld [tilespmem:s4+$0x60];
	(pc) =	sbr.rel @p1 .LBB2_3-.Ltmp2, $4  }
0x2bd: {  	v19 =	vor.u32 s9, v1;
	v15 =	vld [tilespmem:s1+$0x10];
	[tilespmem:v24+s14+$0x0] =	vst.idx.msk $0xffff, v14;
	v21 =	vadd.f32 v25, v22  }
0x2be: {  	v14 =	vor.u32 s0, v2;
	v16 =	vld [tilespmem:s11+$0x30]  }
0x2bf: {  	v18 =	vld [tilespmem:s16+$0x70];
	[tilespmem:v23+s14+$0x0] =	vst.idx.msk $0xffff, v21;
	s11 =	spop (v2sf)  }
0x2c0: {  	s2 =	sadd.s32 $0x10, s2;
	v20 =	vadd.f32 v20, v17;
	v17 =	vld [tilespmem:s11+$0x0];
	s12 =	spop (v2sf)  }
0x2c1: {  	_ = 	snop  }
0x2c2: {  	v21 =	vor.u32 s10, v3;
	v22 =	vld [tilespmem:s12+$0x40]  }
0x2c3: {  	s13 =	sadd.s32 $0xFFFFFFFD, s25  }
0x2c4: {  	v24 =	vor.u32 s13, v0  }
0x2c5: {  	v23 =	vld [tilespmem:s6+$0x50];
	[tilespmem:v19+s14+$0x0] =	vst.idx.msk $0xffff, v20;
	v16 =	vadd.f32 v18, v16  }
0x2c6: {  	v29 =	vld [tilespmem:s7+$0x20]  }
0x2c7: {  	v30 =	vor.u32 s3, v1;
	v31 =	vld [tilespmem:s8+$0x60];
	[tilespmem:v21+s14+$0x0] =	vst.idx.msk $0xffff, v16;
	s18 =	spop (v2sf);
	v17 =	vadd.f32 v22, v17  }
0x2c8: {  	(v2sf) =	vpush v5, $0x9;
	v32 =	vld [tilespmem:s18+$0x0];
	s15 =	spop (v2sf)  }
0x2c9: {  	v33 =	vor.u32 s9, v2;
	(v2sf) =	vpush v9, $0x9;
	v21 =	vld [tilespmem:s15+$0x40];
	[tilespmem:v24+s14+$0x0] =	vst.idx.msk $0xffff, v17  }
0x2ca: {  	s16 =	sadd.s32 $0xFFFFFFF6, s26;
	v15 =	vadd.f32 v23, v15;
	v17 =	vld [tilespmem:s11+$0x10]  }
0x2cb: {  	v34 =	vor.u32 s16, v0;
	v24 =	vld [tilespmem:s12+$0x50]  }
0x2cc: {  	[tilespmem:v30+s14+$0x0] =	vst.idx.msk $0xffff, v15;
	v35 =	vadd.f32 v31, v29  }
0x2cd: {  	v37 =	vor.u32 s13, v1;
	v36 =	vld [tilespmem:s1+$0x20]  }
0x2ce: {  	v19 =	vld [tilespmem:s6+$0x60];
	[tilespmem:v33+s14+$0x0] =	vst.idx.msk $0xffff, v35;
	v20 =	vadd.f32 v21, v32  }
0x2cf: {  	(v2sf) =	vpush v10, $0x2;
	v15 =	vld [tilespmem:s7+$0x30]  }
0x2d0: {  	v38 =	vor.u32 s3, v2;
	(v2sf) =	vpush v11, $0x2;
	v39 =	vld [tilespmem:s8+$0x70];
	v17 =	vadd.f32 v24, v17;
	[tilespmem:v34+s14+$0x0] =	vst.idx.msk $0xffff, v20  }
0x2d1: {  	v40 =	vld [tilespmem:s18+$0x10]  }
0x2d2: {  	v41 =	vor.u32 s9, v3;
	v23 =	vld [tilespmem:s15+$0x50];
	[tilespmem:v37+s14+$0x0] =	vst.idx.msk $0xffff, v17  }
0x2d3: {  	v16 =	vadd.f32 v19, v36;
	v17 =	vld [tilespmem:s11+$0x20]  }
0x2d4: {  	v42 =	vor.u32 s16, v1;
	v43 =	vld [tilespmem:s12+$0x60]  }
0x2d5: {  	(v2sf) =	vpush v4, $0xD;
	[tilespmem:v38+s14+$0x0] =	vst.idx.msk $0xffff, v16;
	v15 =	vadd.f32 v39, v15  }
0x2d6: {  	v44 =	vor.u32 s13, v2;
	(v2sf) =	vpush v6, $0xD;
	v16 =	vld [tilespmem:s1+$0x30]  }
0x2d7: {  	s19 =	spop (v2sf);
	v21 =	vld [tilespmem:s6+$0x70];
	[tilespmem:v41+s14+$0x0] =	vst.idx.msk $0xffff, v15;
	v22 =	vadd.f32 v23, v40  }
0x2d8: {  	s2 =	spop (v2sf);
	v15 =	vld [tilespmem:s19+$0x0]  }
0x2d9: {  	v45 =	vor.u32 s3, v3;
	v46 =	vld [tilespmem:s2+$0x40];
	v17 =	vadd.f32 v43, v17;
	[tilespmem:v42+s14+$0x0] =	vst.idx.msk $0xffff, v22  }
0x2da: {  	s17 =	sadd.s32 $0xFFFFFFFA, s29;
	v47 =	vld [tilespmem:s18+$0x20]  }
0x2db: {  	v48 =	vor.u32 s17, v0;
	v22 =	vld [tilespmem:s15+$0x60];
	[tilespmem:v44+s14+$0x0] =	vst.idx.msk $0xffff, v17  }
0x2dc: {  	v16 =	vadd.f32 v21, v16;
	v17 =	vld [tilespmem:s11+$0x30]  }
0x2dd: {  	v49 =	vor.u32 s16, v2;
	(v2sf) =	vpush v7, $0x6;
	v20 =	vld [tilespmem:s12+$0x70]  }
0x2de: {  	(v2sf) =	vpush v8, $0x6;
	s20 =	spop (v2sf);
	[tilespmem:v45+s14+$0x0] =	vst.idx.msk $0xffff, v16;
	v15 =	vadd.f32 v46, v15  }
0x2df: {  	v50 =	vor.u32 s13, v3;
	s21 =	spop (v2sf);
	v16 =	vld [tilespmem:s20+$0x0]  }
0x2e0: {  	v51 =	vld [tilespmem:s21+$0x40];
	[tilespmem:v48+s14+$0x0] =	vst.idx.msk $0xffff, v15;
	v19 =	vadd.f32 v22, v47  }
0x2e1: {  	s22 =	sadd.s32 $0xFFFFFFF3, s28;
	v15 =	vld [tilespmem:s19+$0x10]  }
0x2e2: {  	v53 =	vor.u32 s22, v0;
	v54 =	vld [tilespmem:s2+$0x50];
	v17 =	vadd.f32 v20, v17;
	[tilespmem:v49+s14+$0x0] =	vst.idx.msk $0xffff, v19  }
0x2e3: {  	v19 =	vld [tilespmem:s18+$0x30]  }
0x2e4: {  	v12 =	vadd.f32 v13, v12;
	s23 =	spop (v2sf);
	v55 =	vld [tilespmem:s15+$0x70];
	[tilespmem:v50+s14+$0x0] =	vst.idx.msk $0xffff, v17  }
0x2e5: {  	v56 =	vor.u32 s17, v1;
	s30 =	spop (v2sf);
	v57 =	vadd.f32 v51, v16;
	v58 =	vld [tilespmem:s23+$0x0]  }
0x2e6: {  	[tilespmem:v14+s14+$0x0] =	vst.idx.msk $0xffff, v12;
	v17 =	vld [tilespmem:s30+$0x40]  }
0x2e7: {  	s31 =	sadd.s32 $0xFFFFFFFE, s25;
	v59 =	vor.u32 s16, v3;
	v52 =	vld [tilespmem:s5+$0x30];
	[tilespmem:v53+s14+$0x0] =	vst.idx.msk $0xffff, v57  }
0x2e8: {  	v62 =	vor.u32 s31, v0;
	v60 =	vadd.f32 v54, v15;
	v61 =	vld [tilespmem:s20+$0x10];
	[dreg:$0x12] =	wrdreg s31  }
0x2e9: {  	v21 =	vld [tilespmem:s21+$0x50]  }
0x2ea: {  	v63 =	vld [tilespmem:s4+$0x70];
	[tilespmem:v56+s14+$0x0] =	vst.idx.msk $0xffff, v60;
	v19 =	vadd.f32 v55, v19  }
0x2eb: {  	v28 =	vor.u32 s22, v1;
	v12 =	vld [tilespmem:s19+$0x20];
	v14 =	vadd.f32 v17, v58  }
0x2ec: {  	s24 =	spop (v2sf);
	v29 =	vld [tilespmem:s2+$0x60];
	[tilespmem:v59+s14+$0x0] =	vst.idx.msk $0xffff, v19  }
0x2ed: {  	s3 =	spop (v2sf);
	v30 =	vld [tilespmem:s24+$0x0];
	[tilespmem:v62+s14+$0x0] =	vst.idx.msk $0xffff, v14  }
0x2ee: {  	v13 =	vadd.f32 v21, v61;
	v19 =	vld [tilespmem:s3+$0x40];
	[dreg:$0x16] =	wrdreg s23  }
0x2ef: {  	v32 =	vld [tilespmem:s23+$0x10];
	[dreg:$0x14] =	wrdreg s30  }
0x2f0: {  	[tilespmem:v28+s14+$0x0] =	vst.idx.msk $0xffff, v13  }
0x2f1: {  	(v2sf) =	vpush v5, $0xA;
	v13 =	vld [tilespmem:s20+$0x20]  }
0x2f2: {  	(v2sf) =	vpush v9, $0xA;
	v25 =	vld [tilespmem:s21+$0x60]  }
0x2f3: {  	(v2sf) =	vpush v10, $0x3  }
0x2f4: {  	v37 =	vor.u32 s22, v2;
	(v2sf) =	vpush v11, $0x3;
	_ =	sdelay $0x2  }
0x2f5: {  	v40 =	vadd.f32 v25, v13;
	_ =	sdelay $0x1  }
0x2f6: {  	[tilespmem:v37+s14+$0x0] =	vst.idx.msk $0xffff, v40  }
0x2f7: {  	v41 =	vld [tilespmem:s20+$0x30]  }
0x2f8: {  	v26 =	vor.u32 s0, v3;
	v36 =	vadd.f32 v19, v30;
	v19 =	vld [tilespmem:s21+$0x70]  }
0x2f9: {  	v31 =	vor.u32 s17, v2  }
0x2fa: {  	v42 =	vor.u32 s22, v3  }
0x2fb: {  	v18 =	vadd.f32 v63, v52  }
0x2fc: {  	v12 =	vadd.f32 v29, v12  }
0x2fd: {  	[tilespmem:v26+s14+$0x0] =	vst.idx.msk $0xffff, v18;
	s21 =	spop (v2sf);
	v18 =	vadd.f32 v19, v41  }
0x2fe: {  	[tilespmem:v31+s14+$0x0] =	vst.idx.msk $0xffff, v12;
	s8 =	spop (v2sf)  }
0x2ff: {  	v15 =	vld [tilespmem:s2+$0x70];
	s2 =	spop (v2sf);
	[tilespmem:v42+s14+$0x0] =	vst.idx.msk $0xffff, v18  }
0x300: {  	s4 =	spop (v2sf);
	v18 =	vld [tilespmem:s2+$0x0]  }
0x301: {  	v43 =	vld [tilespmem:s4+$0x40]  }
0x302: {  	s5 =	sadd.s32 $0xFFFFFFF4, s28  }
0x303: {  	v44 =	vor.u32 s5, v0;
	_ =	sdelay $0x1  }
0x304: {  	s10 =	sadd.s32 $0xFFFFFFF7, s26  }
0x305: {  	v33 =	vor.u32 s10, v0;
	v34 =	vld [tilespmem:s30+$0x50];
	v18 =	vadd.f32 v43, v18;
	_ =	sdelay $0x1  }
0x306: {  	v35 =	vor.u32 s31, v1;
	[tilespmem:v44+s14+$0x0] =	vst.idx.msk $0xffff, v18  }
0x307: {  	v18 =	vld [tilespmem:s2+$0x10]  }
0x308: {  	v45 =	vld [tilespmem:s4+$0x50]  }
0x309: {  	v14 =	vld [tilespmem:s19+$0x30];
	[tilespmem:v33+s14+$0x0] =	vst.idx.msk $0xffff, v36;
	v38 =	vadd.f32 v34, v32  }
0x30a: {  	v46 =	vor.u32 s5, v1;
	v16 =	vld [tilespmem:s24+$0x10]  }
0x30b: {  	v39 =	vld [tilespmem:s3+$0x50];
	[tilespmem:v35+s14+$0x0] =	vst.idx.msk $0xffff, v38  }
0x30c: {  	(v2sf) =	vpush v4, $0xE;
	v12 =	vld [tilespmem:s23+$0x20]  }
0x30d: {  	v13 =	vld [tilespmem:s30+$0x60];
	(v2sf) =	vpush v6, $0xE;
	v18 =	vadd.f32 v45, v18  }
0x30e: {  	(v2sf) =	vpush v7, $0x7  }
0x30f: {  	(v2sf) =	vpush v8, $0x7;
	[tilespmem:v46+s14+$0x0] =	vst.idx.msk $0xffff, v18  }
0x310: {  	(v2sf) =	vpush v5, $0xB;
	v18 =	vld [tilespmem:s2+$0x20]  }
0x311: {  	(v2sf) =	vpush v9, $0xB;
	v47 =	vld [tilespmem:s4+$0x60]  }
0x312: {  	(v2sf) =	vpush v10, $0x4  }
0x313: {  	v48 =	vor.u32 s5, v2;
	(v2sf) =	vpush v11, $0x4;
	_ =	sdelay $0x2  }
0x314: {  	v18 =	vadd.f32 v47, v18;
	_ =	sdelay $0x1  }
0x315: {  	[tilespmem:v48+s14+$0x0] =	vst.idx.msk $0xffff, v18  }
0x316: {  	v18 =	vld [tilespmem:s2+$0x30]  }
0x317: {  	v49 =	vld [tilespmem:s4+$0x70]  }
0x318: {  	s31 =	spop (v2sf)  }
0x319: {  	v50 =	vor.u32 s5, v3;
	s6 =	spop (v2sf)  }
0x31a: {  	s11 =	spop (v2sf)  }
0x31b: {  	s12 =	spop (v2sf)  }
0x31c: {  	s18 =	spop (v2sf);
	v18 =	vadd.f32 v49, v18  }
0x31d: {  	[dreg:$0x18] =	wrdreg s6;
	s19 =	spop (v2sf)  }
0x31e: {  	s7 =	spop (v2sf);
	[tilespmem:v50+s14+$0x0] =	vst.idx.msk $0xffff, v18  }
0x31f: {  	s9 =	spop (v2sf);
	v18 =	vld [tilespmem:s7+$0x0]  }
0x320: {  	v51 =	vld [tilespmem:s9+$0x40]  }
0x321: {  	s13 =	sadd.s32 $0xFFFFFFF5, s28  }
0x322: {  	v52 =	vor.u32 s13, v0;
	_ =	sdelay $0x2  }
0x323: {  	v18 =	vadd.f32 v51, v18;
	_ =	sdelay $0x1  }
0x324: {  	[tilespmem:v52+s14+$0x0] =	vst.idx.msk $0xffff, v18  }
0x325: {  	v18 =	vld [tilespmem:s7+$0x10]  }
0x326: {  	v53 =	vld [tilespmem:s9+$0x50];
	_ =	sdelay $0x1  }
0x327: {  	v54 =	vor.u32 s13, v1;
	_ =	sdelay $0x1  }
0x328: {  	(v2sf) =	vpush v4, $0xF  }
0x329: {  	(v2sf) =	vpush v6, $0xF;
	v4 =	vadd.f32 v53, v18  }
0x32a: {  	(v2sf) =	vpush v7, $0x8  }
0x32b: {  	(v2sf) =	vpush v8, $0x8;
	[tilespmem:v54+s14+$0x0] =	vst.idx.msk $0xffff, v4  }
0x32c: {  	(v2sf) =	vpush v5, $0xC;
	v4 =	vld [tilespmem:s7+$0x20]  }
0x32d: {  	(v2sf) =	vpush v9, $0xC;
	v55 =	vld [tilespmem:s9+$0x60]  }
0x32e: {  	(v2sf) =	vpush v10, $0x5  }
0x32f: {  	v56 =	vor.u32 s13, v2;
	(v2sf) =	vpush v11, $0x5;
	_ =	sdelay $0x2  }
0x330: {  	v4 =	vadd.f32 v55, v4;
	_ =	sdelay $0x1  }
0x331: {  	[tilespmem:v56+s14+$0x0] =	vst.idx.msk $0xffff, v4  }
0x332: {  	v4 =	vld [tilespmem:s7+$0x30]  }
0x333: {  	v57 =	vld [tilespmem:s9+$0x70]  }
0x334: {  	s15 =	spop (v2sf)  }
0x335: {  	v58 =	vor.u32 s13, v3;
	s16 =	spop (v2sf)  }
0x336: {  	s13 =	spop (v2sf)  }
0x337: {  	s5 =	spop (v2sf)  }
0x338: {  	[dreg:$0xe] =	wrdreg s16;
	s16 =	spop (v2sf);
	v4 =	vadd.f32 v57, v4  }
0x339: {  	[dreg:$0x10] =	wrdreg s15;
	s9 =	spop (v2sf)  }
0x33a: {  	s20 =	spop (v2sf);
	[tilespmem:v58+s14+$0x0] =	vst.idx.msk $0xffff, v4  }
0x33b: {  	s22 =	spop (v2sf);
	v4 =	vld [tilespmem:s20+$0x0]  }
0x33c: {  	v59 =	vld [tilespmem:s22+$0x40]  }
0x33d: {  	s23 =	sadd.s32 $0xFFFFFFF6, s28  }
0x33e: {  	v60 =	vor.u32 s23, v0;
	_ =	sdelay $0x2  }
0x33f: {  	v4 =	vadd.f32 v59, v4;
	_ =	sdelay $0x1  }
0x340: {  	[tilespmem:v60+s14+$0x0] =	vst.idx.msk $0xffff, v4  }
0x341: {  	v4 =	vld [tilespmem:s20+$0x10]  }
0x342: {  	v61 =	vld [tilespmem:s22+$0x50];
	_ =	sdelay $0x1  }
0x343: {  	v62 =	vor.u32 s23, v1;
	_ =	sdelay $0x2  }
0x344: {  	v4 =	vadd.f32 v61, v4  }
0x345: {  	(v2sf) =	vpush v7, $0x9  }
0x346: {  	(v2sf) =	vpush v8, $0x9;
	[tilespmem:v62+s14+$0x0] =	vst.idx.msk $0xffff, v4  }
0x347: {  	(v2sf) =	vpush v5, $0xD;
	v4 =	vld [tilespmem:s20+$0x20]  }
0x348: {  	(v2sf) =	vpush v9, $0xD;
	v63 =	vld [tilespmem:s22+$0x60]  }
0x349: {  	(v2sf) =	vpush v10, $0x6  }
0x34a: {  	v21 =	vor.u32 s23, v2;
	(v2sf) =	vpush v11, $0x6;
	_ =	sdelay $0x2  }
0x34b: {  	v4 =	vadd.f32 v63, v4;
	_ =	sdelay $0x1  }
0x34c: {  	[tilespmem:v21+s14+$0x0] =	vst.idx.msk $0xffff, v4  }
0x34d: {  	v4 =	vld [tilespmem:s20+$0x30]  }
0x34e: {  	v22 =	vld [tilespmem:s22+$0x70];
	_ =	sdelay $0x1  }
0x34f: {  	v23 =	vor.u32 s23, v3  }
0x350: {  	s4 =	spop (v2sf)  }
0x351: {  	s7 =	spop (v2sf)  }
0x352: {  	s15 =	spop (v2sf);
	v4 =	vadd.f32 v22, v4  }
0x353: {  	s30 =	spop (v2sf)  }
0x354: {  	s20 =	spop (v2sf);
	[tilespmem:v23+s14+$0x0] =	vst.idx.msk $0xffff, v4  }
0x355: {  	s22 =	spop (v2sf);
	v4 =	vld [tilespmem:s20+$0x0]  }
0x356: {  	v24 =	vld [tilespmem:s22+$0x40]  }
0x357: {  	s23 =	sadd.s32 $0xFFFFFFF7, s28  }
0x358: {  	v25 =	vor.u32 s23, v0;
	_ =	sdelay $0x2  }
0x359: {  	v4 =	vadd.f32 v24, v4;
	_ =	sdelay $0x1  }
0x35a: {  	[tilespmem:v25+s14+$0x0] =	vst.idx.msk $0xffff, v4  }
0x35b: {  	v4 =	vld [tilespmem:s20+$0x10]  }
0x35c: {  	v26 =	vor.u32 s10, v1;
	v18 =	vld [tilespmem:s22+$0x50];
	_ =	sdelay $0x1  }
0x35d: {  	v27 =	vor.u32 s23, v1  }
0x35e: {  	v16 =	vadd.f32 v39, v16;
	_ =	sdelay $0x1  }
0x35f: {  	[tilespmem:v26+s14+$0x0] =	vst.idx.msk $0xffff, v16;
	v4 =	vadd.f32 v18, v4  }
0x360: {  	v6 =	vld [tilespmem:s24+$0x20];
	(v2sf) =	vpush v7, $0xA  }
0x361: {  	v16 =	vld [tilespmem:s3+$0x60];
	(v2sf) =	vpush v8, $0xA;
	[tilespmem:v27+s14+$0x0] =	vst.idx.msk $0xffff, v4  }
0x362: {  	(v2sf) =	vpush v5, $0xE;
	v4 =	vld [tilespmem:s20+$0x20]  }
0x363: {  	v28 =	vor.u32 s10, v2;
	(v2sf) =	vpush v9, $0xE;
	v29 =	vld [tilespmem:s22+$0x60]  }
0x364: {  	(v2sf) =	vpush v10, $0x7  }
0x365: {  	v30 =	vor.u32 s23, v2;
	(v2sf) =	vpush v11, $0x7  }
0x366: {  	v6 =	vadd.f32 v16, v6;
	_ =	sdelay $0x1  }
0x367: {  	[tilespmem:v28+s14+$0x0] =	vst.idx.msk $0xffff, v6;
	v4 =	vadd.f32 v29, v4  }
0x368: {  	v6 =	vld [tilespmem:s24+$0x30]  }
0x369: {  	v31 =	vld [tilespmem:s3+$0x70];
	[tilespmem:v30+s14+$0x0] =	vst.idx.msk $0xffff, v4  }
0x36a: {  	v4 =	vld [tilespmem:s20+$0x30]  }
0x36b: {  	v32 =	vor.u32 s10, v3;
	v33 =	vld [tilespmem:s22+$0x70];
	_ =	sdelay $0x1  }
0x36c: {  	v34 =	vor.u32 s23, v3  }
0x36d: {  	v6 =	vadd.f32 v31, v6;
	s20 =	spop (v2sf)  }
0x36e: {  	s6 =	spop (v2sf)  }
0x36f: {  	[tilespmem:v32+s14+$0x0] =	vst.idx.msk $0xffff, v6;
	s10 =	spop (v2sf);
	v4 =	vadd.f32 v33, v4  }
0x370: {  	v6 =	vld [tilespmem:s11+$0x0];
	s22 =	spop (v2sf)  }
0x371: {  	v35 =	vld [tilespmem:s12+$0x40];
	s24 =	spop (v2sf);
	[tilespmem:v34+s14+$0x0] =	vst.idx.msk $0xffff, v4  }
0x372: {  	s0 =	sadd.s32 $0xFFFFFFF8, s26;
	s1 =	spop (v2sf);
	v4 =	vld [tilespmem:s24+$0x0]  }
0x373: {  	v36 =	vor.u32 s0, v0;
	v37 =	vld [tilespmem:s1+$0x40]  }
0x374: {  	s2 =	sadd.s32 $0xFFFFFFF8, s28  }
0x375: {  	v38 =	vor.u32 s2, v0  }
0x376: {  	v6 =	vadd.f32 v35, v6;
	_ =	sdelay $0x1  }
0x377: {  	[tilespmem:v36+s14+$0x0] =	vst.idx.msk $0xffff, v6;
	v4 =	vadd.f32 v37, v4  }
0x378: {  	v6 =	vld [tilespmem:s11+$0x10]  }
0x379: {  	v39 =	vld [tilespmem:s12+$0x50];
	[tilespmem:v38+s14+$0x0] =	vst.idx.msk $0xffff, v4  }
0x37a: {  	v4 =	vld [tilespmem:s24+$0x10]  }
0x37b: {  	v40 =	vor.u32 s0, v1;
	v41 =	vld [tilespmem:s1+$0x50];
	_ =	sdelay $0x1  }
0x37c: {  	v42 =	vor.u32 s2, v1  }
0x37d: {  	v6 =	vadd.f32 v39, v6;
	_ =	sdelay $0x1  }
0x37e: {  	[tilespmem:v40+s14+$0x0] =	vst.idx.msk $0xffff, v6;
	v4 =	vadd.f32 v41, v4  }
0x37f: {  	v6 =	vld [tilespmem:s11+$0x20];
	(v2sf) =	vpush v7, $0xB  }
0x380: {  	v43 =	vld [tilespmem:s12+$0x60];
	(v2sf) =	vpush v8, $0xB;
	[tilespmem:v42+s14+$0x0] =	vst.idx.msk $0xffff, v4  }
0x381: {  	(v2sf) =	vpush v5, $0xF;
	v4 =	vld [tilespmem:s24+$0x20]  }
0x382: {  	v5 =	vor.u32 s0, v2;
	(v2sf) =	vpush v9, $0xF;
	v44 =	vld [tilespmem:s1+$0x60]  }
0x383: {  	(v2sf) =	vpush v10, $0x8  }
0x384: {  	v45 =	vor.u32 s2, v2;
	(v2sf) =	vpush v11, $0x8  }
0x385: {  	v6 =	vadd.f32 v43, v6;
	_ =	sdelay $0x1  }
0x386: {  	[tilespmem:v5+s14+$0x0] =	vst.idx.msk $0xffff, v6;
	v4 =	vadd.f32 v44, v4  }
0x387: {  	v5 =	vld [tilespmem:s11+$0x30]  }
0x388: {  	v6 =	vld [tilespmem:s12+$0x70];
	[tilespmem:v45+s14+$0x0] =	vst.idx.msk $0xffff, v4  }
0x389: {  	v4 =	vld [tilespmem:s24+$0x30]  }
0x38a: {  	v46 =	vor.u32 s0, v3;
	v47 =	vld [tilespmem:s1+$0x70];
	_ =	sdelay $0x1  }
0x38b: {  	v48 =	vor.u32 s2, v3  }
0x38c: {  	v5 =	vadd.f32 v6, v5;
	s23 =	spop (v2sf)  }
0x38d: {  	s24 =	spop (v2sf)  }
0x38e: {  	[tilespmem:v46+s14+$0x0] =	vst.idx.msk $0xffff, v5;
	s11 =	spop (v2sf);
	v4 =	vadd.f32 v47, v4  }
0x38f: {  	v5 =	vld [tilespmem:s13+$0x0];
	s12 =	spop (v2sf)  }
0x390: {  	v49 =	vld [tilespmem:s5+$0x40];
	s2 =	spop (v2sf);
	[tilespmem:v48+s14+$0x0] =	vst.idx.msk $0xffff, v4  }
0x391: {  	s3 =	sadd.s32 $0xFFFFFFF9, s26;
	s1 =	spop (v2sf);
	v4 =	vld [tilespmem:s2+$0x0]  }
0x392: {  	v50 =	vor.u32 s3, v0;
	v51 =	vld [tilespmem:s1+$0x40]  }
0x393: {  	s0 =	sadd.s32 $0xFFFFFFF9, s28  }
0x394: {  	v52 =	vor.u32 s0, v0  }
0x395: {  	v5 =	vadd.f32 v49, v5;
	_ =	sdelay $0x1  }
0x396: {  	[tilespmem:v50+s14+$0x0] =	vst.idx.msk $0xffff, v5;
	v4 =	vadd.f32 v51, v4  }
0x397: {  	v5 =	vld [tilespmem:s13+$0x10]  }
0x398: {  	v53 =	vld [tilespmem:s5+$0x50];
	[tilespmem:v52+s14+$0x0] =	vst.idx.msk $0xffff, v4  }
0x399: {  	v4 =	vld [tilespmem:s2+$0x10]  }
0x39a: {  	v54 =	vor.u32 s3, v1;
	v55 =	vld [tilespmem:s1+$0x50];
	_ =	sdelay $0x1  }
0x39b: {  	v56 =	vor.u32 s0, v1  }
0x39c: {  	v5 =	vadd.f32 v53, v5;
	_ =	sdelay $0x1  }
0x39d: {  	[tilespmem:v54+s14+$0x0] =	vst.idx.msk $0xffff, v5;
	v4 =	vadd.f32 v55, v4  }
0x39e: {  	v5 =	vld [tilespmem:s13+$0x20]  }
0x39f: {  	v57 =	vld [tilespmem:s5+$0x60];
	[tilespmem:v56+s14+$0x0] =	vst.idx.msk $0xffff, v4  }
0x3a0: {  	(v2sf) =	vpush v7, $0xC;
	v4 =	vld [tilespmem:s2+$0x20]  }
0x3a1: {  	v58 =	vor.u32 s3, v2;
	(v2sf) =	vpush v8, $0xC;
	v59 =	vld [tilespmem:s1+$0x60]  }
0x3a2: {  	(v2sf) =	vpush v10, $0x9  }
0x3a3: {  	v60 =	vor.u32 s0, v2;
	(v2sf) =	vpush v11, $0x9  }
0x3a4: {  	v5 =	vadd.f32 v57, v5;
	_ =	sdelay $0x1  }
0x3a5: {  	[tilespmem:v58+s14+$0x0] =	vst.idx.msk $0xffff, v5;
	v4 =	vadd.f32 v59, v4  }
0x3a6: {  	v5 =	vld [tilespmem:s13+$0x30]  }
0x3a7: {  	v61 =	vld [tilespmem:s5+$0x70];
	[tilespmem:v60+s14+$0x0] =	vst.idx.msk $0xffff, v4  }
0x3a8: {  	v4 =	vld [tilespmem:s2+$0x30]  }
0x3a9: {  	v62 =	vor.u32 s3, v3;
	v63 =	vld [tilespmem:s1+$0x70];
	_ =	sdelay $0x1  }
0x3aa: {  	v20 =	vor.u32 s0, v3  }
0x3ab: {  	v5 =	vadd.f32 v61, v5;
	_ =	sdelay $0x1  }
0x3ac: {  	s13 =	spop (v2sf);
	[tilespmem:v62+s14+$0x0] =	vst.idx.msk $0xffff, v5;
	v4 =	vadd.f32 v63, v4  }
0x3ad: {  	s3 =	spop (v2sf);
	v5 =	vld [tilespmem:s4+$0x0]  }
0x3ae: {  	v21 =	vld [tilespmem:s7+$0x40];
	s0 =	spop (v2sf);
	[tilespmem:v20+s14+$0x0] =	vst.idx.msk $0xffff, v4  }
0x3af: {  	s1 =	sadd.s32 $0xFFFFFFFA, s26;
	s2 =	spop (v2sf);
	v4 =	vld [tilespmem:s0+$0x0]  }
0x3b0: {  	v22 =	vor.u32 s1, v0;
	v23 =	vld [tilespmem:s2+$0x40]  }
0x3b1: {  	s5 =	sadd.s32 $0xFFFFFFFA, s28  }
0x3b2: {  	v24 =	vor.u32 s5, v0  }
0x3b3: {  	v5 =	vadd.f32 v21, v5;
	_ =	sdelay $0x1  }
0x3b4: {  	[tilespmem:v22+s14+$0x0] =	vst.idx.msk $0xffff, v5;
	v4 =	vadd.f32 v23, v4  }
0x3b5: {  	v5 =	vld [tilespmem:s4+$0x10]  }
0x3b6: {  	v25 =	vld [tilespmem:s7+$0x50];
	[tilespmem:v24+s14+$0x0] =	vst.idx.msk $0xffff, v4  }
0x3b7: {  	v4 =	vld [tilespmem:s0+$0x10]  }
0x3b8: {  	v26 =	vor.u32 s1, v1;
	v27 =	vld [tilespmem:s2+$0x50];
	_ =	sdelay $0x1  }
0x3b9: {  	v28 =	vor.u32 s5, v1  }
0x3ba: {  	v5 =	vadd.f32 v25, v5;
	_ =	sdelay $0x1  }
0x3bb: {  	[tilespmem:v26+s14+$0x0] =	vst.idx.msk $0xffff, v5;
	v4 =	vadd.f32 v27, v4  }
0x3bc: {  	v5 =	vld [tilespmem:s4+$0x20]  }
0x3bd: {  	v29 =	vld [tilespmem:s7+$0x60];
	[tilespmem:v28+s14+$0x0] =	vst.idx.msk $0xffff, v4  }
0x3be: {  	(v2sf) =	vpush v7, $0xD;
	v4 =	vld [tilespmem:s0+$0x20]  }
0x3bf: {  	(v2sf) =	vpush v8, $0xD;
	v30 =	vor.u32 s1, v2;
	v31 =	vld [tilespmem:s2+$0x60]  }
0x3c0: {  	(v2sf) =	vpush v10, $0xA  }
0x3c1: {  	v32 =	vor.u32 s5, v2;
	(v2sf) =	vpush v11, $0xA  }
0x3c2: {  	v5 =	vadd.f32 v29, v5;
	_ =	sdelay $0x1  }
0x3c3: {  	[tilespmem:v30+s14+$0x0] =	vst.idx.msk $0xffff, v5;
	v4 =	vadd.f32 v31, v4  }
0x3c4: {  	v33 =	vor.u32 s17, v3;
	v5 =	vld [tilespmem:s4+$0x30]  }
0x3c5: {  	v9 =	vld [tilespmem:s7+$0x70];
	[tilespmem:v32+s14+$0x0] =	vst.idx.msk $0xffff, v4  }
0x3c6: {  	v4 =	vld [tilespmem:s0+$0x30]  }
0x3c7: {  	v14 =	vadd.f32 v15, v14;
	v34 =	vor.u32 s1, v3;
	v17 =	vld [tilespmem:s2+$0x70];
	_ =	sdelay $0x1  }
0x3c8: {  	[tilespmem:v33+s14+$0x0] =	vst.idx.msk $0xffff, v14;
	v35 =	vor.u32 s5, v3  }
0x3c9: {  	v36 =	vld [tilespmem:s8+$0x40];
	v5 =	vadd.f32 v9, v5  }
0x3ca: {  	v6 =	vld [tilespmem:s21+$0x0]  }
0x3cb: {  	s1 =	sadd.s32 $0xFFFFFFFB, s29;
	[tilespmem:v34+s14+$0x0] =	vst.idx.msk $0xffff, v5;
	s0 =	spop (v2sf);
	v4 =	vadd.f32 v17, v4  }
0x3cc: {  	v37 =	vor.u32 s1, v0;
	v5 =	vld [tilespmem:s20+$0x0];
	s7 =	spop (v2sf)  }
0x3cd: {  	v16 =	vld [tilespmem:s6+$0x40];
	s2 =	spop (v2sf);
	[tilespmem:v35+s14+$0x0] =	vst.idx.msk $0xffff, v4  }
0x3ce: {  	s4 =	sadd.s32 $0xFFFFFFFB, s26;
	s5 =	spop (v2sf);
	v4 =	vld [tilespmem:s2+$0x0]  }
0x3cf: {  	v6 =	vadd.f32 v36, v6;
	v38 =	vor.u32 s4, v0;
	v39 =	vld [tilespmem:s5+$0x40]  }
0x3d0: {  	s17 =	sadd.s32 $0xFFFFFFFB, s28  }
0x3d1: {  	v40 =	vor.u32 s17, v0;
	[tilespmem:v37+s14+$0x0] =	vst.idx.msk $0xffff, v6  }
0x3d2: {  	v6 =	vld [tilespmem:s21+$0x10];
	v5 =	vadd.f32 v16, v5  }
0x3d3: {  	v14 =	vld [tilespmem:s8+$0x50]  }
0x3d4: {  	[tilespmem:v38+s14+$0x0] =	vst.idx.msk $0xffff, v5;
	v4 =	vadd.f32 v39, v4  }
0x3d5: {  	v41 =	vor.u32 s1, v1;
	v5 =	vld [tilespmem:s20+$0x10]  }
0x3d6: {  	v42 =	vld [tilespmem:s6+$0x50];
	[tilespmem:v40+s14+$0x0] =	vst.idx.msk $0xffff, v4  }
0x3d7: {  	v4 =	vld [tilespmem:s2+$0x10]  }
0x3d8: {  	v6 =	vadd.f32 v14, v6;
	v43 =	vor.u32 s4, v1;
	v44 =	vld [tilespmem:s5+$0x50];
	_ =	sdelay $0x1  }
0x3d9: {  	v45 =	vor.u32 s17, v1;
	[tilespmem:v41+s14+$0x0] =	vst.idx.msk $0xffff, v6  }
0x3da: {  	v6 =	vld [tilespmem:s21+$0x20];
	v5 =	vadd.f32 v42, v5  }
0x3db: {  	v15 =	vld [tilespmem:s8+$0x60]  }
0x3dc: {  	[tilespmem:v43+s14+$0x0] =	vst.idx.msk $0xffff, v5;
	v4 =	vadd.f32 v44, v4  }
0x3dd: {  	v46 =	vor.u32 s1, v2;
	v5 =	vld [tilespmem:s20+$0x20]  }
0x3de: {  	v47 =	vld [tilespmem:s6+$0x60];
	[tilespmem:v45+s14+$0x0] =	vst.idx.msk $0xffff, v4  }
0x3df: {  	(v2sf) =	vpush v7, $0xE;
	v4 =	vld [tilespmem:s2+$0x20]  }
0x3e0: {  	v6 =	vadd.f32 v15, v6;
	v48 =	vor.u32 s4, v2;
	(v2sf) =	vpush v8, $0xE;
	v49 =	vld [tilespmem:s5+$0x60]  }
0x3e1: {  	(v2sf) =	vpush v10, $0xB  }
0x3e2: {  	v50 =	vor.u32 s17, v2;
	[tilespmem:v46+s14+$0x0] =	vst.idx.msk $0xffff, v6;
	(v2sf) =	vpush v11, $0xB  }
0x3e3: {  	v6 =	vld [tilespmem:s21+$0x30];
	v5 =	vadd.f32 v47, v5  }
0x3e4: {  	v9 =	vld [tilespmem:s8+$0x70]  }
0x3e5: {  	[tilespmem:v48+s14+$0x0] =	vst.idx.msk $0xffff, v5;
	v4 =	vadd.f32 v49, v4  }
0x3e6: {  	v51 =	vor.u32 s1, v3;
	v5 =	vld [tilespmem:s20+$0x30]  }
0x3e7: {  	v52 =	vld [tilespmem:s6+$0x70];
	[tilespmem:v50+s14+$0x0] =	vst.idx.msk $0xffff, v4  }
0x3e8: {  	v4 =	vld [tilespmem:s2+$0x30]  }
0x3e9: {  	v53 =	vor.u32 s4, v3;
	v6 =	vadd.f32 v9, v6;
	v54 =	vld [tilespmem:s5+$0x70];
	_ =	sdelay $0x1  }
0x3ea: {  	v55 =	vor.u32 s17, v3;
	[tilespmem:v51+s14+$0x0] =	vst.idx.msk $0xffff, v6  }
0x3eb: {  	v6 =	vld [tilespmem:s18+$0x0];
	v5 =	vadd.f32 v52, v5  }
0x3ec: {  	v14 =	vld [tilespmem:s19+$0x40]  }
0x3ed: {  	s4 =	sadd.s32 $0xFFFFFFFC, s29;
	s20 =	spop (v2sf);
	[tilespmem:v53+s14+$0x0] =	vst.idx.msk $0xffff, v5;
	v4 =	vadd.f32 v54, v4  }
0x3ee: {  	v56 =	vor.u32 s4, v0;
	s21 =	spop (v2sf);
	v5 =	vld [tilespmem:s23+$0x0]  }
0x3ef: {  	v57 =	vld [tilespmem:s24+$0x40];
	s5 =	spop (v2sf);
	[tilespmem:v55+s14+$0x0] =	vst.idx.msk $0xffff, v4  }
0x3f0: {  	s6 =	sadd.s32 $0xFFFFFFFC, s26;
	s8 =	spop (v2sf);
	v4 =	vld [tilespmem:s5+$0x0]  }
0x3f1: {  	v6 =	vadd.f32 v14, v6;
	v58 =	vor.u32 s6, v0;
	v59 =	vld [tilespmem:s8+$0x40]  }
0x3f2: {  	s17 =	sadd.s32 $0xFFFFFFFC, s28  }
0x3f3: {  	v60 =	vor.u32 s17, v0;
	[tilespmem:v56+s14+$0x0] =	vst.idx.msk $0xffff, v6  }
0x3f4: {  	v6 =	vld [tilespmem:s18+$0x10];
	v5 =	vadd.f32 v57, v5  }
0x3f5: {  	v15 =	vld [tilespmem:s19+$0x50]  }
0x3f6: {  	[tilespmem:v58+s14+$0x0] =	vst.idx.msk $0xffff, v5;
	v4 =	vadd.f32 v59, v4  }
0x3f7: {  	v61 =	vor.u32 s4, v1;
	v5 =	vld [tilespmem:s23+$0x10]  }
0x3f8: {  	v62 =	vld [tilespmem:s24+$0x50];
	[tilespmem:v60+s14+$0x0] =	vst.idx.msk $0xffff, v4  }
0x3f9: {  	v4 =	vld [tilespmem:s5+$0x10]  }
0x3fa: {  	v6 =	vadd.f32 v15, v6;
	v63 =	vor.u32 s6, v1;
	v20 =	vld [tilespmem:s8+$0x50];
	_ =	sdelay $0x1  }
0x3fb: {  	v21 =	vor.u32 s17, v1;
	[tilespmem:v61+s14+$0x0] =	vst.idx.msk $0xffff, v6  }
0x3fc: {  	v6 =	vld [tilespmem:s18+$0x20];
	v5 =	vadd.f32 v62, v5  }
0x3fd: {  	v9 =	vld [tilespmem:s19+$0x60]  }
0x3fe: {  	[tilespmem:v63+s14+$0x0] =	vst.idx.msk $0xffff, v5;
	v4 =	vadd.f32 v20, v4  }
0x3ff: {  	v22 =	vor.u32 s4, v2;
	v5 =	vld [tilespmem:s23+$0x20]  }
0x400: {  	v23 =	vld [tilespmem:s24+$0x60];
	[tilespmem:v21+s14+$0x0] =	vst.idx.msk $0xffff, v4  }
0x401: {  	(v2sf) =	vpush v7, $0xF;
	v4 =	vld [tilespmem:s5+$0x20]  }
0x402: {  	v24 =	vor.u32 s6, v2;
	(v2sf) =	vpush v8, $0xF;
	v6 =	vadd.f32 v9, v6;
	v25 =	vld [tilespmem:s8+$0x60]  }
0x403: {  	(v2sf) =	vpush v10, $0xC  }
0x404: {  	v26 =	vor.u32 s17, v2;
	[tilespmem:v22+s14+$0x0] =	vst.idx.msk $0xffff, v6;
	(v2sf) =	vpush v11, $0xC  }
0x405: {  	v6 =	vld [tilespmem:s18+$0x30];
	v5 =	vadd.f32 v23, v5  }
0x406: {  	v14 =	vld [tilespmem:s19+$0x70]  }
0x407: {  	[tilespmem:v24+s14+$0x0] =	vst.idx.msk $0xffff, v5;
	v4 =	vadd.f32 v25, v4  }
0x408: {  	v27 =	vor.u32 s4, v3;
	v5 =	vld [tilespmem:s23+$0x30]  }
0x409: {  	v28 =	vld [tilespmem:s24+$0x70];
	[tilespmem:v26+s14+$0x0] =	vst.idx.msk $0xffff, v4  }
0x40a: {  	v4 =	vld [tilespmem:s5+$0x30]  }
0x40b: {  	v29 =	vor.u32 s6, v3;
	v6 =	vadd.f32 v14, v6;
	v15 =	vld [tilespmem:s8+$0x70];
	_ =	sdelay $0x1  }
0x40c: {  	v30 =	vor.u32 s17, v3;
	[tilespmem:v27+s14+$0x0] =	vst.idx.msk $0xffff, v6  }
0x40d: {  	v6 =	vld [tilespmem:s16+$0x0];
	v5 =	vadd.f32 v28, v5  }
0x40e: {  	v7 =	vld [tilespmem:s9+$0x40]  }
0x40f: {  	[tilespmem:v29+s14+$0x0] =	vst.idx.msk $0xffff, v5;
	s5 =	spop (v2sf);
	s8 =	sadd.s32 $0xFFFFFFFD, s29;
	v4 =	vadd.f32 v15, v4  }
0x410: {  	v5 =	vld [tilespmem:s13+$0x0];
	s18 =	spop (v2sf);
	v31 =	vor.u32 s8, v0  }
0x411: {  	v9 =	vld [tilespmem:s3+$0x40];
	s17 =	spop (v2sf);
	[tilespmem:v30+s14+$0x0] =	vst.idx.msk $0xffff, v4  }
0x412: {  	s19 =	sadd.s32 $0xFFFFFFFD, s26;
	s23 =	spop (v2sf);
	v4 =	vld [tilespmem:s17+$0x0]  }
0x413: {  	v32 =	vor.u32 s19, v0;
	v6 =	vadd.f32 v7, v6;
	v33 =	vld [tilespmem:s23+$0x40]  }
0x414: {  	s24 =	sadd.s32 $0xFFFFFFFD, s28  }
0x415: {  	v34 =	vor.u32 s24, v0;
	[tilespmem:v31+s14+$0x0] =	vst.idx.msk $0xffff, v6  }
0x416: {  	v5 =	vadd.f32 v9, v5;
	v6 =	vld [tilespmem:s16+$0x10]  }
0x417: {  	v8 =	vld [tilespmem:s9+$0x50]  }
0x418: {  	[tilespmem:v32+s14+$0x0] =	vst.idx.msk $0xffff, v5;
	v4 =	vadd.f32 v33, v4  }
0x419: {  	v35 =	vor.u32 s8, v1;
	v5 =	vld [tilespmem:s13+$0x10]  }
0x41a: {  	v14 =	vld [tilespmem:s3+$0x50];
	[tilespmem:v34+s14+$0x0] =	vst.idx.msk $0xffff, v4  }
0x41b: {  	v4 =	vld [tilespmem:s17+$0x10]  }
0x41c: {  	v36 =	vor.u32 s19, v1;
	v6 =	vadd.f32 v8, v6;
	v37 =	vld [tilespmem:s23+$0x50];
	_ =	sdelay $0x1  }
0x41d: {  	v38 =	vor.u32 s24, v1;
	[tilespmem:v35+s14+$0x0] =	vst.idx.msk $0xffff, v6  }
0x41e: {  	v5 =	vadd.f32 v14, v5;
	v6 =	vld [tilespmem:s16+$0x20]  }
0x41f: {  	v9 =	vld [tilespmem:s9+$0x60]  }
0x420: {  	[tilespmem:v36+s14+$0x0] =	vst.idx.msk $0xffff, v5;
	v4 =	vadd.f32 v37, v4  }
0x421: {  	v39 =	vor.u32 s8, v2;
	v5 =	vld [tilespmem:s13+$0x20]  }
0x422: {  	v40 =	vld [tilespmem:s3+$0x60];
	[tilespmem:v38+s14+$0x0] =	vst.idx.msk $0xffff, v4  }
0x423: {  	v4 =	vld [tilespmem:s17+$0x20]  }
0x424: {  	v41 =	vor.u32 s19, v2;
	v6 =	vadd.f32 v9, v6;
	v42 =	vld [tilespmem:s23+$0x60]  }
0x425: {  	(v2sf) =	vpush v10, $0xD  }
0x426: {  	v43 =	vor.u32 s24, v2;
	(v2sf) =	vpush v11, $0xD;
	[tilespmem:v39+s14+$0x0] =	vst.idx.msk $0xffff, v6  }
0x427: {  	v5 =	vadd.f32 v40, v5;
	v6 =	vld [tilespmem:s16+$0x30]  }
0x428: {  	v7 =	vld [tilespmem:s9+$0x70]  }
0x429: {  	[tilespmem:v41+s14+$0x0] =	vst.idx.msk $0xffff, v5;
	v4 =	vadd.f32 v42, v4  }
0x42a: {  	v44 =	vor.u32 s8, v3;
	v5 =	vld [tilespmem:s13+$0x30]  }
0x42b: {  	v45 =	vld [tilespmem:s3+$0x70];
	[tilespmem:v43+s14+$0x0] =	vst.idx.msk $0xffff, v4  }
0x42c: {  	v4 =	vld [tilespmem:s17+$0x30]  }
0x42d: {  	v46 =	vor.u32 s19, v3;
	v6 =	vadd.f32 v7, v6;
	v47 =	vld [tilespmem:s23+$0x70];
	_ =	sdelay $0x1  }
0x42e: {  	v48 =	vor.u32 s24, v3;
	[tilespmem:v44+s14+$0x0] =	vst.idx.msk $0xffff, v6  }
0x42f: {  	v5 =	vadd.f32 v45, v5;
	v6 =	vld [tilespmem:s15+$0x0]  }
0x430: {  	v8 =	vld [tilespmem:s30+$0x40]  }
0x431: {  	s4 =	sadd.s32 $0xFFFFFFFE, s29;
	[tilespmem:v46+s14+$0x0] =	vst.idx.msk $0xffff, v5;
	v4 =	vadd.f32 v47, v4  }
0x432: {  	v49 =	vor.u32 s4, v0;
	v5 =	vld [tilespmem:s0+$0x0]  }
0x433: {  	s6 =	spop (v2sf);
	v50 =	vld [tilespmem:s7+$0x40];
	[tilespmem:v48+s14+$0x0] =	vst.idx.msk $0xffff, v4  }
0x434: {  	s13 =	sadd.s32 $0xFFFFFFFE, s26;
	s16 =	spop (v2sf);
	v4 =	vld [tilespmem:s6+$0x0]  }
0x435: {  	v51 =	vor.u32 s13, v0;
	v6 =	vadd.f32 v8, v6;
	v52 =	vld [tilespmem:s16+$0x40]  }
0x436: {  	s17 =	sadd.s32 $0xFFFFFFFE, s28  }
0x437: {  	v53 =	vor.u32 s17, v0;
	[tilespmem:v49+s14+$0x0] =	vst.idx.msk $0xffff, v6  }
0x438: {  	v5 =	vadd.f32 v50, v5;
	v6 =	vld [tilespmem:s15+$0x10]  }
0x439: {  	v9 =	vld [tilespmem:s30+$0x50]  }
0x43a: {  	[tilespmem:v51+s14+$0x0] =	vst.idx.msk $0xffff, v5;
	v4 =	vadd.f32 v52, v4  }
0x43b: {  	v54 =	vor.u32 s4, v1;
	v5 =	vld [tilespmem:s0+$0x10]  }
0x43c: {  	v55 =	vld [tilespmem:s7+$0x50];
	[tilespmem:v53+s14+$0x0] =	vst.idx.msk $0xffff, v4  }
0x43d: {  	v4 =	vld [tilespmem:s6+$0x10]  }
0x43e: {  	v6 =	vadd.f32 v9, v6;
	v57 =	vld [tilespmem:s16+$0x50]  }
0x43f: {  	v56 =	vor.u32 s13, v1  }
0x440: {  	v58 =	vor.u32 s17, v1;
	[tilespmem:v54+s14+$0x0] =	vst.idx.msk $0xffff, v6  }
0x441: {  	s19 =	rddreg [dreg:$0x12]  }
0x442: {  	v5 =	vadd.f32 v55, v5;
	v59 =	vor.u32 s19, v2  }
0x443: {  	v6 =	vld [tilespmem:s15+$0x20];
	v4 =	vadd.f32 v57, v4  }
0x444: {  	v60 =	vld [tilespmem:s30+$0x60];
	[tilespmem:v56+s14+$0x0] =	vst.idx.msk $0xffff, v5  }
0x445: {  	v5 =	vld [tilespmem:s0+$0x20];
	[tilespmem:v58+s14+$0x0] =	vst.idx.msk $0xffff, v4;
	v4 =	vadd.f32 v13, v12  }
0x446: {  	v61 =	vor.u32 s4, v2;
	v62 =	vld [tilespmem:s7+$0x60]  }
0x447: {  	v9 =	vld [tilespmem:s6+$0x20];
	[tilespmem:v59+s14+$0x0] =	vst.idx.msk $0xffff, v4  }
0x448: {  	v63 =	vor.u32 s13, v2;
	v18 =	vld [tilespmem:s16+$0x60];
	s23 =	rddreg [dreg:$0x16]  }
0x449: {  	(v2sf) =	vpush v10, $0xE;
	v4 =	vadd.f32 v60, v6;
	s24 =	rddreg [dreg:$0x14];
	v19 =	vld [tilespmem:s23+$0x30]  }
0x44a: {  	(v2sf) =	vpush v11, $0xE;
	v20 =	vor.u32 s17, v2;
	v21 =	vld [tilespmem:s24+$0x70]  }
0x44b: {  	[tilespmem:v61+s14+$0x0] =	vst.idx.msk $0xffff, v4;
	v4 =	vadd.f32 v62, v5  }
0x44c: {  	v22 =	vor.u32 s19, v3;
	v5 =	vld [tilespmem:s15+$0x30]  }
0x44d: {  	v23 =	vld [tilespmem:s30+$0x70];
	[tilespmem:v63+s14+$0x0] =	vst.idx.msk $0xffff, v4;
	v4 =	vadd.f32 v18, v9  }
0x44e: {  	v24 =	vld [tilespmem:s0+$0x30]  }
0x44f: {  	v25 =	vor.u32 s4, v3;
	v26 =	vld [tilespmem:s7+$0x70];
	[tilespmem:v20+s14+$0x0] =	vst.idx.msk $0xffff, v4;
	v4 =	vadd.f32 v21, v19  }
0x450: {  	v27 =	vld [tilespmem:s6+$0x30]  }
0x451: {  	v28 =	vor.u32 s13, v3;
	v29 =	vld [tilespmem:s16+$0x70];
	[tilespmem:v22+s14+$0x0] =	vst.idx.msk $0xffff, v4  }
0x452: {  	v4 =	vadd.f32 v23, v5;
	v5 =	vld [tilespmem:s31+$0x0];
	s0 =	rddreg [dreg:$0x18]  }
0x453: {  	v30 =	vor.u32 s17, v3;
	v31 =	vld [tilespmem:s0+$0x40]  }
0x454: {  	s1 =	sadd.s32 $0xFFFFFFFF, s25;
	[tilespmem:v25+s14+$0x0] =	vst.idx.msk $0xffff, v4;
	v4 =	vadd.f32 v26, v24  }
0x455: {  	v33 =	vor.u32 s1, v0;
	v32 =	vld [tilespmem:s10+$0x0]  }
0x456: {  	v34 =	vld [tilespmem:s22+$0x40];
	[tilespmem:v28+s14+$0x0] =	vst.idx.msk $0xffff, v4;
	v4 =	vadd.f32 v29, v27  }
0x457: {  	s2 =	sadd.s32 $0xFFFFFFFF, s29;
	v35 =	vld [tilespmem:s20+$0x0]  }
0x458: {  	v36 =	vor.u32 s2, v0;
	s3 =	spop (v2sf);
	v37 =	vld [tilespmem:s21+$0x40];
	[tilespmem:v30+s14+$0x0] =	vst.idx.msk $0xffff, v4;
	v4 =	vadd.f32 v31, v5  }
0x459: {  	s4 =	sadd.s32 $0xFFFFFFFF, s26;
	s6 =	spop (v2sf);
	v5 =	vld [tilespmem:s3+$0x0]  }
0x45a: {  	v38 =	vor.u32 s4, v0;
	v39 =	vld [tilespmem:s6+$0x40];
	[tilespmem:v33+s14+$0x0] =	vst.idx.msk $0xffff, v4  }
0x45b: {  	s8 =	sadd.s32 $0xFFFFFFFF, s28;
	v4 =	vadd.f32 v34, v32;
	v40 =	vld [tilespmem:s31+$0x10]  }
0x45c: {  	v41 =	vor.u32 s8, v0;
	v42 =	vld [tilespmem:s0+$0x50]  }
0x45d: {  	[tilespmem:v36+s14+$0x0] =	vst.idx.msk $0xffff, v4;
	v4 =	vadd.f32 v37, v35  }
0x45e: {  	v44 =	vor.u32 s1, v1;
	v43 =	vld [tilespmem:s10+$0x10]  }
0x45f: {  	v45 =	vld [tilespmem:s22+$0x50];
	[tilespmem:v38+s14+$0x0] =	vst.idx.msk $0xffff, v4;
	v4 =	vadd.f32 v39, v5  }
0x460: {  	v5 =	vld [tilespmem:s20+$0x10]  }
0x461: {  	v46 =	vor.u32 s2, v1;
	v47 =	vld [tilespmem:s21+$0x50];
	[tilespmem:v41+s14+$0x0] =	vst.idx.msk $0xffff, v4;
	v4 =	vadd.f32 v42, v40  }
0x462: {  	v48 =	vld [tilespmem:s3+$0x10]  }
0x463: {  	v49 =	vor.u32 s4, v1;
	v50 =	vld [tilespmem:s6+$0x50];
	[tilespmem:v44+s14+$0x0] =	vst.idx.msk $0xffff, v4  }
0x464: {  	v4 =	vadd.f32 v45, v43;
	v51 =	vld [tilespmem:s31+$0x20]  }
0x465: {  	v52 =	vor.u32 s8, v1;
	v53 =	vld [tilespmem:s0+$0x60]  }
0x466: {  	[tilespmem:v46+s14+$0x0] =	vst.idx.msk $0xffff, v4;
	v4 =	vadd.f32 v47, v5  }
0x467: {  	v54 =	vor.u32 s1, v2;
	v5 =	vld [tilespmem:s10+$0x20]  }
0x468: {  	v55 =	vld [tilespmem:s22+$0x60];
	[tilespmem:v49+s14+$0x0] =	vst.idx.msk $0xffff, v4;
	v4 =	vadd.f32 v50, v48  }
0x469: {  	v56 =	vld [tilespmem:s20+$0x20]  }
0x46a: {  	v57 =	vor.u32 s2, v2;
	v58 =	vld [tilespmem:s21+$0x60];
	[tilespmem:v52+s14+$0x0] =	vst.idx.msk $0xffff, v4;
	v4 =	vadd.f32 v53, v51  }
0x46b: {  	v59 =	vld [tilespmem:s3+$0x20]  }
0x46c: {  	v60 =	vor.u32 s4, v2;
	v61 =	vld [tilespmem:s6+$0x60];
	[tilespmem:v54+s14+$0x0] =	vst.idx.msk $0xffff, v4  }
0x46d: {  	(v2sf) =	vpush v10, $0xF;
	v4 =	vadd.f32 v55, v5;
	v5 =	vld [tilespmem:s31+$0x30]  }
0x46e: {  	v62 =	vor.u32 s8, v2;
	(v2sf) =	vpush v11, $0xF;
	v63 =	vld [tilespmem:s0+$0x70]  }
0x46f: {  	[tilespmem:v57+s14+$0x0] =	vst.idx.msk $0xffff, v4;
	v4 =	vadd.f32 v58, v56  }
0x470: {  	v17 =	vor.u32 s1, v3;
	v16 =	vld [tilespmem:s10+$0x30]  }
0x471: {  	v12 =	vld [tilespmem:s22+$0x70];
	[tilespmem:v60+s14+$0x0] =	vst.idx.msk $0xffff, v4;
	v4 =	vadd.f32 v61, v59  }
0x472: {  	v18 =	vld [tilespmem:s20+$0x30]  }
0x473: {  	v19 =	vor.u32 s2, v3;
	v20 =	vld [tilespmem:s21+$0x70];
	[tilespmem:v62+s14+$0x0] =	vst.idx.msk $0xffff, v4;
	v5 =	vadd.f32 v63, v5  }
0x474: {  	v4 =	vld [tilespmem:s3+$0x30]  }
0x475: {  	v21 =	vor.u32 s4, v3;
	v22 =	vld [tilespmem:s6+$0x70];
	[tilespmem:v17+s14+$0x0] =	vst.idx.msk $0xffff, v5  }
0x476: {  	v5 =	vadd.f32 v12, v16;
	s9 =	rddreg [dreg:$0x10]  }
0x477: {  	v24 =	vor.u32 s8, v3;
	s10 =	rddreg [dreg:$0xe];
	v23 =	vld [tilespmem:s9+$0x0]  }
0x478: {  	v25 =	vld [tilespmem:s10+$0x40];
	[tilespmem:v19+s14+$0x0] =	vst.idx.msk $0xffff, v5;
	v5 =	vadd.f32 v20, v18  }
0x479: {  	v26 =	vld [tilespmem:s11+$0x0]  }
0x47a: {  	v27 =	vor.u32 s25, v0;
	v28 =	vld [tilespmem:s12+$0x40];
	[tilespmem:v21+s14+$0x0] =	vst.idx.msk $0xffff, v5;
	v4 =	vadd.f32 v22, v4  }
0x47b: {  	v5 =	vld [tilespmem:s5+$0x0]  }
0x47c: {  	s13 =	spop (v2sf);
	v29 =	vor.u32 s29, v0;
	v30 =	vld [tilespmem:s18+$0x40];
	[tilespmem:v24+s14+$0x0] =	vst.idx.msk $0xffff, v4  }
0x47d: {  	s15 =	spop (v2sf);
	v4 =	vadd.f32 v25, v23;
	v31 =	vld [tilespmem:s13+$0x0]  }
0x47e: {  	v32 =	vor.u32 s26, v0;
	v33 =	vld [tilespmem:s15+$0x40]  }
0x47f: {  	[tilespmem:v27+s14+$0x0] =	vst.idx.msk $0xffff, v4;
	v4 =	vadd.f32 v28, v26  }
0x480: {  	v35 =	vor.u32 s28, v0;
	v34 =	vld [tilespmem:s9+$0x10]  }
0x481: {  	v36 =	vld [tilespmem:s10+$0x50];
	[tilespmem:v29+s14+$0x0] =	vst.idx.msk $0xffff, v4;
	v4 =	vadd.f32 v30, v5  }
0x482: {  	v5 =	vld [tilespmem:s11+$0x10]  }
0x483: {  	v37 =	vor.u32 s25, v1;
	v38 =	vld [tilespmem:s12+$0x50];
	[tilespmem:v32+s14+$0x0] =	vst.idx.msk $0xffff, v4;
	v4 =	vadd.f32 v33, v31  }
0x484: {  	v39 =	vld [tilespmem:s5+$0x10]  }
0x485: {  	v40 =	vor.u32 s29, v1;
	v41 =	vld [tilespmem:s18+$0x50];
	[tilespmem:v35+s14+$0x0] =	vst.idx.msk $0xffff, v4  }
0x486: {  	v4 =	vadd.f32 v36, v34;
	v42 =	vld [tilespmem:s13+$0x10]  }
0x487: {  	v43 =	vor.u32 s26, v1;
	v44 =	vld [tilespmem:s15+$0x50]  }
0x488: {  	[tilespmem:v37+s14+$0x0] =	vst.idx.msk $0xffff, v4;
	v4 =	vadd.f32 v38, v5  }
0x489: {  	v45 =	vor.u32 s28, v1;
	v5 =	vld [tilespmem:s9+$0x20]  }
0x48a: {  	v46 =	vld [tilespmem:s10+$0x60];
	[tilespmem:v40+s14+$0x0] =	vst.idx.msk $0xffff, v4;
	v4 =	vadd.f32 v41, v39  }
0x48b: {  	v47 =	vld [tilespmem:s11+$0x20]  }
0x48c: {  	v48 =	vor.u32 s25, v2;
	v49 =	vld [tilespmem:s12+$0x60];
	[tilespmem:v43+s14+$0x0] =	vst.idx.msk $0xffff, v4;
	v4 =	vadd.f32 v44, v42  }
0x48d: {  	v50 =	vld [tilespmem:s5+$0x20]  }
0x48e: {  	v51 =	vor.u32 s29, v2;
	v52 =	vld [tilespmem:s18+$0x60];
	[tilespmem:v45+s14+$0x0] =	vst.idx.msk $0xffff, v4  }
0x48f: {  	v4 =	vadd.f32 v46, v5;
	v5 =	vld [tilespmem:s13+$0x20]  }
0x490: {  	v53 =	vor.u32 s26, v2;
	v54 =	vld [tilespmem:s15+$0x60]  }
0x491: {  	[tilespmem:v48+s14+$0x0] =	vst.idx.msk $0xffff, v4;
	v4 =	vadd.f32 v49, v47  }
0x492: {  	v56 =	vor.u32 s28, v2;
	v55 =	vld [tilespmem:s9+$0x30]  }
0x493: {  	v57 =	vld [tilespmem:s10+$0x70];
	[tilespmem:v51+s14+$0x0] =	vst.idx.msk $0xffff, v4;
	v4 =	vadd.f32 v52, v50  }
0x494: {  	v58 =	vld [tilespmem:s11+$0x30]  }
0x495: {  	v7 =	vld [tilespmem:s12+$0x70];
	[tilespmem:v53+s14+$0x0] =	vst.idx.msk $0xffff, v4;
	v4 =	vadd.f32 v54, v5  }
0x496: {  	v5 =	vld [tilespmem:s5+$0x30]  }
0x497: {  	v8 =	vld [tilespmem:s18+$0x70];
	[tilespmem:v56+s14+$0x0] =	vst.idx.msk $0xffff, v4  }
0x498: {  	v4 =	vor.u32 s25, v3;
	v59 =	vld [tilespmem:s13+$0x30]  }
0x499: {  	v60 =	vor.u32 s29, v3;
	v61 =	vld [tilespmem:s15+$0x70]  }
0x49a: {  	v62 =	vor.u32 s26, v3  }
0x49b: {  	v63 =	vor.u32 s28, v3;
	v9 =	vadd.f32 v57, v55  }
0x49c: {  	v6 =	vadd.f32 v7, v58  }
0x49d: {  	[tilespmem:v4+s14+$0x0] =	vst.idx.msk $0xffff, v9;
	v4 =	vadd.f32 v8, v5  }
0x49e: {  	[tilespmem:v60+s14+$0x0] =	vst.idx.msk $0xffff, v6;
	v5 =	vadd.f32 v61, v59  }
0x49f: {  	[tilespmem:v62+s14+$0x0] =	vst.idx.msk $0xffff, v4  }
0x4a0: {  	s16 =	rddreg [dreg:$0xd];
	[tilespmem:v63+s14+$0x0] =	vst.idx.msk $0xffff, v5  }
0x4a1: {  	s0 =	sshll.u32 s16, $0x7;
	s17 =	rddreg [dreg:$0x6]  }
0x4a2: {  	s6 =	simm.s32 $0x0;
	s0 =	sadd.s32 s17, s0  }
0x4a3: {  	[hbm4b:s0+s6] =	stream.linear.scatter [tilespmem:s14], [sflag:$0x2], $0x400, $0x38;
	[tilespmem:$0x14500] =	vst v63  }
0x4a4: {  	s18 =	simm.s32 $0x10D00;
	s1 =	sadd.s32 $0x18700, s0  }
0x4a5: {  	[hbm4b:s1+s6] =	stream.linear.scatter [tilespmem:s18], [sflag:$0x2], $0x400, $0x38;
	[tilespmem:$0x14500] =	vst v63  }
0x4a6: {  	s20 =	simm.s32 $0x11500;
	s19 =	sadd.s32 $0x30E00, s0  }
0x4a7: {  	[hbm4b:s19+s6] =	stream.linear.scatter [tilespmem:s20], [sflag:$0x2], $0x400, $0x38;
	[tilespmem:$0x14500] =	vst v63  }
0x4a8: {  	s22 =	simm.s32 $0x11D00;
	s21 =	sadd.s32 $0x49500, s0  }
0x4a9: {  	[hbm4b:s21+s6] =	stream.linear.scatter [tilespmem:s22], [sflag:$0x2], $0x400, $0x38;
	[tilespmem:$0x14500] =	vst v63  }
0x4aa: {  	s24 =	simm.s32 $0x12500;
	s23 =	sadd.s32 $0x61C00, s0  }
0x4ab: {  	[hbm4b:s23+s6] =	stream.linear.scatter [tilespmem:s24], [sflag:$0x2], $0x400, $0x38;
	[tilespmem:$0x14500] =	vst v63  }
0x4ac: {  	s26 =	simm.s32 $0x12D00;
	s25 =	sadd.s32 $0x7A300, s0  }
0x4ad: {  	[hbm4b:s25+s6] =	stream.linear.scatter [tilespmem:s26], [sflag:$0x2], $0x400, $0x38;
	[tilespmem:$0x14500] =	vst v63  }
0x4ae: {  	s29 =	simm.s32 $0x13500;
	s28 =	sadd.s32 $0x92A00, s0  }
0x4af: {  	[hbm4b:s28+s6] =	stream.linear.scatter [tilespmem:s29], [sflag:$0x2], $0x400, $0x38;
	[tilespmem:$0x14500] =	vst v63  }
0x4b0: {  	s30 =	simm.s32 $0x13D00;
	s3 =	simm.s32 $0x2;
	s0 =	sadd.s32 $0xAB100, s0  }
0x4b1: {  	[hbm4b:s0+s6] =	stream.linear.scatter [tilespmem:s30], [sflag:$0x2], $0x400, $0x38;
	[tilespmem:$0x14500] =	vst v63  }
0x4b2: {  	_ =	swait.ge [sflag:s3], $0x2000  }
0x4b3: {  	s31 =	rddreg [dreg:$0xc]  }
0x4b4: {  	s0 =	sadd.s32 $0x1, s31  }
0x4b5: {  	p1 =	sne.s32 s0, $0x18  }
.Ltmp3:
0x4b6: {  	_ = 	snop;
	(pc) =	sbr.rel @p1 .LBB2_2-.Ltmp3, $3  }
0x4b7: {  	_ =	sdelay $0x1  }
0x4b8: {  	[sflag:s3] =	ssyncset.done $0x0  }
0x4b9: {  	[sflag:s3] =	ssyncadd.s32 $0xFFFFE000  }
.Ltmp4:
0x4ba: {  	(pc) =	sbr.rel @p0 .LBB2_9-.Ltmp4, $2  }
0x4bb: {  	_ =	sdelay $0x2  }
0x4bc: {  	s1 =	rddreg [dreg:$0xb]  }
0x4bd: {  	s0 =	simm.s32 $0x10400;
	s1 =	rddreg [dreg:$0x7]  }
0x4be: {  	[tilespmem:s0], [sflag:$0x2] =	stream.linear.gather [hbm4b:s1+s6], $0x80, $0x38;
	[tilespmem:$0x14500] =	vst v63  }
0x4bf: {  	_ =	swait.ge [sflag:s3], $0x80  }
0x4c0: {  	[sflag:s3] =	ssyncset.done $0x0  }
0x4c1: {  	s5 =	simm.s32 $0x10480;
	s2 =	rddreg [dreg:$0x8];
	[sflag:s3] =	ssyncadd.s32 $0xFFFFFF80  }
0x4c2: {  	[tilespmem:s5], [sflag:$0x2] =	stream.linear.gather [hbm4b:s2+s6], $0x80, $0x38;
	[tilespmem:$0x14500] =	vst v63  }
0x4c3: {  	_ =	swait.ge [sflag:s3], $0x80  }
0x4c4: {  	[sflag:s3] =	ssyncset.done $0x0  }
0x4c5: {  	[sflag:s3] =	ssyncadd.s32 $0xFFFFFF80  }
0x4c6: {  	v4 =	vld [tilespmem:s0+$0x0]  }
0x4c7: {  	v5 =	vld [tilespmem:s5+$0x0];
	_ =	sdelay $0x3  }
0x4c8: {  	vm0 =	vgt.s32 v4, $0x0  }
0x4c9: {  	vm7 =	vgt.s32 v5, $0x0;
	v4 =	vnsel vm0, $0x0, v4  }
0x4ca: {  	v5 =	vnsel vm7, $0x0, v5;
	v4 =	vmin.u32 v4, $0x200  }
0x4cb: {  	v12 =	vshll.u32 v4, $0x7;
	v4 =	vmin.u32 v5, $0x200  }
0x4cc: {  	(v2sf) =	vpush v12, $0x0;
	v13 =	vshll.u32 v4, $0x7  }
0x4cd: {  	(v2sf) =	vpush v13, $0x0;
	_ =	sdelay $0xd  }
0x4ce: {  	s7 =	spop (v2sf)  }
0x4cf: {  	v4 =	vld [tilespmem:s7+$0x0];
	s8 =	spop (v2sf)  }
0x4d0: {  	v5 =	vld [tilespmem:s8+$0x40]  }
0x4d1: {  	s9 =	simm.s32 $0x0  }
0x4d2: {  	v6 =	vor.u32 s9, v0;
	_ =	sdelay $0x2  }
0x4d3: {  	v4 =	vadd.f32 v5, v4;
	_ =	sdelay $0x1  }
0x4d4: {  	[tilespmem:v6+s14+$0x0] =	vst.idx.msk $0xffff, v4  }
0x4d5: {  	v4 =	vld [tilespmem:s7+$0x10]  }
0x4d6: {  	v5 =	vld [tilespmem:s8+$0x50];
	_ =	sdelay $0x1  }
0x4d7: {  	v6 =	vor.u32 s9, v1;
	_ =	sdelay $0x2  }
0x4d8: {  	v4 =	vadd.f32 v5, v4;
	_ =	sdelay $0x1  }
0x4d9: {  	[tilespmem:v6+s14+$0x0] =	vst.idx.msk $0xffff, v4  }
0x4da: {  	v4 =	vld [tilespmem:s7+$0x20]  }
0x4db: {  	v5 =	vld [tilespmem:s8+$0x60]  }
0x4dc: {  	(v2sf) =	vpush v12, $0x1  }
0x4dd: {  	(v2sf) =	vpush v13, $0x1;
	v6 =	vor.u32 s9, v2;
	_ =	sdelay $0x2  }
0x4de: {  	v4 =	vadd.f32 v5, v4;
	_ =	sdelay $0x1  }
0x4df: {  	[tilespmem:v6+s14+$0x0] =	vst.idx.msk $0xffff, v4  }
0x4e0: {  	v4 =	vld [tilespmem:s7+$0x30]  }
0x4e1: {  	v5 =	vld [tilespmem:s8+$0x70];
	_ =	sdelay $0x1  }
0x4e2: {  	v6 =	vor.u32 s9, v3;
	_ =	sdelay $0x2  }
0x4e3: {  	v4 =	vadd.f32 v5, v4;
	_ =	sdelay $0x1  }
0x4e4: {  	s10 =	spop (v2sf);
	[tilespmem:v6+s14+$0x0] =	vst.idx.msk $0xffff, v4  }
0x4e5: {  	s11 =	spop (v2sf);
	v4 =	vld [tilespmem:s10+$0x0]  }
0x4e6: {  	v5 =	vld [tilespmem:s11+$0x40]  }
0x4e7: {  	s12 =	simm.s32 $0x1  }
0x4e8: {  	v6 =	vor.u32 s12, v0;
	_ =	sdelay $0x2  }
0x4e9: {  	v4 =	vadd.f32 v5, v4;
	_ =	sdelay $0x1  }
0x4ea: {  	[tilespmem:v6+s14+$0x0] =	vst.idx.msk $0xffff, v4  }
0x4eb: {  	v4 =	vld [tilespmem:s10+$0x10]  }
0x4ec: {  	v5 =	vld [tilespmem:s11+$0x50];
	_ =	sdelay $0x1  }
0x4ed: {  	v6 =	vor.u32 s12, v1;
	_ =	sdelay $0x2  }
0x4ee: {  	v4 =	vadd.f32 v5, v4;
	_ =	sdelay $0x1  }
0x4ef: {  	[tilespmem:v6+s14+$0x0] =	vst.idx.msk $0xffff, v4  }
0x4f0: {  	v4 =	vld [tilespmem:s10+$0x20]  }
0x4f1: {  	v5 =	vld [tilespmem:s11+$0x60]  }
0x4f2: {  	(v2sf) =	vpush v12, $0x2  }
0x4f3: {  	(v2sf) =	vpush v13, $0x2;
	v6 =	vor.u32 s12, v2;
	_ =	sdelay $0x2  }
0x4f4: {  	v4 =	vadd.f32 v5, v4;
	_ =	sdelay $0x1  }
0x4f5: {  	[tilespmem:v6+s14+$0x0] =	vst.idx.msk $0xffff, v4  }
0x4f6: {  	v4 =	vld [tilespmem:s10+$0x30]  }
0x4f7: {  	v5 =	vld [tilespmem:s11+$0x70];
	_ =	sdelay $0x1  }
0x4f8: {  	v6 =	vor.u32 s12, v3;
	_ =	sdelay $0x2  }
0x4f9: {  	v4 =	vadd.f32 v5, v4;
	_ =	sdelay $0x1  }
0x4fa: {  	s13 =	spop (v2sf);
	[tilespmem:v6+s14+$0x0] =	vst.idx.msk $0xffff, v4  }
0x4fb: {  	s15 =	spop (v2sf);
	v4 =	vld [tilespmem:s13+$0x0]  }
0x4fc: {  	v5 =	vld [tilespmem:s15+$0x40]  }
0x4fd: {  	s16 =	simm.s32 $0x2  }
0x4fe: {  	v6 =	vor.u32 s16, v0;
	_ =	sdelay $0x2  }
0x4ff: {  	s18 =	simm.s32 $0x10490;
	v4 =	vadd.f32 v5, v4  }
0x500: {  	s17 =	simm.s32 $0x10410;
	v7 =	vld [tilespmem:s18+$0x0]  }
0x501: {  	v5 =	vld [tilespmem:s17+$0x0];
	[tilespmem:v6+s14+$0x0] =	vst.idx.msk $0xffff, v4  }
0x502: {  	v4 =	vld [tilespmem:s13+$0x10]  }
0x503: {  	v6 =	vld [tilespmem:s15+$0x50];
	_ =	sdelay $0x1  }
0x504: {  	v8 =	vor.u32 s16, v1;
	_ =	sdelay $0x1  }
0x505: {  	vm8 =	vgt.s32 v5, $0x0  }
0x506: {  	vm9 =	vgt.s32 v7, $0x0;
	v5 =	vnsel vm8, $0x0, v5;
	v6 =	vadd.f32 v6, v4  }
0x507: {  	v4 =	vmin.u32 v5, $0x200;
	v5 =	vnsel vm9, $0x0, v7  }
0x508: {  	v4 =	vshll.u32 v4, $0x7;
	v5 =	vmin.u32 v5, $0x200;
	[tilespmem:v8+s14+$0x0] =	vst.idx.msk $0xffff, v6  }
0x509: {  	(v2sf) =	vpush v4, $0x0;
	v6 =	vshll.u32 v5, $0x7;
	v5 =	vld [tilespmem:s13+$0x20]  }
0x50a: {  	(v2sf) =	vpush v6, $0x0;
	v7 =	vld [tilespmem:s15+$0x60]  }
0x50b: {  	(v2sf) =	vpush v12, $0x3  }
0x50c: {  	v8 =	vor.u32 s16, v2;
	(v2sf) =	vpush v13, $0x3;
	_ =	sdelay $0x2  }
0x50d: {  	v5 =	vadd.f32 v7, v5;
	_ =	sdelay $0x1  }
0x50e: {  	[tilespmem:v8+s14+$0x0] =	vst.idx.msk $0xffff, v5  }
0x50f: {  	v5 =	vld [tilespmem:s13+$0x30]  }
0x510: {  	v7 =	vld [tilespmem:s15+$0x70];
	_ =	sdelay $0x1  }
0x511: {  	v8 =	vor.u32 s16, v3;
	_ =	sdelay $0x2  }
0x512: {  	v5 =	vadd.f32 v7, v5;
	s19 =	spop (v2sf)  }
0x513: {  	s20 =	spop (v2sf)  }
0x514: {  	[tilespmem:v8+s14+$0x0] =	vst.idx.msk $0xffff, v5;
	s21 =	spop (v2sf)  }
0x515: {  	v5 =	vld [tilespmem:s21+$0x0];
	s22 =	spop (v2sf)  }
0x516: {  	v7 =	vld [tilespmem:s22+$0x40]  }
0x517: {  	s4 =	simm.s32 $0x3  }
0x518: {  	v8 =	vor.u32 s4, v0;
	_ =	sdelay $0x2  }
0x519: {  	v5 =	vadd.f32 v7, v5;
	_ =	sdelay $0x1  }
0x51a: {  	[tilespmem:v8+s14+$0x0] =	vst.idx.msk $0xffff, v5  }
0x51b: {  	v5 =	vld [tilespmem:s21+$0x10]  }
0x51c: {  	v7 =	vld [tilespmem:s22+$0x50];
	_ =	sdelay $0x1  }
0x51d: {  	v8 =	vor.u32 s4, v1;
	_ =	sdelay $0x2  }
0x51e: {  	v5 =	vadd.f32 v7, v5;
	_ =	sdelay $0x1  }
0x51f: {  	[tilespmem:v8+s14+$0x0] =	vst.idx.msk $0xffff, v5  }
0x520: {  	v5 =	vld [tilespmem:s21+$0x20]  }
0x521: {  	v7 =	vld [tilespmem:s22+$0x60]  }
0x522: {  	(v2sf) =	vpush v12, $0x4  }
0x523: {  	(v2sf) =	vpush v13, $0x4;
	v8 =	vor.u32 s4, v2;
	_ =	sdelay $0x1  }
0x524: {  	v9 =	vld [tilespmem:s19+$0x0]  }
0x525: {  	v10 =	vld [tilespmem:s20+$0x40];
	v5 =	vadd.f32 v7, v5  }
0x526: {  	s5 =	simm.s32 $0x10  }
0x527: {  	v7 =	vor.u32 s5, v0;
	[tilespmem:v8+s14+$0x0] =	vst.idx.msk $0xffff, v5  }
0x528: {  	v5 =	vld [tilespmem:s21+$0x30]  }
0x529: {  	v8 =	vld [tilespmem:s22+$0x70]  }
0x52a: {  	v9 =	vadd.f32 v10, v9  }
0x52b: {  	v10 =	vor.u32 s4, v3  }
0x52c: {  	[tilespmem:v7+s14+$0x0] =	vst.idx.msk $0xffff, v9  }
0x52d: {  	v7 =	vld [tilespmem:s19+$0x10]  }
0x52e: {  	v9 =	vld [tilespmem:s20+$0x50];
	v5 =	vadd.f32 v8, v5;
	_ =	sdelay $0x1  }
0x52f: {  	s23 =	spop (v2sf);
	v8 =	vor.u32 s5, v1;
	[tilespmem:v10+s14+$0x0] =	vst.idx.msk $0xffff, v5  }
0x530: {  	s24 =	spop (v2sf);
	v5 =	vld [tilespmem:s23+$0x0]  }
0x531: {  	v10 =	vld [tilespmem:s24+$0x40]  }
0x532: {  	s25 =	simm.s32 $0x4;
	v7 =	vadd.f32 v9, v7  }
0x533: {  	v9 =	vor.u32 s25, v0  }
0x534: {  	[tilespmem:v8+s14+$0x0] =	vst.idx.msk $0xffff, v7  }
0x535: {  	v7 =	vld [tilespmem:s19+$0x20]  }
0x536: {  	v8 =	vld [tilespmem:s20+$0x60];
	v5 =	vadd.f32 v10, v5  }
0x537: {  	(v2sf) =	vpush v4, $0x1  }
0x538: {  	(v2sf) =	vpush v6, $0x1;
	v10 =	vor.u32 s5, v2;
	[tilespmem:v9+s14+$0x0] =	vst.idx.msk $0xffff, v5  }
0x539: {  	v5 =	vld [tilespmem:s23+$0x10]  }
0x53a: {  	v9 =	vld [tilespmem:s24+$0x50]  }
0x53b: {  	v7 =	vadd.f32 v8, v7  }
0x53c: {  	v8 =	vor.u32 s25, v1  }
0x53d: {  	[tilespmem:v10+s14+$0x0] =	vst.idx.msk $0xffff, v7  }
0x53e: {  	v7 =	vld [tilespmem:s19+$0x30]  }
0x53f: {  	v10 =	vld [tilespmem:s20+$0x70];
	v5 =	vadd.f32 v9, v5;
	_ =	sdelay $0x1  }
0x540: {  	v9 =	vor.u32 s5, v3;
	[tilespmem:v8+s14+$0x0] =	vst.idx.msk $0xffff, v5  }
0x541: {  	v5 =	vld [tilespmem:s23+$0x20]  }
0x542: {  	v8 =	vld [tilespmem:s24+$0x60]  }
0x543: {  	(v2sf) =	vpush v12, $0x5;
	v7 =	vadd.f32 v10, v7  }
0x544: {  	(v2sf) =	vpush v13, $0x5;
	v10 =	vor.u32 s25, v2  }
0x545: {  	s26 =	spop (v2sf);
	[tilespmem:v9+s14+$0x0] =	vst.idx.msk $0xffff, v7  }
0x546: {  	s30 =	spop (v2sf);
	v7 =	vld [tilespmem:s26+$0x0]  }
0x547: {  	v9 =	vld [tilespmem:s30+$0x40];
	v5 =	vadd.f32 v8, v5  }
0x548: {  	s31 =	simm.s32 $0x11  }
0x549: {  	v8 =	vor.u32 s31, v0;
	[tilespmem:v10+s14+$0x0] =	vst.idx.msk $0xffff, v5  }
0x54a: {  	v5 =	vld [tilespmem:s23+$0x30]  }
0x54b: {  	v10 =	vld [tilespmem:s24+$0x70]  }
0x54c: {  	v7 =	vadd.f32 v9, v7  }
0x54d: {  	v9 =	vor.u32 s25, v3  }
0x54e: {  	[tilespmem:v8+s14+$0x0] =	vst.idx.msk $0xffff, v7  }
0x54f: {  	v7 =	vld [tilespmem:s26+$0x10]  }
0x550: {  	v8 =	vld [tilespmem:s30+$0x50];
	v5 =	vadd.f32 v10, v5;
	_ =	sdelay $0x1  }
0x551: {  	s4 =	spop (v2sf);
	v10 =	vor.u32 s31, v1;
	[tilespmem:v9+s14+$0x0] =	vst.idx.msk $0xffff, v5  }
0x552: {  	s7 =	spop (v2sf);
	v5 =	vld [tilespmem:s4+$0x0]  }
0x553: {  	v9 =	vld [tilespmem:s7+$0x40]  }
0x554: {  	s8 =	simm.s32 $0x5;
	v7 =	vadd.f32 v8, v7  }
0x555: {  	v8 =	vor.u32 s8, v0  }
0x556: {  	[tilespmem:v10+s14+$0x0] =	vst.idx.msk $0xffff, v7  }
0x557: {  	v7 =	vld [tilespmem:s26+$0x20]  }
0x558: {  	v10 =	vld [tilespmem:s30+$0x60];
	v5 =	vadd.f32 v9, v5  }
0x559: {  	s9 =	simm.s32 $0x10420;
	(v2sf) =	vpush v4, $0x2  }
0x55a: {  	v11 =	vor.u32 s31, v2;
	(v2sf) =	vpush v6, $0x2;
	v9 =	vld [tilespmem:s9+$0x0];
	[tilespmem:v8+s14+$0x0] =	vst.idx.msk $0xffff, v5  }
0x55b: {  	v5 =	vld [tilespmem:s4+$0x10]  }
0x55c: {  	v8 =	vld [tilespmem:s7+$0x50]  }
0x55d: {  	v7 =	vadd.f32 v10, v7  }
0x55e: {  	v10 =	vor.u32 s8, v1  }
0x55f: {  	[tilespmem:v11+s14+$0x0] =	vst.idx.msk $0xffff, v7  }
0x560: {  	v7 =	vld [tilespmem:s26+$0x30]  }
0x561: {  	vm10 =	vgt.s32 v9, $0x0;
	v11 =	vld [tilespmem:s30+$0x70];
	v5 =	vadd.f32 v8, v5  }
0x562: {  	v8 =	vnsel vm10, $0x0, v9  }
0x563: {  	v9 =	vor.u32 s31, v3;
	v8 =	vmin.u32 v8, $0x200;
	[tilespmem:v10+s14+$0x0] =	vst.idx.msk $0xffff, v5  }
0x564: {  	v5 =	vshll.u32 v8, $0x7;
	v8 =	vld [tilespmem:s4+$0x20]  }
0x565: {  	(v2sf) =	vpush v5, $0x0;
	v10 =	vld [tilespmem:s7+$0x60]  }
0x566: {  	v7 =	vadd.f32 v11, v7;
	(v2sf) =	vpush v12, $0x6  }
0x567: {  	v11 =	vor.u32 s8, v2;
	(v2sf) =	vpush v13, $0x6  }
0x568: {  	s10 =	spop (v2sf);
	[tilespmem:v9+s14+$0x0] =	vst.idx.msk $0xffff, v7  }
0x569: {  	s11 =	spop (v2sf);
	v7 =	vld [tilespmem:s10+$0x0]  }
0x56a: {  	v9 =	vld [tilespmem:s11+$0x40];
	v8 =	vadd.f32 v10, v8  }
0x56b: {  	s12 =	simm.s32 $0x12  }
0x56c: {  	v10 =	vor.u32 s12, v0;
	[tilespmem:v11+s14+$0x0] =	vst.idx.msk $0xffff, v8  }
0x56d: {  	v8 =	vld [tilespmem:s4+$0x30]  }
0x56e: {  	v11 =	vld [tilespmem:s7+$0x70]  }
0x56f: {  	v7 =	vadd.f32 v9, v7  }
0x570: {  	s13 =	simm.s32 $0x104A0;
	v9 =	vor.u32 s8, v3  }
0x571: {  	v14 =	vld [tilespmem:s13+$0x0];
	[tilespmem:v10+s14+$0x0] =	vst.idx.msk $0xffff, v7  }
0x572: {  	v7 =	vld [tilespmem:s10+$0x10]  }
0x573: {  	v10 =	vld [tilespmem:s11+$0x50];
	v8 =	vadd.f32 v11, v8  }
0x574: {  	s15 =	spop (v2sf)  }
0x575: {  	v11 =	vor.u32 s12, v1;
	[tilespmem:v9+s14+$0x0] =	vst.idx.msk $0xffff, v8;
	s16 =	spop (v2sf)  }
0x576: {  	v8 =	vld [tilespmem:s16+$0x0];
	s17 =	spop (v2sf)  }
0x577: {  	v15 =	vld [tilespmem:s17+$0x40]  }
0x578: {  	vm11 =	vgt.s32 v14, $0x0;
	s7 =	simm.s32 $0x6;
	v7 =	vadd.f32 v10, v7  }
0x579: {  	v9 =	vnsel vm11, $0x0, v14;
	v10 =	vor.u32 s7, v0  }
0x57a: {  	v9 =	vmin.u32 v9, $0x200;
	[tilespmem:v11+s14+$0x0] =	vst.idx.msk $0xffff, v7  }
0x57b: {  	v9 =	vshll.u32 v9, $0x7;
	v7 =	vld [tilespmem:s10+$0x20]  }
0x57c: {  	(v2sf) =	vpush v9, $0x0;
	v11 =	vld [tilespmem:s11+$0x60];
	v8 =	vadd.f32 v15, v8  }
0x57d: {  	(v2sf) =	vpush v4, $0x3  }
0x57e: {  	v14 =	vor.u32 s12, v2;
	(v2sf) =	vpush v6, $0x3;
	[tilespmem:v10+s14+$0x0] =	vst.idx.msk $0xffff, v8  }
0x57f: {  	v8 =	vld [tilespmem:s16+$0x10]  }
0x580: {  	v10 =	vld [tilespmem:s17+$0x50]  }
0x581: {  	v7 =	vadd.f32 v11, v7  }
0x582: {  	v11 =	vor.u32 s7, v1  }
0x583: {  	[tilespmem:v14+s14+$0x0] =	vst.idx.msk $0xffff, v7  }
0x584: {  	v7 =	vld [tilespmem:s10+$0x30]  }
0x585: {  	v14 =	vld [tilespmem:s11+$0x70];
	v8 =	vadd.f32 v10, v8;
	_ =	sdelay $0x1  }
0x586: {  	v10 =	vor.u32 s12, v3;
	[tilespmem:v11+s14+$0x0] =	vst.idx.msk $0xffff, v8  }
0x587: {  	v8 =	vld [tilespmem:s16+$0x20]  }
0x588: {  	v11 =	vld [tilespmem:s17+$0x60]  }
0x589: {  	(v2sf) =	vpush v12, $0x7;
	v7 =	vadd.f32 v14, v7  }
0x58a: {  	(v2sf) =	vpush v13, $0x7;
	v15 =	vor.u32 s7, v2;
	v14 =	vld [tilespmem:s15+$0x0];
	s18 =	spop (v2sf)  }
0x58b: {  	v16 =	vld [tilespmem:s18+$0x40];
	s19 =	spop (v2sf);
	[tilespmem:v10+s14+$0x0] =	vst.idx.msk $0xffff, v7  }
0x58c: {  	s20 =	simm.s32 $0x20;
	s21 =	spop (v2sf);
	v7 =	vld [tilespmem:s19+$0x0]  }
0x58d: {  	v10 =	vor.u32 s20, v0;
	v17 =	vld [tilespmem:s21+$0x40];
	v8 =	vadd.f32 v11, v8  }
0x58e: {  	s8 =	simm.s32 $0x13  }
0x58f: {  	v11 =	vor.u32 s8, v0;
	[tilespmem:v15+s14+$0x0] =	vst.idx.msk $0xffff, v8  }
0x590: {  	v8 =	vadd.f32 v16, v14;
	v14 =	vld [tilespmem:s16+$0x30]  }
0x591: {  	v15 =	vld [tilespmem:s17+$0x70]  }
0x592: {  	v7 =	vadd.f32 v17, v7;
	[tilespmem:v10+s14+$0x0] =	vst.idx.msk $0xffff, v8  }
0x593: {  	v10 =	vor.u32 s7, v3;
	v8 =	vld [tilespmem:s15+$0x10]  }
0x594: {  	v16 =	vld [tilespmem:s18+$0x50];
	[tilespmem:v11+s14+$0x0] =	vst.idx.msk $0xffff, v7  }
0x595: {  	v7 =	vld [tilespmem:s19+$0x10]  }
0x596: {  	v11 =	vor.u32 s20, v1;
	v17 =	vld [tilespmem:s21+$0x50];
	v14 =	vadd.f32 v15, v14;
	_ =	sdelay $0x1  }
0x597: {  	s22 =	spop (v2sf);
	v15 =	vor.u32 s8, v1;
	[tilespmem:v10+s14+$0x0] =	vst.idx.msk $0xffff, v14  }
0x598: {  	s23 =	spop (v2sf);
	v8 =	vadd.f32 v16, v8;
	v10 =	vld [tilespmem:s22+$0x0]  }
0x599: {  	v14 =	vld [tilespmem:s23+$0x40]  }
0x59a: {  	s24 =	simm.s32 $0x7;
	v7 =	vadd.f32 v17, v7;
	[tilespmem:v11+s14+$0x0] =	vst.idx.msk $0xffff, v8  }
0x59b: {  	v11 =	vor.u32 s24, v0;
	v8 =	vld [tilespmem:s15+$0x20]  }
0x59c: {  	v16 =	vld [tilespmem:s18+$0x60];
	[tilespmem:v15+s14+$0x0] =	vst.idx.msk $0xffff, v7  }
0x59d: {  	v7 =	vld [tilespmem:s19+$0x20]  }
0x59e: {  	v15 =	vld [tilespmem:s21+$0x60];
	v10 =	vadd.f32 v14, v10  }
0x59f: {  	(v2sf) =	vpush v4, $0x4;
	v14 =	vor.u32 s20, v2  }
0x5a0: {  	(v2sf) =	vpush v6, $0x4;
	v17 =	vor.u32 s8, v2;
	[tilespmem:v11+s14+$0x0] =	vst.idx.msk $0xffff, v10  }
0x5a1: {  	v10 =	vld [tilespmem:s22+$0x10]  }
0x5a2: {  	v8 =	vadd.f32 v16, v8;
	v11 =	vld [tilespmem:s23+$0x50]  }
0x5a3: {  	v7 =	vadd.f32 v15, v7  }
0x5a4: {  	[tilespmem:v14+s14+$0x0] =	vst.idx.msk $0xffff, v8;
	v8 =	vor.u32 s24, v1  }
0x5a5: {  	[tilespmem:v17+s14+$0x0] =	vst.idx.msk $0xffff, v7  }
0x5a6: {  	v7 =	vld [tilespmem:s19+$0x30]  }
0x5a7: {  	v14 =	vld [tilespmem:s21+$0x70];
	v10 =	vadd.f32 v11, v10;
	_ =	sdelay $0x1  }
0x5a8: {  	v11 =	vor.u32 s8, v3;
	[tilespmem:v8+s14+$0x0] =	vst.idx.msk $0xffff, v10  }
0x5a9: {  	v8 =	vld [tilespmem:s22+$0x20]  }
0x5aa: {  	(v2sf) =	vpush v5, $0x1;
	v10 =	vld [tilespmem:s23+$0x60]  }
0x5ab: {  	(v2sf) =	vpush v12, $0x8;
	v7 =	vadd.f32 v14, v7  }
0x5ac: {  	(v2sf) =	vpush v13, $0x8;
	v14 =	vor.u32 s24, v2  }
0x5ad: {  	s25 =	spop (v2sf);
	[tilespmem:v11+s14+$0x0] =	vst.idx.msk $0xffff, v7  }
0x5ae: {  	s26 =	spop (v2sf);
	v7 =	vld [tilespmem:s25+$0x0]  }
0x5af: {  	v11 =	vld [tilespmem:s26+$0x40];
	v8 =	vadd.f32 v10, v8  }
0x5b0: {  	s30 =	simm.s32 $0x14  }
0x5b1: {  	v10 =	vor.u32 s30, v0;
	[tilespmem:v14+s14+$0x0] =	vst.idx.msk $0xffff, v8  }
0x5b2: {  	v8 =	vld [tilespmem:s22+$0x30]  }
0x5b3: {  	(v2sf) =	vpush v9, $0x1;
	v14 =	vld [tilespmem:s23+$0x70]  }
0x5b4: {  	v7 =	vadd.f32 v11, v7  }
0x5b5: {  	v11 =	vor.u32 s24, v3  }
0x5b6: {  	[tilespmem:v10+s14+$0x0] =	vst.idx.msk $0xffff, v7  }
0x5b7: {  	v7 =	vld [tilespmem:s25+$0x10]  }
0x5b8: {  	v10 =	vld [tilespmem:s26+$0x50];
	v8 =	vadd.f32 v14, v8  }
0x5b9: {  	v15 =	vld [tilespmem:s18+$0x70];
	s31 =	spop (v2sf)  }
0x5ba: {  	v16 =	vor.u32 s30, v1;
	s4 =	spop (v2sf);
	v14 =	vld [tilespmem:s15+$0x30];
	[tilespmem:v11+s14+$0x0] =	vst.idx.msk $0xffff, v8  }
0x5bb: {  	s7 =	spop (v2sf);
	v8 =	vld [tilespmem:s4+$0x0]  }
0x5bc: {  	v11 =	vor.u32 s20, v3;
	v17 =	vld [tilespmem:s7+$0x40]  }
0x5bd: {  	s10 =	simm.s32 $0x8;
	v7 =	vadd.f32 v10, v7  }
0x5be: {  	v10 =	vor.u32 s10, v0  }
0x5bf: {  	v14 =	vadd.f32 v15, v14;
	[tilespmem:v16+s14+$0x0] =	vst.idx.msk $0xffff, v7  }
0x5c0: {  	v7 =	vld [tilespmem:s25+$0x20]  }
0x5c1: {  	[tilespmem:v11+s14+$0x0] =	vst.idx.msk $0xffff, v14;
	v11 =	vld [tilespmem:s26+$0x60];
	v8 =	vadd.f32 v17, v8  }
0x5c2: {  	(v2sf) =	vpush v4, $0x5;
	s11 =	spop (v2sf);
	v14 =	vld [tilespmem:s31+$0x0]  }
0x5c3: {  	(v2sf) =	vpush v6, $0x5;
	v16 =	vor.u32 s30, v2;
	v15 =	vld [tilespmem:s11+$0x40];
	[tilespmem:v10+s14+$0x0] =	vst.idx.msk $0xffff, v8  }
0x5c4: {  	s9 =	simm.s32 $0x21;
	v8 =	vld [tilespmem:s4+$0x10]  }
0x5c5: {  	v10 =	vor.u32 s9, v0;
	v17 =	vld [tilespmem:s7+$0x50]  }
0x5c6: {  	v7 =	vadd.f32 v11, v7  }
0x5c7: {  	v11 =	vor.u32 s10, v1  }
0x5c8: {  	v14 =	vadd.f32 v15, v14;
	[tilespmem:v16+s14+$0x0] =	vst.idx.msk $0xffff, v7  }
0x5c9: {  	v7 =	vld [tilespmem:s25+$0x30]  }
0x5ca: {  	[tilespmem:v10+s14+$0x0] =	vst.idx.msk $0xffff, v14;
	v10 =	vld [tilespmem:s26+$0x70];
	v8 =	vadd.f32 v17, v8  }
0x5cb: {  	v14 =	vld [tilespmem:s31+$0x10]  }
0x5cc: {  	v15 =	vor.u32 s30, v3;
	v16 =	vld [tilespmem:s11+$0x50];
	[tilespmem:v11+s14+$0x0] =	vst.idx.msk $0xffff, v8  }
0x5cd: {  	v8 =	vld [tilespmem:s4+$0x20]  }
0x5ce: {  	v11 =	vor.u32 s9, v1;
	v17 =	vld [tilespmem:s7+$0x60]  }
0x5cf: {  	(v2sf) =	vpush v12, $0x9;
	v7 =	vadd.f32 v10, v7  }
0x5d0: {  	(v2sf) =	vpush v13, $0x9;
	v10 =	vor.u32 s10, v2  }
0x5d1: {  	s12 =	spop (v2sf);
	[tilespmem:v15+s14+$0x0] =	vst.idx.msk $0xffff, v7;
	v7 =	vadd.f32 v16, v14  }
0x5d2: {  	s13 =	spop (v2sf);
	v14 =	vld [tilespmem:s12+$0x0]  }
0x5d3: {  	v15 =	vld [tilespmem:s13+$0x40];
	[tilespmem:v11+s14+$0x0] =	vst.idx.msk $0xffff, v7;
	v7 =	vadd.f32 v17, v8  }
0x5d4: {  	s15 =	simm.s32 $0x15;
	v8 =	vld [tilespmem:s31+$0x20]  }
0x5d5: {  	v11 =	vor.u32 s15, v0;
	v16 =	vld [tilespmem:s11+$0x60];
	[tilespmem:v10+s14+$0x0] =	vst.idx.msk $0xffff, v7  }
0x5d6: {  	(v2sf) =	vpush v5, $0x2;
	v7 =	vld [tilespmem:s4+$0x30]  }
0x5d7: {  	(v2sf) =	vpush v9, $0x2;
	v10 =	vor.u32 s9, v2;
	v17 =	vld [tilespmem:s7+$0x70]  }
0x5d8: {  	v14 =	vadd.f32 v15, v14  }
0x5d9: {  	s16 =	simm.s32 $0x10430;
	v15 =	vor.u32 s10, v3  }
0x5da: {  	v18 =	vld [tilespmem:s16+$0x0];
	[tilespmem:v11+s14+$0x0] =	vst.idx.msk $0xffff, v14;
	v8 =	vadd.f32 v16, v8  }
0x5db: {  	v11 =	vld [tilespmem:s12+$0x10]  }
0x5dc: {  	v14 =	vld [tilespmem:s13+$0x50];
	[tilespmem:v10+s14+$0x0] =	vst.idx.msk $0xffff, v8;
	v7 =	vadd.f32 v17, v7  }
0x5dd: {  	v8 =	vld [tilespmem:s31+$0x30]  }
0x5de: {  	s17 =	spop (v2sf);
	v10 =	vor.u32 s15, v1;
	v16 =	vld [tilespmem:s11+$0x70];
	[tilespmem:v15+s14+$0x0] =	vst.idx.msk $0xffff, v7  }
0x5df: {  	s18 =	spop (v2sf);
	v15 =	vld [tilespmem:s17+$0x0]  }
0x5e0: {  	v17 =	vor.u32 s9, v3;
	v19 =	vld [tilespmem:s18+$0x40]  }
0x5e1: {  	s19 =	simm.s32 $0x9;
	vm12 =	vgt.s32 v18, $0x0;
	v7 =	vadd.f32 v14, v11  }
0x5e2: {  	s20 =	simm.s32 $0x104B0;
	v11 =	vnsel vm12, $0x0, v18;
	v14 =	vor.u32 s19, v0  }
0x5e3: {  	v18 =	vld [tilespmem:s20+$0x0];
	v11 =	vmin.u32 v11, $0x200;
	[tilespmem:v10+s14+$0x0] =	vst.idx.msk $0xffff, v7;
	v8 =	vadd.f32 v16, v8  }
0x5e4: {  	v7 =	vshll.u32 v11, $0x7;
	v10 =	vld [tilespmem:s12+$0x20]  }
0x5e5: {  	s21 =	spop (v2sf);
	(v2sf) =	vpush v7, $0x0;
	v11 =	vld [tilespmem:s13+$0x60];
	[tilespmem:v17+s14+$0x0] =	vst.idx.msk $0xffff, v8;
	v8 =	vadd.f32 v19, v15  }
0x5e6: {  	s22 =	spop (v2sf);
	(v2sf) =	vpush v4, $0x6;
	v15 =	vld [tilespmem:s21+$0x0]  }
0x5e7: {  	v16 =	vor.u32 s15, v2;
	(v2sf) =	vpush v6, $0x6;
	v17 =	vld [tilespmem:s22+$0x40];
	[tilespmem:v14+s14+$0x0] =	vst.idx.msk $0xffff, v8  }
0x5e8: {  	s23 =	simm.s32 $0x22;
	v8 =	vld [tilespmem:s17+$0x10]  }
0x5e9: {  	v14 =	vor.u32 s23, v0;
	v19 =	vld [tilespmem:s18+$0x50]  }
0x5ea: {  	v10 =	vadd.f32 v11, v10  }
0x5eb: {  	v11 =	vor.u32 s19, v1  }
0x5ec: {  	[tilespmem:v16+s14+$0x0] =	vst.idx.msk $0xffff, v10;
	v10 =	vadd.f32 v17, v15  }
0x5ed: {  	v15 =	vld [tilespmem:s12+$0x30]  }
0x5ee: {  	vm13 =	vgt.s32 v18, $0x0;
	v16 =	vld [tilespmem:s13+$0x70];
	[tilespmem:v14+s14+$0x0] =	vst.idx.msk $0xffff, v10;
	v8 =	vadd.f32 v19, v8  }
0x5ef: {  	v10 =	vnsel vm13, $0x0, v18;
	v14 =	vld [tilespmem:s21+$0x10]  }
0x5f0: {  	v17 =	vor.u32 s15, v3;
	v10 =	vmin.u32 v10, $0x200;
	v18 =	vld [tilespmem:s22+$0x50];
	[tilespmem:v11+s14+$0x0] =	vst.idx.msk $0xffff, v8  }
0x5f1: {  	v8 =	vshll.u32 v10, $0x7;
	v10 =	vld [tilespmem:s17+$0x20]  }
0x5f2: {  	v11 =	vor.u32 s23, v1;
	(v2sf) =	vpush v8, $0x0;
	v19 =	vld [tilespmem:s18+$0x60]  }
0x5f3: {  	v15 =	vadd.f32 v16, v15;
	(v2sf) =	vpush v12, $0xA  }
0x5f4: {  	v16 =	vor.u32 s19, v2;
	s24 =	spop (v2sf);
	(v2sf) =	vpush v13, $0xA  }
0x5f5: {  	[tilespmem:v17+s14+$0x0] =	vst.idx.msk $0xffff, v15;
	v14 =	vadd.f32 v18, v14;
	s25 =	spop (v2sf)  }
0x5f6: {  	v15 =	vld [tilespmem:s25+$0x0];
	s26 =	spop (v2sf)  }
0x5f7: {  	[tilespmem:v11+s14+$0x0] =	vst.idx.msk $0xffff, v14;
	v10 =	vadd.f32 v19, v10;
	v17 =	vld [tilespmem:s26+$0x40]  }
0x5f8: {  	s30 =	simm.s32 $0x16;
	v11 =	vld [tilespmem:s21+$0x20]  }
0x5f9: {  	v14 =	vor.u32 s30, v0;
	v18 =	vld [tilespmem:s22+$0x60];
	[tilespmem:v16+s14+$0x0] =	vst.idx.msk $0xffff, v10  }
0x5fa: {  	(v2sf) =	vpush v5, $0x3;
	v10 =	vld [tilespmem:s17+$0x30]  }
0x5fb: {  	(v2sf) =	vpush v9, $0x3;
	v16 =	vor.u32 s23, v2;
	v19 =	vld [tilespmem:s18+$0x70]  }
0x5fc: {  	v15 =	vadd.f32 v17, v15  }
0x5fd: {  	v17 =	vor.u32 s19, v3  }
0x5fe: {  	v11 =	vadd.f32 v18, v11;
	[tilespmem:v14+s14+$0x0] =	vst.idx.msk $0xffff, v15  }
0x5ff: {  	v14 =	vld [tilespmem:s25+$0x10]  }
0x600: {  	[tilespmem:v16+s14+$0x0] =	vst.idx.msk $0xffff, v11;
	v10 =	vadd.f32 v19, v10;
	v15 =	vld [tilespmem:s26+$0x50]  }
0x601: {  	v11 =	vld [tilespmem:s21+$0x30];
	s31 =	spop (v2sf)  }
0x602: {  	v16 =	vor.u32 s30, v1;
	v18 =	vld [tilespmem:s22+$0x70];
	[tilespmem:v17+s14+$0x0] =	vst.idx.msk $0xffff, v10;
	s7 =	spop (v2sf)  }
0x603: {  	v10 =	vld [tilespmem:s7+$0x0];
	s8 =	spop (v2sf)  }
0x604: {  	v17 =	vor.u32 s23, v3;
	v19 =	vld [tilespmem:s8+$0x40]  }
0x605: {  	s9 =	simm.s32 $0xA;
	v14 =	vadd.f32 v15, v14  }
0x606: {  	v15 =	vor.u32 s9, v0  }
0x607: {  	v11 =	vadd.f32 v18, v11;
	[tilespmem:v16+s14+$0x0] =	vst.idx.msk $0xffff, v14  }
0x608: {  	v14 =	vld [tilespmem:s25+$0x20]  }
0x609: {  	s13 =	spop (v2sf);
	[tilespmem:v17+s14+$0x0] =	vst.idx.msk $0xffff, v11;
	v16 =	vld [tilespmem:s26+$0x60];
	v10 =	vadd.f32 v19, v10  }
0x60a: {  	(v2sf) =	vpush v4, $0x7;
	s11 =	spop (v2sf);
	v11 =	vld [tilespmem:s13+$0x0]  }
0x60b: {  	(v2sf) =	vpush v6, $0x7;
	v17 =	vor.u32 s30, v2;
	v18 =	vld [tilespmem:s11+$0x40];
	[tilespmem:v15+s14+$0x0] =	vst.idx.msk $0xffff, v10  }
0x60c: {  	s12 =	simm.s32 $0x23;
	v10 =	vld [tilespmem:s7+$0x10]  }
0x60d: {  	v15 =	vor.u32 s12, v0;
	v19 =	vld [tilespmem:s8+$0x50]  }
0x60e: {  	v14 =	vadd.f32 v16, v14  }
0x60f: {  	v16 =	vor.u32 s9, v1  }
0x610: {  	v11 =	vadd.f32 v18, v11;
	[tilespmem:v17+s14+$0x0] =	vst.idx.msk $0xffff, v14  }
0x611: {  	v14 =	vld [tilespmem:s25+$0x30]  }
0x612: {  	v17 =	vld [tilespmem:s26+$0x70];
	[tilespmem:v15+s14+$0x0] =	vst.idx.msk $0xffff, v11;
	v10 =	vadd.f32 v19, v10  }
0x613: {  	v11 =	vld [tilespmem:s13+$0x10]  }
0x614: {  	v15 =	vor.u32 s30, v3;
	v18 =	vld [tilespmem:s11+$0x50];
	[tilespmem:v16+s14+$0x0] =	vst.idx.msk $0xffff, v10  }
0x615: {  	v10 =	vld [tilespmem:s7+$0x20]  }
0x616: {  	v16 =	vor.u32 s12, v1;
	v19 =	vld [tilespmem:s8+$0x60]  }
0x617: {  	(v2sf) =	vpush v12, $0xB;
	v14 =	vadd.f32 v17, v14  }
0x618: {  	(v2sf) =	vpush v13, $0xB;
	v17 =	vor.u32 s9, v2  }
0x619: {  	s15 =	spop (v2sf);
	[tilespmem:v15+s14+$0x0] =	vst.idx.msk $0xffff, v14;
	v11 =	vadd.f32 v18, v11  }
0x61a: {  	s16 =	spop (v2sf);
	v14 =	vld [tilespmem:s15+$0x0]  }
0x61b: {  	v15 =	vld [tilespmem:s16+$0x40];
	[tilespmem:v16+s14+$0x0] =	vst.idx.msk $0xffff, v11;
	v10 =	vadd.f32 v19, v10  }
0x61c: {  	s10 =	simm.s32 $0x17;
	v11 =	vld [tilespmem:s13+$0x20]  }
0x61d: {  	v16 =	vor.u32 s10, v0;
	v18 =	vld [tilespmem:s11+$0x60];
	[tilespmem:v17+s14+$0x0] =	vst.idx.msk $0xffff, v10  }
0x61e: {  	(v2sf) =	vpush v5, $0x4;
	v10 =	vld [tilespmem:s7+$0x30]  }
0x61f: {  	(v2sf) =	vpush v9, $0x4;
	v17 =	vor.u32 s12, v2;
	v19 =	vld [tilespmem:s8+$0x70]  }
0x620: {  	v14 =	vadd.f32 v15, v14  }
0x621: {  	v20 =	vor.u32 s9, v3;
	v21 =	vld [tilespmem:s31+$0x40]  }
0x622: {  	v15 =	vld [tilespmem:s24+$0x0];
	[tilespmem:v16+s14+$0x0] =	vst.idx.msk $0xffff, v14;
	v11 =	vadd.f32 v18, v11  }
0x623: {  	s17 =	simm.s32 $0x30;
	v14 =	vld [tilespmem:s15+$0x10]  }
0x624: {  	v16 =	vor.u32 s17, v0;
	v18 =	vld [tilespmem:s16+$0x50];
	[tilespmem:v17+s14+$0x0] =	vst.idx.msk $0xffff, v11;
	v10 =	vadd.f32 v19, v10  }
0x625: {  	v11 =	vld [tilespmem:s13+$0x30]  }
0x626: {  	s18 =	spop (v2sf);
	v17 =	vor.u32 s10, v1;
	v19 =	vld [tilespmem:s11+$0x70];
	[tilespmem:v20+s14+$0x0] =	vst.idx.msk $0xffff, v10  }
0x627: {  	s19 =	spop (v2sf);
	v10 =	vadd.f32 v21, v15;
	v15 =	vld [tilespmem:s18+$0x0]  }
0x628: {  	v20 =	vor.u32 s12, v3;
	v21 =	vld [tilespmem:s19+$0x40]  }
0x629: {  	s20 =	simm.s32 $0xB;
	[tilespmem:v16+s14+$0x0] =	vst.idx.msk $0xffff, v10;
	v10 =	vadd.f32 v18, v14  }
0x62a: {  	v16 =	vor.u32 s20, v0;
	v14 =	vld [tilespmem:s24+$0x10]  }
0x62b: {  	v18 =	vld [tilespmem:s31+$0x50];
	[tilespmem:v17+s14+$0x0] =	vst.idx.msk $0xffff, v10;
	v10 =	vadd.f32 v19, v11  }
0x62c: {  	v11 =	vld [tilespmem:s15+$0x20]  }
0x62d: {  	(v2sf) =	vpush v7, $0x1;
	s21 =	spop (v2sf);
	v17 =	vor.u32 s17, v1;
	v19 =	vld [tilespmem:s16+$0x60];
	[tilespmem:v20+s14+$0x0] =	vst.idx.msk $0xffff, v10;
	v10 =	vadd.f32 v21, v15  }
0x62e: {  	(v2sf) =	vpush v4, $0x8;
	s22 =	spop (v2sf);
	v15 =	vld [tilespmem:s21+$0x0]  }
0x62f: {  	(v2sf) =	vpush v6, $0x8;
	v20 =	vor.u32 s10, v2;
	v21 =	vld [tilespmem:s22+$0x40];
	[tilespmem:v16+s14+$0x0] =	vst.idx.msk $0xffff, v10  }
0x630: {  	s23 =	simm.s32 $0x24;
	v10 =	vadd.f32 v18, v14;
	v14 =	vld [tilespmem:s18+$0x10]  }
0x631: {  	v16 =	vor.u32 s23, v0;
	v18 =	vld [tilespmem:s19+$0x50]  }
0x632: {  	[tilespmem:v17+s14+$0x0] =	vst.idx.msk $0xffff, v10;
	v10 =	vadd.f32 v19, v11  }
0x633: {  	v17 =	vor.u32 s20, v1;
	v11 =	vld [tilespmem:s24+$0x20]  }
0x634: {  	v19 =	vld [tilespmem:s31+$0x60];
	[tilespmem:v20+s14+$0x0] =	vst.idx.msk $0xffff, v10;
	v10 =	vadd.f32 v21, v15  }
0x635: {  	v15 =	vld [tilespmem:s15+$0x30]  }
0x636: {  	(v2sf) =	vpush v8, $0x1;
	v20 =	vor.u32 s17, v2;
	v21 =	vld [tilespmem:s16+$0x70];
	[tilespmem:v16+s14+$0x0] =	vst.idx.msk $0xffff, v10;
	v10 =	vadd.f32 v18, v14  }
0x637: {  	v14 =	vld [tilespmem:s21+$0x10]  }
0x638: {  	v16 =	vor.u32 s10, v3;
	v18 =	vld [tilespmem:s22+$0x50];
	[tilespmem:v17+s14+$0x0] =	vst.idx.msk $0xffff, v10  }
0x639: {  	v10 =	vadd.f32 v19, v11;
	v11 =	vld [tilespmem:s18+$0x20]  }
0x63a: {  	v17 =	vor.u32 s23, v1;
	v19 =	vld [tilespmem:s19+$0x60]  }
0x63b: {  	(v2sf) =	vpush v12, $0xC;
	[tilespmem:v20+s14+$0x0] =	vst.idx.msk $0xffff, v10;
	v10 =	vadd.f32 v21, v15  }
0x63c: {  	v20 =	vor.u32 s20, v2;
	v15 =	vld [tilespmem:s24+$0x30];
	s24 =	spop (v2sf);
	(v2sf) =	vpush v13, $0xC  }
0x63d: {  	v21 =	vld [tilespmem:s31+$0x70];
	[tilespmem:v16+s14+$0x0] =	vst.idx.msk $0xffff, v10;
	s25 =	spop (v2sf);
	v10 =	vadd.f32 v18, v14  }
0x63e: {  	v14 =	vld [tilespmem:s25+$0x0];
	s26 =	spop (v2sf)  }
0x63f: {  	v16 =	vor.u32 s17, v3;
	v18 =	vld [tilespmem:s26+$0x40];
	[tilespmem:v17+s14+$0x0] =	vst.idx.msk $0xffff, v10;
	v10 =	vadd.f32 v19, v11  }
0x640: {  	s30 =	simm.s32 $0x18;
	v11 =	vld [tilespmem:s21+$0x20]  }
0x641: {  	v17 =	vor.u32 s30, v0;
	v19 =	vld [tilespmem:s22+$0x60];
	[tilespmem:v20+s14+$0x0] =	vst.idx.msk $0xffff, v10  }
0x642: {  	(v2sf) =	vpush v5, $0x5;
	v10 =	vadd.f32 v21, v15;
	v15 =	vld [tilespmem:s18+$0x30]  }
0x643: {  	(v2sf) =	vpush v9, $0x5;
	v20 =	vor.u32 s23, v2;
	v21 =	vld [tilespmem:s19+$0x70]  }
0x644: {  	[tilespmem:v16+s14+$0x0] =	vst.idx.msk $0xffff, v10;
	v10 =	vadd.f32 v18, v14  }
0x645: {  	s31 =	spop (v2sf);
	v16 =	vor.u32 s20, v3;
	v14 =	vld [tilespmem:s24+$0x0]  }
0x646: {  	v18 =	vld [tilespmem:s31+$0x40];
	[tilespmem:v17+s14+$0x0] =	vst.idx.msk $0xffff, v10;
	v10 =	vadd.f32 v19, v11  }
0x647: {  	s1 =	simm.s32 $0x31;
	v11 =	vld [tilespmem:s25+$0x10]  }
0x648: {  	v17 =	vor.u32 s1, v0;
	v19 =	vld [tilespmem:s26+$0x50];
	[tilespmem:v20+s14+$0x0] =	vst.idx.msk $0xffff, v10;
	v10 =	vadd.f32 v21, v15  }
0x649: {  	v15 =	vld [tilespmem:s21+$0x30]  }
0x64a: {  	s2 =	spop (v2sf);
	v20 =	vor.u32 s30, v1;
	v21 =	vld [tilespmem:s22+$0x70];
	[tilespmem:v16+s14+$0x0] =	vst.idx.msk $0xffff, v10  }
0x64b: {  	v10 =	vadd.f32 v18, v14;
	v14 =	vld [tilespmem:s2+$0x0];
	s3 =	spop (v2sf)  }
0x64c: {  	v16 =	vor.u32 s23, v3;
	v18 =	vld [tilespmem:s3+$0x40]  }
0x64d: {  	s4 =	simm.s32 $0xC;
	[tilespmem:v17+s14+$0x0] =	vst.idx.msk $0xffff, v10;
	v10 =	vadd.f32 v19, v11  }
0x64e: {  	v17 =	vor.u32 s4, v0;
	v11 =	vld [tilespmem:s24+$0x10]  }
0x64f: {  	v19 =	vld [tilespmem:s31+$0x50];
	[tilespmem:v20+s14+$0x0] =	vst.idx.msk $0xffff, v10;
	v10 =	vadd.f32 v21, v15  }
0x650: {  	v15 =	vld [tilespmem:s25+$0x20]  }
0x651: {  	s12 =	spop (v2sf);
	v20 =	vor.u32 s1, v1;
	[tilespmem:v16+s14+$0x0] =	vst.idx.msk $0xffff, v10;
	v10 =	vld [tilespmem:s26+$0x60];
	v14 =	vadd.f32 v18, v14  }
0x652: {  	(v2sf) =	vpush v4, $0x9;
	s16 =	spop (v2sf);
	v16 =	vld [tilespmem:s12+$0x0]  }
0x653: {  	(v2sf) =	vpush v6, $0x9;
	v21 =	vor.u32 s30, v2;
	v18 =	vld [tilespmem:s16+$0x40];
	[tilespmem:v17+s14+$0x0] =	vst.idx.msk $0xffff, v14  }
0x654: {  	s17 =	simm.s32 $0x25;
	v11 =	vadd.f32 v19, v11;
	v14 =	vld [tilespmem:s2+$0x10]  }
0x655: {  	s28 =	simm.s32 $0x10440;
	v17 =	vor.u32 s17, v0;
	v19 =	vld [tilespmem:s3+$0x50]  }
0x656: {  	v22 =	vld [tilespmem:s28+$0x0];
	[tilespmem:v20+s14+$0x0] =	vst.idx.msk $0xffff, v11;
	v10 =	vadd.f32 v10, v15  }
0x657: {  	v11 =	vld [tilespmem:s24+$0x20];
	v15 =	vor.u32 s4, v1  }
0x658: {  	v20 =	vld [tilespmem:s31+$0x60];
	v16 =	vadd.f32 v18, v16;
	[tilespmem:v21+s14+$0x0] =	vst.idx.msk $0xffff, v10  }
0x659: {  	(v2sf) =	vpush v7, $0x2;
	v10 =	vld [tilespmem:s25+$0x30]  }
0x65a: {  	(v2sf) =	vpush v8, $0x2;
	v18 =	vor.u32 s1, v2;
	[tilespmem:v17+s14+$0x0] =	vst.idx.msk $0xffff, v16;
	v16 =	vld [tilespmem:s26+$0x70];
	v14 =	vadd.f32 v19, v14  }
0x65b: {  	v17 =	vld [tilespmem:s12+$0x10]  }
0x65c: {  	v21 =	vor.u32 s30, v3;
	v19 =	vld [tilespmem:s16+$0x50];
	[tilespmem:v15+s14+$0x0] =	vst.idx.msk $0xffff, v14  }
0x65d: {  	vm14 =	vgt.s32 v22, $0x0;
	v11 =	vadd.f32 v20, v11;
	v14 =	vld [tilespmem:s2+$0x20]  }
0x65e: {  	s29 =	simm.s32 $0x104C0;
	v20 =	vor.u32 s17, v1;
	v15 =	vnsel vm14, $0x0, v22;
	v22 =	vld [tilespmem:s3+$0x60]  }
0x65f: {  	v23 =	vld [tilespmem:s29+$0x0];
	(v2sf) =	vpush v12, $0xD;
	v15 =	vmin.u32 v15, $0x200;
	[tilespmem:v18+s14+$0x0] =	vst.idx.msk $0xffff, v11;
	v11 =	vadd.f32 v16, v10  }
0x660: {  	(v2sf) =	vpush v13, $0xD;
	v10 =	vshll.u32 v15, $0x7;
	v15 =	vld [tilespmem:s24+$0x30];
	v16 =	vor.u32 s4, v2  }
0x661: {  	s18 =	spop (v2sf);
	v18 =	vld [tilespmem:s31+$0x70];
	(v2sf) =	vpush v10, $0x0;
	v17 =	vadd.f32 v19, v17;
	[tilespmem:v21+s14+$0x0] =	vst.idx.msk $0xffff, v11  }
0x662: {  	s19 =	spop (v2sf);
	v11 =	vld [tilespmem:s18+$0x0]  }
0x663: {  	v19 =	vor.u32 s1, v3;
	[tilespmem:v20+s14+$0x0] =	vst.idx.msk $0xffff, v17;
	v17 =	vld [tilespmem:s19+$0x40];
	v14 =	vadd.f32 v22, v14  }
0x664: {  	s20 =	simm.s32 $0x19;
	v20 =	vld [tilespmem:s12+$0x20]  }
0x665: {  	v21 =	vld [tilespmem:s16+$0x60];
	v22 =	vor.u32 s20, v0;
	[tilespmem:v16+s14+$0x0] =	vst.idx.msk $0xffff, v14  }
0x666: {  	vm15 =	vgt.s32 v23, $0x0;
	(v2sf) =	vpush v5, $0x6;
	v14 =	vadd.f32 v18, v15;
	v15 =	vld [tilespmem:s2+$0x30]  }
0x667: {  	(v2sf) =	vpush v9, $0x6;
	v16 =	vnsel vm15, $0x0, v23;
	v18 =	vor.u32 s17, v2;
	v23 =	vld [tilespmem:s3+$0x70]  }
0x668: {  	s21 =	spop (v2sf);
	v16 =	vmin.u32 v16, $0x200;
	[tilespmem:v19+s14+$0x0] =	vst.idx.msk $0xffff, v14;
	v14 =	vadd.f32 v17, v11  }
0x669: {  	s13 =	spop (v2sf);
	v11 =	vshll.u32 v16, $0x7;
	v17 =	vor.u32 s4, v3;
	v16 =	vld [tilespmem:s21+$0x0]  }
0x66a: {  	(v2sf) =	vpush v11, $0x0;
	v19 =	vld [tilespmem:s13+$0x40];
	v20 =	vadd.f32 v21, v20;
	[tilespmem:v22+s14+$0x0] =	vst.idx.msk $0xffff, v14  }
0x66b: {  	s15 =	simm.s32 $0x32;
	v14 =	vld [tilespmem:s18+$0x10]  }
0x66c: {  	v21 =	vor.u32 s15, v0;
	[tilespmem:v18+s14+$0x0] =	vst.idx.msk $0xffff, v20;
	v18 =	vld [tilespmem:s19+$0x50];
	v15 =	vadd.f32 v23, v15  }
0x66d: {  	v20 =	vld [tilespmem:s12+$0x30]  }
0x66e: {  	s22 =	spop (v2sf);
	v22 =	vld [tilespmem:s16+$0x70];
	v23 =	vor.u32 s20, v1;
	[tilespmem:v17+s14+$0x0] =	vst.idx.msk $0xffff, v15  }
0x66f: {  	s23 =	spop (v2sf);
	v15 =	vadd.f32 v19, v16;
	v16 =	vld [tilespmem:s22+$0x0]  }
0x670: {  	v17 =	vor.u32 s17, v3;
	v19 =	vld [tilespmem:s23+$0x40];
	s1 =	spop (v2sf)  }
0x671: {  	s24 =	simm.s32 $0xD;
	[tilespmem:v21+s14+$0x0] =	vst.idx.msk $0xffff, v15;
	v14 =	vadd.f32 v18, v14;
	v24 =	vld [tilespmem:s1+$0x0]  }
0x672: {  	v18 =	vor.u32 s24, v0;
	v15 =	vld [tilespmem:s21+$0x10]  }
0x673: {  	v21 =	vld [tilespmem:s13+$0x50];
	v20 =	vadd.f32 v22, v20;
	[tilespmem:v23+s14+$0x0] =	vst.idx.msk $0xffff, v14  }
0x674: {  	v14 =	vld [tilespmem:s18+$0x20]  }
0x675: {  	v22 =	vor.u32 s15, v1;
	s25 =	spop (v2sf);
	[tilespmem:v17+s14+$0x0] =	vst.idx.msk $0xffff, v20;
	v17 =	vld [tilespmem:s19+$0x60];
	v16 =	vadd.f32 v19, v16  }
0x676: {  	s26 =	spop (v2sf);
	(v2sf) =	vpush v4, $0xA;
	v19 =	vld [tilespmem:s25+$0x0]  }
0x677: {  	v23 =	vor.u32 s20, v2;
	(v2sf) =	vpush v6, $0xA;
	v20 =	vld [tilespmem:s26+$0x40];
	[tilespmem:v18+s14+$0x0] =	vst.idx.msk $0xffff, v16  }
0x678: {  	s30 =	simm.s32 $0x26;
	v15 =	vadd.f32 v21, v15;
	v16 =	vld [tilespmem:s22+$0x10]  }
0x679: {  	v18 =	vor.u32 s30, v0;
	v21 =	vld [tilespmem:s23+$0x50];
	s31 =	spop (v2sf)  }
0x67a: {  	[tilespmem:v22+s14+$0x0] =	vst.idx.msk $0xffff, v15;
	v14 =	vadd.f32 v17, v14;
	v25 =	vld [tilespmem:s31+$0x40]  }
0x67b: {  	v17 =	vor.u32 s24, v1;
	v15 =	vld [tilespmem:s21+$0x20]  }
0x67c: {  	s0 =	simm.s32 $0x40;
	(v2sf) =	vpush v7, $0x3;
	v22 =	vld [tilespmem:s13+$0x60];
	v19 =	vadd.f32 v20, v19;
	[tilespmem:v23+s14+$0x0] =	vst.idx.msk $0xffff, v14  }
0x67d: {  	(v2sf) =	vpush v8, $0x3;
	v14 =	vor.u32 s0, v0;
	v20 =	vld [tilespmem:s18+$0x30]  }
0x67e: {  	v23 =	vor.u32 s15, v2;
	[tilespmem:v18+s14+$0x0] =	vst.idx.msk $0xffff, v19;
	v18 =	vld [tilespmem:s19+$0x70];
	v16 =	vadd.f32 v21, v16  }
0x67f: {  	v19 =	vld [tilespmem:s25+$0x10]  }
0x680: {  	v53 =	vor.u32 s20, v3;
	v52 =	vld [tilespmem:s26+$0x50];
	v21 =	vadd.f32 v25, v24;
	[tilespmem:v17+s14+$0x0] =	vst.idx.msk $0xffff, v16  }
0x681: {  	v15 =	vadd.f32 v22, v15;
	v16 =	vld [tilespmem:s22+$0x20]  }
0x682: {  	v17 =	vld [tilespmem:s23+$0x60];
	[tilespmem:v14+s14+$0x0] =	vst.idx.msk $0xffff, v21;
	v14 =	vor.u32 s30, v1  }
0x683: {  	(v2sf) =	vpush v12, $0xE;
	[tilespmem:v23+s14+$0x0] =	vst.idx.msk $0xffff, v15;
	v15 =	vadd.f32 v18, v20;
	v21 =	vld [tilespmem:s1+$0x10]  }
0x684: {  	(v2sf) =	vpush v13, $0xE;
	v20 =	vor.u32 s24, v2;
	v18 =	vld [tilespmem:s21+$0x30]  }
0x685: {  	v22 =	vld [tilespmem:s13+$0x70];
	v19 =	vadd.f32 v52, v19;
	s17 =	spop (v2sf);
	[tilespmem:v53+s14+$0x0] =	vst.idx.msk $0xffff, v15  }
0x686: {  	s7 =	spop (v2sf);
	v15 =	vld [tilespmem:s17+$0x0]  }
0x687: {  	v23 =	vor.u32 s15, v3;
	v16 =	vadd.f32 v17, v16;
	[tilespmem:v14+s14+$0x0] =	vst.idx.msk $0xffff, v19;
	v14 =	vld [tilespmem:s7+$0x40]  }
0x688: {  	s8 =	simm.s32 $0x1A;
	v17 =	vld [tilespmem:s25+$0x20]  }
0x689: {  	v54 =	vor.u32 s8, v0;
	v19 =	vld [tilespmem:s26+$0x60];
	[tilespmem:v20+s14+$0x0] =	vst.idx.msk $0xffff, v16  }
0x68a: {  	(v2sf) =	vpush v5, $0x7;
	v16 =	vadd.f32 v22, v18;
	v18 =	vld [tilespmem:s22+$0x30]  }
0x68b: {  	(v2sf) =	vpush v9, $0x7;
	s10 =	spop (v2sf);
	v20 =	vor.u32 s30, v2;
	v22 =	vld [tilespmem:s23+$0x70]  }
0x68c: {  	v55 =	vld [tilespmem:s31+$0x50];
	s13 =	spop (v2sf);
	[tilespmem:v23+s14+$0x0] =	vst.idx.msk $0xffff, v16;
	v14 =	vadd.f32 v14, v15  }
0x68d: {  	v16 =	vor.u32 s24, v3;
	v23 =	vld [tilespmem:s13+$0x40]  }
0x68e: {  	v15 =	vld [tilespmem:s10+$0x0];
	v17 =	vadd.f32 v19, v17;
	[tilespmem:v54+s14+$0x0] =	vst.idx.msk $0xffff, v14  }
0x68f: {  	s18 =	simm.s32 $0x33;
	v14 =	vor.u32 s0, v1;
	v19 =	vld [tilespmem:s17+$0x10]  }
0x690: {  	v56 =	vor.u32 s18, v0;
	v18 =	vadd.f32 v22, v18;
	[tilespmem:v20+s14+$0x0] =	vst.idx.msk $0xffff, v17;
	v17 =	vld [tilespmem:s7+$0x50]  }
0x691: {  	v20 =	vld [tilespmem:s25+$0x30]  }
0x692: {  	v57 =	vor.u32 s8, v1;
	v21 =	vadd.f32 v55, v21;
	s19 =	spop (v2sf);
	v22 =	vld [tilespmem:s26+$0x70];
	[tilespmem:v16+s14+$0x0] =	vst.idx.msk $0xffff, v18  }
0x693: {  	s20 =	spop (v2sf);
	v15 =	vadd.f32 v23, v15;
	v16 =	vld [tilespmem:s19+$0x0]  }
0x694: {  	v18 =	vld [tilespmem:s20+$0x40];
	[tilespmem:v14+s14+$0x0] =	vst.idx.msk $0xffff, v21;
	v14 =	vor.u32 s30, v3  }
0x695: {  	s16 =	simm.s32 $0xE;
	[tilespmem:v56+s14+$0x0] =	vst.idx.msk $0xffff, v15;
	v21 =	vld [tilespmem:s1+$0x20];
	v15 =	vadd.f32 v17, v19  }
0x696: {  	v17 =	vld [tilespmem:s10+$0x10];
	v19 =	vor.u32 s16, v0  }
0x697: {  	v23 =	vld [tilespmem:s13+$0x50];
	v20 =	vadd.f32 v22, v20;
	[tilespmem:v57+s14+$0x0] =	vst.idx.msk $0xffff, v15  }
0x698: {  	v15 =	vld [tilespmem:s17+$0x20]  }
0x699: {  	s21 =	spop (v2sf);
	v22 =	vor.u32 s18, v1;
	v16 =	vadd.f32 v18, v16;
	[tilespmem:v14+s14+$0x0] =	vst.idx.msk $0xffff, v20;
	v14 =	vld [tilespmem:s7+$0x60]  }
0x69a: {  	(v2sf) =	vpush v4, $0xB;
	s22 =	spop (v2sf);
	v18 =	vld [tilespmem:s21+$0x0]  }
0x69b: {  	v58 =	vor.u32 s8, v2;
	(v2sf) =	vpush v6, $0xB;
	v20 =	vld [tilespmem:s22+$0x40];
	[tilespmem:v19+s14+$0x0] =	vst.idx.msk $0xffff, v16  }
0x69c: {  	s23 =	simm.s32 $0x27;
	v16 =	vadd.f32 v23, v17;
	v17 =	vld [tilespmem:s19+$0x10]  }
0x69d: {  	v19 =	vor.u32 s23, v0;
	v23 =	vld [tilespmem:s20+$0x50]  }
0x69e: {  	v59 =	vld [tilespmem:s31+$0x60];
	[tilespmem:v22+s14+$0x0] =	vst.idx.msk $0xffff, v16;
	v14 =	vadd.f32 v14, v15  }
0x69f: {  	v16 =	vor.u32 s16, v1;
	v22 =	vld [tilespmem:s13+$0x60]  }
0x6a0: {  	(v2sf) =	vpush v7, $0x4;
	v15 =	vld [tilespmem:s10+$0x20];
	v18 =	vadd.f32 v20, v18;
	[tilespmem:v58+s14+$0x0] =	vst.idx.msk $0xffff, v14  }
0x6a1: {  	(v2sf) =	vpush v8, $0x4;
	v14 =	vor.u32 s0, v2;
	v20 =	vld [tilespmem:s17+$0x30]  }
0x6a2: {  	v60 =	vor.u32 s18, v2;
	v17 =	vadd.f32 v23, v17;
	[tilespmem:v19+s14+$0x0] =	vst.idx.msk $0xffff, v18;
	v18 =	vld [tilespmem:s7+$0x70]  }
0x6a3: {  	v19 =	vld [tilespmem:s21+$0x10]  }
0x6a4: {  	v61 =	vor.u32 s8, v3;
	v21 =	vadd.f32 v59, v21;
	v23 =	vld [tilespmem:s22+$0x50];
	[tilespmem:v16+s14+$0x0] =	vst.idx.msk $0xffff, v17  }
0x6a5: {  	v15 =	vadd.f32 v22, v15;
	v16 =	vld [tilespmem:s19+$0x20]  }
0x6a6: {  	v17 =	vld [tilespmem:s20+$0x60];
	[tilespmem:v14+s14+$0x0] =	vst.idx.msk $0xffff, v21;
	v14 =	vor.u32 s23, v1  }
0x6a7: {  	(v2sf) =	vpush v12, $0xF;
	[tilespmem:v60+s14+$0x0] =	vst.idx.msk $0xffff, v15;
	v21 =	vld [tilespmem:s1+$0x30];
	v15 =	vadd.f32 v18, v20  }
0x6a8: {  	(v2sf) =	vpush v13, $0xF;
	v12 =	vld [tilespmem:s10+$0x30];
	v18 =	vor.u32 s16, v2  }
0x6a9: {  	s24 =	spop (v2sf);
	(v2sf) =	vpush v10, $0x1;
	v13 =	vld [tilespmem:s13+$0x70];
	v19 =	vadd.f32 v23, v19;
	[tilespmem:v61+s14+$0x0] =	vst.idx.msk $0xffff, v15  }
0x6aa: {  	s25 =	spop (v2sf);
	v15 =	vld [tilespmem:s24+$0x0]  }
0x6ab: {  	v20 =	vor.u32 s18, v3;
	v16 =	vadd.f32 v17, v16;
	[tilespmem:v14+s14+$0x0] =	vst.idx.msk $0xffff, v19;
	v14 =	vld [tilespmem:s25+$0x40]  }
0x6ac: {  	s26 =	simm.s32 $0x1B;
	v17 =	vld [tilespmem:s21+$0x20]  }
0x6ad: {  	v22 =	vor.u32 s26, v0;
	v19 =	vld [tilespmem:s22+$0x60];
	[tilespmem:v18+s14+$0x0] =	vst.idx.msk $0xffff, v16  }
0x6ae: {  	(v2sf) =	vpush v5, $0x8;
	v12 =	vadd.f32 v13, v12;
	v13 =	vld [tilespmem:s19+$0x30]  }
0x6af: {  	(v2sf) =	vpush v9, $0x8;
	s30 =	spop (v2sf);
	v16 =	vor.u32 s23, v2;
	v18 =	vld [tilespmem:s20+$0x70]  }
0x6b0: {  	(v2sf) =	vpush v11, $0x1;
	v23 =	vld [tilespmem:s31+$0x70];
	s31 =	spop (v2sf);
	[tilespmem:v20+s14+$0x0] =	vst.idx.msk $0xffff, v12;
	v12 =	vadd.f32 v14, v15  }
0x6b1: {  	v20 =	vld [tilespmem:s31+$0x40];
	v15 =	vor.u32 s16, v3  }
0x6b2: {  	v14 =	vld [tilespmem:s30+$0x0];
	v17 =	vadd.f32 v19, v17;
	[tilespmem:v22+s14+$0x0] =	vst.idx.msk $0xffff, v12  }
0x6b3: {  	s10 =	simm.s32 $0x34;
	v12 =	vor.u32 s0, v3;
	v19 =	vld [tilespmem:s24+$0x10]  }
0x6b4: {  	v22 =	vor.u32 s10, v0;
	v13 =	vadd.f32 v18, v13;
	[tilespmem:v16+s14+$0x0] =	vst.idx.msk $0xffff, v17;
	v16 =	vld [tilespmem:s25+$0x50]  }
0x6b5: {  	v17 =	vld [tilespmem:s21+$0x30]  }
0x6b6: {  	s5 =	spop (v2sf);
	v18 =	vadd.f32 v23, v21;
	v23 =	vor.u32 s26, v1;
	v21 =	vld [tilespmem:s22+$0x70];
	[tilespmem:v15+s14+$0x0] =	vst.idx.msk $0xffff, v13  }
0x6b7: {  	s4 =	spop (v2sf);
	v13 =	vadd.f32 v20, v14;
	v14 =	vld [tilespmem:s5+$0x0]  }
0x6b8: {  	s1 =	spop (v2sf);
	v15 =	vld [tilespmem:s4+$0x40];
	[tilespmem:v12+s14+$0x0] =	vst.idx.msk $0xffff, v18;
	v12 =	vor.u32 s23, v3  }
0x6b9: {  	[tilespmem:v22+s14+$0x0] =	vst.idx.msk $0xffff, v13;
	v18 =	vld [tilespmem:s1+$0x0];
	v13 =	vadd.f32 v16, v19  }
0x6ba: {  	s0 =	simm.s32 $0xF;
	v16 =	vld [tilespmem:s30+$0x10]  }
0x6bb: {  	v19 =	vor.u32 s0, v0;
	v20 =	vld [tilespmem:s31+$0x50];
	v17 =	vadd.f32 v21, v17;
	[tilespmem:v23+s14+$0x0] =	vst.idx.msk $0xffff, v13  }
0x6bc: {  	v13 =	vld [tilespmem:s24+$0x20]  }
0x6bd: {  	s7 =	spop (v2sf);
	v21 =	vor.u32 s10, v1;
	[tilespmem:v12+s14+$0x0] =	vst.idx.msk $0xffff, v17;
	v12 =	vld [tilespmem:s25+$0x60]  }
0x6be: {  	s8 =	spop (v2sf);
	v14 =	vadd.f32 v15, v14;
	v15 =	vld [tilespmem:s7+$0x0]  }
0x6bf: {  	(v2sf) =	vpush v4, $0xC;
	s6 =	spop (v2sf);
	v22 =	vor.u32 s26, v2;
	v17 =	vld [tilespmem:s8+$0x40]  }
0x6c0: {  	s9 =	simm.s32 $0x28;
	(v2sf) =	vpush v6, $0xC;
	v23 =	vld [tilespmem:s6+$0x40];
	[tilespmem:v19+s14+$0x0] =	vst.idx.msk $0xffff, v14;
	v14 =	vadd.f32 v20, v16  }
0x6c1: {  	v19 =	vor.u32 s9, v0;
	v16 =	vld [tilespmem:s5+$0x10]  }
0x6c2: {  	v20 =	vld [tilespmem:s4+$0x50];
	[tilespmem:v21+s14+$0x0] =	vst.idx.msk $0xffff, v14;
	v12 =	vadd.f32 v12, v13  }
0x6c3: {  	v21 =	vld [tilespmem:s31+$0x60]  }
0x6c4: {  	s3 =	simm.s32 $0x41;
	v14 =	vor.u32 s0, v1;
	v13 =	vld [tilespmem:s30+$0x20];
	v15 =	vadd.f32 v17, v15;
	[tilespmem:v22+s14+$0x0] =	vst.idx.msk $0xffff, v12  }
0x6c5: {  	v17 =	vor.u32 s3, v0;
	v22 =	vld [tilespmem:s24+$0x30]  }
0x6c6: {  	v62 =	vor.u32 s10, v2;
	(v2sf) =	vpush v7, $0x5;
	[tilespmem:v19+s14+$0x0] =	vst.idx.msk $0xffff, v15;
	v19 =	vld [tilespmem:s25+$0x70]  }
0x6c7: {  	(v2sf) =	vpush v8, $0x5;
	v12 =	vadd.f32 v20, v16  }
0x6c8: {  	v63 =	vor.u32 s26, v3;
	v15 =	vadd.f32 v23, v18;
	v20 =	vld [tilespmem:s7+$0x10]  }
0x6c9: {  	v23 =	vld [tilespmem:s8+$0x50];
	[tilespmem:v14+s14+$0x0] =	vst.idx.msk $0xffff, v12;
	v14 =	vadd.f32 v21, v13  }
0x6ca: {  	v12 =	vld [tilespmem:s5+$0x20];
	[tilespmem:v17+s14+$0x0] =	vst.idx.msk $0xffff, v15  }
0x6cb: {  	v13 =	vld [tilespmem:s4+$0x60];
	[tilespmem:v62+s14+$0x0] =	vst.idx.msk $0xffff, v14;
	v14 =	vadd.f32 v19, v22  }
0x6cc: {  	v15 =	vld [tilespmem:s1+$0x10];
	v19 =	vor.u32 s9, v1  }
0x6cd: {  	s2 =	simm.s32 $0x5F;
	v16 =	vld [tilespmem:s30+$0x30];
	[tilespmem:v63+s14+$0x0] =	vst.idx.msk $0xffff, v14;
	v14 =	vor.u32 s0, v2  }
0x6ce: {  	s23 =	simm.s32 $0x1F;
	s26 =	simm.s32 $0x2F;
	s11 =	spop (v2sf);
	v18 =	vld [tilespmem:s31+$0x70]  }
0x6cf: {  	s12 =	spop (v2sf);
	s24 =	simm.s32 $0x3F;
	s25 =	simm.s32 $0x4F;
	v20 =	vadd.f32 v23, v20;
	v17 =	vld [tilespmem:s11+$0x0]  }
.LBB2_7:
0x6d0: {  	p1 =	sne.s32 s2, $0x7F;
	v21 =	vor.u32 s10, v3;
	v22 =	vld [tilespmem:s12+$0x40];
	v12 =	vadd.f32 v13, v12  }
0x6d1: {  	s10 =	sadd.s32 $0xFFFFFFFD, s23;
	v13 =	vld [tilespmem:s6+$0x50];
	[tilespmem:v19+s14+$0x0] =	vst.idx.msk $0xffff, v20  }
0x6d2: {  	v20 =	vor.u32 s10, v0;
	v19 =	vld [tilespmem:s7+$0x20];
	[tilespmem:v14+s14+$0x0] =	vst.idx.msk $0xffff, v12  }
0x6d3: {  	v12 =	vadd.f32 v18, v16;
	v14 =	vld [tilespmem:s5+$0x30]  }
0x6d4: {  	v16 =	vld [tilespmem:s4+$0x70]  }
0x6d5: {  	v18 =	vor.u32 s3, v1;
	[tilespmem:v21+s14+$0x0] =	vst.idx.msk $0xffff, v12;
	s4 =	spop (v2sf);
	v12 =	vld [tilespmem:s8+$0x60];
	v17 =	vadd.f32 v22, v17  }
0x6d6: {  	v22 =	vor.u32 s0, v3;
	s0 =	smov.u32 s23;
	s23 =	smov.u32 s26;
	v21 =	vld [tilespmem:s4+$0x0];
	s5 =	spop (v2sf);
	(v2sf) =	vpush v5, $0x9  }
0x6d7: {  	v24 =	vor.u32 s9, v2;
	s26 =	smov.u32 s24;
	s24 =	smov.u32 s25;
	s25 =	smov.u32 s2;
	v23 =	vld [tilespmem:s5+$0x40];
	(v2sf) =	vpush v9, $0x9;
	[tilespmem:v20+s14+$0x0] =	vst.idx.msk $0xffff, v17  }
0x6d8: {  	v13 =	vadd.f32 v13, v15;
	s13 =	sadd.s32 $0xFFFFFFF6, s26;
	v15 =	vld [tilespmem:s11+$0x10]  }
0x6d9: {  	s28 =	sadd.s32 $0x10, s28;
	v17 =	vor.u32 s13, v0;
	v20 =	vld [tilespmem:s12+$0x50];
	v14 =	vadd.f32 v16, v14  }
0x6da: {  	v16 =	vld [tilespmem:s28+$0x0];
	[tilespmem:v18+s14+$0x0] =	vst.idx.msk $0xffff, v13;
	v12 =	vadd.f32 v12, v19  }
0x6db: {  	v18 =	vor.u32 s10, v1;
	v13 =	vld [tilespmem:s1+$0x20];
	[tilespmem:v22+s14+$0x0] =	vst.idx.msk $0xffff, v14  }
0x6dc: {  	v14 =	vld [tilespmem:s6+$0x60];
	v19 =	vadd.f32 v23, v21;
	[tilespmem:v24+s14+$0x0] =	vst.idx.msk $0xffff, v12  }
0x6dd: {  	(v2sf) =	vpush v10, $0x2;
	v12 =	vld [tilespmem:s7+$0x30]  }
0x6de: {  	v21 =	vor.u32 s3, v2;
	(v2sf) =	vpush v11, $0x2;
	[tilespmem:v17+s14+$0x0] =	vst.idx.msk $0xffff, v19;
	v17 =	vld [tilespmem:s8+$0x70];
	v15 =	vadd.f32 v20, v15  }
0x6df: {  	v19 =	vld [tilespmem:s4+$0x10]  }
0x6e0: {  	v22 =	vor.u32 s9, v3;
	v20 =	vld [tilespmem:s5+$0x50];
	[tilespmem:v18+s14+$0x0] =	vst.idx.msk $0xffff, v15  }
0x6e1: {  	vm0 =	vgt.s32 v16, $0x0;
	v13 =	vadd.f32 v14, v13;
	v14 =	vld [tilespmem:s11+$0x20]  }
0x6e2: {  	s29 =	sadd.s32 $0x10, s29;
	v15 =	vnsel vm0, $0x0, v16;
	v16 =	vor.u32 s13, v1;
	v18 =	vld [tilespmem:s12+$0x60]  }
0x6e3: {  	v15 =	vmin.u32 v15, $0x200;
	v23 =	vld [tilespmem:s29+$0x0];
	[tilespmem:v21+s14+$0x0] =	vst.idx.msk $0xffff, v13;
	v13 =	vadd.f32 v17, v12;
	(v2sf) =	vpush v4, $0xD  }
0x6e4: {  	v12 =	vshll.u32 v15, $0x7;
	v17 =	vor.u32 s10, v2;
	v15 =	vld [tilespmem:s1+$0x30];
	(v2sf) =	vpush v6, $0xD  }
0x6e5: {  	(v2sf) =	vpush v12, $0x0;
	v21 =	vld [tilespmem:s6+$0x70];
	v19 =	vadd.f32 v20, v19;
	[tilespmem:v22+s14+$0x0] =	vst.idx.msk $0xffff, v13;
	s8 =	spop (v2sf)  }
0x6e6: {  	v13 =	vld [tilespmem:s8+$0x0];
	s6 =	spop (v2sf)  }
0x6e7: {  	v20 =	vor.u32 s3, v3;
	[tilespmem:v16+s14+$0x0] =	vst.idx.msk $0xffff, v19;
	v16 =	vld [tilespmem:s6+$0x40];
	v14 =	vadd.f32 v18, v14  }
0x6e8: {  	s7 =	sadd.s32 $0xFFFFFFFA, s23;
	v18 =	vld [tilespmem:s4+$0x20]  }
0x6e9: {  	v22 =	vor.u32 s7, v0;
	v19 =	vld [tilespmem:s5+$0x60];
	[tilespmem:v17+s14+$0x0] =	vst.idx.msk $0xffff, v14  }
0x6ea: {  	vm0 =	vgt.s32 v23, $0x0;
	v14 =	vadd.f32 v21, v15;
	(v2sf) =	vpush v7, $0x6;
	v15 =	vld [tilespmem:s11+$0x30]  }
0x6eb: {  	v17 =	vnsel vm0, $0x0, v23;
	v21 =	vor.u32 s13, v2;
	(v2sf) =	vpush v8, $0x6;
	v23 =	vld [tilespmem:s12+$0x70]  }
0x6ec: {  	v17 =	vmin.u32 v17, $0x200;
	[tilespmem:v20+s14+$0x0] =	vst.idx.msk $0xffff, v14;
	s11 =	spop (v2sf);
	v14 =	vadd.f32 v16, v13  }
0x6ed: {  	v13 =	vshll.u32 v17, $0x7;
	v17 =	vor.u32 s10, v3;
	v16 =	vld [tilespmem:s11+$0x0];
	s15 =	spop (v2sf)  }
0x6ee: {  	(v2sf) =	vpush v13, $0x0;
	v20 =	vld [tilespmem:s15+$0x40];
	v18 =	vadd.f32 v19, v18;
	[tilespmem:v22+s14+$0x0] =	vst.idx.msk $0xffff, v14  }
0x6ef: {  	s18 =	sadd.s32 $0xFFFFFFF3, s24;
	v14 =	vld [tilespmem:s8+$0x10]  }
0x6f0: {  	v19 =	vor.u32 s18, v0;
	[tilespmem:v21+s14+$0x0] =	vst.idx.msk $0xffff, v18;
	v18 =	vld [tilespmem:s6+$0x50];
	v15 =	vadd.f32 v23, v15  }
0x6f1: {  	v21 =	vld [tilespmem:s4+$0x30]  }
0x6f2: {  	v23 =	vor.u32 s7, v1;
	v22 =	vld [tilespmem:s5+$0x70];
	[tilespmem:v17+s14+$0x0] =	vst.idx.msk $0xffff, v15;
	s12 =	spop (v2sf)  }
0x6f3: {  	v15 =	vadd.f32 v20, v16;
	v16 =	vld [tilespmem:s12+$0x0];
	s16 =	spop (v2sf)  }
0x6f4: {  	v17 =	vor.u32 s13, v3;
	s4 =	spop (v2sf);
	v20 =	vld [tilespmem:s16+$0x40]  }
0x6f5: {  	s17 =	sadd.s32 $0xFFFFFFFE, s0;
	v24 =	vld [tilespmem:s4+$0x0];
	[tilespmem:v19+s14+$0x0] =	vst.idx.msk $0xffff, v15;
	v14 =	vadd.f32 v18, v14  }
0x6f6: {  	v18 =	vor.u32 s17, v0;
	v15 =	vld [tilespmem:s11+$0x10]  }
0x6f7: {  	v19 =	vld [tilespmem:s15+$0x50];
	v21 =	vadd.f32 v22, v21;
	[tilespmem:v23+s14+$0x0] =	vst.idx.msk $0xffff, v14  }
0x6f8: {  	v14 =	vld [tilespmem:s8+$0x20]  }
0x6f9: {  	v22 =	vor.u32 s18, v1;
	[tilespmem:v17+s14+$0x0] =	vst.idx.msk $0xffff, v21;
	s5 =	spop (v2sf);
	v17 =	vld [tilespmem:s6+$0x60];
	v16 =	vadd.f32 v20, v16  }
0x6fa: {  	v20 =	vld [tilespmem:s5+$0x0];
	s10 =	spop (v2sf);
	(v2sf) =	vpush v5, $0xA  }
0x6fb: {  	v23 =	vor.u32 s7, v2;
	v21 =	vld [tilespmem:s10+$0x40];
	(v2sf) =	vpush v9, $0xA;
	[tilespmem:v18+s14+$0x0] =	vst.idx.msk $0xffff, v16  }
0x6fc: {  	s9 =	sadd.s32 $0xFFFFFFF7, s26;
	v15 =	vadd.f32 v19, v15;
	v16 =	vld [tilespmem:s12+$0x10]  }
0x6fd: {  	v18 =	vor.u32 s9, v0;
	s3 =	spop (v2sf);
	v19 =	vld [tilespmem:s16+$0x50]  }
0x6fe: {  	v25 =	vld [tilespmem:s3+$0x40];
	[tilespmem:v22+s14+$0x0] =	vst.idx.msk $0xffff, v15;
	v14 =	vadd.f32 v17, v14  }
0x6ff: {  	v17 =	vor.u32 s17, v1;
	v15 =	vld [tilespmem:s11+$0x20]  }
0x700: {  	s1 =	sadd.s32 $0xFFFFFFF1, s2;
	v22 =	vld [tilespmem:s15+$0x60];
	v20 =	vadd.f32 v21, v20;
	[tilespmem:v23+s14+$0x0] =	vst.idx.msk $0xffff, v14  }
0x701: {  	v14 =	vor.u32 s1, v0;
	(v2sf) =	vpush v10, $0x3;
	v21 =	vld [tilespmem:s8+$0x30]  }
0x702: {  	v23 =	vor.u32 s18, v2;
	(v2sf) =	vpush v11, $0x3;
	[tilespmem:v18+s14+$0x0] =	vst.idx.msk $0xffff, v20;
	v18 =	vld [tilespmem:s6+$0x70];
	v16 =	vadd.f32 v19, v16  }
0x703: {  	v19 =	vld [tilespmem:s5+$0x10]  }
0x704: {  	v20 =	vadd.f32 v25, v24;
	v25 =	vor.u32 s7, v3;
	v24 =	vld [tilespmem:s10+$0x50];
	[tilespmem:v17+s14+$0x0] =	vst.idx.msk $0xffff, v16  }
0x705: {  	v15 =	vadd.f32 v22, v15;
	v16 =	vld [tilespmem:s12+$0x20]  }
0x706: {  	[tilespmem:v14+s14+$0x0] =	vst.idx.msk $0xffff, v20;
	v14 =	vor.u32 s9, v1;
	v17 =	vld [tilespmem:s16+$0x60]  }
0x707: {  	v20 =	vld [tilespmem:s4+$0x10];
	[tilespmem:v23+s14+$0x0] =	vst.idx.msk $0xffff, v15;
	v15 =	vadd.f32 v18, v21;
	(v2sf) =	vpush v4, $0xE  }
0x708: {  	v21 =	vor.u32 s17, v2;
	v18 =	vld [tilespmem:s11+$0x30];
	(v2sf) =	vpush v6, $0xE  }
0x709: {  	v22 =	vld [tilespmem:s15+$0x70];
	v19 =	vadd.f32 v24, v19;
	[tilespmem:v25+s14+$0x0] =	vst.idx.msk $0xffff, v15;
	s19 =	spop (v2sf)  }
0x70a: {  	v15 =	vld [tilespmem:s19+$0x0];
	s15 =	spop (v2sf)  }
0x70b: {  	v23 =	vor.u32 s18, v3;
	[tilespmem:v14+s14+$0x0] =	vst.idx.msk $0xffff, v19;
	v14 =	vld [tilespmem:s15+$0x40];
	v16 =	vadd.f32 v17, v16  }
0x70c: {  	s18 =	sadd.s32 $0xFFFFFFFB, s23;
	v17 =	vld [tilespmem:s5+$0x20]  }
0x70d: {  	v24 =	vor.u32 s18, v0;
	v19 =	vld [tilespmem:s10+$0x60];
	[tilespmem:v21+s14+$0x0] =	vst.idx.msk $0xffff, v16  }
0x70e: {  	v16 =	vadd.f32 v22, v18;
	(v2sf) =	vpush v7, $0x7;
	v18 =	vld [tilespmem:s12+$0x30]  }
0x70f: {  	v21 =	vor.u32 s9, v2;
	(v2sf) =	vpush v8, $0x7;
	v22 =	vld [tilespmem:s16+$0x70]  }
0x710: {  	v25 =	vld [tilespmem:s3+$0x50];
	[tilespmem:v23+s14+$0x0] =	vst.idx.msk $0xffff, v16;
	s13 =	spop (v2sf);
	v14 =	vadd.f32 v14, v15  }
0x711: {  	v16 =	vor.u32 s17, v3;
	v15 =	vld [tilespmem:s13+$0x0];
	s12 =	spop (v2sf)  }
0x712: {  	v23 =	vld [tilespmem:s12+$0x40];
	v17 =	vadd.f32 v19, v17;
	[tilespmem:v24+s14+$0x0] =	vst.idx.msk $0xffff, v14  }
0x713: {  	s8 =	sadd.s32 $0xFFFFFFF4, s24;
	v14 =	vor.u32 s1, v1;
	v19 =	vld [tilespmem:s19+$0x10]  }
0x714: {  	v24 =	vor.u32 s8, v0;
	[tilespmem:v21+s14+$0x0] =	vst.idx.msk $0xffff, v17;
	v17 =	vld [tilespmem:s15+$0x50];
	v18 =	vadd.f32 v22, v18  }
0x715: {  	v21 =	vld [tilespmem:s5+$0x30]  }
0x716: {  	v20 =	vadd.f32 v25, v20;
	v25 =	vor.u32 s18, v1;
	v22 =	vld [tilespmem:s10+$0x70];
	[tilespmem:v16+s14+$0x0] =	vst.idx.msk $0xffff, v18;
	s10 =	spop (v2sf)  }
0x717: {  	v15 =	vadd.f32 v23, v15;
	v16 =	vld [tilespmem:s10+$0x0];
	s11 =	spop (v2sf)  }
0x718: {  	[tilespmem:v14+s14+$0x0] =	vst.idx.msk $0xffff, v20;
	v14 =	vor.u32 s9, v3;
	v18 =	vld [tilespmem:s11+$0x40]  }
0x719: {  	s9 =	sadd.s32 $0xFFFFFFFF, s0;
	v20 =	vld [tilespmem:s4+$0x20];
	[tilespmem:v24+s14+$0x0] =	vst.idx.msk $0xffff, v15;
	v15 =	vadd.f32 v17, v19  }
0x71a: {  	v19 =	vor.u32 s9, v0;
	v17 =	vld [tilespmem:s13+$0x10]  }
0x71b: {  	v23 =	vld [tilespmem:s12+$0x50];
	v21 =	vadd.f32 v22, v21;
	[tilespmem:v25+s14+$0x0] =	vst.idx.msk $0xffff, v15  }
0x71c: {  	v15 =	vld [tilespmem:s19+$0x20]  }
0x71d: {  	v22 =	vor.u32 s8, v1;
	[tilespmem:v14+s14+$0x0] =	vst.idx.msk $0xffff, v21;
	s5 =	spop (v2sf);
	v14 =	vld [tilespmem:s15+$0x60];
	v16 =	vadd.f32 v18, v16  }
0x71e: {  	v18 =	vld [tilespmem:s5+$0x0];
	s7 =	spop (v2sf);
	(v2sf) =	vpush v5, $0xB  }
0x71f: {  	v24 =	vor.u32 s18, v2;
	v21 =	vld [tilespmem:s7+$0x40];
	(v2sf) =	vpush v9, $0xB;
	[tilespmem:v19+s14+$0x0] =	vst.idx.msk $0xffff, v16  }
0x720: {  	s6 =	sadd.s32 $0xFFFFFFF8, s26;
	v16 =	vadd.f32 v23, v17;
	v17 =	vld [tilespmem:s10+$0x10]  }
0x721: {  	v19 =	vor.u32 s6, v0;
	v23 =	vld [tilespmem:s11+$0x50]  }
0x722: {  	v25 =	vld [tilespmem:s3+$0x60];
	[tilespmem:v22+s14+$0x0] =	vst.idx.msk $0xffff, v16;
	v14 =	vadd.f32 v14, v15  }
0x723: {  	v16 =	vor.u32 s9, v1;
	v15 =	vld [tilespmem:s13+$0x20]  }
0x724: {  	v22 =	vld [tilespmem:s12+$0x60];
	v18 =	vadd.f32 v21, v18;
	[tilespmem:v24+s14+$0x0] =	vst.idx.msk $0xffff, v14  }
0x725: {  	v14 =	vor.u32 s1, v2;
	(v2sf) =	vpush v10, $0x4;
	v21 =	vld [tilespmem:s19+$0x30]  }
0x726: {  	v24 =	vor.u32 s8, v2;
	(v2sf) =	vpush v11, $0x4;
	[tilespmem:v19+s14+$0x0] =	vst.idx.msk $0xffff, v18;
	v18 =	vld [tilespmem:s15+$0x70];
	v17 =	vadd.f32 v23, v17  }
0x727: {  	v19 =	vld [tilespmem:s5+$0x10]  }
0x728: {  	v20 =	vadd.f32 v25, v20;
	v25 =	vor.u32 s18, v3;
	v23 =	vld [tilespmem:s7+$0x50];
	[tilespmem:v16+s14+$0x0] =	vst.idx.msk $0xffff, v17  }
0x729: {  	v15 =	vadd.f32 v22, v15;
	v16 =	vld [tilespmem:s10+$0x20]  }
0x72a: {  	[tilespmem:v14+s14+$0x0] =	vst.idx.msk $0xffff, v20;
	v14 =	vor.u32 s6, v1;
	v17 =	vld [tilespmem:s11+$0x60]  }
0x72b: {  	v20 =	vld [tilespmem:s4+$0x30];
	[tilespmem:v24+s14+$0x0] =	vst.idx.msk $0xffff, v15;
	v15 =	vadd.f32 v18, v21;
	(v2sf) =	vpush v4, $0xF;
	v4 =	vmovc v5;
	v5 =	vmov v7  }
0x72c: {  	v21 =	vor.u32 s9, v2;
	v7 =	vmovc v10;
	v10 =	vmovc v12;
	v18 =	vld [tilespmem:s13+$0x30];
	(v2sf) =	vpush v6, $0xF;
	v6 =	vmov v9  }
0x72d: {  	v9 =	vmovc v8;
	v8 =	vmov v11;
	(v2sf) =	vpush v10, $0x1;
	v12 =	vld [tilespmem:s12+$0x70];
	v19 =	vadd.f32 v23, v19;
	[tilespmem:v25+s14+$0x0] =	vst.idx.msk $0xffff, v15;
	s12 =	spop (v2sf)  }
0x72e: {  	v11 =	vmov v13;
	v15 =	vld [tilespmem:s12+$0x0];
	s13 =	spop (v2sf)  }
0x72f: {  	v13 =	vor.u32 s8, v3;
	[tilespmem:v14+s14+$0x0] =	vst.idx.msk $0xffff, v19;
	v14 =	vld [tilespmem:s13+$0x40];
	v16 =	vadd.f32 v17, v16  }
0x730: {  	s15 =	sadd.s32 $0xFFFFFFFC, s23;
	v17 =	vld [tilespmem:s5+$0x20]  }
0x731: {  	v22 =	vor.u32 s15, v0;
	v19 =	vld [tilespmem:s7+$0x60];
	[tilespmem:v21+s14+$0x0] =	vst.idx.msk $0xffff, v16  }
0x732: {  	v12 =	vadd.f32 v12, v18;
	(v2sf) =	vpush v5, $0x8;
	v16 =	vld [tilespmem:s10+$0x30]  }
0x733: {  	v18 =	vor.u32 s6, v2;
	(v2sf) =	vpush v9, $0x8;
	v21 =	vld [tilespmem:s11+$0x70]  }
0x734: {  	v23 =	vld [tilespmem:s3+$0x70];
	[tilespmem:v13+s14+$0x0] =	vst.idx.msk $0xffff, v12;
	s11 =	spop (v2sf);
	v12 =	vadd.f32 v14, v15  }
0x735: {  	v14 =	vor.u32 s9, v3;
	v13 =	vld [tilespmem:s11+$0x0];
	s16 =	spop (v2sf)  }
0x736: {  	(v2sf) =	vpush v11, $0x1;
	v15 =	vld [tilespmem:s16+$0x40];
	v17 =	vadd.f32 v19, v17;
	[tilespmem:v22+s14+$0x0] =	vst.idx.msk $0xffff, v12  }
0x737: {  	s10 =	sadd.s32 $0xFFFFFFF5, s24;
	v12 =	vor.u32 s1, v3;
	v19 =	vld [tilespmem:s12+$0x10]  }
0x738: {  	v22 =	vor.u32 s10, v0;
	[tilespmem:v18+s14+$0x0] =	vst.idx.msk $0xffff, v17;
	v17 =	vld [tilespmem:s13+$0x50];
	v16 =	vadd.f32 v21, v16  }
0x739: {  	v18 =	vld [tilespmem:s5+$0x30]  }
0x73a: {  	v20 =	vadd.f32 v23, v20;
	v23 =	vor.u32 s15, v1;
	v21 =	vld [tilespmem:s7+$0x70];
	[tilespmem:v14+s14+$0x0] =	vst.idx.msk $0xffff, v16;
	s5 =	spop (v2sf)  }
0x73b: {  	v13 =	vadd.f32 v15, v13;
	v14 =	vld [tilespmem:s5+$0x0];
	s4 =	spop (v2sf)  }
0x73c: {  	[tilespmem:v12+s14+$0x0] =	vst.idx.msk $0xffff, v20;
	s1 =	spop (v2sf);
	v12 =	vor.u32 s6, v3;
	v15 =	vld [tilespmem:s4+$0x40]  }
0x73d: {  	v16 =	vld [tilespmem:s1+$0x0];
	[tilespmem:v22+s14+$0x0] =	vst.idx.msk $0xffff, v13;
	v13 =	vadd.f32 v17, v19  }
0x73e: {  	v19 =	vor.u32 s0, v0;
	v17 =	vld [tilespmem:s11+$0x10]  }
0x73f: {  	v20 =	vld [tilespmem:s16+$0x50];
	v18 =	vadd.f32 v21, v18;
	[tilespmem:v23+s14+$0x0] =	vst.idx.msk $0xffff, v13  }
0x740: {  	v13 =	vld [tilespmem:s12+$0x20]  }
0x741: {  	v21 =	vor.u32 s10, v1;
	[tilespmem:v12+s14+$0x0] =	vst.idx.msk $0xffff, v18;
	s7 =	spop (v2sf);
	v12 =	vld [tilespmem:s13+$0x60];
	v14 =	vadd.f32 v15, v14  }
0x742: {  	v15 =	vld [tilespmem:s7+$0x0];
	s8 =	spop (v2sf);
	(v2sf) =	vpush v4, $0xC  }
0x743: {  	v22 =	vor.u32 s15, v2;
	v18 =	vld [tilespmem:s8+$0x40];
	(v2sf) =	vpush v6, $0xC;
	[tilespmem:v19+s14+$0x0] =	vst.idx.msk $0xffff, v14  }
0x744: {  	s9 =	sadd.s32 $0xFFFFFFF9, s26;
	v14 =	vadd.f32 v20, v17;
	v17 =	vld [tilespmem:s5+$0x10]  }
0x745: {  	v19 =	vor.u32 s9, v0;
	s6 =	spop (v2sf);
	v20 =	vld [tilespmem:s4+$0x50]  }
0x746: {  	v23 =	vld [tilespmem:s6+$0x40];
	[tilespmem:v21+s14+$0x0] =	vst.idx.msk $0xffff, v14;
	v12 =	vadd.f32 v12, v13  }
0x747: {  	v14 =	vor.u32 s0, v1;
	v13 =	vld [tilespmem:s11+$0x20]  }
0x748: {  	s3 =	sadd.s32 $0xFFFFFFF2, s2;
	v21 =	vld [tilespmem:s16+$0x60];
	v15 =	vadd.f32 v18, v15;
	[tilespmem:v22+s14+$0x0] =	vst.idx.msk $0xffff, v12  }
0x749: {  	v18 =	vor.u32 s3, v0;
	(v2sf) =	vpush v7, $0x5;
	v22 =	vld [tilespmem:s12+$0x30]  }
0x74a: {  	v24 =	vor.u32 s10, v2;
	(v2sf) =	vpush v8, $0x5;
	[tilespmem:v19+s14+$0x0] =	vst.idx.msk $0xffff, v15;
	v25 =	vld [tilespmem:s13+$0x70];
	v12 =	vadd.f32 v20, v17  }
0x74b: {  	v17 =	vld [tilespmem:s7+$0x10]  }
0x74c: {  	v15 =	vadd.f32 v23, v16;
	v23 =	vor.u32 s15, v3;
	v20 =	vld [tilespmem:s8+$0x50];
	[tilespmem:v14+s14+$0x0] =	vst.idx.msk $0xffff, v12  }
0x74d: {  	v14 =	vadd.f32 v21, v13;
	v12 =	vld [tilespmem:s5+$0x20]  }
.Ltmp5:
0x74e: {  	[tilespmem:v18+s14+$0x0] =	vst.idx.msk $0xffff, v15;
	v13 =	vld [tilespmem:s4+$0x60];
	(pc) =	sbr.rel @p1 .LBB2_7-.Ltmp5, $4  }
0x74f: {  	v19 =	vor.u32 s9, v1;
	v15 =	vld [tilespmem:s1+$0x10];
	[tilespmem:v24+s14+$0x0] =	vst.idx.msk $0xffff, v14;
	v21 =	vadd.f32 v25, v22  }
0x750: {  	v14 =	vor.u32 s0, v2;
	v16 =	vld [tilespmem:s11+$0x30]  }
0x751: {  	v18 =	vld [tilespmem:s16+$0x70];
	[tilespmem:v23+s14+$0x0] =	vst.idx.msk $0xffff, v21;
	s11 =	spop (v2sf)  }
0x752: {  	s2 =	sadd.s32 $0x10, s2;
	v20 =	vadd.f32 v20, v17;
	v17 =	vld [tilespmem:s11+$0x0];
	s12 =	spop (v2sf)  }
0x753: {  	_ = 	snop  }
0x754: {  	v21 =	vor.u32 s10, v3;
	v22 =	vld [tilespmem:s12+$0x40]  }
0x755: {  	s13 =	sadd.s32 $0xFFFFFFFD, s23  }
0x756: {  	v24 =	vor.u32 s13, v0  }
0x757: {  	v23 =	vld [tilespmem:s6+$0x50];
	[tilespmem:v19+s14+$0x0] =	vst.idx.msk $0xffff, v20;
	v16 =	vadd.f32 v18, v16  }
0x758: {  	v29 =	vld [tilespmem:s7+$0x20]  }
0x759: {  	v30 =	vor.u32 s3, v1;
	v31 =	vld [tilespmem:s8+$0x60];
	[tilespmem:v21+s14+$0x0] =	vst.idx.msk $0xffff, v16;
	s18 =	spop (v2sf);
	v17 =	vadd.f32 v22, v17  }
0x75a: {  	(v2sf) =	vpush v5, $0x9;
	v32 =	vld [tilespmem:s18+$0x0];
	s15 =	spop (v2sf)  }
0x75b: {  	v33 =	vor.u32 s9, v2;
	(v2sf) =	vpush v9, $0x9;
	v21 =	vld [tilespmem:s15+$0x40];
	[tilespmem:v24+s14+$0x0] =	vst.idx.msk $0xffff, v17  }
0x75c: {  	s16 =	sadd.s32 $0xFFFFFFF6, s24;
	v15 =	vadd.f32 v23, v15;
	v17 =	vld [tilespmem:s11+$0x10]  }
0x75d: {  	v34 =	vor.u32 s16, v0;
	v24 =	vld [tilespmem:s12+$0x50]  }
0x75e: {  	[tilespmem:v30+s14+$0x0] =	vst.idx.msk $0xffff, v15;
	v35 =	vadd.f32 v31, v29  }
0x75f: {  	v37 =	vor.u32 s13, v1;
	v36 =	vld [tilespmem:s1+$0x20]  }
0x760: {  	v19 =	vld [tilespmem:s6+$0x60];
	[tilespmem:v33+s14+$0x0] =	vst.idx.msk $0xffff, v35;
	v20 =	vadd.f32 v21, v32  }
0x761: {  	(v2sf) =	vpush v10, $0x2;
	v15 =	vld [tilespmem:s7+$0x30]  }
0x762: {  	v38 =	vor.u32 s3, v2;
	(v2sf) =	vpush v11, $0x2;
	v39 =	vld [tilespmem:s8+$0x70];
	v17 =	vadd.f32 v24, v17;
	[tilespmem:v34+s14+$0x0] =	vst.idx.msk $0xffff, v20  }
0x763: {  	v40 =	vld [tilespmem:s18+$0x10]  }
0x764: {  	v41 =	vor.u32 s9, v3;
	v23 =	vld [tilespmem:s15+$0x50];
	[tilespmem:v37+s14+$0x0] =	vst.idx.msk $0xffff, v17  }
0x765: {  	v16 =	vadd.f32 v19, v36;
	v17 =	vld [tilespmem:s11+$0x20]  }
0x766: {  	v42 =	vor.u32 s16, v1;
	v43 =	vld [tilespmem:s12+$0x60]  }
0x767: {  	(v2sf) =	vpush v4, $0xD;
	[tilespmem:v38+s14+$0x0] =	vst.idx.msk $0xffff, v16;
	v15 =	vadd.f32 v39, v15  }
0x768: {  	v44 =	vor.u32 s13, v2;
	(v2sf) =	vpush v6, $0xD;
	v16 =	vld [tilespmem:s1+$0x30]  }
0x769: {  	s19 =	spop (v2sf);
	v21 =	vld [tilespmem:s6+$0x70];
	[tilespmem:v41+s14+$0x0] =	vst.idx.msk $0xffff, v15;
	v22 =	vadd.f32 v23, v40  }
0x76a: {  	s2 =	spop (v2sf);
	v15 =	vld [tilespmem:s19+$0x0]  }
0x76b: {  	v45 =	vor.u32 s3, v3;
	v46 =	vld [tilespmem:s2+$0x40];
	v17 =	vadd.f32 v43, v17;
	[tilespmem:v42+s14+$0x0] =	vst.idx.msk $0xffff, v22  }
0x76c: {  	s17 =	sadd.s32 $0xFFFFFFFA, s26;
	v47 =	vld [tilespmem:s18+$0x20]  }
0x76d: {  	v48 =	vor.u32 s17, v0;
	v22 =	vld [tilespmem:s15+$0x60];
	[tilespmem:v44+s14+$0x0] =	vst.idx.msk $0xffff, v17  }
0x76e: {  	v16 =	vadd.f32 v21, v16;
	v17 =	vld [tilespmem:s11+$0x30]  }
0x76f: {  	v49 =	vor.u32 s16, v2;
	(v2sf) =	vpush v7, $0x6;
	v20 =	vld [tilespmem:s12+$0x70]  }
0x770: {  	(v2sf) =	vpush v8, $0x6;
	s20 =	spop (v2sf);
	[tilespmem:v45+s14+$0x0] =	vst.idx.msk $0xffff, v16;
	v15 =	vadd.f32 v46, v15  }
0x771: {  	v50 =	vor.u32 s13, v3;
	s21 =	spop (v2sf);
	v16 =	vld [tilespmem:s20+$0x0]  }
0x772: {  	v51 =	vld [tilespmem:s21+$0x40];
	[tilespmem:v48+s14+$0x0] =	vst.idx.msk $0xffff, v15;
	v19 =	vadd.f32 v22, v47  }
0x773: {  	s22 =	sadd.s32 $0xFFFFFFF3, s25;
	v15 =	vld [tilespmem:s19+$0x10]  }
0x774: {  	v53 =	vor.u32 s22, v0;
	v54 =	vld [tilespmem:s2+$0x50];
	v17 =	vadd.f32 v20, v17;
	[tilespmem:v49+s14+$0x0] =	vst.idx.msk $0xffff, v19  }
0x775: {  	v19 =	vld [tilespmem:s18+$0x30]  }
0x776: {  	v12 =	vadd.f32 v13, v12;
	s28 =	spop (v2sf);
	v55 =	vld [tilespmem:s15+$0x70];
	[tilespmem:v50+s14+$0x0] =	vst.idx.msk $0xffff, v17  }
0x777: {  	v56 =	vor.u32 s17, v1;
	s29 =	spop (v2sf);
	v57 =	vadd.f32 v51, v16;
	v58 =	vld [tilespmem:s28+$0x0]  }
0x778: {  	[tilespmem:v14+s14+$0x0] =	vst.idx.msk $0xffff, v12;
	v17 =	vld [tilespmem:s29+$0x40]  }
0x779: {  	s30 =	sadd.s32 $0xFFFFFFFE, s23;
	v59 =	vor.u32 s16, v3;
	v52 =	vld [tilespmem:s5+$0x30];
	[tilespmem:v53+s14+$0x0] =	vst.idx.msk $0xffff, v57  }
0x77a: {  	v62 =	vor.u32 s30, v0;
	v60 =	vadd.f32 v54, v15;
	v61 =	vld [tilespmem:s20+$0x10];
	[dreg:$0x13] =	wrdreg s30  }
0x77b: {  	v21 =	vld [tilespmem:s21+$0x50]  }
0x77c: {  	v63 =	vld [tilespmem:s4+$0x70];
	[tilespmem:v56+s14+$0x0] =	vst.idx.msk $0xffff, v60;
	v19 =	vadd.f32 v55, v19  }
0x77d: {  	v28 =	vor.u32 s22, v1;
	v12 =	vld [tilespmem:s19+$0x20];
	v14 =	vadd.f32 v17, v58  }
0x77e: {  	s31 =	spop (v2sf);
	v29 =	vld [tilespmem:s2+$0x60];
	[tilespmem:v59+s14+$0x0] =	vst.idx.msk $0xffff, v19  }
0x77f: {  	s3 =	spop (v2sf);
	v30 =	vld [tilespmem:s31+$0x0];
	[tilespmem:v62+s14+$0x0] =	vst.idx.msk $0xffff, v14  }
0x780: {  	v13 =	vadd.f32 v21, v61;
	v19 =	vld [tilespmem:s3+$0x40];
	[dreg:$0x17] =	wrdreg s28  }
0x781: {  	v32 =	vld [tilespmem:s28+$0x10];
	[dreg:$0x15] =	wrdreg s29  }
0x782: {  	[tilespmem:v28+s14+$0x0] =	vst.idx.msk $0xffff, v13  }
0x783: {  	(v2sf) =	vpush v5, $0xA;
	v13 =	vld [tilespmem:s20+$0x20]  }
0x784: {  	(v2sf) =	vpush v9, $0xA;
	v25 =	vld [tilespmem:s21+$0x60]  }
0x785: {  	(v2sf) =	vpush v10, $0x3  }
0x786: {  	v37 =	vor.u32 s22, v2;
	(v2sf) =	vpush v11, $0x3;
	_ =	sdelay $0x2  }
0x787: {  	v40 =	vadd.f32 v25, v13;
	_ =	sdelay $0x1  }
0x788: {  	[tilespmem:v37+s14+$0x0] =	vst.idx.msk $0xffff, v40  }
0x789: {  	v41 =	vld [tilespmem:s20+$0x30]  }
0x78a: {  	v26 =	vor.u32 s0, v3;
	v36 =	vadd.f32 v19, v30;
	v19 =	vld [tilespmem:s21+$0x70];
	_ =	sdelay $0x1  }
0x78b: {  	v42 =	vor.u32 s22, v3  }
0x78c: {  	v18 =	vadd.f32 v63, v52;
	_ =	sdelay $0x1  }
0x78d: {  	v31 =	vor.u32 s17, v2;
	[tilespmem:v26+s14+$0x0] =	vst.idx.msk $0xffff, v18;
	s21 =	spop (v2sf);
	v18 =	vadd.f32 v19, v41  }
0x78e: {  	s10 =	sadd.s32 $0xFFFFFFF7, s24;
	s8 =	spop (v2sf)  }
0x78f: {  	v33 =	vor.u32 s10, v0;
	v34 =	vld [tilespmem:s29+$0x50];
	s4 =	spop (v2sf);
	[tilespmem:v42+s14+$0x0] =	vst.idx.msk $0xffff, v18  }
0x790: {  	v12 =	vadd.f32 v29, v12;
	s5 =	spop (v2sf);
	v18 =	vld [tilespmem:s4+$0x0]  }
0x791: {  	v35 =	vor.u32 s30, v1;
	v43 =	vld [tilespmem:s5+$0x40]  }
0x792: {  	s6 =	sadd.s32 $0xFFFFFFF4, s25;
	[tilespmem:v31+s14+$0x0] =	vst.idx.msk $0xffff, v12  }
0x793: {  	v44 =	vor.u32 s6, v0;
	v14 =	vld [tilespmem:s19+$0x30]  }
0x794: {  	v15 =	vld [tilespmem:s2+$0x70];
	[tilespmem:v33+s14+$0x0] =	vst.idx.msk $0xffff, v36;
	v38 =	vadd.f32 v34, v32  }
0x795: {  	v16 =	vld [tilespmem:s31+$0x10]  }
0x796: {  	v39 =	vld [tilespmem:s3+$0x50];
	[tilespmem:v35+s14+$0x0] =	vst.idx.msk $0xffff, v38;
	v18 =	vadd.f32 v43, v18  }
0x797: {  	v12 =	vld [tilespmem:s28+$0x20]  }
0x798: {  	v13 =	vld [tilespmem:s29+$0x60];
	[tilespmem:v44+s14+$0x0] =	vst.idx.msk $0xffff, v18  }
0x799: {  	(v2sf) =	vpush v4, $0xE;
	v18 =	vld [tilespmem:s4+$0x10]  }
0x79a: {  	v45 =	vld [tilespmem:s5+$0x50];
	_ =	sdelay $0x1  }
0x79b: {  	v46 =	vor.u32 s6, v1;
	_ =	sdelay $0x2  }
0x79c: {  	(v2sf) =	vpush v6, $0xE;
	v18 =	vadd.f32 v45, v18  }
0x79d: {  	(v2sf) =	vpush v7, $0x7  }
0x79e: {  	(v2sf) =	vpush v8, $0x7;
	[tilespmem:v46+s14+$0x0] =	vst.idx.msk $0xffff, v18  }
0x79f: {  	(v2sf) =	vpush v5, $0xB;
	v18 =	vld [tilespmem:s4+$0x20]  }
0x7a0: {  	(v2sf) =	vpush v9, $0xB;
	v47 =	vld [tilespmem:s5+$0x60]  }
0x7a1: {  	(v2sf) =	vpush v10, $0x4  }
0x7a2: {  	v48 =	vor.u32 s6, v2;
	(v2sf) =	vpush v11, $0x4;
	_ =	sdelay $0x2  }
0x7a3: {  	v18 =	vadd.f32 v47, v18;
	_ =	sdelay $0x1  }
0x7a4: {  	[tilespmem:v48+s14+$0x0] =	vst.idx.msk $0xffff, v18  }
0x7a5: {  	v18 =	vld [tilespmem:s4+$0x30]  }
0x7a6: {  	v49 =	vld [tilespmem:s5+$0x70]  }
0x7a7: {  	s29 =	spop (v2sf)  }
0x7a8: {  	v50 =	vor.u32 s6, v3;
	s7 =	spop (v2sf)  }
0x7a9: {  	s11 =	spop (v2sf)  }
0x7aa: {  	s12 =	spop (v2sf)  }
0x7ab: {  	s18 =	spop (v2sf);
	v18 =	vadd.f32 v49, v18  }
0x7ac: {  	[dreg:$0x19] =	wrdreg s7;
	s19 =	spop (v2sf)  }
0x7ad: {  	s9 =	spop (v2sf);
	[tilespmem:v50+s14+$0x0] =	vst.idx.msk $0xffff, v18  }
0x7ae: {  	s13 =	spop (v2sf);
	v18 =	vld [tilespmem:s9+$0x0]  }
0x7af: {  	v51 =	vld [tilespmem:s13+$0x40]  }
0x7b0: {  	s15 =	sadd.s32 $0xFFFFFFF5, s25  }
0x7b1: {  	v52 =	vor.u32 s15, v0;
	_ =	sdelay $0x2  }
0x7b2: {  	v18 =	vadd.f32 v51, v18;
	_ =	sdelay $0x1  }
0x7b3: {  	[tilespmem:v52+s14+$0x0] =	vst.idx.msk $0xffff, v18  }
0x7b4: {  	v18 =	vld [tilespmem:s9+$0x10]  }
0x7b5: {  	v53 =	vld [tilespmem:s13+$0x50];
	_ =	sdelay $0x1  }
0x7b6: {  	v54 =	vor.u32 s15, v1;
	_ =	sdelay $0x1  }
0x7b7: {  	(v2sf) =	vpush v4, $0xF  }
0x7b8: {  	(v2sf) =	vpush v6, $0xF;
	v4 =	vadd.f32 v53, v18  }
0x7b9: {  	(v2sf) =	vpush v7, $0x8  }
0x7ba: {  	(v2sf) =	vpush v8, $0x8;
	[tilespmem:v54+s14+$0x0] =	vst.idx.msk $0xffff, v4  }
0x7bb: {  	(v2sf) =	vpush v5, $0xC;
	v4 =	vld [tilespmem:s9+$0x20]  }
0x7bc: {  	(v2sf) =	vpush v9, $0xC;
	v55 =	vld [tilespmem:s13+$0x60]  }
0x7bd: {  	(v2sf) =	vpush v10, $0x5  }
0x7be: {  	v56 =	vor.u32 s15, v2;
	(v2sf) =	vpush v11, $0x5;
	_ =	sdelay $0x2  }
0x7bf: {  	v4 =	vadd.f32 v55, v4;
	_ =	sdelay $0x1  }
0x7c0: {  	[tilespmem:v56+s14+$0x0] =	vst.idx.msk $0xffff, v4  }
0x7c1: {  	v4 =	vld [tilespmem:s9+$0x30]  }
0x7c2: {  	v57 =	vld [tilespmem:s13+$0x70]  }
0x7c3: {  	s16 =	spop (v2sf)  }
0x7c4: {  	v58 =	vor.u32 s15, v3;
	s20 =	spop (v2sf)  }
0x7c5: {  	s13 =	spop (v2sf)  }
0x7c6: {  	s5 =	spop (v2sf)  }
0x7c7: {  	[dreg:$0x11] =	wrdreg s16;
	s16 =	spop (v2sf);
	v4 =	vadd.f32 v57, v4  }
0x7c8: {  	[dreg:$0xf] =	wrdreg s20;
	s9 =	spop (v2sf)  }
0x7c9: {  	s22 =	spop (v2sf);
	[tilespmem:v58+s14+$0x0] =	vst.idx.msk $0xffff, v4  }
0x7ca: {  	s28 =	spop (v2sf);
	v4 =	vld [tilespmem:s22+$0x0]  }
0x7cb: {  	v59 =	vld [tilespmem:s28+$0x40]  }
0x7cc: {  	s30 =	sadd.s32 $0xFFFFFFF6, s25  }
0x7cd: {  	v60 =	vor.u32 s30, v0;
	_ =	sdelay $0x2  }
0x7ce: {  	v4 =	vadd.f32 v59, v4;
	_ =	sdelay $0x1  }
0x7cf: {  	[tilespmem:v60+s14+$0x0] =	vst.idx.msk $0xffff, v4  }
0x7d0: {  	v4 =	vld [tilespmem:s22+$0x10]  }
0x7d1: {  	v61 =	vld [tilespmem:s28+$0x50];
	_ =	sdelay $0x1  }
0x7d2: {  	v62 =	vor.u32 s30, v1;
	_ =	sdelay $0x2  }
0x7d3: {  	v4 =	vadd.f32 v61, v4  }
0x7d4: {  	(v2sf) =	vpush v7, $0x9  }
0x7d5: {  	(v2sf) =	vpush v8, $0x9;
	[tilespmem:v62+s14+$0x0] =	vst.idx.msk $0xffff, v4  }
0x7d6: {  	(v2sf) =	vpush v5, $0xD;
	v4 =	vld [tilespmem:s22+$0x20]  }
0x7d7: {  	(v2sf) =	vpush v9, $0xD;
	v63 =	vld [tilespmem:s28+$0x60]  }
0x7d8: {  	(v2sf) =	vpush v10, $0x6  }
0x7d9: {  	v21 =	vor.u32 s30, v2;
	(v2sf) =	vpush v11, $0x6;
	_ =	sdelay $0x2  }
0x7da: {  	v4 =	vadd.f32 v63, v4;
	_ =	sdelay $0x1  }
0x7db: {  	[tilespmem:v21+s14+$0x0] =	vst.idx.msk $0xffff, v4  }
0x7dc: {  	v4 =	vld [tilespmem:s22+$0x30]  }
0x7dd: {  	v22 =	vld [tilespmem:s28+$0x70];
	_ =	sdelay $0x1  }
0x7de: {  	v23 =	vor.u32 s30, v3  }
0x7df: {  	s4 =	spop (v2sf)  }
0x7e0: {  	s7 =	spop (v2sf)  }
0x7e1: {  	s15 =	spop (v2sf);
	v4 =	vadd.f32 v22, v4  }
0x7e2: {  	s28 =	spop (v2sf)  }
0x7e3: {  	s20 =	spop (v2sf);
	[tilespmem:v23+s14+$0x0] =	vst.idx.msk $0xffff, v4  }
0x7e4: {  	s22 =	spop (v2sf);
	v4 =	vld [tilespmem:s20+$0x0]  }
0x7e5: {  	v24 =	vld [tilespmem:s22+$0x40]  }
0x7e6: {  	s30 =	sadd.s32 $0xFFFFFFF7, s25  }
0x7e7: {  	v25 =	vor.u32 s30, v0;
	_ =	sdelay $0x2  }
0x7e8: {  	v4 =	vadd.f32 v24, v4;
	_ =	sdelay $0x1  }
0x7e9: {  	[tilespmem:v25+s14+$0x0] =	vst.idx.msk $0xffff, v4  }
0x7ea: {  	v4 =	vld [tilespmem:s20+$0x10]  }
0x7eb: {  	v26 =	vor.u32 s10, v1;
	v18 =	vld [tilespmem:s22+$0x50];
	_ =	sdelay $0x1  }
0x7ec: {  	v27 =	vor.u32 s30, v1  }
0x7ed: {  	v16 =	vadd.f32 v39, v16;
	_ =	sdelay $0x1  }
0x7ee: {  	[tilespmem:v26+s14+$0x0] =	vst.idx.msk $0xffff, v16;
	v4 =	vadd.f32 v18, v4  }
0x7ef: {  	v6 =	vld [tilespmem:s31+$0x20];
	(v2sf) =	vpush v7, $0xA  }
0x7f0: {  	v16 =	vld [tilespmem:s3+$0x60];
	(v2sf) =	vpush v8, $0xA;
	[tilespmem:v27+s14+$0x0] =	vst.idx.msk $0xffff, v4  }
0x7f1: {  	(v2sf) =	vpush v5, $0xE;
	v4 =	vld [tilespmem:s20+$0x20]  }
0x7f2: {  	v28 =	vor.u32 s10, v2;
	(v2sf) =	vpush v9, $0xE;
	v29 =	vld [tilespmem:s22+$0x60]  }
0x7f3: {  	(v2sf) =	vpush v10, $0x7  }
0x7f4: {  	v30 =	vor.u32 s30, v2;
	(v2sf) =	vpush v11, $0x7  }
0x7f5: {  	v6 =	vadd.f32 v16, v6;
	_ =	sdelay $0x1  }
0x7f6: {  	[tilespmem:v28+s14+$0x0] =	vst.idx.msk $0xffff, v6;
	v4 =	vadd.f32 v29, v4  }
0x7f7: {  	v6 =	vld [tilespmem:s31+$0x30]  }
0x7f8: {  	v31 =	vld [tilespmem:s3+$0x70];
	[tilespmem:v30+s14+$0x0] =	vst.idx.msk $0xffff, v4  }
0x7f9: {  	v4 =	vld [tilespmem:s20+$0x30]  }
0x7fa: {  	v32 =	vor.u32 s10, v3;
	v33 =	vld [tilespmem:s22+$0x70];
	_ =	sdelay $0x1  }
0x7fb: {  	v34 =	vor.u32 s30, v3  }
0x7fc: {  	v6 =	vadd.f32 v31, v6;
	s20 =	spop (v2sf)  }
0x7fd: {  	s6 =	spop (v2sf)  }
0x7fe: {  	[tilespmem:v32+s14+$0x0] =	vst.idx.msk $0xffff, v6;
	s10 =	spop (v2sf);
	v4 =	vadd.f32 v33, v4  }
0x7ff: {  	v6 =	vld [tilespmem:s11+$0x0];
	s22 =	spop (v2sf)  }
0x800: {  	v35 =	vld [tilespmem:s12+$0x40];
	s3 =	spop (v2sf);
	[tilespmem:v34+s14+$0x0] =	vst.idx.msk $0xffff, v4  }
0x801: {  	s0 =	sadd.s32 $0xFFFFFFF8, s24;
	s1 =	spop (v2sf);
	v4 =	vld [tilespmem:s3+$0x0]  }
0x802: {  	v36 =	vor.u32 s0, v0;
	v37 =	vld [tilespmem:s1+$0x40]  }
0x803: {  	s2 =	sadd.s32 $0xFFFFFFF8, s25  }
0x804: {  	v38 =	vor.u32 s2, v0  }
0x805: {  	v6 =	vadd.f32 v35, v6;
	_ =	sdelay $0x1  }
0x806: {  	[tilespmem:v36+s14+$0x0] =	vst.idx.msk $0xffff, v6;
	v4 =	vadd.f32 v37, v4  }
0x807: {  	v6 =	vld [tilespmem:s11+$0x10]  }
0x808: {  	v39 =	vld [tilespmem:s12+$0x50];
	[tilespmem:v38+s14+$0x0] =	vst.idx.msk $0xffff, v4  }
0x809: {  	v4 =	vld [tilespmem:s3+$0x10]  }
0x80a: {  	v40 =	vor.u32 s0, v1;
	v41 =	vld [tilespmem:s1+$0x50];
	_ =	sdelay $0x1  }
0x80b: {  	v42 =	vor.u32 s2, v1  }
0x80c: {  	v6 =	vadd.f32 v39, v6;
	_ =	sdelay $0x1  }
0x80d: {  	[tilespmem:v40+s14+$0x0] =	vst.idx.msk $0xffff, v6;
	v4 =	vadd.f32 v41, v4  }
0x80e: {  	v6 =	vld [tilespmem:s11+$0x20];
	(v2sf) =	vpush v7, $0xB  }
0x80f: {  	v43 =	vld [tilespmem:s12+$0x60];
	(v2sf) =	vpush v8, $0xB;
	[tilespmem:v42+s14+$0x0] =	vst.idx.msk $0xffff, v4  }
0x810: {  	(v2sf) =	vpush v5, $0xF;
	v4 =	vld [tilespmem:s3+$0x20]  }
0x811: {  	v5 =	vor.u32 s0, v2;
	(v2sf) =	vpush v9, $0xF;
	v44 =	vld [tilespmem:s1+$0x60]  }
0x812: {  	(v2sf) =	vpush v10, $0x8  }
0x813: {  	v45 =	vor.u32 s2, v2;
	(v2sf) =	vpush v11, $0x8  }
0x814: {  	v6 =	vadd.f32 v43, v6;
	_ =	sdelay $0x1  }
0x815: {  	[tilespmem:v5+s14+$0x0] =	vst.idx.msk $0xffff, v6;
	v4 =	vadd.f32 v44, v4  }
0x816: {  	v5 =	vld [tilespmem:s11+$0x30]  }
0x817: {  	v6 =	vld [tilespmem:s12+$0x70];
	[tilespmem:v45+s14+$0x0] =	vst.idx.msk $0xffff, v4  }
0x818: {  	v4 =	vld [tilespmem:s3+$0x30]  }
0x819: {  	v46 =	vor.u32 s0, v3;
	v47 =	vld [tilespmem:s1+$0x70];
	_ =	sdelay $0x1  }
0x81a: {  	v48 =	vor.u32 s2, v3  }
0x81b: {  	v5 =	vadd.f32 v6, v5;
	s31 =	spop (v2sf)  }
0x81c: {  	s30 =	spop (v2sf)  }
0x81d: {  	[tilespmem:v46+s14+$0x0] =	vst.idx.msk $0xffff, v5;
	s11 =	spop (v2sf);
	v4 =	vadd.f32 v47, v4  }
0x81e: {  	v5 =	vld [tilespmem:s13+$0x0];
	s12 =	spop (v2sf)  }
0x81f: {  	v49 =	vld [tilespmem:s5+$0x40];
	s2 =	spop (v2sf);
	[tilespmem:v48+s14+$0x0] =	vst.idx.msk $0xffff, v4  }
0x820: {  	s3 =	sadd.s32 $0xFFFFFFF9, s24;
	s1 =	spop (v2sf);
	v4 =	vld [tilespmem:s2+$0x0]  }
0x821: {  	v50 =	vor.u32 s3, v0;
	v51 =	vld [tilespmem:s1+$0x40]  }
0x822: {  	s0 =	sadd.s32 $0xFFFFFFF9, s25  }
0x823: {  	v52 =	vor.u32 s0, v0  }
0x824: {  	v5 =	vadd.f32 v49, v5;
	_ =	sdelay $0x1  }
0x825: {  	[tilespmem:v50+s14+$0x0] =	vst.idx.msk $0xffff, v5;
	v4 =	vadd.f32 v51, v4  }
0x826: {  	v5 =	vld [tilespmem:s13+$0x10]  }
0x827: {  	v53 =	vld [tilespmem:s5+$0x50];
	[tilespmem:v52+s14+$0x0] =	vst.idx.msk $0xffff, v4  }
0x828: {  	v4 =	vld [tilespmem:s2+$0x10]  }
0x829: {  	v54 =	vor.u32 s3, v1;
	v55 =	vld [tilespmem:s1+$0x50];
	_ =	sdelay $0x1  }
0x82a: {  	v56 =	vor.u32 s0, v1  }
0x82b: {  	v5 =	vadd.f32 v53, v5;
	_ =	sdelay $0x1  }
0x82c: {  	[tilespmem:v54+s14+$0x0] =	vst.idx.msk $0xffff, v5;
	v4 =	vadd.f32 v55, v4  }
0x82d: {  	v5 =	vld [tilespmem:s13+$0x20]  }
0x82e: {  	v57 =	vld [tilespmem:s5+$0x60];
	[tilespmem:v56+s14+$0x0] =	vst.idx.msk $0xffff, v4  }
0x82f: {  	(v2sf) =	vpush v7, $0xC;
	v4 =	vld [tilespmem:s2+$0x20]  }
0x830: {  	(v2sf) =	vpush v8, $0xC;
	v58 =	vor.u32 s3, v2;
	v59 =	vld [tilespmem:s1+$0x60]  }
0x831: {  	(v2sf) =	vpush v10, $0x9  }
0x832: {  	v60 =	vor.u32 s0, v2;
	(v2sf) =	vpush v11, $0x9  }
0x833: {  	v5 =	vadd.f32 v57, v5;
	_ =	sdelay $0x1  }
0x834: {  	[tilespmem:v58+s14+$0x0] =	vst.idx.msk $0xffff, v5;
	v4 =	vadd.f32 v59, v4  }
0x835: {  	v5 =	vld [tilespmem:s13+$0x30]  }
0x836: {  	v61 =	vld [tilespmem:s5+$0x70];
	[tilespmem:v60+s14+$0x0] =	vst.idx.msk $0xffff, v4  }
0x837: {  	v4 =	vld [tilespmem:s2+$0x30]  }
0x838: {  	v62 =	vor.u32 s3, v3;
	v63 =	vld [tilespmem:s1+$0x70];
	_ =	sdelay $0x1  }
0x839: {  	v20 =	vor.u32 s0, v3  }
0x83a: {  	v5 =	vadd.f32 v61, v5;
	_ =	sdelay $0x1  }
0x83b: {  	s3 =	spop (v2sf);
	[tilespmem:v62+s14+$0x0] =	vst.idx.msk $0xffff, v5;
	v4 =	vadd.f32 v63, v4  }
0x83c: {  	s13 =	spop (v2sf);
	v5 =	vld [tilespmem:s4+$0x0]  }
0x83d: {  	s0 =	spop (v2sf);
	v21 =	vld [tilespmem:s7+$0x40];
	[tilespmem:v20+s14+$0x0] =	vst.idx.msk $0xffff, v4  }
0x83e: {  	s1 =	sadd.s32 $0xFFFFFFFA, s24;
	s2 =	spop (v2sf);
	v4 =	vld [tilespmem:s0+$0x0]  }
0x83f: {  	v22 =	vor.u32 s1, v0;
	v23 =	vld [tilespmem:s2+$0x40]  }
0x840: {  	s5 =	sadd.s32 $0xFFFFFFFA, s25  }
0x841: {  	v24 =	vor.u32 s5, v0  }
0x842: {  	v5 =	vadd.f32 v21, v5;
	_ =	sdelay $0x1  }
0x843: {  	[tilespmem:v22+s14+$0x0] =	vst.idx.msk $0xffff, v5;
	v4 =	vadd.f32 v23, v4  }
0x844: {  	v5 =	vld [tilespmem:s4+$0x10]  }
0x845: {  	v25 =	vld [tilespmem:s7+$0x50];
	[tilespmem:v24+s14+$0x0] =	vst.idx.msk $0xffff, v4  }
0x846: {  	v4 =	vld [tilespmem:s0+$0x10]  }
0x847: {  	v26 =	vor.u32 s1, v1;
	v27 =	vld [tilespmem:s2+$0x50];
	_ =	sdelay $0x1  }
0x848: {  	v28 =	vor.u32 s5, v1  }
0x849: {  	v5 =	vadd.f32 v25, v5;
	_ =	sdelay $0x1  }
0x84a: {  	[tilespmem:v26+s14+$0x0] =	vst.idx.msk $0xffff, v5;
	v4 =	vadd.f32 v27, v4  }
0x84b: {  	v5 =	vld [tilespmem:s4+$0x20]  }
0x84c: {  	v29 =	vld [tilespmem:s7+$0x60];
	[tilespmem:v28+s14+$0x0] =	vst.idx.msk $0xffff, v4  }
0x84d: {  	(v2sf) =	vpush v7, $0xD;
	v4 =	vld [tilespmem:s0+$0x20]  }
0x84e: {  	(v2sf) =	vpush v8, $0xD;
	v30 =	vor.u32 s1, v2;
	v31 =	vld [tilespmem:s2+$0x60]  }
0x84f: {  	(v2sf) =	vpush v10, $0xA  }
0x850: {  	v32 =	vor.u32 s5, v2;
	(v2sf) =	vpush v11, $0xA  }
0x851: {  	v5 =	vadd.f32 v29, v5;
	_ =	sdelay $0x1  }
0x852: {  	[tilespmem:v30+s14+$0x0] =	vst.idx.msk $0xffff, v5;
	v4 =	vadd.f32 v31, v4  }
0x853: {  	v33 =	vor.u32 s17, v3;
	v5 =	vld [tilespmem:s4+$0x30]  }
0x854: {  	v9 =	vld [tilespmem:s7+$0x70];
	[tilespmem:v32+s14+$0x0] =	vst.idx.msk $0xffff, v4  }
0x855: {  	v4 =	vld [tilespmem:s0+$0x30]  }
0x856: {  	v14 =	vadd.f32 v15, v14;
	v34 =	vor.u32 s1, v3;
	v17 =	vld [tilespmem:s2+$0x70];
	_ =	sdelay $0x1  }
0x857: {  	[tilespmem:v33+s14+$0x0] =	vst.idx.msk $0xffff, v14;
	v35 =	vor.u32 s5, v3  }
0x858: {  	v36 =	vld [tilespmem:s8+$0x40];
	v5 =	vadd.f32 v9, v5  }
0x859: {  	v6 =	vld [tilespmem:s21+$0x0]  }
0x85a: {  	s1 =	sadd.s32 $0xFFFFFFFB, s26;
	[tilespmem:v34+s14+$0x0] =	vst.idx.msk $0xffff, v5;
	s0 =	spop (v2sf);
	v4 =	vadd.f32 v17, v4  }
0x85b: {  	v37 =	vor.u32 s1, v0;
	v5 =	vld [tilespmem:s20+$0x0];
	s7 =	spop (v2sf)  }
0x85c: {  	v16 =	vld [tilespmem:s6+$0x40];
	s2 =	spop (v2sf);
	[tilespmem:v35+s14+$0x0] =	vst.idx.msk $0xffff, v4  }
0x85d: {  	s4 =	sadd.s32 $0xFFFFFFFB, s24;
	s5 =	spop (v2sf);
	v4 =	vld [tilespmem:s2+$0x0]  }
0x85e: {  	v6 =	vadd.f32 v36, v6;
	v38 =	vor.u32 s4, v0;
	v39 =	vld [tilespmem:s5+$0x40]  }
0x85f: {  	s17 =	sadd.s32 $0xFFFFFFFB, s25  }
0x860: {  	v40 =	vor.u32 s17, v0;
	[tilespmem:v37+s14+$0x0] =	vst.idx.msk $0xffff, v6  }
0x861: {  	v6 =	vld [tilespmem:s21+$0x10];
	v5 =	vadd.f32 v16, v5  }
0x862: {  	v14 =	vld [tilespmem:s8+$0x50]  }
0x863: {  	[tilespmem:v38+s14+$0x0] =	vst.idx.msk $0xffff, v5;
	v4 =	vadd.f32 v39, v4  }
0x864: {  	v41 =	vor.u32 s1, v1;
	v5 =	vld [tilespmem:s20+$0x10]  }
0x865: {  	v42 =	vld [tilespmem:s6+$0x50];
	[tilespmem:v40+s14+$0x0] =	vst.idx.msk $0xffff, v4  }
0x866: {  	v4 =	vld [tilespmem:s2+$0x10]  }
0x867: {  	v6 =	vadd.f32 v14, v6;
	v43 =	vor.u32 s4, v1;
	v44 =	vld [tilespmem:s5+$0x50];
	_ =	sdelay $0x1  }
0x868: {  	v45 =	vor.u32 s17, v1;
	[tilespmem:v41+s14+$0x0] =	vst.idx.msk $0xffff, v6  }
0x869: {  	v6 =	vld [tilespmem:s21+$0x20];
	v5 =	vadd.f32 v42, v5  }
0x86a: {  	v15 =	vld [tilespmem:s8+$0x60]  }
0x86b: {  	[tilespmem:v43+s14+$0x0] =	vst.idx.msk $0xffff, v5;
	v4 =	vadd.f32 v44, v4  }
0x86c: {  	v46 =	vor.u32 s1, v2;
	v5 =	vld [tilespmem:s20+$0x20]  }
0x86d: {  	v47 =	vld [tilespmem:s6+$0x60];
	[tilespmem:v45+s14+$0x0] =	vst.idx.msk $0xffff, v4  }
0x86e: {  	(v2sf) =	vpush v7, $0xE;
	v4 =	vld [tilespmem:s2+$0x20]  }
0x86f: {  	v6 =	vadd.f32 v15, v6;
	v48 =	vor.u32 s4, v2;
	(v2sf) =	vpush v8, $0xE;
	v49 =	vld [tilespmem:s5+$0x60]  }
0x870: {  	(v2sf) =	vpush v10, $0xB  }
0x871: {  	v50 =	vor.u32 s17, v2;
	[tilespmem:v46+s14+$0x0] =	vst.idx.msk $0xffff, v6;
	(v2sf) =	vpush v11, $0xB  }
0x872: {  	v6 =	vld [tilespmem:s21+$0x30];
	v5 =	vadd.f32 v47, v5  }
0x873: {  	v9 =	vld [tilespmem:s8+$0x70]  }
0x874: {  	[tilespmem:v48+s14+$0x0] =	vst.idx.msk $0xffff, v5;
	v4 =	vadd.f32 v49, v4  }
0x875: {  	v51 =	vor.u32 s1, v3;
	v5 =	vld [tilespmem:s20+$0x30]  }
0x876: {  	v52 =	vld [tilespmem:s6+$0x70];
	[tilespmem:v50+s14+$0x0] =	vst.idx.msk $0xffff, v4  }
0x877: {  	v4 =	vld [tilespmem:s2+$0x30]  }
0x878: {  	v53 =	vor.u32 s4, v3;
	v6 =	vadd.f32 v9, v6;
	v54 =	vld [tilespmem:s5+$0x70];
	_ =	sdelay $0x1  }
0x879: {  	v55 =	vor.u32 s17, v3;
	[tilespmem:v51+s14+$0x0] =	vst.idx.msk $0xffff, v6  }
0x87a: {  	v6 =	vld [tilespmem:s18+$0x0];
	v5 =	vadd.f32 v52, v5  }
0x87b: {  	v14 =	vld [tilespmem:s19+$0x40]  }
0x87c: {  	s4 =	sadd.s32 $0xFFFFFFFC, s26;
	s20 =	spop (v2sf);
	[tilespmem:v53+s14+$0x0] =	vst.idx.msk $0xffff, v5;
	v4 =	vadd.f32 v54, v4  }
0x87d: {  	v56 =	vor.u32 s4, v0;
	s21 =	spop (v2sf);
	v5 =	vld [tilespmem:s31+$0x0]  }
0x87e: {  	v57 =	vld [tilespmem:s30+$0x40];
	s5 =	spop (v2sf);
	[tilespmem:v55+s14+$0x0] =	vst.idx.msk $0xffff, v4  }
0x87f: {  	s6 =	sadd.s32 $0xFFFFFFFC, s24;
	s8 =	spop (v2sf);
	v4 =	vld [tilespmem:s5+$0x0]  }
0x880: {  	v6 =	vadd.f32 v14, v6;
	v58 =	vor.u32 s6, v0;
	v59 =	vld [tilespmem:s8+$0x40]  }
0x881: {  	s17 =	sadd.s32 $0xFFFFFFFC, s25  }
0x882: {  	v60 =	vor.u32 s17, v0;
	[tilespmem:v56+s14+$0x0] =	vst.idx.msk $0xffff, v6  }
0x883: {  	v6 =	vld [tilespmem:s18+$0x10];
	v5 =	vadd.f32 v57, v5  }
0x884: {  	v15 =	vld [tilespmem:s19+$0x50]  }
0x885: {  	[tilespmem:v58+s14+$0x0] =	vst.idx.msk $0xffff, v5;
	v4 =	vadd.f32 v59, v4  }
0x886: {  	v61 =	vor.u32 s4, v1;
	v5 =	vld [tilespmem:s31+$0x10]  }
0x887: {  	v62 =	vld [tilespmem:s30+$0x50];
	[tilespmem:v60+s14+$0x0] =	vst.idx.msk $0xffff, v4  }
0x888: {  	v4 =	vld [tilespmem:s5+$0x10]  }
0x889: {  	v6 =	vadd.f32 v15, v6;
	v63 =	vor.u32 s6, v1;
	v20 =	vld [tilespmem:s8+$0x50];
	_ =	sdelay $0x1  }
0x88a: {  	v21 =	vor.u32 s17, v1;
	[tilespmem:v61+s14+$0x0] =	vst.idx.msk $0xffff, v6  }
0x88b: {  	v6 =	vld [tilespmem:s18+$0x20];
	v5 =	vadd.f32 v62, v5  }
0x88c: {  	v9 =	vld [tilespmem:s19+$0x60]  }
0x88d: {  	[tilespmem:v63+s14+$0x0] =	vst.idx.msk $0xffff, v5;
	v4 =	vadd.f32 v20, v4  }
0x88e: {  	v22 =	vor.u32 s4, v2;
	v5 =	vld [tilespmem:s31+$0x20]  }
0x88f: {  	v23 =	vld [tilespmem:s30+$0x60];
	[tilespmem:v21+s14+$0x0] =	vst.idx.msk $0xffff, v4  }
0x890: {  	(v2sf) =	vpush v7, $0xF;
	v4 =	vld [tilespmem:s5+$0x20]  }
0x891: {  	v24 =	vor.u32 s6, v2;
	(v2sf) =	vpush v8, $0xF;
	v6 =	vadd.f32 v9, v6;
	v25 =	vld [tilespmem:s8+$0x60]  }
0x892: {  	(v2sf) =	vpush v10, $0xC  }
0x893: {  	v26 =	vor.u32 s17, v2;
	[tilespmem:v22+s14+$0x0] =	vst.idx.msk $0xffff, v6;
	(v2sf) =	vpush v11, $0xC  }
0x894: {  	v6 =	vld [tilespmem:s18+$0x30];
	v5 =	vadd.f32 v23, v5  }
0x895: {  	v14 =	vld [tilespmem:s19+$0x70]  }
0x896: {  	[tilespmem:v24+s14+$0x0] =	vst.idx.msk $0xffff, v5;
	v4 =	vadd.f32 v25, v4  }
0x897: {  	v27 =	vor.u32 s4, v3;
	v5 =	vld [tilespmem:s31+$0x30]  }
0x898: {  	v28 =	vld [tilespmem:s30+$0x70];
	[tilespmem:v26+s14+$0x0] =	vst.idx.msk $0xffff, v4  }
0x899: {  	v4 =	vld [tilespmem:s5+$0x30]  }
0x89a: {  	v29 =	vor.u32 s6, v3;
	v6 =	vadd.f32 v14, v6;
	v15 =	vld [tilespmem:s8+$0x70];
	_ =	sdelay $0x1  }
0x89b: {  	v30 =	vor.u32 s17, v3;
	[tilespmem:v27+s14+$0x0] =	vst.idx.msk $0xffff, v6  }
0x89c: {  	v6 =	vld [tilespmem:s16+$0x0];
	v5 =	vadd.f32 v28, v5  }
0x89d: {  	v7 =	vld [tilespmem:s9+$0x40]  }
0x89e: {  	[tilespmem:v29+s14+$0x0] =	vst.idx.msk $0xffff, v5;
	s5 =	spop (v2sf);
	s8 =	sadd.s32 $0xFFFFFFFD, s26;
	v4 =	vadd.f32 v15, v4  }
0x89f: {  	v5 =	vld [tilespmem:s3+$0x0];
	s18 =	spop (v2sf);
	v31 =	vor.u32 s8, v0  }
0x8a0: {  	v9 =	vld [tilespmem:s13+$0x40];
	s17 =	spop (v2sf);
	[tilespmem:v30+s14+$0x0] =	vst.idx.msk $0xffff, v4  }
0x8a1: {  	s19 =	sadd.s32 $0xFFFFFFFD, s24;
	s30 =	spop (v2sf);
	v4 =	vld [tilespmem:s17+$0x0]  }
0x8a2: {  	v32 =	vor.u32 s19, v0;
	v6 =	vadd.f32 v7, v6;
	v33 =	vld [tilespmem:s30+$0x40]  }
0x8a3: {  	s31 =	sadd.s32 $0xFFFFFFFD, s25  }
0x8a4: {  	v34 =	vor.u32 s31, v0;
	[tilespmem:v31+s14+$0x0] =	vst.idx.msk $0xffff, v6  }
0x8a5: {  	v5 =	vadd.f32 v9, v5;
	v6 =	vld [tilespmem:s16+$0x10]  }
0x8a6: {  	v8 =	vld [tilespmem:s9+$0x50]  }
0x8a7: {  	[tilespmem:v32+s14+$0x0] =	vst.idx.msk $0xffff, v5;
	v4 =	vadd.f32 v33, v4  }
0x8a8: {  	v35 =	vor.u32 s8, v1;
	v5 =	vld [tilespmem:s3+$0x10]  }
0x8a9: {  	v14 =	vld [tilespmem:s13+$0x50];
	[tilespmem:v34+s14+$0x0] =	vst.idx.msk $0xffff, v4  }
0x8aa: {  	v4 =	vld [tilespmem:s17+$0x10]  }
0x8ab: {  	v36 =	vor.u32 s19, v1;
	v6 =	vadd.f32 v8, v6;
	v37 =	vld [tilespmem:s30+$0x50];
	_ =	sdelay $0x1  }
0x8ac: {  	v38 =	vor.u32 s31, v1;
	[tilespmem:v35+s14+$0x0] =	vst.idx.msk $0xffff, v6  }
0x8ad: {  	v5 =	vadd.f32 v14, v5;
	v6 =	vld [tilespmem:s16+$0x20]  }
0x8ae: {  	v9 =	vld [tilespmem:s9+$0x60]  }
0x8af: {  	[tilespmem:v36+s14+$0x0] =	vst.idx.msk $0xffff, v5;
	v4 =	vadd.f32 v37, v4  }
0x8b0: {  	v39 =	vor.u32 s8, v2;
	v5 =	vld [tilespmem:s3+$0x20]  }
0x8b1: {  	v40 =	vld [tilespmem:s13+$0x60];
	[tilespmem:v38+s14+$0x0] =	vst.idx.msk $0xffff, v4  }
0x8b2: {  	v4 =	vld [tilespmem:s17+$0x20]  }
0x8b3: {  	v41 =	vor.u32 s19, v2;
	v6 =	vadd.f32 v9, v6;
	v42 =	vld [tilespmem:s30+$0x60]  }
0x8b4: {  	(v2sf) =	vpush v10, $0xD  }
0x8b5: {  	v43 =	vor.u32 s31, v2;
	(v2sf) =	vpush v11, $0xD;
	[tilespmem:v39+s14+$0x0] =	vst.idx.msk $0xffff, v6  }
0x8b6: {  	v5 =	vadd.f32 v40, v5;
	v6 =	vld [tilespmem:s16+$0x30]  }
0x8b7: {  	v7 =	vld [tilespmem:s9+$0x70]  }
0x8b8: {  	[tilespmem:v41+s14+$0x0] =	vst.idx.msk $0xffff, v5;
	v4 =	vadd.f32 v42, v4  }
0x8b9: {  	v44 =	vor.u32 s8, v3;
	v5 =	vld [tilespmem:s3+$0x30]  }
0x8ba: {  	v45 =	vld [tilespmem:s13+$0x70];
	[tilespmem:v43+s14+$0x0] =	vst.idx.msk $0xffff, v4  }
0x8bb: {  	v4 =	vld [tilespmem:s17+$0x30]  }
0x8bc: {  	v46 =	vor.u32 s19, v3;
	v6 =	vadd.f32 v7, v6;
	v47 =	vld [tilespmem:s30+$0x70];
	_ =	sdelay $0x1  }
0x8bd: {  	v48 =	vor.u32 s31, v3;
	[tilespmem:v44+s14+$0x0] =	vst.idx.msk $0xffff, v6  }
0x8be: {  	v5 =	vadd.f32 v45, v5;
	v6 =	vld [tilespmem:s15+$0x0]  }
0x8bf: {  	v8 =	vld [tilespmem:s28+$0x40]  }
0x8c0: {  	s4 =	sadd.s32 $0xFFFFFFFE, s26;
	[tilespmem:v46+s14+$0x0] =	vst.idx.msk $0xffff, v5;
	v4 =	vadd.f32 v47, v4  }
0x8c1: {  	v49 =	vor.u32 s4, v0;
	v5 =	vld [tilespmem:s0+$0x0]  }
0x8c2: {  	s6 =	spop (v2sf);
	v50 =	vld [tilespmem:s7+$0x40];
	[tilespmem:v48+s14+$0x0] =	vst.idx.msk $0xffff, v4  }
0x8c3: {  	s13 =	sadd.s32 $0xFFFFFFFE, s24;
	s16 =	spop (v2sf);
	v4 =	vld [tilespmem:s6+$0x0]  }
0x8c4: {  	v51 =	vor.u32 s13, v0;
	v6 =	vadd.f32 v8, v6;
	v52 =	vld [tilespmem:s16+$0x40]  }
0x8c5: {  	s17 =	sadd.s32 $0xFFFFFFFE, s25  }
0x8c6: {  	v53 =	vor.u32 s17, v0;
	[tilespmem:v49+s14+$0x0] =	vst.idx.msk $0xffff, v6  }
0x8c7: {  	v5 =	vadd.f32 v50, v5;
	v6 =	vld [tilespmem:s15+$0x10]  }
0x8c8: {  	v9 =	vld [tilespmem:s28+$0x50]  }
0x8c9: {  	[tilespmem:v51+s14+$0x0] =	vst.idx.msk $0xffff, v5;
	v4 =	vadd.f32 v52, v4  }
0x8ca: {  	v54 =	vor.u32 s4, v1;
	v5 =	vld [tilespmem:s0+$0x10]  }
0x8cb: {  	v55 =	vld [tilespmem:s7+$0x50];
	[tilespmem:v53+s14+$0x0] =	vst.idx.msk $0xffff, v4  }
0x8cc: {  	v4 =	vld [tilespmem:s6+$0x10]  }
0x8cd: {  	v6 =	vadd.f32 v9, v6;
	v57 =	vld [tilespmem:s16+$0x50]  }
0x8ce: {  	v56 =	vor.u32 s13, v1  }
0x8cf: {  	v58 =	vor.u32 s17, v1;
	[tilespmem:v54+s14+$0x0] =	vst.idx.msk $0xffff, v6  }
0x8d0: {  	s19 =	rddreg [dreg:$0x13]  }
0x8d1: {  	v5 =	vadd.f32 v55, v5;
	v59 =	vor.u32 s19, v2  }
0x8d2: {  	v6 =	vld [tilespmem:s15+$0x20];
	v4 =	vadd.f32 v57, v4  }
0x8d3: {  	v60 =	vld [tilespmem:s28+$0x60];
	[tilespmem:v56+s14+$0x0] =	vst.idx.msk $0xffff, v5  }
0x8d4: {  	v5 =	vld [tilespmem:s0+$0x20];
	[tilespmem:v58+s14+$0x0] =	vst.idx.msk $0xffff, v4;
	v4 =	vadd.f32 v13, v12  }
0x8d5: {  	v61 =	vor.u32 s4, v2;
	v62 =	vld [tilespmem:s7+$0x60]  }
0x8d6: {  	v9 =	vld [tilespmem:s6+$0x20];
	[tilespmem:v59+s14+$0x0] =	vst.idx.msk $0xffff, v4  }
0x8d7: {  	v63 =	vor.u32 s13, v2;
	v18 =	vld [tilespmem:s16+$0x60];
	s30 =	rddreg [dreg:$0x17]  }
0x8d8: {  	(v2sf) =	vpush v10, $0xE;
	v4 =	vadd.f32 v60, v6;
	s31 =	rddreg [dreg:$0x15];
	v19 =	vld [tilespmem:s30+$0x30]  }
0x8d9: {  	(v2sf) =	vpush v11, $0xE;
	v20 =	vor.u32 s17, v2;
	v21 =	vld [tilespmem:s31+$0x70]  }
0x8da: {  	[tilespmem:v61+s14+$0x0] =	vst.idx.msk $0xffff, v4;
	v4 =	vadd.f32 v62, v5  }
0x8db: {  	v22 =	vor.u32 s19, v3;
	v5 =	vld [tilespmem:s15+$0x30]  }
0x8dc: {  	v23 =	vld [tilespmem:s28+$0x70];
	[tilespmem:v63+s14+$0x0] =	vst.idx.msk $0xffff, v4;
	v4 =	vadd.f32 v18, v9  }
0x8dd: {  	v24 =	vld [tilespmem:s0+$0x30]  }
0x8de: {  	v25 =	vor.u32 s4, v3;
	v26 =	vld [tilespmem:s7+$0x70];
	[tilespmem:v20+s14+$0x0] =	vst.idx.msk $0xffff, v4;
	v4 =	vadd.f32 v21, v19  }
0x8df: {  	v27 =	vld [tilespmem:s6+$0x30]  }
0x8e0: {  	v28 =	vor.u32 s13, v3;
	v29 =	vld [tilespmem:s16+$0x70];
	[tilespmem:v22+s14+$0x0] =	vst.idx.msk $0xffff, v4  }
0x8e1: {  	v4 =	vadd.f32 v23, v5;
	v5 =	vld [tilespmem:s29+$0x0];
	s0 =	rddreg [dreg:$0x19]  }
0x8e2: {  	v30 =	vor.u32 s17, v3;
	v31 =	vld [tilespmem:s0+$0x40]  }
0x8e3: {  	s1 =	sadd.s32 $0xFFFFFFFF, s23;
	[tilespmem:v25+s14+$0x0] =	vst.idx.msk $0xffff, v4;
	v4 =	vadd.f32 v26, v24  }
0x8e4: {  	v33 =	vor.u32 s1, v0;
	v32 =	vld [tilespmem:s10+$0x0]  }
0x8e5: {  	v34 =	vld [tilespmem:s22+$0x40];
	[tilespmem:v28+s14+$0x0] =	vst.idx.msk $0xffff, v4;
	v4 =	vadd.f32 v29, v27  }
0x8e6: {  	s2 =	sadd.s32 $0xFFFFFFFF, s26;
	v35 =	vld [tilespmem:s20+$0x0]  }
0x8e7: {  	v36 =	vor.u32 s2, v0;
	s3 =	spop (v2sf);
	v37 =	vld [tilespmem:s21+$0x40];
	[tilespmem:v30+s14+$0x0] =	vst.idx.msk $0xffff, v4;
	v4 =	vadd.f32 v31, v5  }
0x8e8: {  	s4 =	sadd.s32 $0xFFFFFFFF, s24;
	s6 =	spop (v2sf);
	v5 =	vld [tilespmem:s3+$0x0]  }
0x8e9: {  	v38 =	vor.u32 s4, v0;
	v39 =	vld [tilespmem:s6+$0x40];
	[tilespmem:v33+s14+$0x0] =	vst.idx.msk $0xffff, v4  }
0x8ea: {  	s8 =	sadd.s32 $0xFFFFFFFF, s25;
	v4 =	vadd.f32 v34, v32;
	v40 =	vld [tilespmem:s29+$0x10]  }
0x8eb: {  	v41 =	vor.u32 s8, v0;
	v42 =	vld [tilespmem:s0+$0x50]  }
0x8ec: {  	[tilespmem:v36+s14+$0x0] =	vst.idx.msk $0xffff, v4;
	v4 =	vadd.f32 v37, v35  }
0x8ed: {  	v44 =	vor.u32 s1, v1;
	v43 =	vld [tilespmem:s10+$0x10]  }
0x8ee: {  	v45 =	vld [tilespmem:s22+$0x50];
	[tilespmem:v38+s14+$0x0] =	vst.idx.msk $0xffff, v4;
	v4 =	vadd.f32 v39, v5  }
0x8ef: {  	v5 =	vld [tilespmem:s20+$0x10]  }
0x8f0: {  	v46 =	vor.u32 s2, v1;
	v47 =	vld [tilespmem:s21+$0x50];
	[tilespmem:v41+s14+$0x0] =	vst.idx.msk $0xffff, v4;
	v4 =	vadd.f32 v42, v40  }
0x8f1: {  	v48 =	vld [tilespmem:s3+$0x10]  }
0x8f2: {  	v49 =	vor.u32 s4, v1;
	v50 =	vld [tilespmem:s6+$0x50];
	[tilespmem:v44+s14+$0x0] =	vst.idx.msk $0xffff, v4  }
0x8f3: {  	v4 =	vadd.f32 v45, v43;
	v51 =	vld [tilespmem:s29+$0x20]  }
0x8f4: {  	v52 =	vor.u32 s8, v1;
	v53 =	vld [tilespmem:s0+$0x60]  }
0x8f5: {  	[tilespmem:v46+s14+$0x0] =	vst.idx.msk $0xffff, v4;
	v4 =	vadd.f32 v47, v5  }
0x8f6: {  	v54 =	vor.u32 s1, v2;
	v5 =	vld [tilespmem:s10+$0x20]  }
0x8f7: {  	v55 =	vld [tilespmem:s22+$0x60];
	[tilespmem:v49+s14+$0x0] =	vst.idx.msk $0xffff, v4;
	v4 =	vadd.f32 v50, v48  }
0x8f8: {  	v56 =	vld [tilespmem:s20+$0x20]  }
0x8f9: {  	v57 =	vor.u32 s2, v2;
	v58 =	vld [tilespmem:s21+$0x60];
	[tilespmem:v52+s14+$0x0] =	vst.idx.msk $0xffff, v4;
	v4 =	vadd.f32 v53, v51  }
0x8fa: {  	v59 =	vld [tilespmem:s3+$0x20]  }
0x8fb: {  	v60 =	vor.u32 s4, v2;
	v61 =	vld [tilespmem:s6+$0x60];
	[tilespmem:v54+s14+$0x0] =	vst.idx.msk $0xffff, v4  }
0x8fc: {  	(v2sf) =	vpush v10, $0xF;
	v4 =	vadd.f32 v55, v5;
	v5 =	vld [tilespmem:s29+$0x30]  }
0x8fd: {  	v62 =	vor.u32 s8, v2;
	(v2sf) =	vpush v11, $0xF;
	v63 =	vld [tilespmem:s0+$0x70]  }
0x8fe: {  	[tilespmem:v57+s14+$0x0] =	vst.idx.msk $0xffff, v4;
	v4 =	vadd.f32 v58, v56  }
0x8ff: {  	v17 =	vor.u32 s1, v3;
	v16 =	vld [tilespmem:s10+$0x30]  }
0x900: {  	v12 =	vld [tilespmem:s22+$0x70];
	[tilespmem:v60+s14+$0x0] =	vst.idx.msk $0xffff, v4;
	v4 =	vadd.f32 v61, v59  }
0x901: {  	v18 =	vld [tilespmem:s20+$0x30]  }
0x902: {  	v19 =	vor.u32 s2, v3;
	v20 =	vld [tilespmem:s21+$0x70];
	[tilespmem:v62+s14+$0x0] =	vst.idx.msk $0xffff, v4;
	v5 =	vadd.f32 v63, v5  }
0x903: {  	v4 =	vld [tilespmem:s3+$0x30]  }
0x904: {  	v21 =	vor.u32 s4, v3;
	v22 =	vld [tilespmem:s6+$0x70];
	[tilespmem:v17+s14+$0x0] =	vst.idx.msk $0xffff, v5  }
0x905: {  	v5 =	vadd.f32 v12, v16;
	s9 =	rddreg [dreg:$0x11]  }
0x906: {  	v24 =	vor.u32 s8, v3;
	s10 =	rddreg [dreg:$0xf];
	v23 =	vld [tilespmem:s9+$0x0]  }
0x907: {  	v25 =	vld [tilespmem:s10+$0x40];
	[tilespmem:v19+s14+$0x0] =	vst.idx.msk $0xffff, v5;
	v5 =	vadd.f32 v20, v18  }
0x908: {  	v26 =	vld [tilespmem:s11+$0x0]  }
0x909: {  	v27 =	vor.u32 s23, v0;
	v28 =	vld [tilespmem:s12+$0x40];
	[tilespmem:v21+s14+$0x0] =	vst.idx.msk $0xffff, v5;
	v4 =	vadd.f32 v22, v4  }
0x90a: {  	v5 =	vld [tilespmem:s5+$0x0]  }
0x90b: {  	s13 =	spop (v2sf);
	v29 =	vor.u32 s26, v0;
	v30 =	vld [tilespmem:s18+$0x40];
	[tilespmem:v24+s14+$0x0] =	vst.idx.msk $0xffff, v4  }
0x90c: {  	s15 =	spop (v2sf);
	v4 =	vadd.f32 v25, v23;
	v31 =	vld [tilespmem:s13+$0x0]  }
0x90d: {  	v32 =	vor.u32 s24, v0;
	v33 =	vld [tilespmem:s15+$0x40]  }
0x90e: {  	[tilespmem:v27+s14+$0x0] =	vst.idx.msk $0xffff, v4;
	v4 =	vadd.f32 v28, v26  }
0x90f: {  	v35 =	vor.u32 s25, v0;
	v34 =	vld [tilespmem:s9+$0x10]  }
0x910: {  	v36 =	vld [tilespmem:s10+$0x50];
	[tilespmem:v29+s14+$0x0] =	vst.idx.msk $0xffff, v4;
	v4 =	vadd.f32 v30, v5  }
0x911: {  	v5 =	vld [tilespmem:s11+$0x10]  }
0x912: {  	v37 =	vor.u32 s23, v1;
	v38 =	vld [tilespmem:s12+$0x50];
	[tilespmem:v32+s14+$0x0] =	vst.idx.msk $0xffff, v4;
	v4 =	vadd.f32 v33, v31  }
0x913: {  	v39 =	vld [tilespmem:s5+$0x10]  }
0x914: {  	v40 =	vor.u32 s26, v1;
	v41 =	vld [tilespmem:s18+$0x50];
	[tilespmem:v35+s14+$0x0] =	vst.idx.msk $0xffff, v4  }
0x915: {  	v4 =	vadd.f32 v36, v34;
	v42 =	vld [tilespmem:s13+$0x10]  }
0x916: {  	v43 =	vor.u32 s24, v1;
	v44 =	vld [tilespmem:s15+$0x50]  }
0x917: {  	[tilespmem:v37+s14+$0x0] =	vst.idx.msk $0xffff, v4;
	v4 =	vadd.f32 v38, v5  }
0x918: {  	v45 =	vor.u32 s25, v1;
	v5 =	vld [tilespmem:s9+$0x20]  }
0x919: {  	v46 =	vld [tilespmem:s10+$0x60];
	[tilespmem:v40+s14+$0x0] =	vst.idx.msk $0xffff, v4;
	v4 =	vadd.f32 v41, v39  }
0x91a: {  	v47 =	vld [tilespmem:s11+$0x20]  }
0x91b: {  	v48 =	vor.u32 s23, v2;
	v49 =	vld [tilespmem:s12+$0x60];
	[tilespmem:v43+s14+$0x0] =	vst.idx.msk $0xffff, v4;
	v4 =	vadd.f32 v44, v42  }
0x91c: {  	v50 =	vld [tilespmem:s5+$0x20]  }
0x91d: {  	v51 =	vor.u32 s26, v2;
	v52 =	vld [tilespmem:s18+$0x60];
	[tilespmem:v45+s14+$0x0] =	vst.idx.msk $0xffff, v4  }
0x91e: {  	v4 =	vadd.f32 v46, v5;
	v5 =	vld [tilespmem:s13+$0x20]  }
0x91f: {  	v53 =	vor.u32 s24, v2;
	v54 =	vld [tilespmem:s15+$0x60]  }
0x920: {  	[tilespmem:v48+s14+$0x0] =	vst.idx.msk $0xffff, v4;
	v4 =	vadd.f32 v49, v47  }
0x921: {  	v56 =	vor.u32 s25, v2;
	v55 =	vld [tilespmem:s9+$0x30]  }
0x922: {  	v57 =	vld [tilespmem:s10+$0x70];
	[tilespmem:v51+s14+$0x0] =	vst.idx.msk $0xffff, v4;
	v4 =	vadd.f32 v52, v50  }
0x923: {  	v58 =	vld [tilespmem:s11+$0x30]  }
0x924: {  	v7 =	vld [tilespmem:s12+$0x70];
	[tilespmem:v53+s14+$0x0] =	vst.idx.msk $0xffff, v4;
	v4 =	vadd.f32 v54, v5  }
0x925: {  	v5 =	vld [tilespmem:s5+$0x30]  }
0x926: {  	v8 =	vld [tilespmem:s18+$0x70];
	[tilespmem:v56+s14+$0x0] =	vst.idx.msk $0xffff, v4  }
0x927: {  	v4 =	vor.u32 s23, v3;
	v59 =	vld [tilespmem:s13+$0x30]  }
0x928: {  	v60 =	vor.u32 s26, v3;
	v61 =	vld [tilespmem:s15+$0x70]  }
0x929: {  	v62 =	vor.u32 s24, v3  }
0x92a: {  	v63 =	vor.u32 s25, v3;
	v9 =	vadd.f32 v57, v55  }
0x92b: {  	v6 =	vadd.f32 v7, v58  }
0x92c: {  	[tilespmem:v4+s14+$0x0] =	vst.idx.msk $0xffff, v9;
	v4 =	vadd.f32 v8, v5  }
0x92d: {  	[tilespmem:v60+s14+$0x0] =	vst.idx.msk $0xffff, v6;
	v5 =	vadd.f32 v61, v59  }
0x92e: {  	[tilespmem:v62+s14+$0x0] =	vst.idx.msk $0xffff, v4  }
0x92f: {  	[tilespmem:v63+s14+$0x0] =	vst.idx.msk $0xffff, v5  }
0x930: {  	s6 =	simm.s32 $0x0;
	s16 =	rddreg [dreg:$0x9]  }
0x931: {  	[hbm4b:s16+s6] =	stream.linear.scatter [tilespmem:s14], [sflag:$0x2], $0x400, $0x38;
	[tilespmem:$0x14500] =	vst v63  }
0x932: {  	s18 =	simm.s32 $0x10D00;
	s17 =	sadd.s32 $0x18700, s16  }
0x933: {  	[hbm4b:s17+s6] =	stream.linear.scatter [tilespmem:s18], [sflag:$0x2], $0x400, $0x38;
	[tilespmem:$0x14500] =	vst v63  }
0x934: {  	s20 =	simm.s32 $0x11500;
	s19 =	sadd.s32 $0x30E00, s16  }
0x935: {  	[hbm4b:s19+s6] =	stream.linear.scatter [tilespmem:s20], [sflag:$0x2], $0x400, $0x38;
	[tilespmem:$0x14500] =	vst v63  }
0x936: {  	s22 =	simm.s32 $0x11D00;
	s21 =	sadd.s32 $0x49500, s16  }
0x937: {  	[hbm4b:s21+s6] =	stream.linear.scatter [tilespmem:s22], [sflag:$0x2], $0x400, $0x38;
	[tilespmem:$0x14500] =	vst v63  }
0x938: {  	s24 =	simm.s32 $0x12500;
	s23 =	sadd.s32 $0x61C00, s16  }
0x939: {  	[hbm4b:s23+s6] =	stream.linear.scatter [tilespmem:s24], [sflag:$0x2], $0x400, $0x38;
	[tilespmem:$0x14500] =	vst v63  }
0x93a: {  	s26 =	simm.s32 $0x12D00;
	s25 =	sadd.s32 $0x7A300, s16  }
0x93b: {  	[hbm4b:s25+s6] =	stream.linear.scatter [tilespmem:s26], [sflag:$0x2], $0x400, $0x38;
	[tilespmem:$0x14500] =	vst v63  }
0x93c: {  	s31 =	simm.s32 $0x13D00;
	s29 =	simm.s32 $0x13500;
	s28 =	sadd.s32 $0x92A00, s16  }
0x93d: {  	[hbm4b:s28+s6] =	stream.linear.scatter [tilespmem:s29], [sflag:$0x2], $0x400, $0x38;
	[tilespmem:$0x14500] =	vst v63  }
.Ltmp6:
0x93e: {  	s3 =	simm.s32 $0x2;
	s30 =	sadd.s32 $0xAB100, s16;
	(pc) =	sbr.rel .LBB2_9-.Ltmp6, $4  }
0x93f: {  	[hbm4b:s30+s6] =	stream.linear.scatter [tilespmem:s31], [sflag:$0x2], $0x400, $0x38;
	[tilespmem:$0x14500] =	vst v63  }
0x940: {  	_ =	swait.ge [sflag:s3], $0x2000  }
0x941: {  	[sflag:s3] =	ssyncset.done $0x0  }
0x942: {  	s1 =	rddreg [dreg:$0xb];
	[sflag:s3] =	ssyncadd.s32 $0xFFFFE000  }
.LBB2_10:
0x943: {  	_ =	sfence.sel $0x180000  }
0x944: {  	[bflag:$0x0] =	sbarrier.arrive $0xFFFF  }
0x945: {  	_ =	strace $0x90000047  }
0x946: {  	s0 =	stileid.u32;
	[bflag:$0x2] =	sbarrier.arrive $0xFFFF  }
0x947: {  	p0 =	sne.s32 s0, $0x0;
	s0 =	rddreg [dreg:$0x2]  }
0x948: {  	s0 =	sadd.s32 @!p0 $0x100000, s0  }
0x949: {  	[sflag:s0] =	ssyncadd.tile.s32 @!p0 $0x1;
	_ =	shalt  }
.Lfunc_end2:
_tile_overlayer_lowered:
.L_overlay_start_2:
0x94a: {  	(tag) =	ssettag $0x2  }
0x94b: {  	s0 =	rddreg [dreg:$0x0];
	s2 =	stileid.u32  }
0x94c: {  	s1 =	rddreg [dreg:$0x1];
	p0 =	sne.s32 s2, $0x0  }
0x94d: {  	s3 =	rddreg [dreg:$0x2];
	[bflag:$0x3] =	sbarrier.arrive $0xFFFF;
	s2 =	simm.s32 @!p0 $0x1C02  }
0x94e: {  	[timem:s3], [sflag:s2] =	dma.local @!p0 [hbm:s0], s1  }
0x94f: {  	s0 =	simm.s32 @!p0 $0x2  }
0x950: {  	_ =	swait.ge @!p0 [sflag:s0], s1  }
0x951: {  	s1 =	ssub.s32 @!p0 $0x0, s1;
	[sflag:s0] =	ssyncset.done @!p0 $0x0  }
0x952: {  	[sflag:s0] =	ssyncadd.s32 @!p0 s1  }
0x953: {  	[bflag:$0x3] =	sbarrier.arrive $0xFFFF  }
0x954: {  	_ =	shalt  }

</sc_bundles>
